<compile_context>
chip_gen: v7x
topology: tpu7x:2x2x1
jax: 0.10.2.dev20260603
libtpu: 0.0.44.dev20260713+nightly
codegen_flags: <defaults>
</compile_context>

<pallas_src>
import functools

import jax
import jax.numpy as jnp
from jax import lax
from jax.experimental import pallas as pl
from jax.experimental.pallas import tpu as pltpu
from jax.experimental.pallas import tpu_sc as plsc

N_NODES = 10000
P_NODES = 10240
D = 128
G = 64
N_EDGES = 320000
NC = 2
NS = 16
NW = NC * NS
CHUNK = 48
CHUNKS_PER_TILE = 210
NBUF = 7
NSIF = 3
DCHUNK = 128
DCP = 80
E_PAD = NW * CHUNKS_PER_TILE * CHUNK
ROWS_PER_TILE = P_NODES // NS
BLK = 2048
HI = lax.Precision.DEFAULT

def _mesh():
    return plsc.VectorSubcoreMesh(core_axis_name="c", subcore_axis_name="s")


def _sc_deg(dst3, zerosP, ones128):

    @functools.partial(
        pl.kernel,
        out_type=jax.ShapeDtypeStruct((NC, P_NODES, D), jnp.float32),
        mesh=_mesh(),
        scratch_types=[
            pltpu.VMEM((DCP, DCHUNK), jnp.int32),
            pltpu.VMEM((DCHUNK, D), jnp.float32),
            pltpu.VMEM_SHARED((P_NODES, D), jnp.float32),
            pltpu.SemaphoreType.DMA,
        ],
    )
    def deg_kernel(dst_hbm, zeros_hbm, ones_hbm, out_hbm, didx, ones_v, acc,
                   sem):
        c = lax.axis_index("c")
        s = lax.axis_index("s")
        wid = s * NC + c
        r0 = s * ROWS_PER_TILE
        pltpu.sync_copy(zeros_hbm.at[pl.ds(r0, ROWS_PER_TILE)],
                        acc.at[pl.ds(r0, ROWS_PER_TILE)])
        pltpu.sync_copy(dst_hbm.at[wid], didx)
        pltpu.sync_copy(ones_hbm, ones_v)
        plsc.subcore_barrier()

        wv = 4
        for b in range(wv):
            pltpu.async_copy(ones_v, acc.at[didx.at[b]], sem, add=True)

        @pl.loop(wv, DCP)
        def _(j):
            pltpu.make_async_copy(ones_v, acc.at[didx.at[j - wv]],
                                  sem).wait()
            pltpu.async_copy(ones_v, acc.at[didx.at[j]], sem, add=True)

        @pl.loop(0, wv)
        def _(j):
            pltpu.make_async_copy(ones_v, acc.at[didx.at[j]], sem).wait()

        plsc.subcore_barrier()
        pltpu.sync_copy(acc.at[pl.ds(r0, ROWS_PER_TILE)],
                        out_hbm.at[c, pl.ds(r0, ROWS_PER_TILE)])

    return deg_kernel(dst3, zerosP, ones128)


def _sc_scatter(g, edges3, zerosP):
    CP = CHUNKS_PER_TILE

    @functools.partial(
        pl.kernel,
        out_type=jax.ShapeDtypeStruct((NC, P_NODES, D), jnp.float32),
        mesh=_mesh(),
        scratch_types=[
            pltpu.VMEM((2 * NBUF, CHUNK), jnp.int32),
            pltpu.VMEM((NBUF, CHUNK, D), jnp.float32),
            pltpu.VMEM_SHARED((P_NODES, D), jnp.float32),
            [pltpu.SemaphoreType.DMA] * NBUF,
            [pltpu.SemaphoreType.DMA] * NBUF,
            [pltpu.SemaphoreType.DMA] * NBUF,
        ],
    )
    def scatter_kernel(g_hbm, e_hbm, zeros_hbm, out_hbm,
                       idxb, rows, acc, isem, gsem, ssem):
        c = lax.axis_index("c")
        s = lax.axis_index("s")
        wid = s * NC + c
        r0 = s * ROWS_PER_TILE

        def idx_start(j, b):
            pltpu.async_copy(e_hbm.at[wid, j], idxb.at[pl.ds(2 * b, 2)],
                             isem[b])

        def idx_wait(j, b):
            pltpu.make_async_copy(e_hbm.at[wid, j], idxb.at[pl.ds(2 * b, 2)],
                                  isem[b]).wait()

        def gat_start(b):
            pltpu.async_copy(g_hbm.at[idxb.at[2 * b]], rows.at[b], gsem[b])

        def gat_wait(b):
            pltpu.make_async_copy(g_hbm.at[idxb.at[2 * b]], rows.at[b],
                                  gsem[b]).wait()

        def scat_start(b):
            pltpu.async_copy(rows.at[b], acc.at[idxb.at[2 * b + 1]],
                             ssem[b], add=True)

        def scat_wait(b):
            pltpu.make_async_copy(rows.at[b], acc.at[idxb.at[2 * b + 1]],
                                  ssem[b]).wait()

        for k in range(NSIF + 1):
            idx_start(k, k)
        pltpu.sync_copy(zeros_hbm.at[pl.ds(r0, ROWS_PER_TILE)],
                        acc.at[pl.ds(r0, ROWS_PER_TILE)])
        plsc.subcore_barrier()
        for k in range(NSIF):
            idx_wait(k, k)
            gat_start(k)

        @pl.loop(0, CP, step=NBUF)
        def _(j0):
            for b in range(NBUF):
                j = j0 + b

                @pl.when(j >= NSIF)
                def _():
                    scat_wait((b - NSIF) % NBUF)

                @pl.when(j + NSIF + 1 < CP)
                def _():
                    idx_start(j + NSIF + 1, (b + NSIF + 1) % NBUF)

                @pl.when(j + NSIF < CP)
                def _():
                    idx_wait(j + NSIF, (b + NSIF) % NBUF)
                    gat_start((b + NSIF) % NBUF)

                gat_wait(b)
                scat_start(b)

        for k in range(NSIF):
            scat_wait((CP - NSIF + k) % NBUF)
        plsc.subcore_barrier()
        pltpu.sync_copy(acc.at[pl.ds(r0, ROWS_PER_TILE)],
                        out_hbm.at[c, pl.ds(r0, ROWS_PER_TILE)])

    return scatter_kernel(g, edges3, zerosP)


def _dinv(dp_ref):
    deg = 1.0 + dp_ref[0, :, 0:1] + dp_ref[1, :, 0:1]
    return lax.rsqrt(deg)


def _tc_matmul(xp, W1):
    def body(x_ref, w_ref, o_ref):
        o_ref[...] = jnp.dot(
            x_ref[...], w_ref[...], preferred_element_type=jnp.float32,
            precision=HI)

    return pl.pallas_call(
        body,
        grid=(P_NODES // BLK,),
        in_specs=[
            pl.BlockSpec((BLK, D), lambda i: (i, 0)),
            pl.BlockSpec((D, D), lambda i: (0, 0)),
        ],
        out_specs=pl.BlockSpec((BLK, D), lambda i: (i, 0)),
        out_shape=jax.ShapeDtypeStruct((P_NODES, D), jnp.float32),
    )(xp, W1)


def _tc_first(h1, degp):
    def body(h_ref, dp_ref, o_ref, dv_ref):
        dinv = _dinv(dp_ref)
        dv_ref[...] = dinv
        o_ref[...] = dinv * h_ref[...]

    return pl.pallas_call(
        body,
        grid=(P_NODES // BLK,),
        in_specs=[
            pl.BlockSpec((BLK, D), lambda i: (i, 0)),
            pl.BlockSpec((NC, BLK, D), lambda i: (0, i, 0)),
        ],
        out_specs=[
            pl.BlockSpec((BLK, D), lambda i: (i, 0)),
            pl.BlockSpec((BLK, 1), lambda i: (i, 0)),
        ],
        out_shape=[
            jax.ShapeDtypeStruct((P_NODES, D), jnp.float32),
            jax.ShapeDtypeStruct((P_NODES, 1), jnp.float32),
        ],
    )(h1, degp)


def _tc_mid(pp, g_prev, dinvc, b, W):
    def body(p_ref, g_ref, dv_ref, b_ref, w_ref, o_ref):
        dinv = dv_ref[...]
        pre = dinv * (p_ref[0] + p_ref[1] + g_ref[...]) + b_ref[...]
        a = jnp.maximum(pre, 0.0)
        o_ref[...] = dinv * jnp.dot(
            a, w_ref[...], preferred_element_type=jnp.float32, precision=HI)

    return pl.pallas_call(
        body,
        grid=(P_NODES // BLK,),
        in_specs=[
            pl.BlockSpec((NC, BLK, D), lambda i: (0, i, 0)),
            pl.BlockSpec((BLK, D), lambda i: (i, 0)),
            pl.BlockSpec((BLK, 1), lambda i: (i, 0)),
            pl.BlockSpec((1, D), lambda i: (0, 0)),
            pl.BlockSpec((D, D), lambda i: (0, 0)),
        ],
        out_specs=pl.BlockSpec((BLK, D), lambda i: (i, 0)),
        out_shape=jax.ShapeDtypeStruct((P_NODES, D), jnp.float32),
    )(pp, g_prev, dinvc, b, W)


def _tc_final(pp, g3, dinvc, b3, batch_p, Wd1, bd1, Wd2, bd2):
    nblk = P_NODES // BLK

    def body(p_ref, g_ref, dv_ref, b_ref, batch_ref, wd1_ref, bd1_ref,
             wd2_ref, bd2_ref, o_ref, seg, cnt):
        i = pl.program_id(0)

        @pl.when(i == 0)
        def _():
            seg[...] = jnp.zeros_like(seg)
            cnt[...] = jnp.zeros_like(cnt)

        dinv = dv_ref[...]
        out3 = dinv * (p_ref[0] + p_ref[1] + g_ref[...]) + b_ref[...]
        iota = lax.broadcasted_iota(jnp.int32, (BLK, G), 1)
        m = (batch_ref[...] == iota).astype(jnp.float32)
        seg[...] += lax.dot_general(
            m, out3, (((0,), (0,)), ((), ())),
            preferred_element_type=jnp.float32, precision=HI)
        cnt[...] += lax.dot_general(
            m, jnp.ones((BLK, D), jnp.float32), (((0,), (0,)), ((), ())),
            preferred_element_type=jnp.float32, precision=HI)

        @pl.when(i == nblk - 1)
        def _():
            pooled = seg[...] / jnp.maximum(cnt[...], 1.0)
            z = jnp.maximum(
                jnp.dot(pooled, wd1_ref[...],
                        preferred_element_type=jnp.float32, precision=HI)
                + bd1_ref[...], 0.0)
            o_ref[...] = jnp.dot(
                z, wd2_ref[...], preferred_element_type=jnp.float32,
                precision=HI) + bd2_ref[...]

    return pl.pallas_call(
        body,
        grid=(nblk,),
        in_specs=[
            pl.BlockSpec((NC, BLK, D), lambda i: (0, i, 0)),
            pl.BlockSpec((BLK, D), lambda i: (i, 0)),
            pl.BlockSpec((BLK, 1), lambda i: (i, 0)),
            pl.BlockSpec((1, D), lambda i: (0, 0)),
            pl.BlockSpec((BLK, 1), lambda i: (i, 0)),
            pl.BlockSpec((D, G), lambda i: (0, 0)),
            pl.BlockSpec((1, G), lambda i: (0, 0)),
            pl.BlockSpec((G, 1), lambda i: (0, 0)),
            pl.BlockSpec((1, 1), lambda i: (0, 0)),
        ],
        out_specs=pl.BlockSpec((G, 1), lambda i: (0, 0)),
        out_shape=jax.ShapeDtypeStruct((G, 1), jnp.float32),
        scratch_shapes=[
            pltpu.VMEM((G, D), jnp.float32),
            pltpu.VMEM((G, D), jnp.float32),
        ],
    )(pp, g3, dinvc, b3, batch_p, Wd1, bd1, Wd2, bd2)


def kernel(x, edge_index, batch, W1, b1, W2, b2, W3, b3, Wd1, bd1, Wd2, bd2):
    src = edge_index[0].astype(jnp.int32)
    dst = edge_index[1].astype(jnp.int32)
    def pad_to(a, n):
        padidx = (N_NODES
                  + jnp.arange(n - N_EDGES, dtype=jnp.int32)
                  % (P_NODES - N_NODES))
        return jnp.concatenate([a, padidx])

    src3 = pad_to(src, E_PAD).reshape(NW, CHUNKS_PER_TILE, CHUNK)
    dst3 = pad_to(dst, E_PAD).reshape(NW, CHUNKS_PER_TILE, CHUNK)
    edges3 = jnp.stack([src3, dst3], axis=2)
    dstD = pad_to(dst, NW * DCP * DCHUNK).reshape(NW, DCP, DCHUNK)
    xp = jnp.pad(x, ((0, P_NODES - N_NODES), (0, 0)))
    batch_p = jnp.pad(batch.astype(jnp.int32), (0, P_NODES - N_NODES),
                      constant_values=G).reshape(P_NODES, 1)
    ones128 = jnp.ones((DCHUNK, D), jnp.float32)
    zerosP = jnp.zeros((P_NODES, D), jnp.float32)

    h1 = _tc_matmul(xp, W1)
    degp = _sc_deg(dstD, zerosP, ones128)
    g1, dinvc = _tc_first(h1, degp)
    p1 = _sc_scatter(g1, edges3, zerosP)
    g2 = _tc_mid(p1, g1, dinvc, b1.reshape(1, D), W2)
    p2 = _sc_scatter(g2, edges3, zerosP)
    g3 = _tc_mid(p2, g2, dinvc, b2.reshape(1, D), W3)
    p3 = _sc_scatter(g3, edges3, zerosP)
    return _tc_final(p3, g3, dinvc, b3.reshape(1, D), batch_p, Wd1,
                     bd1.reshape(1, G), Wd2, bd2.reshape(1, 1))

# --- scband reference (transcript-rebuilt; emitter-appended) ---
"""Pipeline reference for scband-basic-gnn-15229954031645 (READ-ONLY COPY).

The authoritative reference and input builder live on the scoring server;
editing this copy changes nothing except your own understanding.
"""

import jax, jax.numpy as jnp
import numpy as np

N_NODES = 10000
N_EDGES = 320000
D_IN = 128
D_HID = 128
D_OUT = 1
NUM_GRAPHS = 64


def setup_inputs(seed: int = 0) -> dict:
    key = jax.random.key(seed)
    ks = jax.random.split(key, 16)
    x = jax.random.normal(ks[0], (N_NODES, D_IN), dtype=jnp.float32)
    edge_index = jax.random.randint(ks[1], (2, N_EDGES), 0, N_NODES, dtype=jnp.int64)
    batch = jnp.sort(jax.random.randint(ks[2], (N_NODES,), 0, NUM_GRAPHS, dtype=jnp.int64))
    def glorot(k, fan_in, fan_out):
        lim = jnp.sqrt(6.0 / (fan_in + fan_out))
        return jax.random.uniform(k, (fan_in, fan_out), dtype=jnp.float32, minval=-lim, maxval=lim)
    return {
        "x": x,
        "edge_index": edge_index,
        "batch": batch,
        "W1": glorot(ks[3], D_IN, D_HID), "b1": jnp.zeros((D_HID,), jnp.float32),
        "W2": glorot(ks[4], D_HID, D_HID), "b2": jnp.zeros((D_HID,), jnp.float32),
        "W3": glorot(ks[5], D_HID, D_HID), "b3": jnp.zeros((D_HID,), jnp.float32),
        "Wd1": glorot(ks[6], D_HID, D_HID // 2), "bd1": jnp.zeros((D_HID // 2,), jnp.float32),
        "Wd2": glorot(ks[7], D_HID // 2, D_OUT), "bd2": jnp.zeros((D_OUT,), jnp.float32),
    }


def _gcn_conv(x, src, dst, norm, W, b):
    # PyG GCNConv: h = X @ W; out[dst] += norm * h[src]; out += b
    h = x @ W
    msg = h[src] * norm[:, None]
    out = jnp.zeros((x.shape[0], W.shape[1]), dtype=x.dtype).at[dst].add(msg)
    return out + b


def _gcn_norm(edge_index, num_nodes):
    # add self-loops, symmetric normalization with edge_weight = 1
    loop = jnp.arange(num_nodes, dtype=edge_index.dtype)
    src = jnp.concatenate([edge_index[0], loop])
    dst = jnp.concatenate([edge_index[1], loop])
    deg = jnp.zeros((num_nodes,), jnp.float32).at[dst].add(1.0)
    dinv = jnp.where(deg > 0, 1.0 / jnp.sqrt(deg), 0.0)
    norm = dinv[src] * dinv[dst]
    return src, dst, norm


def reference(x, edge_index, batch, W1, b1, W2, b2, W3, b3, Wd1, bd1, Wd2, bd2):
    src, dst, norm = _gcn_norm(edge_index, x.shape[0])
    h = jax.nn.relu(_gcn_conv(x, src, dst, norm, W1, b1))
    h = jax.nn.relu(_gcn_conv(h, src, dst, norm, W2, b2))
    h = _gcn_conv(h, src, dst, norm, W3, b3)
    # global mean pool over graphs
    seg_sum = jax.ops.segment_sum(h, batch, num_segments=NUM_GRAPHS)
    counts = jax.ops.segment_sum(jnp.ones((h.shape[0],), jnp.float32), batch, num_segments=NUM_GRAPHS)
    pooled = seg_sum / jnp.maximum(counts, 1.0)[:, None]
    # decoder MLP
    z = jax.nn.relu(pooled @ Wd1 + bd1)
    return z @ Wd2 + bd2

if __name__ == "__main__":
    import jax
    _d = setup_inputs()
    print(jax.jit(kernel)(*tuple(_d.values())))

</pallas_src>

<mosaic_0001>
#map = affine_map<(d0, d1) -> (0, 0)>
#map1 = affine_map<(d0, d1) -> (0, 0, 0, 0)>
#map2 = affine_map<(d0, d1) -> (0, 0, 0)>
module attributes {stable_mosaic.version = 14 : i64} {
  func.func @scatter_kernel(%arg0: i32, %arg1: i32, %arg2: memref<10240x128xf32, #tpu.memory_space<hbm>>, %arg3: memref<32x210x2x48xi32, #tpu.memory_space<hbm>>, %arg4: memref<10240x128xf32, #tpu.memory_space<hbm>>, %arg5: memref<2x10240x128xf32, #tpu.memory_space<hbm>>, %arg6: memref<14x48xi32, #tpu.memory_space<vmem>>, %arg7: memref<7x48x128xf32, #tpu.memory_space<vmem>>, %arg8: memref<10240x128xf32, #tpu.memory_space<vmem_shared>>, %arg9: memref<!tpu.dma_semaphore, #tpu.memory_space<semaphore_mem>>, %arg10: memref<!tpu.dma_semaphore, #tpu.memory_space<semaphore_mem>>, %arg11: memref<!tpu.dma_semaphore, #tpu.memory_space<semaphore_mem>>, %arg12: memref<!tpu.dma_semaphore, #tpu.memory_space<semaphore_mem>>, %arg13: memref<!tpu.dma_semaphore, #tpu.memory_space<semaphore_mem>>, %arg14: memref<!tpu.dma_semaphore, #tpu.memory_space<semaphore_mem>>, %arg15: memref<!tpu.dma_semaphore, #tpu.memory_space<semaphore_mem>>, %arg16: memref<!tpu.dma_semaphore, #tpu.memory_space<semaphore_mem>>, %arg17: memref<!tpu.dma_semaphore, #tpu.memory_space<semaphore_mem>>, %arg18: memref<!tpu.dma_semaphore, #tpu.memory_space<semaphore_mem>>, %arg19: memref<!tpu.dma_semaphore, #tpu.memory_space<semaphore_mem>>, %arg20: memref<!tpu.dma_semaphore, #tpu.memory_space<semaphore_mem>>, %arg21: memref<!tpu.dma_semaphore, #tpu.memory_space<semaphore_mem>>, %arg22: memref<!tpu.dma_semaphore, #tpu.memory_space<semaphore_mem>>, %arg23: memref<!tpu.dma_semaphore, #tpu.memory_space<semaphore_mem>>, %arg24: memref<!tpu.dma_semaphore, #tpu.memory_space<semaphore_mem>>, %arg25: memref<!tpu.dma_semaphore, #tpu.memory_space<semaphore_mem>>, %arg26: memref<!tpu.dma_semaphore, #tpu.memory_space<semaphore_mem>>, %arg27: memref<!tpu.dma_semaphore, #tpu.memory_space<semaphore_mem>>, %arg28: memref<!tpu.dma_semaphore, #tpu.memory_space<semaphore_mem>>, %arg29: memref<!tpu.dma_semaphore, #tpu.memory_space<semaphore_mem>>) attributes {dimension_semantics = [#tpu.dimension_semantics<core_parallel>, #tpu.dimension_semantics<subcore_parallel>], iteration_bounds = array<i64: 2, 16>, scalar_prefetch = 0 : i64, scratch_operands = 24 : i64, tpu.core_type = #tpu.core_type<sc_vector_subcore>, window_params = [{transform_indices = #map}, {transform_indices = #map1}, {transform_indices = #map}, {transform_indices = #map2}]} {
    %mul3A = arith.constant 2 : i32
    %mul3A_0 = arith.muli %arg1, %mul3A : i32
    %add3A = arith.addi %mul3A_0, %arg0 : i32
    %mul3A_1 = arith.constant 640 : i32
    %mul3A_2 = arith.muli %arg1, %mul3A_1 : i32
    %dma_start3A = arith.constant 0 : i32
    %dma_start3A_3 = arith.constant 0 : i32
    %dma_start3A_4 = arith.constant 0 : i32
    %dma_start3A_5 = tpu.memref_slice %arg6[%dma_start3A_3, %dma_start3A_4] : memref<14x48xi32, #tpu.memory_space<vmem>> -> memref<2x48xi32, #tpu.memory_space<vmem>>
    %dma_start3A_6 = arith.constant 0 : i32
    %dma_start3A_7 = arith.constant 0 : i32
    %dma_start3A_8 = tpu.memref_slice %arg3[%add3A, %dma_start3A, %dma_start3A_6, %dma_start3A_7] : memref<32x210x2x48xi32, #tpu.memory_space<hbm>> -> memref<1x1x2x48xi32, #tpu.memory_space<hbm>>
    %dma_start3A_9 = tpu.memref_squeeze %dma_start3A_8 : memref<1x1x2x48xi32, #tpu.memory_space<hbm>> -> memref<2x48xi32, #tpu.memory_space<hbm>>
    %dma_start3A_10 = arith.constant 0 : i32
    %dma_start3A_11 = arith.constant 0 : i32
    %dma_start3A_12 = tpu.memref_slice %arg6[%dma_start3A_10, %dma_start3A_11] : memref<14x48xi32, #tpu.memory_space<vmem>> -> memref<2x48xi32, #tpu.memory_space<vmem>>
    %dma_start3A_13 = arith.constant 0 : i32
    %dma_start3A_14 = arith.constant 0 : i32
    %dma_start3A_15 = tpu.memref_slice %arg3[%add3A, %dma_start3A, %dma_start3A_13, %dma_start3A_14] : memref<32x210x2x48xi32, #tpu.memory_space<hbm>> -> memref<1x1x2x48xi32, #tpu.memory_space<hbm>>
    %dma_start3A_16 = tpu.memref_squeeze %dma_start3A_15 : memref<1x1x2x48xi32, #tpu.memory_space<hbm>> -> memref<2x48xi32, #tpu.memory_space<hbm>>
    tpu.enqueue_dma source(%dma_start3A_16 : memref<2x48xi32, #tpu.memory_space<hbm>>) target(%dma_start3A_12 : memref<2x48xi32, #tpu.memory_space<vmem>>) target_semaphore(%arg9 : memref<!tpu.dma_semaphore, #tpu.memory_space<semaphore_mem>>)
    %dma_start3A_17 = arith.constant 1 : i32
    %dma_start3A_18 = arith.constant 2 : i32
    %dma_start3A_19 = arith.constant 0 : i32
    %dma_start3A_20 = tpu.memref_slice %arg6[%dma_start3A_18, %dma_start3A_19] : memref<14x48xi32, #tpu.memory_space<vmem>> -> memref<2x48xi32, #tpu.memory_space<vmem>>
    %dma_start3A_21 = arith.constant 0 : i32
    %dma_start3A_22 = arith.constant 0 : i32
    %dma_start3A_23 = tpu.memref_slice %arg3[%add3A, %dma_start3A_17, %dma_start3A_21, %dma_start3A_22] : memref<32x210x2x48xi32, #tpu.memory_space<hbm>> -> memref<1x1x2x48xi32, #tpu.memory_space<hbm>>
    %dma_start3A_24 = tpu.memref_squeeze %dma_start3A_23 : memref<1x1x2x48xi32, #tpu.memory_space<hbm>> -> memref<2x48xi32, #tpu.memory_space<hbm>>
    %dma_start3A_25 = arith.constant 2 : i32
    %dma_start3A_26 = arith.constant 0 : i32
    %dma_start3A_27 = tpu.memref_slice %arg6[%dma_start3A_25, %dma_start3A_26] : memref<14x48xi32, #tpu.memory_space<vmem>> -> memref<2x48xi32, #tpu.memory_space<vmem>>
    %dma_start3A_28 = arith.constant 0 : i32
    %dma_start3A_29 = arith.constant 0 : i32
    %dma_start3A_30 = tpu.memref_slice %arg3[%add3A, %dma_start3A_17, %dma_start3A_28, %dma_start3A_29] : memref<32x210x2x48xi32, #tpu.memory_space<hbm>> -> memref<1x1x2x48xi32, #tpu.memory_space<hbm>>
    %dma_start3A_31 = tpu.memref_squeeze %dma_start3A_30 : memref<1x1x2x48xi32, #tpu.memory_space<hbm>> -> memref<2x48xi32, #tpu.memory_space<hbm>>
    tpu.enqueue_dma source(%dma_start3A_31 : memref<2x48xi32, #tpu.memory_space<hbm>>) target(%dma_start3A_27 : memref<2x48xi32, #tpu.memory_space<vmem>>) target_semaphore(%arg10 : memref<!tpu.dma_semaphore, #tpu.memory_space<semaphore_mem>>)
    %dma_start3A_32 = arith.constant 2 : i32
    %dma_start3A_33 = arith.constant 4 : i32
    %dma_start3A_34 = arith.constant 0 : i32
    %dma_start3A_35 = tpu.memref_slice %arg6[%dma_start3A_33, %dma_start3A_34] : memref<14x48xi32, #tpu.memory_space<vmem>> -> memref<2x48xi32, #tpu.memory_space<vmem>>
    %dma_start3A_36 = arith.constant 0 : i32
    %dma_start3A_37 = arith.constant 0 : i32
    %dma_start3A_38 = tpu.memref_slice %arg3[%add3A, %dma_start3A_32, %dma_start3A_36, %dma_start3A_37] : memref<32x210x2x48xi32, #tpu.memory_space<hbm>> -> memref<1x1x2x48xi32, #tpu.memory_space<hbm>>
    %dma_start3A_39 = tpu.memref_squeeze %dma_start3A_38 : memref<1x1x2x48xi32, #tpu.memory_space<hbm>> -> memref<2x48xi32, #tpu.memory_space<hbm>>
    %dma_start3A_40 = arith.constant 4 : i32
    %dma_start3A_41 = arith.constant 0 : i32
    %dma_start3A_42 = tpu.memref_slice %arg6[%dma_start3A_40, %dma_start3A_41] : memref<14x48xi32, #tpu.memory_space<vmem>> -> memref<2x48xi32, #tpu.memory_space<vmem>>
    %dma_start3A_43 = arith.constant 0 : i32
    %dma_start3A_44 = arith.constant 0 : i32
    %dma_start3A_45 = tpu.memref_slice %arg3[%add3A, %dma_start3A_32, %dma_start3A_43, %dma_start3A_44] : memref<32x210x2x48xi32, #tpu.memory_space<hbm>> -> memref<1x1x2x48xi32, #tpu.memory_space<hbm>>
    %dma_start3A_46 = tpu.memref_squeeze %dma_start3A_45 : memref<1x1x2x48xi32, #tpu.memory_space<hbm>> -> memref<2x48xi32, #tpu.memory_space<hbm>>
    tpu.enqueue_dma source(%dma_start3A_46 : memref<2x48xi32, #tpu.memory_space<hbm>>) target(%dma_start3A_42 : memref<2x48xi32, #tpu.memory_space<vmem>>) target_semaphore(%arg11 : memref<!tpu.dma_semaphore, #tpu.memory_space<semaphore_mem>>)
    %dma_start3A_47 = arith.constant 3 : i32
    %dma_start3A_48 = arith.constant 6 : i32
    %dma_start3A_49 = arith.constant 0 : i32
    %dma_start3A_50 = tpu.memref_slice %arg6[%dma_start3A_48, %dma_start3A_49] : memref<14x48xi32, #tpu.memory_space<vmem>> -> memref<2x48xi32, #tpu.memory_space<vmem>>
    %dma_start3A_51 = arith.constant 0 : i32
    %dma_start3A_52 = arith.constant 0 : i32
    %dma_start3A_53 = tpu.memref_slice %arg3[%add3A, %dma_start3A_47, %dma_start3A_51, %dma_start3A_52] : memref<32x210x2x48xi32, #tpu.memory_space<hbm>> -> memref<1x1x2x48xi32, #tpu.memory_space<hbm>>
    %dma_start3A_54 = tpu.memref_squeeze %dma_start3A_53 : memref<1x1x2x48xi32, #tpu.memory_space<hbm>> -> memref<2x48xi32, #tpu.memory_space<hbm>>
    %dma_start3A_55 = arith.constant 6 : i32
    %dma_start3A_56 = arith.constant 0 : i32
    %dma_start3A_57 = tpu.memref_slice %arg6[%dma_start3A_55, %dma_start3A_56] : memref<14x48xi32, #tpu.memory_space<vmem>> -> memref<2x48xi32, #tpu.memory_space<vmem>>
    %dma_start3A_58 = arith.constant 0 : i32
    %dma_start3A_59 = arith.constant 0 : i32
    %dma_start3A_60 = tpu.memref_slice %arg3[%add3A, %dma_start3A_47, %dma_start3A_58, %dma_start3A_59] : memref<32x210x2x48xi32, #tpu.memory_space<hbm>> -> memref<1x1x2x48xi32, #tpu.memory_space<hbm>>
    %dma_start3A_61 = tpu.memref_squeeze %dma_start3A_60 : memref<1x1x2x48xi32, #tpu.memory_space<hbm>> -> memref<2x48xi32, #tpu.memory_space<hbm>>
    tpu.enqueue_dma source(%dma_start3A_61 : memref<2x48xi32, #tpu.memory_space<hbm>>) target(%dma_start3A_57 : memref<2x48xi32, #tpu.memory_space<vmem>>) target_semaphore(%arg12 : memref<!tpu.dma_semaphore, #tpu.memory_space<semaphore_mem>>)
    "tpu.region"() ({
      %run_scoped3A = tpu.sem_alloc : memref<!tpu.dma_semaphore, #tpu.memory_space<semaphore_mem>>
      %dma_start3A_183 = arith.constant 0 : i32
      %dma_start3A_184 = tpu.memref_slice %arg8[%mul3A_2, %dma_start3A_183] : memref<10240x128xf32, #tpu.memory_space<vmem_shared>> -> memref<640x128xf32, #tpu.memory_space<vmem_shared>>
      %dma_start3A_185 = arith.constant 0 : i32
      %dma_start3A_186 = tpu.memref_slice %arg4[%mul3A_2, %dma_start3A_185] : memref<10240x128xf32, #tpu.memory_space<hbm>> -> memref<640x128xf32, #tpu.memory_space<hbm>>
      tpu.enqueue_dma source(%dma_start3A_186 : memref<640x128xf32, #tpu.memory_space<hbm>>) target(%dma_start3A_184 : memref<640x128xf32, #tpu.memory_space<vmem_shared>>) target_semaphore(%run_scoped3A : memref<!tpu.dma_semaphore, #tpu.memory_space<semaphore_mem>>)
      %dma_wait3A_187 = arith.constant 0 : i32
      %dma_wait3A_188 = tpu.memref_slice %arg8[%mul3A_2, %dma_wait3A_187] : memref<10240x128xf32, #tpu.memory_space<vmem_shared>> -> memref<640x128xf32, #tpu.memory_space<vmem_shared>>
      %dma_wait3A_189 = arith.constant 0 : i32
      %dma_wait3A_190 = tpu.memref_slice %arg4[%mul3A_2, %dma_wait3A_189] : memref<10240x128xf32, #tpu.memory_space<hbm>> -> memref<640x128xf32, #tpu.memory_space<hbm>>
      tpu.wait_dma2 semaphore(%run_scoped3A : memref<!tpu.dma_semaphore, #tpu.memory_space<semaphore_mem>>) src(%dma_wait3A_190 : memref<640x128xf32, #tpu.memory_space<hbm>>) dst(%dma_wait3A_188 : memref<640x128xf32, #tpu.memory_space<vmem_shared>>)
      tpu.yield
    }) : () -> ()
    %barrier3A = arith.constant 0 : index
    tpu.barrier barrier_id(%barrier3A)
    %dma_wait3A = arith.constant 0 : i32
    %dma_wait3A_62 = arith.constant 0 : i32
    %dma_wait3A_63 = arith.constant 0 : i32
    %dma_wait3A_64 = tpu.memref_slice %arg6[%dma_wait3A_62, %dma_wait3A_63] : memref<14x48xi32, #tpu.memory_space<vmem>> -> memref<2x48xi32, #tpu.memory_space<vmem>>
    %dma_wait3A_65 = arith.constant 0 : i32
    %dma_wait3A_66 = arith.constant 0 : i32
    %dma_wait3A_67 = tpu.memref_slice %arg3[%add3A, %dma_wait3A, %dma_wait3A_65, %dma_wait3A_66] : memref<32x210x2x48xi32, #tpu.memory_space<hbm>> -> memref<1x1x2x48xi32, #tpu.memory_space<hbm>>
    %dma_wait3A_68 = tpu.memref_squeeze %dma_wait3A_67 : memref<1x1x2x48xi32, #tpu.memory_space<hbm>> -> memref<2x48xi32, #tpu.memory_space<hbm>>
    %dma_wait3A_69 = arith.constant 0 : i32
    %dma_wait3A_70 = arith.constant 0 : i32
    %dma_wait3A_71 = tpu.memref_slice %arg6[%dma_wait3A_69, %dma_wait3A_70] : memref<14x48xi32, #tpu.memory_space<vmem>> -> memref<2x48xi32, #tpu.memory_space<vmem>>
    %dma_wait3A_72 = arith.constant 0 : i32
    %dma_wait3A_73 = arith.constant 0 : i32
    %dma_wait3A_74 = tpu.memref_slice %arg3[%add3A, %dma_wait3A, %dma_wait3A_72, %dma_wait3A_73] : memref<32x210x2x48xi32, #tpu.memory_space<hbm>> -> memref<1x1x2x48xi32, #tpu.memory_space<hbm>>
    %dma_wait3A_75 = tpu.memref_squeeze %dma_wait3A_74 : memref<1x1x2x48xi32, #tpu.memory_space<hbm>> -> memref<2x48xi32, #tpu.memory_space<hbm>>
    tpu.wait_dma2 semaphore(%arg9 : memref<!tpu.dma_semaphore, #tpu.memory_space<semaphore_mem>>) src(%dma_wait3A_75 : memref<2x48xi32, #tpu.memory_space<hbm>>) dst(%dma_wait3A_71 : memref<2x48xi32, #tpu.memory_space<vmem>>)
    %dma_start3A_76 = arith.constant 0 : i32
    %dma_start3A_77 = arith.constant 0 : i32
    %dma_start3A_78 = arith.constant 0 : i32
    %dma_start3A_79 = arith.constant 0 : i32
    %dma_start3A_80 = tpu.memref_slice %arg7[%dma_start3A_77, %dma_start3A_78, %dma_start3A_79] : memref<7x48x128xf32, #tpu.memory_space<vmem>> -> memref<1x48x128xf32, #tpu.memory_space<vmem>>
    %dma_start3A_81 = tpu.memref_squeeze %dma_start3A_80 : memref<1x48x128xf32, #tpu.memory_space<vmem>> -> memref<48x128xf32, #tpu.memory_space<vmem>>
    %dma_start3A_82 = arith.constant 0 : i32
    %dma_start3A_83 = tpu.memref_slice %arg6[%dma_start3A_76, %dma_start3A_82] : memref<14x48xi32, #tpu.memory_space<vmem>> -> memref<1x48xi32, #tpu.memory_space<vmem>>
    %dma_start3A_84 = tpu.memref_squeeze %dma_start3A_83 : memref<1x48xi32, #tpu.memory_space<vmem>> -> memref<48xi32, #tpu.memory_space<vmem>>
    %dma_start3A_85 = arith.constant 0 : i32
    %dma_start3A_86 = arith.constant 0 : i32
    %dma_start3A_87 = tpu.memref_slice %arg2[%dma_start3A_85, %dma_start3A_86] : memref<10240x128xf32, #tpu.memory_space<hbm>> -> memref<10240x128xf32, #tpu.memory_space<hbm>>
    tpu.enqueue_indirect_dma source(%dma_start3A_87 : memref<10240x128xf32, #tpu.memory_space<hbm>>) target(%dma_start3A_81 : memref<48x128xf32, #tpu.memory_space<vmem>>) offsets(%dma_start3A_84 : memref<48xi32, #tpu.memory_space<vmem>>) semaphore(%arg16 : memref<!tpu.dma_semaphore, #tpu.memory_space<semaphore_mem>>)
    %dma_wait3A_88 = arith.constant 1 : i32
    %dma_wait3A_89 = arith.constant 2 : i32
    %dma_wait3A_90 = arith.constant 0 : i32
    %dma_wait3A_91 = tpu.memref_slice %arg6[%dma_wait3A_89, %dma_wait3A_90] : memref<14x48xi32, #tpu.memory_space<vmem>> -> memref<2x48xi32, #tpu.memory_space<vmem>>
    %dma_wait3A_92 = arith.constant 0 : i32
    %dma_wait3A_93 = arith.constant 0 : i32
    %dma_wait3A_94 = tpu.memref_slice %arg3[%add3A, %dma_wait3A_88, %dma_wait3A_92, %dma_wait3A_93] : memref<32x210x2x48xi32, #tpu.memory_space<hbm>> -> memref<1x1x2x48xi32, #tpu.memory_space<hbm>>
    %dma_wait3A_95 = tpu.memref_squeeze %dma_wait3A_94 : memref<1x1x2x48xi32, #tpu.memory_space<hbm>> -> memref<2x48xi32, #tpu.memory_space<hbm>>
    %dma_wait3A_96 = arith.constant 2 : i32
    %dma_wait3A_97 = arith.constant 0 : i32
    %dma_wait3A_98 = tpu.memref_slice %arg6[%dma_wait3A_96, %dma_wait3A_97] : memref<14x48xi32, #tpu.memory_space<vmem>> -> memref<2x48xi32, #tpu.memory_space<vmem>>
    %dma_wait3A_99 = arith.constant 0 : i32
    %dma_wait3A_100 = arith.constant 0 : i32
    %dma_wait3A_101 = tpu.memref_slice %arg3[%add3A, %dma_wait3A_88, %dma_wait3A_99, %dma_wait3A_100] : memref<32x210x2x48xi32, #tpu.memory_space<hbm>> -> memref<1x1x2x48xi32, #tpu.memory_space<hbm>>
    %dma_wait3A_102 = tpu.memref_squeeze %dma_wait3A_101 : memref<1x1x2x48xi32, #tpu.memory_space<hbm>> -> memref<2x48xi32, #tpu.memory_space<hbm>>
    tpu.wait_dma2 semaphore(%arg10 : memref<!tpu.dma_semaphore, #tpu.memory_space<semaphore_mem>>) src(%dma_wait3A_102 : memref<2x48xi32, #tpu.memory_space<hbm>>) dst(%dma_wait3A_98 : memref<2x48xi32, #tpu.memory_space<vmem>>)
    %dma_start3A_103 = arith.constant 2 : i32
    %dma_start3A_104 = arith.constant 1 : i32
    %dma_start3A_105 = arith.constant 0 : i32
    %dma_start3A_106 = arith.constant 0 : i32
    %dma_start3A_107 = tpu.memref_slice %arg7[%dma_start3A_104, %dma_start3A_105, %dma_start3A_106] : memref<7x48x128xf32, #tpu.memory_space<vmem>> -> memref<1x48x128xf32, #tpu.memory_space<vmem>>
    %dma_start3A_108 = tpu.memref_squeeze %dma_start3A_107 : memref<1x48x128xf32, #tpu.memory_space<vmem>> -> memref<48x128xf32, #tpu.memory_space<vmem>>
    %dma_start3A_109 = arith.constant 0 : i32
    %dma_start3A_110 = tpu.memref_slice %arg6[%dma_start3A_103, %dma_start3A_109] : memref<14x48xi32, #tpu.memory_space<vmem>> -> memref<1x48xi32, #tpu.memory_space<vmem>>
    %dma_start3A_111 = tpu.memref_squeeze %dma_start3A_110 : memref<1x48xi32, #tpu.memory_space<vmem>> -> memref<48xi32, #tpu.memory_space<vmem>>
    %dma_start3A_112 = arith.constant 0 : i32
    %dma_start3A_113 = arith.constant 0 : i32
    %dma_start3A_114 = tpu.memref_slice %arg2[%dma_start3A_112, %dma_start3A_113] : memref<10240x128xf32, #tpu.memory_space<hbm>> -> memref<10240x128xf32, #tpu.memory_space<hbm>>
    tpu.enqueue_indirect_dma source(%dma_start3A_114 : memref<10240x128xf32, #tpu.memory_space<hbm>>) target(%dma_start3A_108 : memref<48x128xf32, #tpu.memory_space<vmem>>) offsets(%dma_start3A_111 : memref<48xi32, #tpu.memory_space<vmem>>) semaphore(%arg17 : memref<!tpu.dma_semaphore, #tpu.memory_space<semaphore_mem>>)
    %dma_wait3A_115 = arith.constant 2 : i32
    %dma_wait3A_116 = arith.constant 4 : i32
    %dma_wait3A_117 = arith.constant 0 : i32
    %dma_wait3A_118 = tpu.memref_slice %arg6[%dma_wait3A_116, %dma_wait3A_117] : memref<14x48xi32, #tpu.memory_space<vmem>> -> memref<2x48xi32, #tpu.memory_space<vmem>>
    %dma_wait3A_119 = arith.constant 0 : i32
    %dma_wait3A_120 = arith.constant 0 : i32
    %dma_wait3A_121 = tpu.memref_slice %arg3[%add3A, %dma_wait3A_115, %dma_wait3A_119, %dma_wait3A_120] : memref<32x210x2x48xi32, #tpu.memory_space<hbm>> -> memref<1x1x2x48xi32, #tpu.memory_space<hbm>>
    %dma_wait3A_122 = tpu.memref_squeeze %dma_wait3A_121 : memref<1x1x2x48xi32, #tpu.memory_space<hbm>> -> memref<2x48xi32, #tpu.memory_space<hbm>>
    %dma_wait3A_123 = arith.constant 4 : i32
    %dma_wait3A_124 = arith.constant 0 : i32
    %dma_wait3A_125 = tpu.memref_slice %arg6[%dma_wait3A_123, %dma_wait3A_124] : memref<14x48xi32, #tpu.memory_space<vmem>> -> memref<2x48xi32, #tpu.memory_space<vmem>>
    %dma_wait3A_126 = arith.constant 0 : i32
    %dma_wait3A_127 = arith.constant 0 : i32
    %dma_wait3A_128 = tpu.memref_slice %arg3[%add3A, %dma_wait3A_115, %dma_wait3A_126, %dma_wait3A_127] : memref<32x210x2x48xi32, #tpu.memory_space<hbm>> -> memref<1x1x2x48xi32, #tpu.memory_space<hbm>>
    %dma_wait3A_129 = tpu.memref_squeeze %dma_wait3A_128 : memref<1x1x2x48xi32, #tpu.memory_space<hbm>> -> memref<2x48xi32, #tpu.memory_space<hbm>>
    tpu.wait_dma2 semaphore(%arg11 : memref<!tpu.dma_semaphore, #tpu.memory_space<semaphore_mem>>) src(%dma_wait3A_129 : memref<2x48xi32, #tpu.memory_space<hbm>>) dst(%dma_wait3A_125 : memref<2x48xi32, #tpu.memory_space<vmem>>)
    %dma_start3A_130 = arith.constant 4 : i32
    %dma_start3A_131 = arith.constant 2 : i32
    %dma_start3A_132 = arith.constant 0 : i32
    %dma_start3A_133 = arith.constant 0 : i32
    %dma_start3A_134 = tpu.memref_slice %arg7[%dma_start3A_131, %dma_start3A_132, %dma_start3A_133] : memref<7x48x128xf32, #tpu.memory_space<vmem>> -> memref<1x48x128xf32, #tpu.memory_space<vmem>>
    %dma_start3A_135 = tpu.memref_squeeze %dma_start3A_134 : memref<1x48x128xf32, #tpu.memory_space<vmem>> -> memref<48x128xf32, #tpu.memory_space<vmem>>
    %dma_start3A_136 = arith.constant 0 : i32
    %dma_start3A_137 = tpu.memref_slice %arg6[%dma_start3A_130, %dma_start3A_136] : memref<14x48xi32, #tpu.memory_space<vmem>> -> memref<1x48xi32, #tpu.memory_space<vmem>>
    %dma_start3A_138 = tpu.memref_squeeze %dma_start3A_137 : memref<1x48xi32, #tpu.memory_space<vmem>> -> memref<48xi32, #tpu.memory_space<vmem>>
    %dma_start3A_139 = arith.constant 0 : i32
    %dma_start3A_140 = arith.constant 0 : i32
    %dma_start3A_141 = tpu.memref_slice %arg2[%dma_start3A_139, %dma_start3A_140] : memref<10240x128xf32, #tpu.memory_space<hbm>> -> memref<10240x128xf32, #tpu.memory_space<hbm>>
    tpu.enqueue_indirect_dma source(%dma_start3A_141 : memref<10240x128xf32, #tpu.memory_space<hbm>>) target(%dma_start3A_135 : memref<48x128xf32, #tpu.memory_space<vmem>>) offsets(%dma_start3A_138 : memref<48xi32, #tpu.memory_space<vmem>>) semaphore(%arg18 : memref<!tpu.dma_semaphore, #tpu.memory_space<semaphore_mem>>)
    %scan3A = arith.constant 0 : i32
    %scan3A_142 = arith.constant 30 : i32
    %scan3A_143 = arith.addi %scan3A, %scan3A_142 : i32
    %scan3A_144 = arith.constant 1 : i32
    scf.for %scan3A_183 = %scan3A to %scan3A_143 step %scan3A_144  : i32 {
      %mul3A_184 = arith.constant 7 : i32
      %mul3A_185 = arith.muli %scan3A_183, %mul3A_184 : i32
      %add3A_186 = arith.constant 0 : i32
      %add3A_187 = arith.addi %add3A_186, %mul3A_185 : i32
      %add3A_188 = arith.constant 0 : i32
      %add3A_189 = arith.addi %add3A_187, %add3A_188 : i32
      %ge3A = arith.constant 3 : i32
      %ge3A_190 = arith.cmpi sge, %add3A_189, %ge3A : i32
      %convert_element_type3A = arith.extui %ge3A_190 : i1 to i32
      %cond3A = arith.constant 0 : i32
      %cond3A_191 = arith.cmpi ne, %convert_element_type3A, %cond3A : i32
      scf.if %cond3A_191 {
        %dma_wait3A_513 = arith.constant 4 : i32
        %dma_wait3A_514 = arith.constant 9 : i32
        %dma_wait3A_515 = arith.constant 0 : i32
        %dma_wait3A_516 = arith.constant 0 : i32
        %dma_wait3A_517 = tpu.memref_slice %arg7[%dma_wait3A_513, %dma_wait3A_515, %dma_wait3A_516] : memref<7x48x128xf32, #tpu.memory_space<vmem>> -> memref<1x48x128xf32, #tpu.memory_space<vmem>>
        %dma_wait3A_518 = tpu.memref_squeeze %dma_wait3A_517 : memref<1x48x128xf32, #tpu.memory_space<vmem>> -> memref<48x128xf32, #tpu.memory_space<vmem>>
        %dma_wait3A_519 = arith.constant 0 : i32
        %dma_wait3A_520 = tpu.memref_slice %arg6[%dma_wait3A_514, %dma_wait3A_519] : memref<14x48xi32, #tpu.memory_space<vmem>> -> memref<1x48xi32, #tpu.memory_space<vmem>>
        %dma_wait3A_521 = tpu.memref_squeeze %dma_wait3A_520 : memref<1x48xi32, #tpu.memory_space<vmem>> -> memref<48xi32, #tpu.memory_space<vmem>>
        %dma_wait3A_522 = arith.constant 0 : i32
        %dma_wait3A_523 = arith.constant 0 : i32
        %dma_wait3A_524 = tpu.memref_slice %arg8[%dma_wait3A_522, %dma_wait3A_523] : memref<10240x128xf32, #tpu.memory_space<vmem_shared>> -> memref<10240x128xf32, #tpu.memory_space<vmem_shared>>
        tpu.wait_indirect_dma semaphore(%arg27 : memref<!tpu.dma_semaphore, #tpu.memory_space<semaphore_mem>>) src(%dma_wait3A_518 : memref<48x128xf32, #tpu.memory_space<vmem>>) dst(%dma_wait3A_524 : memref<10240x128xf32, #tpu.memory_space<vmem_shared>>)
      } else {
      }
      %add3A_192 = arith.constant 3 : i32
      %add3A_193 = arith.addi %add3A_189, %add3A_192 : i32
      %add3A_194 = arith.constant 1 : i32
      %add3A_195 = arith.addi %add3A_193, %add3A_194 : i32
      %lt3A = arith.constant 210 : i32
      %lt3A_196 = arith.cmpi slt, %add3A_195, %lt3A : i32
      %convert_element_type3A_197 = arith.extui %lt3A_196 : i1 to i32
      %cond3A_198 = arith.constant 0 : i32
      %cond3A_199 = arith.cmpi ne, %convert_element_type3A_197, %cond3A_198 : i32
      scf.if %cond3A_199 {
        %add3A_513 = arith.constant 3 : i32
        %add3A_514 = arith.addi %add3A_189, %add3A_513 : i32
        %add3A_515 = arith.constant 1 : i32
        %add3A_516 = arith.addi %add3A_514, %add3A_515 : i32
        %dma_start3A_517 = arith.constant 8 : i32
        %dma_start3A_518 = arith.constant 0 : i32
        %dma_start3A_519 = tpu.memref_slice %arg6[%dma_start3A_517, %dma_start3A_518] : memref<14x48xi32, #tpu.memory_space<vmem>> -> memref<2x48xi32, #tpu.memory_space<vmem>>
        %dma_start3A_520 = arith.constant 0 : i32
        %dma_start3A_521 = arith.constant 0 : i32
        %dma_start3A_522 = tpu.memref_slice %arg3[%add3A, %add3A_516, %dma_start3A_520, %dma_start3A_521] : memref<32x210x2x48xi32, #tpu.memory_space<hbm>> -> memref<1x1x2x48xi32, #tpu.memory_space<hbm>>
        %dma_start3A_523 = tpu.memref_squeeze %dma_start3A_522 : memref<1x1x2x48xi32, #tpu.memory_space<hbm>> -> memref<2x48xi32, #tpu.memory_space<hbm>>
        %dma_start3A_524 = arith.constant 8 : i32
        %dma_start3A_525 = arith.constant 0 : i32
        %dma_start3A_526 = tpu.memref_slice %arg6[%dma_start3A_524, %dma_start3A_525] : memref<14x48xi32, #tpu.memory_space<vmem>> -> memref<2x48xi32, #tpu.memory_space<vmem>>
        %dma_start3A_527 = arith.constant 0 : i32
        %dma_start3A_528 = arith.constant 0 : i32
        %dma_start3A_529 = tpu.memref_slice %arg3[%add3A, %add3A_516, %dma_start3A_527, %dma_start3A_528] : memref<32x210x2x48xi32, #tpu.memory_space<hbm>> -> memref<1x1x2x48xi32, #tpu.memory_space<hbm>>
        %dma_start3A_530 = tpu.memref_squeeze %dma_start3A_529 : memref<1x1x2x48xi32, #tpu.memory_space<hbm>> -> memref<2x48xi32, #tpu.memory_space<hbm>>
        tpu.enqueue_dma source(%dma_start3A_530 : memref<2x48xi32, #tpu.memory_space<hbm>>) target(%dma_start3A_526 : memref<2x48xi32, #tpu.memory_space<vmem>>) target_semaphore(%arg13 : memref<!tpu.dma_semaphore, #tpu.memory_space<semaphore_mem>>)
      } else {
      }
      %add3A_200 = arith.constant 3 : i32
      %add3A_201 = arith.addi %add3A_189, %add3A_200 : i32
      %lt3A_202 = arith.constant 210 : i32
      %lt3A_203 = arith.cmpi slt, %add3A_201, %lt3A_202 : i32
      %convert_element_type3A_204 = arith.extui %lt3A_203 : i1 to i32
      %cond3A_205 = arith.constant 0 : i32
      %cond3A_206 = arith.cmpi ne, %convert_element_type3A_204, %cond3A_205 : i32
      scf.if %cond3A_206 {
        %add3A_513 = arith.constant 3 : i32
        %add3A_514 = arith.addi %add3A_189, %add3A_513 : i32
        %dma_wait3A_515 = arith.constant 6 : i32
        %dma_wait3A_516 = arith.constant 0 : i32
        %dma_wait3A_517 = tpu.memref_slice %arg6[%dma_wait3A_515, %dma_wait3A_516] : memref<14x48xi32, #tpu.memory_space<vmem>> -> memref<2x48xi32, #tpu.memory_space<vmem>>
        %dma_wait3A_518 = arith.constant 0 : i32
        %dma_wait3A_519 = arith.constant 0 : i32
        %dma_wait3A_520 = tpu.memref_slice %arg3[%add3A, %add3A_514, %dma_wait3A_518, %dma_wait3A_519] : memref<32x210x2x48xi32, #tpu.memory_space<hbm>> -> memref<1x1x2x48xi32, #tpu.memory_space<hbm>>
        %dma_wait3A_521 = tpu.memref_squeeze %dma_wait3A_520 : memref<1x1x2x48xi32, #tpu.memory_space<hbm>> -> memref<2x48xi32, #tpu.memory_space<hbm>>
        %dma_wait3A_522 = arith.constant 6 : i32
        %dma_wait3A_523 = arith.constant 0 : i32
        %dma_wait3A_524 = tpu.memref_slice %arg6[%dma_wait3A_522, %dma_wait3A_523] : memref<14x48xi32, #tpu.memory_space<vmem>> -> memref<2x48xi32, #tpu.memory_space<vmem>>
        %dma_wait3A_525 = arith.constant 0 : i32
        %dma_wait3A_526 = arith.constant 0 : i32
        %dma_wait3A_527 = tpu.memref_slice %arg3[%add3A, %add3A_514, %dma_wait3A_525, %dma_wait3A_526] : memref<32x210x2x48xi32, #tpu.memory_space<hbm>> -> memref<1x1x2x48xi32, #tpu.memory_space<hbm>>
        %dma_wait3A_528 = tpu.memref_squeeze %dma_wait3A_527 : memref<1x1x2x48xi32, #tpu.memory_space<hbm>> -> memref<2x48xi32, #tpu.memory_space<hbm>>
        tpu.wait_dma2 semaphore(%arg12 : memref<!tpu.dma_semaphore, #tpu.memory_space<semaphore_mem>>) src(%dma_wait3A_528 : memref<2x48xi32, #tpu.memory_space<hbm>>) dst(%dma_wait3A_524 : memref<2x48xi32, #tpu.memory_space<vmem>>)
        %dma_start3A_529 = arith.constant 6 : i32
        %dma_start3A_530 = arith.constant 3 : i32
        %dma_start3A_531 = arith.constant 0 : i32
        %dma_start3A_532 = arith.constant 0 : i32
        %dma_start3A_533 = tpu.memref_slice %arg7[%dma_start3A_530, %dma_start3A_531, %dma_start3A_532] : memref<7x48x128xf32, #tpu.memory_space<vmem>> -> memref<1x48x128xf32, #tpu.memory_space<vmem>>
        %dma_start3A_534 = tpu.memref_squeeze %dma_start3A_533 : memref<1x48x128xf32, #tpu.memory_space<vmem>> -> memref<48x128xf32, #tpu.memory_space<vmem>>
        %dma_start3A_535 = arith.constant 0 : i32
        %dma_start3A_536 = tpu.memref_slice %arg6[%dma_start3A_529, %dma_start3A_535] : memref<14x48xi32, #tpu.memory_space<vmem>> -> memref<1x48xi32, #tpu.memory_space<vmem>>
        %dma_start3A_537 = tpu.memref_squeeze %dma_start3A_536 : memref<1x48xi32, #tpu.memory_space<vmem>> -> memref<48xi32, #tpu.memory_space<vmem>>
        %dma_start3A_538 = arith.constant 0 : i32
        %dma_start3A_539 = arith.constant 0 : i32
        %dma_start3A_540 = tpu.memref_slice %arg2[%dma_start3A_538, %dma_start3A_539] : memref<10240x128xf32, #tpu.memory_space<hbm>> -> memref<10240x128xf32, #tpu.memory_space<hbm>>
        tpu.enqueue_indirect_dma source(%dma_start3A_540 : memref<10240x128xf32, #tpu.memory_space<hbm>>) target(%dma_start3A_534 : memref<48x128xf32, #tpu.memory_space<vmem>>) offsets(%dma_start3A_537 : memref<48xi32, #tpu.memory_space<vmem>>) semaphore(%arg19 : memref<!tpu.dma_semaphore, #tpu.memory_space<semaphore_mem>>)
      } else {
      }
      %dma_wait3A_207 = arith.constant 0 : i32
      %dma_wait3A_208 = arith.constant 0 : i32
      %dma_wait3A_209 = arith.constant 0 : i32
      %dma_wait3A_210 = arith.constant 0 : i32
      %dma_wait3A_211 = tpu.memref_slice %arg7[%dma_wait3A_208, %dma_wait3A_209, %dma_wait3A_210] : memref<7x48x128xf32, #tpu.memory_space<vmem>> -> memref<1x48x128xf32, #tpu.memory_space<vmem>>
      %dma_wait3A_212 = tpu.memref_squeeze %dma_wait3A_211 : memref<1x48x128xf32, #tpu.memory_space<vmem>> -> memref<48x128xf32, #tpu.memory_space<vmem>>
      %dma_wait3A_213 = arith.constant 0 : i32
      %dma_wait3A_214 = tpu.memref_slice %arg6[%dma_wait3A_207, %dma_wait3A_213] : memref<14x48xi32, #tpu.memory_space<vmem>> -> memref<1x48xi32, #tpu.memory_space<vmem>>
      %dma_wait3A_215 = tpu.memref_squeeze %dma_wait3A_214 : memref<1x48xi32, #tpu.memory_space<vmem>> -> memref<48xi32, #tpu.memory_space<vmem>>
      %dma_wait3A_216 = arith.constant 0 : i32
      %dma_wait3A_217 = arith.constant 0 : i32
      %dma_wait3A_218 = tpu.memref_slice %arg2[%dma_wait3A_216, %dma_wait3A_217] : memref<10240x128xf32, #tpu.memory_space<hbm>> -> memref<10240x128xf32, #tpu.memory_space<hbm>>
      tpu.wait_indirect_dma semaphore(%arg16 : memref<!tpu.dma_semaphore, #tpu.memory_space<semaphore_mem>>) src(%dma_wait3A_218 : memref<10240x128xf32, #tpu.memory_space<hbm>>) dst(%dma_wait3A_212 : memref<48x128xf32, #tpu.memory_space<vmem>>)
      %dma_start3A_219 = arith.constant 0 : i32
      %dma_start3A_220 = arith.constant 1 : i32
      %dma_start3A_221 = arith.constant 0 : i32
      %dma_start3A_222 = arith.constant 0 : i32
      %dma_start3A_223 = tpu.memref_slice %arg7[%dma_start3A_219, %dma_start3A_221, %dma_start3A_222] : memref<7x48x128xf32, #tpu.memory_space<vmem>> -> memref<1x48x128xf32, #tpu.memory_space<vmem>>
      %dma_start3A_224 = tpu.memref_squeeze %dma_start3A_223 : memref<1x48x128xf32, #tpu.memory_space<vmem>> -> memref<48x128xf32, #tpu.memory_space<vmem>>
      %dma_start3A_225 = arith.constant 0 : i32
      %dma_start3A_226 = tpu.memref_slice %arg6[%dma_start3A_220, %dma_start3A_225] : memref<14x48xi32, #tpu.memory_space<vmem>> -> memref<1x48xi32, #tpu.memory_space<vmem>>
      %dma_start3A_227 = tpu.memref_squeeze %dma_start3A_226 : memref<1x48xi32, #tpu.memory_space<vmem>> -> memref<48xi32, #tpu.memory_space<vmem>>
      %dma_start3A_228 = arith.constant 0 : i32
      %dma_start3A_229 = arith.constant 0 : i32
      %dma_start3A_230 = tpu.memref_slice %arg8[%dma_start3A_228, %dma_start3A_229] : memref<10240x128xf32, #tpu.memory_space<vmem_shared>> -> memref<10240x128xf32, #tpu.memory_space<vmem_shared>>
      tpu.enqueue_indirect_dma source(%dma_start3A_224 : memref<48x128xf32, #tpu.memory_space<vmem>>) target(%dma_start3A_230 : memref<10240x128xf32, #tpu.memory_space<vmem_shared>>) offsets(%dma_start3A_227 : memref<48xi32, #tpu.memory_space<vmem>>) semaphore(%arg23 : memref<!tpu.dma_semaphore, #tpu.memory_space<semaphore_mem>>) {add = true}
      %add3A_231 = arith.constant 1 : i32
      %add3A_232 = arith.addi %add3A_187, %add3A_231 : i32
      %ge3A_233 = arith.constant 3 : i32
      %ge3A_234 = arith.cmpi sge, %add3A_232, %ge3A_233 : i32
      %convert_element_type3A_235 = arith.extui %ge3A_234 : i1 to i32
      %cond3A_236 = arith.constant 0 : i32
      %cond3A_237 = arith.cmpi ne, %convert_element_type3A_235, %cond3A_236 : i32
      scf.if %cond3A_237 {
        %dma_wait3A_513 = arith.constant 5 : i32
        %dma_wait3A_514 = arith.constant 11 : i32
        %dma_wait3A_515 = arith.constant 0 : i32
        %dma_wait3A_516 = arith.constant 0 : i32
        %dma_wait3A_517 = tpu.memref_slice %arg7[%dma_wait3A_513, %dma_wait3A_515, %dma_wait3A_516] : memref<7x48x128xf32, #tpu.memory_space<vmem>> -> memref<1x48x128xf32, #tpu.memory_space<vmem>>
        %dma_wait3A_518 = tpu.memref_squeeze %dma_wait3A_517 : memref<1x48x128xf32, #tpu.memory_space<vmem>> -> memref<48x128xf32, #tpu.memory_space<vmem>>
        %dma_wait3A_519 = arith.constant 0 : i32
        %dma_wait3A_520 = tpu.memref_slice %arg6[%dma_wait3A_514, %dma_wait3A_519] : memref<14x48xi32, #tpu.memory_space<vmem>> -> memref<1x48xi32, #tpu.memory_space<vmem>>
        %dma_wait3A_521 = tpu.memref_squeeze %dma_wait3A_520 : memref<1x48xi32, #tpu.memory_space<vmem>> -> memref<48xi32, #tpu.memory_space<vmem>>
        %dma_wait3A_522 = arith.constant 0 : i32
        %dma_wait3A_523 = arith.constant 0 : i32
        %dma_wait3A_524 = tpu.memref_slice %arg8[%dma_wait3A_522, %dma_wait3A_523] : memref<10240x128xf32, #tpu.memory_space<vmem_shared>> -> memref<10240x128xf32, #tpu.memory_space<vmem_shared>>
        tpu.wait_indirect_dma semaphore(%arg28 : memref<!tpu.dma_semaphore, #tpu.memory_space<semaphore_mem>>) src(%dma_wait3A_518 : memref<48x128xf32, #tpu.memory_space<vmem>>) dst(%dma_wait3A_524 : memref<10240x128xf32, #tpu.memory_space<vmem_shared>>)
      } else {
      }
      %add3A_238 = arith.constant 3 : i32
      %add3A_239 = arith.addi %add3A_232, %add3A_238 : i32
      %add3A_240 = arith.constant 1 : i32
      %add3A_241 = arith.addi %add3A_239, %add3A_240 : i32
      %lt3A_242 = arith.constant 210 : i32
      %lt3A_243 = arith.cmpi slt, %add3A_241, %lt3A_242 : i32
      %convert_element_type3A_244 = arith.extui %lt3A_243 : i1 to i32
      %cond3A_245 = arith.constant 0 : i32
      %cond3A_246 = arith.cmpi ne, %convert_element_type3A_244, %cond3A_245 : i32
      scf.if %cond3A_246 {
        %add3A_513 = arith.constant 3 : i32
        %add3A_514 = arith.addi %add3A_232, %add3A_513 : i32
        %add3A_515 = arith.constant 1 : i32
        %add3A_516 = arith.addi %add3A_514, %add3A_515 : i32
        %dma_start3A_517 = arith.constant 10 : i32
        %dma_start3A_518 = arith.constant 0 : i32
        %dma_start3A_519 = tpu.memref_slice %arg6[%dma_start3A_517, %dma_start3A_518] : memref<14x48xi32, #tpu.memory_space<vmem>> -> memref<2x48xi32, #tpu.memory_space<vmem>>
        %dma_start3A_520 = arith.constant 0 : i32
        %dma_start3A_521 = arith.constant 0 : i32
        %dma_start3A_522 = tpu.memref_slice %arg3[%add3A, %add3A_516, %dma_start3A_520, %dma_start3A_521] : memref<32x210x2x48xi32, #tpu.memory_space<hbm>> -> memref<1x1x2x48xi32, #tpu.memory_space<hbm>>
        %dma_start3A_523 = tpu.memref_squeeze %dma_start3A_522 : memref<1x1x2x48xi32, #tpu.memory_space<hbm>> -> memref<2x48xi32, #tpu.memory_space<hbm>>
        %dma_start3A_524 = arith.constant 10 : i32
        %dma_start3A_525 = arith.constant 0 : i32
        %dma_start3A_526 = tpu.memref_slice %arg6[%dma_start3A_524, %dma_start3A_525] : memref<14x48xi32, #tpu.memory_space<vmem>> -> memref<2x48xi32, #tpu.memory_space<vmem>>
        %dma_start3A_527 = arith.constant 0 : i32
        %dma_start3A_528 = arith.constant 0 : i32
        %dma_start3A_529 = tpu.memref_slice %arg3[%add3A, %add3A_516, %dma_start3A_527, %dma_start3A_528] : memref<32x210x2x48xi32, #tpu.memory_space<hbm>> -> memref<1x1x2x48xi32, #tpu.memory_space<hbm>>
        %dma_start3A_530 = tpu.memref_squeeze %dma_start3A_529 : memref<1x1x2x48xi32, #tpu.memory_space<hbm>> -> memref<2x48xi32, #tpu.memory_space<hbm>>
        tpu.enqueue_dma source(%dma_start3A_530 : memref<2x48xi32, #tpu.memory_space<hbm>>) target(%dma_start3A_526 : memref<2x48xi32, #tpu.memory_space<vmem>>) target_semaphore(%arg14 : memref<!tpu.dma_semaphore, #tpu.memory_space<semaphore_mem>>)
      } else {
      }
      %add3A_247 = arith.constant 3 : i32
      %add3A_248 = arith.addi %add3A_232, %add3A_247 : i32
      %lt3A_249 = arith.constant 210 : i32
      %lt3A_250 = arith.cmpi slt, %add3A_248, %lt3A_249 : i32
      %convert_element_type3A_251 = arith.extui %lt3A_250 : i1 to i32
      %cond3A_252 = arith.constant 0 : i32
      %cond3A_253 = arith.cmpi ne, %convert_element_type3A_251, %cond3A_252 : i32
      scf.if %cond3A_253 {
        %add3A_513 = arith.constant 3 : i32
        %add3A_514 = arith.addi %add3A_232, %add3A_513 : i32
        %dma_wait3A_515 = arith.constant 8 : i32
        %dma_wait3A_516 = arith.constant 0 : i32
        %dma_wait3A_517 = tpu.memref_slice %arg6[%dma_wait3A_515, %dma_wait3A_516] : memref<14x48xi32, #tpu.memory_space<vmem>> -> memref<2x48xi32, #tpu.memory_space<vmem>>
        %dma_wait3A_518 = arith.constant 0 : i32
        %dma_wait3A_519 = arith.constant 0 : i32
        %dma_wait3A_520 = tpu.memref_slice %arg3[%add3A, %add3A_514, %dma_wait3A_518, %dma_wait3A_519] : memref<32x210x2x48xi32, #tpu.memory_space<hbm>> -> memref<1x1x2x48xi32, #tpu.memory_space<hbm>>
        %dma_wait3A_521 = tpu.memref_squeeze %dma_wait3A_520 : memref<1x1x2x48xi32, #tpu.memory_space<hbm>> -> memref<2x48xi32, #tpu.memory_space<hbm>>
        %dma_wait3A_522 = arith.constant 8 : i32
        %dma_wait3A_523 = arith.constant 0 : i32
        %dma_wait3A_524 = tpu.memref_slice %arg6[%dma_wait3A_522, %dma_wait3A_523] : memref<14x48xi32, #tpu.memory_space<vmem>> -> memref<2x48xi32, #tpu.memory_space<vmem>>
        %dma_wait3A_525 = arith.constant 0 : i32
        %dma_wait3A_526 = arith.constant 0 : i32
        %dma_wait3A_527 = tpu.memref_slice %arg3[%add3A, %add3A_514, %dma_wait3A_525, %dma_wait3A_526] : memref<32x210x2x48xi32, #tpu.memory_space<hbm>> -> memref<1x1x2x48xi32, #tpu.memory_space<hbm>>
        %dma_wait3A_528 = tpu.memref_squeeze %dma_wait3A_527 : memref<1x1x2x48xi32, #tpu.memory_space<hbm>> -> memref<2x48xi32, #tpu.memory_space<hbm>>
        tpu.wait_dma2 semaphore(%arg13 : memref<!tpu.dma_semaphore, #tpu.memory_space<semaphore_mem>>) src(%dma_wait3A_528 : memref<2x48xi32, #tpu.memory_space<hbm>>) dst(%dma_wait3A_524 : memref<2x48xi32, #tpu.memory_space<vmem>>)
        %dma_start3A_529 = arith.constant 8 : i32
        %dma_start3A_530 = arith.constant 4 : i32
        %dma_start3A_531 = arith.constant 0 : i32
        %dma_start3A_532 = arith.constant 0 : i32
        %dma_start3A_533 = tpu.memref_slice %arg7[%dma_start3A_530, %dma_start3A_531, %dma_start3A_532] : memref<7x48x128xf32, #tpu.memory_space<vmem>> -> memref<1x48x128xf32, #tpu.memory_space<vmem>>
        %dma_start3A_534 = tpu.memref_squeeze %dma_start3A_533 : memref<1x48x128xf32, #tpu.memory_space<vmem>> -> memref<48x128xf32, #tpu.memory_space<vmem>>
        %dma_start3A_535 = arith.constant 0 : i32
        %dma_start3A_536 = tpu.memref_slice %arg6[%dma_start3A_529, %dma_start3A_535] : memref<14x48xi32, #tpu.memory_space<vmem>> -> memref<1x48xi32, #tpu.memory_space<vmem>>
        %dma_start3A_537 = tpu.memref_squeeze %dma_start3A_536 : memref<1x48xi32, #tpu.memory_space<vmem>> -> memref<48xi32, #tpu.memory_space<vmem>>
        %dma_start3A_538 = arith.constant 0 : i32
        %dma_start3A_539 = arith.constant 0 : i32
        %dma_start3A_540 = tpu.memref_slice %arg2[%dma_start3A_538, %dma_start3A_539] : memref<10240x128xf32, #tpu.memory_space<hbm>> -> memref<10240x128xf32, #tpu.memory_space<hbm>>
        tpu.enqueue_indirect_dma source(%dma_start3A_540 : memref<10240x128xf32, #tpu.memory_space<hbm>>) target(%dma_start3A_534 : memref<48x128xf32, #tpu.memory_space<vmem>>) offsets(%dma_start3A_537 : memref<48xi32, #tpu.memory_space<vmem>>) semaphore(%arg20 : memref<!tpu.dma_semaphore, #tpu.memory_space<semaphore_mem>>)
      } else {
      }
      %dma_wait3A_254 = arith.constant 2 : i32
      %dma_wait3A_255 = arith.constant 1 : i32
      %dma_wait3A_256 = arith.constant 0 : i32
      %dma_wait3A_257 = arith.constant 0 : i32
      %dma_wait3A_258 = tpu.memref_slice %arg7[%dma_wait3A_255, %dma_wait3A_256, %dma_wait3A_257] : memref<7x48x128xf32, #tpu.memory_space<vmem>> -> memref<1x48x128xf32, #tpu.memory_space<vmem>>
      %dma_wait3A_259 = tpu.memref_squeeze %dma_wait3A_258 : memref<1x48x128xf32, #tpu.memory_space<vmem>> -> memref<48x128xf32, #tpu.memory_space<vmem>>
      %dma_wait3A_260 = arith.constant 0 : i32
      %dma_wait3A_261 = tpu.memref_slice %arg6[%dma_wait3A_254, %dma_wait3A_260] : memref<14x48xi32, #tpu.memory_space<vmem>> -> memref<1x48xi32, #tpu.memory_space<vmem>>
      %dma_wait3A_262 = tpu.memref_squeeze %dma_wait3A_261 : memref<1x48xi32, #tpu.memory_space<vmem>> -> memref<48xi32, #tpu.memory_space<vmem>>
      %dma_wait3A_263 = arith.constant 0 : i32
      %dma_wait3A_264 = arith.constant 0 : i32
      %dma_wait3A_265 = tpu.memref_slice %arg2[%dma_wait3A_263, %dma_wait3A_264] : memref<10240x128xf32, #tpu.memory_space<hbm>> -> memref<10240x128xf32, #tpu.memory_space<hbm>>
      tpu.wait_indirect_dma semaphore(%arg17 : memref<!tpu.dma_semaphore, #tpu.memory_space<semaphore_mem>>) src(%dma_wait3A_265 : memref<10240x128xf32, #tpu.memory_space<hbm>>) dst(%dma_wait3A_259 : memref<48x128xf32, #tpu.memory_space<vmem>>)
      %dma_start3A_266 = arith.constant 1 : i32
      %dma_start3A_267 = arith.constant 3 : i32
      %dma_start3A_268 = arith.constant 0 : i32
      %dma_start3A_269 = arith.constant 0 : i32
      %dma_start3A_270 = tpu.memref_slice %arg7[%dma_start3A_266, %dma_start3A_268, %dma_start3A_269] : memref<7x48x128xf32, #tpu.memory_space<vmem>> -> memref<1x48x128xf32, #tpu.memory_space<vmem>>
      %dma_start3A_271 = tpu.memref_squeeze %dma_start3A_270 : memref<1x48x128xf32, #tpu.memory_space<vmem>> -> memref<48x128xf32, #tpu.memory_space<vmem>>
      %dma_start3A_272 = arith.constant 0 : i32
      %dma_start3A_273 = tpu.memref_slice %arg6[%dma_start3A_267, %dma_start3A_272] : memref<14x48xi32, #tpu.memory_space<vmem>> -> memref<1x48xi32, #tpu.memory_space<vmem>>
      %dma_start3A_274 = tpu.memref_squeeze %dma_start3A_273 : memref<1x48xi32, #tpu.memory_space<vmem>> -> memref<48xi32, #tpu.memory_space<vmem>>
      %dma_start3A_275 = arith.constant 0 : i32
      %dma_start3A_276 = arith.constant 0 : i32
      %dma_start3A_277 = tpu.memref_slice %arg8[%dma_start3A_275, %dma_start3A_276] : memref<10240x128xf32, #tpu.memory_space<vmem_shared>> -> memref<10240x128xf32, #tpu.memory_space<vmem_shared>>
      tpu.enqueue_indirect_dma source(%dma_start3A_271 : memref<48x128xf32, #tpu.memory_space<vmem>>) target(%dma_start3A_277 : memref<10240x128xf32, #tpu.memory_space<vmem_shared>>) offsets(%dma_start3A_274 : memref<48xi32, #tpu.memory_space<vmem>>) semaphore(%arg24 : memref<!tpu.dma_semaphore, #tpu.memory_space<semaphore_mem>>) {add = true}
      %add3A_278 = arith.constant 2 : i32
      %add3A_279 = arith.addi %add3A_187, %add3A_278 : i32
      %ge3A_280 = arith.constant 3 : i32
      %ge3A_281 = arith.cmpi sge, %add3A_279, %ge3A_280 : i32
      %convert_element_type3A_282 = arith.extui %ge3A_281 : i1 to i32
      %cond3A_283 = arith.constant 0 : i32
      %cond3A_284 = arith.cmpi ne, %convert_element_type3A_282, %cond3A_283 : i32
      scf.if %cond3A_284 {
        %dma_wait3A_513 = arith.constant 6 : i32
        %dma_wait3A_514 = arith.constant 13 : i32
        %dma_wait3A_515 = arith.constant 0 : i32
        %dma_wait3A_516 = arith.constant 0 : i32
        %dma_wait3A_517 = tpu.memref_slice %arg7[%dma_wait3A_513, %dma_wait3A_515, %dma_wait3A_516] : memref<7x48x128xf32, #tpu.memory_space<vmem>> -> memref<1x48x128xf32, #tpu.memory_space<vmem>>
        %dma_wait3A_518 = tpu.memref_squeeze %dma_wait3A_517 : memref<1x48x128xf32, #tpu.memory_space<vmem>> -> memref<48x128xf32, #tpu.memory_space<vmem>>
        %dma_wait3A_519 = arith.constant 0 : i32
        %dma_wait3A_520 = tpu.memref_slice %arg6[%dma_wait3A_514, %dma_wait3A_519] : memref<14x48xi32, #tpu.memory_space<vmem>> -> memref<1x48xi32, #tpu.memory_space<vmem>>
        %dma_wait3A_521 = tpu.memref_squeeze %dma_wait3A_520 : memref<1x48xi32, #tpu.memory_space<vmem>> -> memref<48xi32, #tpu.memory_space<vmem>>
        %dma_wait3A_522 = arith.constant 0 : i32
        %dma_wait3A_523 = arith.constant 0 : i32
        %dma_wait3A_524 = tpu.memref_slice %arg8[%dma_wait3A_522, %dma_wait3A_523] : memref<10240x128xf32, #tpu.memory_space<vmem_shared>> -> memref<10240x128xf32, #tpu.memory_space<vmem_shared>>
        tpu.wait_indirect_dma semaphore(%arg29 : memref<!tpu.dma_semaphore, #tpu.memory_space<semaphore_mem>>) src(%dma_wait3A_518 : memref<48x128xf32, #tpu.memory_space<vmem>>) dst(%dma_wait3A_524 : memref<10240x128xf32, #tpu.memory_space<vmem_shared>>)
      } else {
      }
      %add3A_285 = arith.constant 3 : i32
      %add3A_286 = arith.addi %add3A_279, %add3A_285 : i32
      %add3A_287 = arith.constant 1 : i32
      %add3A_288 = arith.addi %add3A_286, %add3A_287 : i32
      %lt3A_289 = arith.constant 210 : i32
      %lt3A_290 = arith.cmpi slt, %add3A_288, %lt3A_289 : i32
      %convert_element_type3A_291 = arith.extui %lt3A_290 : i1 to i32
      %cond3A_292 = arith.constant 0 : i32
      %cond3A_293 = arith.cmpi ne, %convert_element_type3A_291, %cond3A_292 : i32
      scf.if %cond3A_293 {
        %add3A_513 = arith.constant 3 : i32
        %add3A_514 = arith.addi %add3A_279, %add3A_513 : i32
        %add3A_515 = arith.constant 1 : i32
        %add3A_516 = arith.addi %add3A_514, %add3A_515 : i32
        %dma_start3A_517 = arith.constant 12 : i32
        %dma_start3A_518 = arith.constant 0 : i32
        %dma_start3A_519 = tpu.memref_slice %arg6[%dma_start3A_517, %dma_start3A_518] : memref<14x48xi32, #tpu.memory_space<vmem>> -> memref<2x48xi32, #tpu.memory_space<vmem>>
        %dma_start3A_520 = arith.constant 0 : i32
        %dma_start3A_521 = arith.constant 0 : i32
        %dma_start3A_522 = tpu.memref_slice %arg3[%add3A, %add3A_516, %dma_start3A_520, %dma_start3A_521] : memref<32x210x2x48xi32, #tpu.memory_space<hbm>> -> memref<1x1x2x48xi32, #tpu.memory_space<hbm>>
        %dma_start3A_523 = tpu.memref_squeeze %dma_start3A_522 : memref<1x1x2x48xi32, #tpu.memory_space<hbm>> -> memref<2x48xi32, #tpu.memory_space<hbm>>
        %dma_start3A_524 = arith.constant 12 : i32
        %dma_start3A_525 = arith.constant 0 : i32
        %dma_start3A_526 = tpu.memref_slice %arg6[%dma_start3A_524, %dma_start3A_525] : memref<14x48xi32, #tpu.memory_space<vmem>> -> memref<2x48xi32, #tpu.memory_space<vmem>>
        %dma_start3A_527 = arith.constant 0 : i32
        %dma_start3A_528 = arith.constant 0 : i32
        %dma_start3A_529 = tpu.memref_slice %arg3[%add3A, %add3A_516, %dma_start3A_527, %dma_start3A_528] : memref<32x210x2x48xi32, #tpu.memory_space<hbm>> -> memref<1x1x2x48xi32, #tpu.memory_space<hbm>>
        %dma_start3A_530 = tpu.memref_squeeze %dma_start3A_529 : memref<1x1x2x48xi32, #tpu.memory_space<hbm>> -> memref<2x48xi32, #tpu.memory_space<hbm>>
        tpu.enqueue_dma source(%dma_start3A_530 : memref<2x48xi32, #tpu.memory_space<hbm>>) target(%dma_start3A_526 : memref<2x48xi32, #tpu.memory_space<vmem>>) target_semaphore(%arg15 : memref<!tpu.dma_semaphore, #tpu.memory_space<semaphore_mem>>)
      } else {
      }
      %add3A_294 = arith.constant 3 : i32
      %add3A_295 = arith.addi %add3A_279, %add3A_294 : i32
      %lt3A_296 = arith.constant 210 : i32
      %lt3A_297 = arith.cmpi slt, %add3A_295, %lt3A_296 : i32
      %convert_element_type3A_298 = arith.extui %lt3A_297 : i1 to i32
      %cond3A_299 = arith.constant 0 : i32
      %cond3A_300 = arith.cmpi ne, %convert_element_type3A_298, %cond3A_299 : i32
      scf.if %cond3A_300 {
        %add3A_513 = arith.constant 3 : i32
        %add3A_514 = arith.addi %add3A_279, %add3A_513 : i32
        %dma_wait3A_515 = arith.constant 10 : i32
        %dma_wait3A_516 = arith.constant 0 : i32
        %dma_wait3A_517 = tpu.memref_slice %arg6[%dma_wait3A_515, %dma_wait3A_516] : memref<14x48xi32, #tpu.memory_space<vmem>> -> memref<2x48xi32, #tpu.memory_space<vmem>>
        %dma_wait3A_518 = arith.constant 0 : i32
        %dma_wait3A_519 = arith.constant 0 : i32
        %dma_wait3A_520 = tpu.memref_slice %arg3[%add3A, %add3A_514, %dma_wait3A_518, %dma_wait3A_519] : memref<32x210x2x48xi32, #tpu.memory_space<hbm>> -> memref<1x1x2x48xi32, #tpu.memory_space<hbm>>
        %dma_wait3A_521 = tpu.memref_squeeze %dma_wait3A_520 : memref<1x1x2x48xi32, #tpu.memory_space<hbm>> -> memref<2x48xi32, #tpu.memory_space<hbm>>
        %dma_wait3A_522 = arith.constant 10 : i32
        %dma_wait3A_523 = arith.constant 0 : i32
        %dma_wait3A_524 = tpu.memref_slice %arg6[%dma_wait3A_522, %dma_wait3A_523] : memref<14x48xi32, #tpu.memory_space<vmem>> -> memref<2x48xi32, #tpu.memory_space<vmem>>
        %dma_wait3A_525 = arith.constant 0 : i32
        %dma_wait3A_526 = arith.constant 0 : i32
        %dma_wait3A_527 = tpu.memref_slice %arg3[%add3A, %add3A_514, %dma_wait3A_525, %dma_wait3A_526] : memref<32x210x2x48xi32, #tpu.memory_space<hbm>> -> memref<1x1x2x48xi32, #tpu.memory_space<hbm>>
        %dma_wait3A_528 = tpu.memref_squeeze %dma_wait3A_527 : memref<1x1x2x48xi32, #tpu.memory_space<hbm>> -> memref<2x48xi32, #tpu.memory_space<hbm>>
        tpu.wait_dma2 semaphore(%arg14 : memref<!tpu.dma_semaphore, #tpu.memory_space<semaphore_mem>>) src(%dma_wait3A_528 : memref<2x48xi32, #tpu.memory_space<hbm>>) dst(%dma_wait3A_524 : memref<2x48xi32, #tpu.memory_space<vmem>>)
        %dma_start3A_529 = arith.constant 10 : i32
        %dma_start3A_530 = arith.constant 5 : i32
        %dma_start3A_531 = arith.constant 0 : i32
        %dma_start3A_532 = arith.constant 0 : i32
        %dma_start3A_533 = tpu.memref_slice %arg7[%dma_start3A_530, %dma_start3A_531, %dma_start3A_532] : memref<7x48x128xf32, #tpu.memory_space<vmem>> -> memref<1x48x128xf32, #tpu.memory_space<vmem>>
        %dma_start3A_534 = tpu.memref_squeeze %dma_start3A_533 : memref<1x48x128xf32, #tpu.memory_space<vmem>> -> memref<48x128xf32, #tpu.memory_space<vmem>>
        %dma_start3A_535 = arith.constant 0 : i32
        %dma_start3A_536 = tpu.memref_slice %arg6[%dma_start3A_529, %dma_start3A_535] : memref<14x48xi32, #tpu.memory_space<vmem>> -> memref<1x48xi32, #tpu.memory_space<vmem>>
        %dma_start3A_537 = tpu.memref_squeeze %dma_start3A_536 : memref<1x48xi32, #tpu.memory_space<vmem>> -> memref<48xi32, #tpu.memory_space<vmem>>
        %dma_start3A_538 = arith.constant 0 : i32
        %dma_start3A_539 = arith.constant 0 : i32
        %dma_start3A_540 = tpu.memref_slice %arg2[%dma_start3A_538, %dma_start3A_539] : memref<10240x128xf32, #tpu.memory_space<hbm>> -> memref<10240x128xf32, #tpu.memory_space<hbm>>
        tpu.enqueue_indirect_dma source(%dma_start3A_540 : memref<10240x128xf32, #tpu.memory_space<hbm>>) target(%dma_start3A_534 : memref<48x128xf32, #tpu.memory_space<vmem>>) offsets(%dma_start3A_537 : memref<48xi32, #tpu.memory_space<vmem>>) semaphore(%arg21 : memref<!tpu.dma_semaphore, #tpu.memory_space<semaphore_mem>>)
      } else {
      }
      %dma_wait3A_301 = arith.constant 4 : i32
      %dma_wait3A_302 = arith.constant 2 : i32
      %dma_wait3A_303 = arith.constant 0 : i32
      %dma_wait3A_304 = arith.constant 0 : i32
      %dma_wait3A_305 = tpu.memref_slice %arg7[%dma_wait3A_302, %dma_wait3A_303, %dma_wait3A_304] : memref<7x48x128xf32, #tpu.memory_space<vmem>> -> memref<1x48x128xf32, #tpu.memory_space<vmem>>
      %dma_wait3A_306 = tpu.memref_squeeze %dma_wait3A_305 : memref<1x48x128xf32, #tpu.memory_space<vmem>> -> memref<48x128xf32, #tpu.memory_space<vmem>>
      %dma_wait3A_307 = arith.constant 0 : i32
      %dma_wait3A_308 = tpu.memref_slice %arg6[%dma_wait3A_301, %dma_wait3A_307] : memref<14x48xi32, #tpu.memory_space<vmem>> -> memref<1x48xi32, #tpu.memory_space<vmem>>
      %dma_wait3A_309 = tpu.memref_squeeze %dma_wait3A_308 : memref<1x48xi32, #tpu.memory_space<vmem>> -> memref<48xi32, #tpu.memory_space<vmem>>
      %dma_wait3A_310 = arith.constant 0 : i32
      %dma_wait3A_311 = arith.constant 0 : i32
      %dma_wait3A_312 = tpu.memref_slice %arg2[%dma_wait3A_310, %dma_wait3A_311] : memref<10240x128xf32, #tpu.memory_space<hbm>> -> memref<10240x128xf32, #tpu.memory_space<hbm>>
      tpu.wait_indirect_dma semaphore(%arg18 : memref<!tpu.dma_semaphore, #tpu.memory_space<semaphore_mem>>) src(%dma_wait3A_312 : memref<10240x128xf32, #tpu.memory_space<hbm>>) dst(%dma_wait3A_306 : memref<48x128xf32, #tpu.memory_space<vmem>>)
      %dma_start3A_313 = arith.constant 2 : i32
      %dma_start3A_314 = arith.constant 5 : i32
      %dma_start3A_315 = arith.constant 0 : i32
      %dma_start3A_316 = arith.constant 0 : i32
      %dma_start3A_317 = tpu.memref_slice %arg7[%dma_start3A_313, %dma_start3A_315, %dma_start3A_316] : memref<7x48x128xf32, #tpu.memory_space<vmem>> -> memref<1x48x128xf32, #tpu.memory_space<vmem>>
      %dma_start3A_318 = tpu.memref_squeeze %dma_start3A_317 : memref<1x48x128xf32, #tpu.memory_space<vmem>> -> memref<48x128xf32, #tpu.memory_space<vmem>>
      %dma_start3A_319 = arith.constant 0 : i32
      %dma_start3A_320 = tpu.memref_slice %arg6[%dma_start3A_314, %dma_start3A_319] : memref<14x48xi32, #tpu.memory_space<vmem>> -> memref<1x48xi32, #tpu.memory_space<vmem>>
      %dma_start3A_321 = tpu.memref_squeeze %dma_start3A_320 : memref<1x48xi32, #tpu.memory_space<vmem>> -> memref<48xi32, #tpu.memory_space<vmem>>
      %dma_start3A_322 = arith.constant 0 : i32
      %dma_start3A_323 = arith.constant 0 : i32
      %dma_start3A_324 = tpu.memref_slice %arg8[%dma_start3A_322, %dma_start3A_323] : memref<10240x128xf32, #tpu.memory_space<vmem_shared>> -> memref<10240x128xf32, #tpu.memory_space<vmem_shared>>
      tpu.enqueue_indirect_dma source(%dma_start3A_318 : memref<48x128xf32, #tpu.memory_space<vmem>>) target(%dma_start3A_324 : memref<10240x128xf32, #tpu.memory_space<vmem_shared>>) offsets(%dma_start3A_321 : memref<48xi32, #tpu.memory_space<vmem>>) semaphore(%arg25 : memref<!tpu.dma_semaphore, #tpu.memory_space<semaphore_mem>>) {add = true}
      %add3A_325 = arith.constant 3 : i32
      %add3A_326 = arith.addi %add3A_187, %add3A_325 : i32
      %ge3A_327 = arith.constant 3 : i32
      %ge3A_328 = arith.cmpi sge, %add3A_326, %ge3A_327 : i32
      %convert_element_type3A_329 = arith.extui %ge3A_328 : i1 to i32
      %cond3A_330 = arith.constant 0 : i32
      %cond3A_331 = arith.cmpi ne, %convert_element_type3A_329, %cond3A_330 : i32
      scf.if %cond3A_331 {
        %dma_wait3A_513 = arith.constant 0 : i32
        %dma_wait3A_514 = arith.constant 1 : i32
        %dma_wait3A_515 = arith.constant 0 : i32
        %dma_wait3A_516 = arith.constant 0 : i32
        %dma_wait3A_517 = tpu.memref_slice %arg7[%dma_wait3A_513, %dma_wait3A_515, %dma_wait3A_516] : memref<7x48x128xf32, #tpu.memory_space<vmem>> -> memref<1x48x128xf32, #tpu.memory_space<vmem>>
        %dma_wait3A_518 = tpu.memref_squeeze %dma_wait3A_517 : memref<1x48x128xf32, #tpu.memory_space<vmem>> -> memref<48x128xf32, #tpu.memory_space<vmem>>
        %dma_wait3A_519 = arith.constant 0 : i32
        %dma_wait3A_520 = tpu.memref_slice %arg6[%dma_wait3A_514, %dma_wait3A_519] : memref<14x48xi32, #tpu.memory_space<vmem>> -> memref<1x48xi32, #tpu.memory_space<vmem>>
        %dma_wait3A_521 = tpu.memref_squeeze %dma_wait3A_520 : memref<1x48xi32, #tpu.memory_space<vmem>> -> memref<48xi32, #tpu.memory_space<vmem>>
        %dma_wait3A_522 = arith.constant 0 : i32
        %dma_wait3A_523 = arith.constant 0 : i32
        %dma_wait3A_524 = tpu.memref_slice %arg8[%dma_wait3A_522, %dma_wait3A_523] : memref<10240x128xf32, #tpu.memory_space<vmem_shared>> -> memref<10240x128xf32, #tpu.memory_space<vmem_shared>>
        tpu.wait_indirect_dma semaphore(%arg23 : memref<!tpu.dma_semaphore, #tpu.memory_space<semaphore_mem>>) src(%dma_wait3A_518 : memref<48x128xf32, #tpu.memory_space<vmem>>) dst(%dma_wait3A_524 : memref<10240x128xf32, #tpu.memory_space<vmem_shared>>)
      } else {
      }
      %add3A_332 = arith.constant 3 : i32
      %add3A_333 = arith.addi %add3A_326, %add3A_332 : i32
      %add3A_334 = arith.constant 1 : i32
      %add3A_335 = arith.addi %add3A_333, %add3A_334 : i32
      %lt3A_336 = arith.constant 210 : i32
      %lt3A_337 = arith.cmpi slt, %add3A_335, %lt3A_336 : i32
      %convert_element_type3A_338 = arith.extui %lt3A_337 : i1 to i32
      %cond3A_339 = arith.constant 0 : i32
      %cond3A_340 = arith.cmpi ne, %convert_element_type3A_338, %cond3A_339 : i32
      scf.if %cond3A_340 {
        %add3A_513 = arith.constant 3 : i32
        %add3A_514 = arith.addi %add3A_326, %add3A_513 : i32
        %add3A_515 = arith.constant 1 : i32
        %add3A_516 = arith.addi %add3A_514, %add3A_515 : i32
        %dma_start3A_517 = arith.constant 0 : i32
        %dma_start3A_518 = arith.constant 0 : i32
        %dma_start3A_519 = tpu.memref_slice %arg6[%dma_start3A_517, %dma_start3A_518] : memref<14x48xi32, #tpu.memory_space<vmem>> -> memref<2x48xi32, #tpu.memory_space<vmem>>
        %dma_start3A_520 = arith.constant 0 : i32
        %dma_start3A_521 = arith.constant 0 : i32
        %dma_start3A_522 = tpu.memref_slice %arg3[%add3A, %add3A_516, %dma_start3A_520, %dma_start3A_521] : memref<32x210x2x48xi32, #tpu.memory_space<hbm>> -> memref<1x1x2x48xi32, #tpu.memory_space<hbm>>
        %dma_start3A_523 = tpu.memref_squeeze %dma_start3A_522 : memref<1x1x2x48xi32, #tpu.memory_space<hbm>> -> memref<2x48xi32, #tpu.memory_space<hbm>>
        %dma_start3A_524 = arith.constant 0 : i32
        %dma_start3A_525 = arith.constant 0 : i32
        %dma_start3A_526 = tpu.memref_slice %arg6[%dma_start3A_524, %dma_start3A_525] : memref<14x48xi32, #tpu.memory_space<vmem>> -> memref<2x48xi32, #tpu.memory_space<vmem>>
        %dma_start3A_527 = arith.constant 0 : i32
        %dma_start3A_528 = arith.constant 0 : i32
        %dma_start3A_529 = tpu.memref_slice %arg3[%add3A, %add3A_516, %dma_start3A_527, %dma_start3A_528] : memref<32x210x2x48xi32, #tpu.memory_space<hbm>> -> memref<1x1x2x48xi32, #tpu.memory_space<hbm>>
        %dma_start3A_530 = tpu.memref_squeeze %dma_start3A_529 : memref<1x1x2x48xi32, #tpu.memory_space<hbm>> -> memref<2x48xi32, #tpu.memory_space<hbm>>
        tpu.enqueue_dma source(%dma_start3A_530 : memref<2x48xi32, #tpu.memory_space<hbm>>) target(%dma_start3A_526 : memref<2x48xi32, #tpu.memory_space<vmem>>) target_semaphore(%arg9 : memref<!tpu.dma_semaphore, #tpu.memory_space<semaphore_mem>>)
      } else {
      }
      %add3A_341 = arith.constant 3 : i32
      %add3A_342 = arith.addi %add3A_326, %add3A_341 : i32
      %lt3A_343 = arith.constant 210 : i32
      %lt3A_344 = arith.cmpi slt, %add3A_342, %lt3A_343 : i32
      %convert_element_type3A_345 = arith.extui %lt3A_344 : i1 to i32
      %cond3A_346 = arith.constant 0 : i32
      %cond3A_347 = arith.cmpi ne, %convert_element_type3A_345, %cond3A_346 : i32
      scf.if %cond3A_347 {
        %add3A_513 = arith.constant 3 : i32
        %add3A_514 = arith.addi %add3A_326, %add3A_513 : i32
        %dma_wait3A_515 = arith.constant 12 : i32
        %dma_wait3A_516 = arith.constant 0 : i32
        %dma_wait3A_517 = tpu.memref_slice %arg6[%dma_wait3A_515, %dma_wait3A_516] : memref<14x48xi32, #tpu.memory_space<vmem>> -> memref<2x48xi32, #tpu.memory_space<vmem>>
        %dma_wait3A_518 = arith.constant 0 : i32
        %dma_wait3A_519 = arith.constant 0 : i32
        %dma_wait3A_520 = tpu.memref_slice %arg3[%add3A, %add3A_514, %dma_wait3A_518, %dma_wait3A_519] : memref<32x210x2x48xi32, #tpu.memory_space<hbm>> -> memref<1x1x2x48xi32, #tpu.memory_space<hbm>>
        %dma_wait3A_521 = tpu.memref_squeeze %dma_wait3A_520 : memref<1x1x2x48xi32, #tpu.memory_space<hbm>> -> memref<2x48xi32, #tpu.memory_space<hbm>>
        %dma_wait3A_522 = arith.constant 12 : i32
        %dma_wait3A_523 = arith.constant 0 : i32
        %dma_wait3A_524 = tpu.memref_slice %arg6[%dma_wait3A_522, %dma_wait3A_523] : memref<14x48xi32, #tpu.memory_space<vmem>> -> memref<2x48xi32, #tpu.memory_space<vmem>>
        %dma_wait3A_525 = arith.constant 0 : i32
        %dma_wait3A_526 = arith.constant 0 : i32
        %dma_wait3A_527 = tpu.memref_slice %arg3[%add3A, %add3A_514, %dma_wait3A_525, %dma_wait3A_526] : memref<32x210x2x48xi32, #tpu.memory_space<hbm>> -> memref<1x1x2x48xi32, #tpu.memory_space<hbm>>
        %dma_wait3A_528 = tpu.memref_squeeze %dma_wait3A_527 : memref<1x1x2x48xi32, #tpu.memory_space<hbm>> -> memref<2x48xi32, #tpu.memory_space<hbm>>
        tpu.wait_dma2 semaphore(%arg15 : memref<!tpu.dma_semaphore, #tpu.memory_space<semaphore_mem>>) src(%dma_wait3A_528 : memref<2x48xi32, #tpu.memory_space<hbm>>) dst(%dma_wait3A_524 : memref<2x48xi32, #tpu.memory_space<vmem>>)
        %dma_start3A_529 = arith.constant 12 : i32
        %dma_start3A_530 = arith.constant 6 : i32
        %dma_start3A_531 = arith.constant 0 : i32
        %dma_start3A_532 = arith.constant 0 : i32
        %dma_start3A_533 = tpu.memref_slice %arg7[%dma_start3A_530, %dma_start3A_531, %dma_start3A_532] : memref<7x48x128xf32, #tpu.memory_space<vmem>> -> memref<1x48x128xf32, #tpu.memory_space<vmem>>
        %dma_start3A_534 = tpu.memref_squeeze %dma_start3A_533 : memref<1x48x128xf32, #tpu.memory_space<vmem>> -> memref<48x128xf32, #tpu.memory_space<vmem>>
        %dma_start3A_535 = arith.constant 0 : i32
        %dma_start3A_536 = tpu.memref_slice %arg6[%dma_start3A_529, %dma_start3A_535] : memref<14x48xi32, #tpu.memory_space<vmem>> -> memref<1x48xi32, #tpu.memory_space<vmem>>
        %dma_start3A_537 = tpu.memref_squeeze %dma_start3A_536 : memref<1x48xi32, #tpu.memory_space<vmem>> -> memref<48xi32, #tpu.memory_space<vmem>>
        %dma_start3A_538 = arith.constant 0 : i32
        %dma_start3A_539 = arith.constant 0 : i32
        %dma_start3A_540 = tpu.memref_slice %arg2[%dma_start3A_538, %dma_start3A_539] : memref<10240x128xf32, #tpu.memory_space<hbm>> -> memref<10240x128xf32, #tpu.memory_space<hbm>>
        tpu.enqueue_indirect_dma source(%dma_start3A_540 : memref<10240x128xf32, #tpu.memory_space<hbm>>) target(%dma_start3A_534 : memref<48x128xf32, #tpu.memory_space<vmem>>) offsets(%dma_start3A_537 : memref<48xi32, #tpu.memory_space<vmem>>) semaphore(%arg22 : memref<!tpu.dma_semaphore, #tpu.memory_space<semaphore_mem>>)
      } else {
      }
      %dma_wait3A_348 = arith.constant 6 : i32
      %dma_wait3A_349 = arith.constant 3 : i32
      %dma_wait3A_350 = arith.constant 0 : i32
      %dma_wait3A_351 = arith.constant 0 : i32
      %dma_wait3A_352 = tpu.memref_slice %arg7[%dma_wait3A_349, %dma_wait3A_350, %dma_wait3A_351] : memref<7x48x128xf32, #tpu.memory_space<vmem>> -> memref<1x48x128xf32, #tpu.memory_space<vmem>>
      %dma_wait3A_353 = tpu.memref_squeeze %dma_wait3A_352 : memref<1x48x128xf32, #tpu.memory_space<vmem>> -> memref<48x128xf32, #tpu.memory_space<vmem>>
      %dma_wait3A_354 = arith.constant 0 : i32
      %dma_wait3A_355 = tpu.memref_slice %arg6[%dma_wait3A_348, %dma_wait3A_354] : memref<14x48xi32, #tpu.memory_space<vmem>> -> memref<1x48xi32, #tpu.memory_space<vmem>>
      %dma_wait3A_356 = tpu.memref_squeeze %dma_wait3A_355 : memref<1x48xi32, #tpu.memory_space<vmem>> -> memref<48xi32, #tpu.memory_space<vmem>>
      %dma_wait3A_357 = arith.constant 0 : i32
      %dma_wait3A_358 = arith.constant 0 : i32
      %dma_wait3A_359 = tpu.memref_slice %arg2[%dma_wait3A_357, %dma_wait3A_358] : memref<10240x128xf32, #tpu.memory_space<hbm>> -> memref<10240x128xf32, #tpu.memory_space<hbm>>
      tpu.wait_indirect_dma semaphore(%arg19 : memref<!tpu.dma_semaphore, #tpu.memory_space<semaphore_mem>>) src(%dma_wait3A_359 : memref<10240x128xf32, #tpu.memory_space<hbm>>) dst(%dma_wait3A_353 : memref<48x128xf32, #tpu.memory_space<vmem>>)
      %dma_start3A_360 = arith.constant 3 : i32
      %dma_start3A_361 = arith.constant 7 : i32
      %dma_start3A_362 = arith.constant 0 : i32
      %dma_start3A_363 = arith.constant 0 : i32
      %dma_start3A_364 = tpu.memref_slice %arg7[%dma_start3A_360, %dma_start3A_362, %dma_start3A_363] : memref<7x48x128xf32, #tpu.memory_space<vmem>> -> memref<1x48x128xf32, #tpu.memory_space<vmem>>
      %dma_start3A_365 = tpu.memref_squeeze %dma_start3A_364 : memref<1x48x128xf32, #tpu.memory_space<vmem>> -> memref<48x128xf32, #tpu.memory_space<vmem>>
      %dma_start3A_366 = arith.constant 0 : i32
      %dma_start3A_367 = tpu.memref_slice %arg6[%dma_start3A_361, %dma_start3A_366] : memref<14x48xi32, #tpu.memory_space<vmem>> -> memref<1x48xi32, #tpu.memory_space<vmem>>
      %dma_start3A_368 = tpu.memref_squeeze %dma_start3A_367 : memref<1x48xi32, #tpu.memory_space<vmem>> -> memref<48xi32, #tpu.memory_space<vmem>>
      %dma_start3A_369 = arith.constant 0 : i32
      %dma_start3A_370 = arith.constant 0 : i32
      %dma_start3A_371 = tpu.memref_slice %arg8[%dma_start3A_369, %dma_start3A_370] : memref<10240x128xf32, #tpu.memory_space<vmem_shared>> -> memref<10240x128xf32, #tpu.memory_space<vmem_shared>>
      tpu.enqueue_indirect_dma source(%dma_start3A_365 : memref<48x128xf32, #tpu.memory_space<vmem>>) target(%dma_start3A_371 : memref<10240x128xf32, #tpu.memory_space<vmem_shared>>) offsets(%dma_start3A_368 : memref<48xi32, #tpu.memory_space<vmem>>) semaphore(%arg26 : memref<!tpu.dma_semaphore, #tpu.memory_space<semaphore_mem>>) {add = true}
      %add3A_372 = arith.constant 4 : i32
      %add3A_373 = arith.addi %add3A_187, %add3A_372 : i32
      %ge3A_374 = arith.constant 3 : i32
      %ge3A_375 = arith.cmpi sge, %add3A_373, %ge3A_374 : i32
      %convert_element_type3A_376 = arith.extui %ge3A_375 : i1 to i32
      %cond3A_377 = arith.constant 0 : i32
      %cond3A_378 = arith.cmpi ne, %convert_element_type3A_376, %cond3A_377 : i32
      scf.if %cond3A_378 {
        %dma_wait3A_513 = arith.constant 1 : i32
        %dma_wait3A_514 = arith.constant 3 : i32
        %dma_wait3A_515 = arith.constant 0 : i32
        %dma_wait3A_516 = arith.constant 0 : i32
        %dma_wait3A_517 = tpu.memref_slice %arg7[%dma_wait3A_513, %dma_wait3A_515, %dma_wait3A_516] : memref<7x48x128xf32, #tpu.memory_space<vmem>> -> memref<1x48x128xf32, #tpu.memory_space<vmem>>
        %dma_wait3A_518 = tpu.memref_squeeze %dma_wait3A_517 : memref<1x48x128xf32, #tpu.memory_space<vmem>> -> memref<48x128xf32, #tpu.memory_space<vmem>>
        %dma_wait3A_519 = arith.constant 0 : i32
        %dma_wait3A_520 = tpu.memref_slice %arg6[%dma_wait3A_514, %dma_wait3A_519] : memref<14x48xi32, #tpu.memory_space<vmem>> -> memref<1x48xi32, #tpu.memory_space<vmem>>
        %dma_wait3A_521 = tpu.memref_squeeze %dma_wait3A_520 : memref<1x48xi32, #tpu.memory_space<vmem>> -> memref<48xi32, #tpu.memory_space<vmem>>
        %dma_wait3A_522 = arith.constant 0 : i32
        %dma_wait3A_523 = arith.constant 0 : i32
        %dma_wait3A_524 = tpu.memref_slice %arg8[%dma_wait3A_522, %dma_wait3A_523] : memref<10240x128xf32, #tpu.memory_space<vmem_shared>> -> memref<10240x128xf32, #tpu.memory_space<vmem_shared>>
        tpu.wait_indirect_dma semaphore(%arg24 : memref<!tpu.dma_semaphore, #tpu.memory_space<semaphore_mem>>) src(%dma_wait3A_518 : memref<48x128xf32, #tpu.memory_space<vmem>>) dst(%dma_wait3A_524 : memref<10240x128xf32, #tpu.memory_space<vmem_shared>>)
      } else {
      }
      %add3A_379 = arith.constant 3 : i32
      %add3A_380 = arith.addi %add3A_373, %add3A_379 : i32
      %add3A_381 = arith.constant 1 : i32
      %add3A_382 = arith.addi %add3A_380, %add3A_381 : i32
      %lt3A_383 = arith.constant 210 : i32
      %lt3A_384 = arith.cmpi slt, %add3A_382, %lt3A_383 : i32
      %convert_element_type3A_385 = arith.extui %lt3A_384 : i1 to i32
      %cond3A_386 = arith.constant 0 : i32
      %cond3A_387 = arith.cmpi ne, %convert_element_type3A_385, %cond3A_386 : i32
      scf.if %cond3A_387 {
        %add3A_513 = arith.constant 3 : i32
        %add3A_514 = arith.addi %add3A_373, %add3A_513 : i32
        %add3A_515 = arith.constant 1 : i32
        %add3A_516 = arith.addi %add3A_514, %add3A_515 : i32
        %dma_start3A_517 = arith.constant 2 : i32
        %dma_start3A_518 = arith.constant 0 : i32
        %dma_start3A_519 = tpu.memref_slice %arg6[%dma_start3A_517, %dma_start3A_518] : memref<14x48xi32, #tpu.memory_space<vmem>> -> memref<2x48xi32, #tpu.memory_space<vmem>>
        %dma_start3A_520 = arith.constant 0 : i32
        %dma_start3A_521 = arith.constant 0 : i32
        %dma_start3A_522 = tpu.memref_slice %arg3[%add3A, %add3A_516, %dma_start3A_520, %dma_start3A_521] : memref<32x210x2x48xi32, #tpu.memory_space<hbm>> -> memref<1x1x2x48xi32, #tpu.memory_space<hbm>>
        %dma_start3A_523 = tpu.memref_squeeze %dma_start3A_522 : memref<1x1x2x48xi32, #tpu.memory_space<hbm>> -> memref<2x48xi32, #tpu.memory_space<hbm>>
        %dma_start3A_524 = arith.constant 2 : i32
        %dma_start3A_525 = arith.constant 0 : i32
        %dma_start3A_526 = tpu.memref_slice %arg6[%dma_start3A_524, %dma_start3A_525] : memref<14x48xi32, #tpu.memory_space<vmem>> -> memref<2x48xi32, #tpu.memory_space<vmem>>
        %dma_start3A_527 = arith.constant 0 : i32
        %dma_start3A_528 = arith.constant 0 : i32
        %dma_start3A_529 = tpu.memref_slice %arg3[%add3A, %add3A_516, %dma_start3A_527, %dma_start3A_528] : memref<32x210x2x48xi32, #tpu.memory_space<hbm>> -> memref<1x1x2x48xi32, #tpu.memory_space<hbm>>
        %dma_start3A_530 = tpu.memref_squeeze %dma_start3A_529 : memref<1x1x2x48xi32, #tpu.memory_space<hbm>> -> memref<2x48xi32, #tpu.memory_space<hbm>>
        tpu.enqueue_dma source(%dma_start3A_530 : memref<2x48xi32, #tpu.memory_space<hbm>>) target(%dma_start3A_526 : memref<2x48xi32, #tpu.memory_space<vmem>>) target_semaphore(%arg10 : memref<!tpu.dma_semaphore, #tpu.memory_space<semaphore_mem>>)
      } else {
      }
      %add3A_388 = arith.constant 3 : i32
      %add3A_389 = arith.addi %add3A_373, %add3A_388 : i32
      %lt3A_390 = arith.constant 210 : i32
      %lt3A_391 = arith.cmpi slt, %add3A_389, %lt3A_390 : i32
      %convert_element_type3A_392 = arith.extui %lt3A_391 : i1 to i32
      %cond3A_393 = arith.constant 0 : i32
      %cond3A_394 = arith.cmpi ne, %convert_element_type3A_392, %cond3A_393 : i32
      scf.if %cond3A_394 {
        %add3A_513 = arith.constant 3 : i32
        %add3A_514 = arith.addi %add3A_373, %add3A_513 : i32
        %dma_wait3A_515 = arith.constant 0 : i32
        %dma_wait3A_516 = arith.constant 0 : i32
        %dma_wait3A_517 = tpu.memref_slice %arg6[%dma_wait3A_515, %dma_wait3A_516] : memref<14x48xi32, #tpu.memory_space<vmem>> -> memref<2x48xi32, #tpu.memory_space<vmem>>
        %dma_wait3A_518 = arith.constant 0 : i32
        %dma_wait3A_519 = arith.constant 0 : i32
        %dma_wait3A_520 = tpu.memref_slice %arg3[%add3A, %add3A_514, %dma_wait3A_518, %dma_wait3A_519] : memref<32x210x2x48xi32, #tpu.memory_space<hbm>> -> memref<1x1x2x48xi32, #tpu.memory_space<hbm>>
        %dma_wait3A_521 = tpu.memref_squeeze %dma_wait3A_520 : memref<1x1x2x48xi32, #tpu.memory_space<hbm>> -> memref<2x48xi32, #tpu.memory_space<hbm>>
        %dma_wait3A_522 = arith.constant 0 : i32
        %dma_wait3A_523 = arith.constant 0 : i32
        %dma_wait3A_524 = tpu.memref_slice %arg6[%dma_wait3A_522, %dma_wait3A_523] : memref<14x48xi32, #tpu.memory_space<vmem>> -> memref<2x48xi32, #tpu.memory_space<vmem>>
        %dma_wait3A_525 = arith.constant 0 : i32
        %dma_wait3A_526 = arith.constant 0 : i32
        %dma_wait3A_527 = tpu.memref_slice %arg3[%add3A, %add3A_514, %dma_wait3A_525, %dma_wait3A_526] : memref<32x210x2x48xi32, #tpu.memory_space<hbm>> -> memref<1x1x2x48xi32, #tpu.memory_space<hbm>>
        %dma_wait3A_528 = tpu.memref_squeeze %dma_wait3A_527 : memref<1x1x2x48xi32, #tpu.memory_space<hbm>> -> memref<2x48xi32, #tpu.memory_space<hbm>>
        tpu.wait_dma2 semaphore(%arg9 : memref<!tpu.dma_semaphore, #tpu.memory_space<semaphore_mem>>) src(%dma_wait3A_528 : memref<2x48xi32, #tpu.memory_space<hbm>>) dst(%dma_wait3A_524 : memref<2x48xi32, #tpu.memory_space<vmem>>)
        %dma_start3A_529 = arith.constant 0 : i32
        %dma_start3A_530 = arith.constant 0 : i32
        %dma_start3A_531 = arith.constant 0 : i32
        %dma_start3A_532 = arith.constant 0 : i32
        %dma_start3A_533 = tpu.memref_slice %arg7[%dma_start3A_530, %dma_start3A_531, %dma_start3A_532] : memref<7x48x128xf32, #tpu.memory_space<vmem>> -> memref<1x48x128xf32, #tpu.memory_space<vmem>>
        %dma_start3A_534 = tpu.memref_squeeze %dma_start3A_533 : memref<1x48x128xf32, #tpu.memory_space<vmem>> -> memref<48x128xf32, #tpu.memory_space<vmem>>
        %dma_start3A_535 = arith.constant 0 : i32
        %dma_start3A_536 = tpu.memref_slice %arg6[%dma_start3A_529, %dma_start3A_535] : memref<14x48xi32, #tpu.memory_space<vmem>> -> memref<1x48xi32, #tpu.memory_space<vmem>>
        %dma_start3A_537 = tpu.memref_squeeze %dma_start3A_536 : memref<1x48xi32, #tpu.memory_space<vmem>> -> memref<48xi32, #tpu.memory_space<vmem>>
        %dma_start3A_538 = arith.constant 0 : i32
        %dma_start3A_539 = arith.constant 0 : i32
        %dma_start3A_540 = tpu.memref_slice %arg2[%dma_start3A_538, %dma_start3A_539] : memref<10240x128xf32, #tpu.memory_space<hbm>> -> memref<10240x128xf32, #tpu.memory_space<hbm>>
        tpu.enqueue_indirect_dma source(%dma_start3A_540 : memref<10240x128xf32, #tpu.memory_space<hbm>>) target(%dma_start3A_534 : memref<48x128xf32, #tpu.memory_space<vmem>>) offsets(%dma_start3A_537 : memref<48xi32, #tpu.memory_space<vmem>>) semaphore(%arg16 : memref<!tpu.dma_semaphore, #tpu.memory_space<semaphore_mem>>)
      } else {
      }
      %dma_wait3A_395 = arith.constant 8 : i32
      %dma_wait3A_396 = arith.constant 4 : i32
      %dma_wait3A_397 = arith.constant 0 : i32
      %dma_wait3A_398 = arith.constant 0 : i32
      %dma_wait3A_399 = tpu.memref_slice %arg7[%dma_wait3A_396, %dma_wait3A_397, %dma_wait3A_398] : memref<7x48x128xf32, #tpu.memory_space<vmem>> -> memref<1x48x128xf32, #tpu.memory_space<vmem>>
      %dma_wait3A_400 = tpu.memref_squeeze %dma_wait3A_399 : memref<1x48x128xf32, #tpu.memory_space<vmem>> -> memref<48x128xf32, #tpu.memory_space<vmem>>
      %dma_wait3A_401 = arith.constant 0 : i32
      %dma_wait3A_402 = tpu.memref_slice %arg6[%dma_wait3A_395, %dma_wait3A_401] : memref<14x48xi32, #tpu.memory_space<vmem>> -> memref<1x48xi32, #tpu.memory_space<vmem>>
      %dma_wait3A_403 = tpu.memref_squeeze %dma_wait3A_402 : memref<1x48xi32, #tpu.memory_space<vmem>> -> memref<48xi32, #tpu.memory_space<vmem>>
      %dma_wait3A_404 = arith.constant 0 : i32
      %dma_wait3A_405 = arith.constant 0 : i32
      %dma_wait3A_406 = tpu.memref_slice %arg2[%dma_wait3A_404, %dma_wait3A_405] : memref<10240x128xf32, #tpu.memory_space<hbm>> -> memref<10240x128xf32, #tpu.memory_space<hbm>>
      tpu.wait_indirect_dma semaphore(%arg20 : memref<!tpu.dma_semaphore, #tpu.memory_space<semaphore_mem>>) src(%dma_wait3A_406 : memref<10240x128xf32, #tpu.memory_space<hbm>>) dst(%dma_wait3A_400 : memref<48x128xf32, #tpu.memory_space<vmem>>)
      %dma_start3A_407 = arith.constant 4 : i32
      %dma_start3A_408 = arith.constant 9 : i32
      %dma_start3A_409 = arith.constant 0 : i32
      %dma_start3A_410 = arith.constant 0 : i32
      %dma_start3A_411 = tpu.memref_slice %arg7[%dma_start3A_407, %dma_start3A_409, %dma_start3A_410] : memref<7x48x128xf32, #tpu.memory_space<vmem>> -> memref<1x48x128xf32, #tpu.memory_space<vmem>>
      %dma_start3A_412 = tpu.memref_squeeze %dma_start3A_411 : memref<1x48x128xf32, #tpu.memory_space<vmem>> -> memref<48x128xf32, #tpu.memory_space<vmem>>
      %dma_start3A_413 = arith.constant 0 : i32
      %dma_start3A_414 = tpu.memref_slice %arg6[%dma_start3A_408, %dma_start3A_413] : memref<14x48xi32, #tpu.memory_space<vmem>> -> memref<1x48xi32, #tpu.memory_space<vmem>>
      %dma_start3A_415 = tpu.memref_squeeze %dma_start3A_414 : memref<1x48xi32, #tpu.memory_space<vmem>> -> memref<48xi32, #tpu.memory_space<vmem>>
      %dma_start3A_416 = arith.constant 0 : i32
      %dma_start3A_417 = arith.constant 0 : i32
      %dma_start3A_418 = tpu.memref_slice %arg8[%dma_start3A_416, %dma_start3A_417] : memref<10240x128xf32, #tpu.memory_space<vmem_shared>> -> memref<10240x128xf32, #tpu.memory_space<vmem_shared>>
      tpu.enqueue_indirect_dma source(%dma_start3A_412 : memref<48x128xf32, #tpu.memory_space<vmem>>) target(%dma_start3A_418 : memref<10240x128xf32, #tpu.memory_space<vmem_shared>>) offsets(%dma_start3A_415 : memref<48xi32, #tpu.memory_space<vmem>>) semaphore(%arg27 : memref<!tpu.dma_semaphore, #tpu.memory_space<semaphore_mem>>) {add = true}
      %add3A_419 = arith.constant 5 : i32
      %add3A_420 = arith.addi %add3A_187, %add3A_419 : i32
      %ge3A_421 = arith.constant 3 : i32
      %ge3A_422 = arith.cmpi sge, %add3A_420, %ge3A_421 : i32
      %convert_element_type3A_423 = arith.extui %ge3A_422 : i1 to i32
      %cond3A_424 = arith.constant 0 : i32
      %cond3A_425 = arith.cmpi ne, %convert_element_type3A_423, %cond3A_424 : i32
      scf.if %cond3A_425 {
        %dma_wait3A_513 = arith.constant 2 : i32
        %dma_wait3A_514 = arith.constant 5 : i32
        %dma_wait3A_515 = arith.constant 0 : i32
        %dma_wait3A_516 = arith.constant 0 : i32
        %dma_wait3A_517 = tpu.memref_slice %arg7[%dma_wait3A_513, %dma_wait3A_515, %dma_wait3A_516] : memref<7x48x128xf32, #tpu.memory_space<vmem>> -> memref<1x48x128xf32, #tpu.memory_space<vmem>>
        %dma_wait3A_518 = tpu.memref_squeeze %dma_wait3A_517 : memref<1x48x128xf32, #tpu.memory_space<vmem>> -> memref<48x128xf32, #tpu.memory_space<vmem>>
        %dma_wait3A_519 = arith.constant 0 : i32
        %dma_wait3A_520 = tpu.memref_slice %arg6[%dma_wait3A_514, %dma_wait3A_519] : memref<14x48xi32, #tpu.memory_space<vmem>> -> memref<1x48xi32, #tpu.memory_space<vmem>>
        %dma_wait3A_521 = tpu.memref_squeeze %dma_wait3A_520 : memref<1x48xi32, #tpu.memory_space<vmem>> -> memref<48xi32, #tpu.memory_space<vmem>>
        %dma_wait3A_522 = arith.constant 0 : i32
        %dma_wait3A_523 = arith.constant 0 : i32
        %dma_wait3A_524 = tpu.memref_slice %arg8[%dma_wait3A_522, %dma_wait3A_523] : memref<10240x128xf32, #tpu.memory_space<vmem_shared>> -> memref<10240x128xf32, #tpu.memory_space<vmem_shared>>
        tpu.wait_indirect_dma semaphore(%arg25 : memref<!tpu.dma_semaphore, #tpu.memory_space<semaphore_mem>>) src(%dma_wait3A_518 : memref<48x128xf32, #tpu.memory_space<vmem>>) dst(%dma_wait3A_524 : memref<10240x128xf32, #tpu.memory_space<vmem_shared>>)
      } else {
      }
      %add3A_426 = arith.constant 3 : i32
      %add3A_427 = arith.addi %add3A_420, %add3A_426 : i32
      %add3A_428 = arith.constant 1 : i32
      %add3A_429 = arith.addi %add3A_427, %add3A_428 : i32
      %lt3A_430 = arith.constant 210 : i32
      %lt3A_431 = arith.cmpi slt, %add3A_429, %lt3A_430 : i32
      %convert_element_type3A_432 = arith.extui %lt3A_431 : i1 to i32
      %cond3A_433 = arith.constant 0 : i32
      %cond3A_434 = arith.cmpi ne, %convert_element_type3A_432, %cond3A_433 : i32
      scf.if %cond3A_434 {
        %add3A_513 = arith.constant 3 : i32
        %add3A_514 = arith.addi %add3A_420, %add3A_513 : i32
        %add3A_515 = arith.constant 1 : i32
        %add3A_516 = arith.addi %add3A_514, %add3A_515 : i32
        %dma_start3A_517 = arith.constant 4 : i32
        %dma_start3A_518 = arith.constant 0 : i32
        %dma_start3A_519 = tpu.memref_slice %arg6[%dma_start3A_517, %dma_start3A_518] : memref<14x48xi32, #tpu.memory_space<vmem>> -> memref<2x48xi32, #tpu.memory_space<vmem>>
        %dma_start3A_520 = arith.constant 0 : i32
        %dma_start3A_521 = arith.constant 0 : i32
        %dma_start3A_522 = tpu.memref_slice %arg3[%add3A, %add3A_516, %dma_start3A_520, %dma_start3A_521] : memref<32x210x2x48xi32, #tpu.memory_space<hbm>> -> memref<1x1x2x48xi32, #tpu.memory_space<hbm>>
        %dma_start3A_523 = tpu.memref_squeeze %dma_start3A_522 : memref<1x1x2x48xi32, #tpu.memory_space<hbm>> -> memref<2x48xi32, #tpu.memory_space<hbm>>
        %dma_start3A_524 = arith.constant 4 : i32
        %dma_start3A_525 = arith.constant 0 : i32
        %dma_start3A_526 = tpu.memref_slice %arg6[%dma_start3A_524, %dma_start3A_525] : memref<14x48xi32, #tpu.memory_space<vmem>> -> memref<2x48xi32, #tpu.memory_space<vmem>>
        %dma_start3A_527 = arith.constant 0 : i32
        %dma_start3A_528 = arith.constant 0 : i32
        %dma_start3A_529 = tpu.memref_slice %arg3[%add3A, %add3A_516, %dma_start3A_527, %dma_start3A_528] : memref<32x210x2x48xi32, #tpu.memory_space<hbm>> -> memref<1x1x2x48xi32, #tpu.memory_space<hbm>>
        %dma_start3A_530 = tpu.memref_squeeze %dma_start3A_529 : memref<1x1x2x48xi32, #tpu.memory_space<hbm>> -> memref<2x48xi32, #tpu.memory_space<hbm>>
        tpu.enqueue_dma source(%dma_start3A_530 : memref<2x48xi32, #tpu.memory_space<hbm>>) target(%dma_start3A_526 : memref<2x48xi32, #tpu.memory_space<vmem>>) target_semaphore(%arg11 : memref<!tpu.dma_semaphore, #tpu.memory_space<semaphore_mem>>)
      } else {
      }
      %add3A_435 = arith.constant 3 : i32
      %add3A_436 = arith.addi %add3A_420, %add3A_435 : i32
      %lt3A_437 = arith.constant 210 : i32
      %lt3A_438 = arith.cmpi slt, %add3A_436, %lt3A_437 : i32
      %convert_element_type3A_439 = arith.extui %lt3A_438 : i1 to i32
      %cond3A_440 = arith.constant 0 : i32
      %cond3A_441 = arith.cmpi ne, %convert_element_type3A_439, %cond3A_440 : i32
      scf.if %cond3A_441 {
        %add3A_513 = arith.constant 3 : i32
        %add3A_514 = arith.addi %add3A_420, %add3A_513 : i32
        %dma_wait3A_515 = arith.constant 2 : i32
        %dma_wait3A_516 = arith.constant 0 : i32
        %dma_wait3A_517 = tpu.memref_slice %arg6[%dma_wait3A_515, %dma_wait3A_516] : memref<14x48xi32, #tpu.memory_space<vmem>> -> memref<2x48xi32, #tpu.memory_space<vmem>>
        %dma_wait3A_518 = arith.constant 0 : i32
        %dma_wait3A_519 = arith.constant 0 : i32
        %dma_wait3A_520 = tpu.memref_slice %arg3[%add3A, %add3A_514, %dma_wait3A_518, %dma_wait3A_519] : memref<32x210x2x48xi32, #tpu.memory_space<hbm>> -> memref<1x1x2x48xi32, #tpu.memory_space<hbm>>
        %dma_wait3A_521 = tpu.memref_squeeze %dma_wait3A_520 : memref<1x1x2x48xi32, #tpu.memory_space<hbm>> -> memref<2x48xi32, #tpu.memory_space<hbm>>
        %dma_wait3A_522 = arith.constant 2 : i32
        %dma_wait3A_523 = arith.constant 0 : i32
        %dma_wait3A_524 = tpu.memref_slice %arg6[%dma_wait3A_522, %dma_wait3A_523] : memref<14x48xi32, #tpu.memory_space<vmem>> -> memref<2x48xi32, #tpu.memory_space<vmem>>
        %dma_wait3A_525 = arith.constant 0 : i32
        %dma_wait3A_526 = arith.constant 0 : i32
        %dma_wait3A_527 = tpu.memref_slice %arg3[%add3A, %add3A_514, %dma_wait3A_525, %dma_wait3A_526] : memref<32x210x2x48xi32, #tpu.memory_space<hbm>> -> memref<1x1x2x48xi32, #tpu.memory_space<hbm>>
        %dma_wait3A_528 = tpu.memref_squeeze %dma_wait3A_527 : memref<1x1x2x48xi32, #tpu.memory_space<hbm>> -> memref<2x48xi32, #tpu.memory_space<hbm>>
        tpu.wait_dma2 semaphore(%arg10 : memref<!tpu.dma_semaphore, #tpu.memory_space<semaphore_mem>>) src(%dma_wait3A_528 : memref<2x48xi32, #tpu.memory_space<hbm>>) dst(%dma_wait3A_524 : memref<2x48xi32, #tpu.memory_space<vmem>>)
        %dma_start3A_529 = arith.constant 2 : i32
        %dma_start3A_530 = arith.constant 1 : i32
        %dma_start3A_531 = arith.constant 0 : i32
        %dma_start3A_532 = arith.constant 0 : i32
        %dma_start3A_533 = tpu.memref_slice %arg7[%dma_start3A_530, %dma_start3A_531, %dma_start3A_532] : memref<7x48x128xf32, #tpu.memory_space<vmem>> -> memref<1x48x128xf32, #tpu.memory_space<vmem>>
        %dma_start3A_534 = tpu.memref_squeeze %dma_start3A_533 : memref<1x48x128xf32, #tpu.memory_space<vmem>> -> memref<48x128xf32, #tpu.memory_space<vmem>>
        %dma_start3A_535 = arith.constant 0 : i32
        %dma_start3A_536 = tpu.memref_slice %arg6[%dma_start3A_529, %dma_start3A_535] : memref<14x48xi32, #tpu.memory_space<vmem>> -> memref<1x48xi32, #tpu.memory_space<vmem>>
        %dma_start3A_537 = tpu.memref_squeeze %dma_start3A_536 : memref<1x48xi32, #tpu.memory_space<vmem>> -> memref<48xi32, #tpu.memory_space<vmem>>
        %dma_start3A_538 = arith.constant 0 : i32
        %dma_start3A_539 = arith.constant 0 : i32
        %dma_start3A_540 = tpu.memref_slice %arg2[%dma_start3A_538, %dma_start3A_539] : memref<10240x128xf32, #tpu.memory_space<hbm>> -> memref<10240x128xf32, #tpu.memory_space<hbm>>
        tpu.enqueue_indirect_dma source(%dma_start3A_540 : memref<10240x128xf32, #tpu.memory_space<hbm>>) target(%dma_start3A_534 : memref<48x128xf32, #tpu.memory_space<vmem>>) offsets(%dma_start3A_537 : memref<48xi32, #tpu.memory_space<vmem>>) semaphore(%arg17 : memref<!tpu.dma_semaphore, #tpu.memory_space<semaphore_mem>>)
      } else {
      }
      %dma_wait3A_442 = arith.constant 10 : i32
      %dma_wait3A_443 = arith.constant 5 : i32
      %dma_wait3A_444 = arith.constant 0 : i32
      %dma_wait3A_445 = arith.constant 0 : i32
      %dma_wait3A_446 = tpu.memref_slice %arg7[%dma_wait3A_443, %dma_wait3A_444, %dma_wait3A_445] : memref<7x48x128xf32, #tpu.memory_space<vmem>> -> memref<1x48x128xf32, #tpu.memory_space<vmem>>
      %dma_wait3A_447 = tpu.memref_squeeze %dma_wait3A_446 : memref<1x48x128xf32, #tpu.memory_space<vmem>> -> memref<48x128xf32, #tpu.memory_space<vmem>>
      %dma_wait3A_448 = arith.constant 0 : i32
      %dma_wait3A_449 = tpu.memref_slice %arg6[%dma_wait3A_442, %dma_wait3A_448] : memref<14x48xi32, #tpu.memory_space<vmem>> -> memref<1x48xi32, #tpu.memory_space<vmem>>
      %dma_wait3A_450 = tpu.memref_squeeze %dma_wait3A_449 : memref<1x48xi32, #tpu.memory_space<vmem>> -> memref<48xi32, #tpu.memory_space<vmem>>
      %dma_wait3A_451 = arith.constant 0 : i32
      %dma_wait3A_452 = arith.constant 0 : i32
      %dma_wait3A_453 = tpu.memref_slice %arg2[%dma_wait3A_451, %dma_wait3A_452] : memref<10240x128xf32, #tpu.memory_space<hbm>> -> memref<10240x128xf32, #tpu.memory_space<hbm>>
      tpu.wait_indirect_dma semaphore(%arg21 : memref<!tpu.dma_semaphore, #tpu.memory_space<semaphore_mem>>) src(%dma_wait3A_453 : memref<10240x128xf32, #tpu.memory_space<hbm>>) dst(%dma_wait3A_447 : memref<48x128xf32, #tpu.memory_space<vmem>>)
      %dma_start3A_454 = arith.constant 5 : i32
      %dma_start3A_455 = arith.constant 11 : i32
      %dma_start3A_456 = arith.constant 0 : i32
      %dma_start3A_457 = arith.constant 0 : i32
      %dma_start3A_458 = tpu.memref_slice %arg7[%dma_start3A_454, %dma_start3A_456, %dma_start3A_457] : memref<7x48x128xf32, #tpu.memory_space<vmem>> -> memref<1x48x128xf32, #tpu.memory_space<vmem>>
      %dma_start3A_459 = tpu.memref_squeeze %dma_start3A_458 : memref<1x48x128xf32, #tpu.memory_space<vmem>> -> memref<48x128xf32, #tpu.memory_space<vmem>>
      %dma_start3A_460 = arith.constant 0 : i32
      %dma_start3A_461 = tpu.memref_slice %arg6[%dma_start3A_455, %dma_start3A_460] : memref<14x48xi32, #tpu.memory_space<vmem>> -> memref<1x48xi32, #tpu.memory_space<vmem>>
      %dma_start3A_462 = tpu.memref_squeeze %dma_start3A_461 : memref<1x48xi32, #tpu.memory_space<vmem>> -> memref<48xi32, #tpu.memory_space<vmem>>
      %dma_start3A_463 = arith.constant 0 : i32
      %dma_start3A_464 = arith.constant 0 : i32
      %dma_start3A_465 = tpu.memref_slice %arg8[%dma_start3A_463, %dma_start3A_464] : memref<10240x128xf32, #tpu.memory_space<vmem_shared>> -> memref<10240x128xf32, #tpu.memory_space<vmem_shared>>
      tpu.enqueue_indirect_dma source(%dma_start3A_459 : memref<48x128xf32, #tpu.memory_space<vmem>>) target(%dma_start3A_465 : memref<10240x128xf32, #tpu.memory_space<vmem_shared>>) offsets(%dma_start3A_462 : memref<48xi32, #tpu.memory_space<vmem>>) semaphore(%arg28 : memref<!tpu.dma_semaphore, #tpu.memory_space<semaphore_mem>>) {add = true}
      %add3A_466 = arith.constant 6 : i32
      %add3A_467 = arith.addi %add3A_187, %add3A_466 : i32
      %ge3A_468 = arith.constant 3 : i32
      %ge3A_469 = arith.cmpi sge, %add3A_467, %ge3A_468 : i32
      %convert_element_type3A_470 = arith.extui %ge3A_469 : i1 to i32
      %cond3A_471 = arith.constant 0 : i32
      %cond3A_472 = arith.cmpi ne, %convert_element_type3A_470, %cond3A_471 : i32
      scf.if %cond3A_472 {
        %dma_wait3A_513 = arith.constant 3 : i32
        %dma_wait3A_514 = arith.constant 7 : i32
        %dma_wait3A_515 = arith.constant 0 : i32
        %dma_wait3A_516 = arith.constant 0 : i32
        %dma_wait3A_517 = tpu.memref_slice %arg7[%dma_wait3A_513, %dma_wait3A_515, %dma_wait3A_516] : memref<7x48x128xf32, #tpu.memory_space<vmem>> -> memref<1x48x128xf32, #tpu.memory_space<vmem>>
        %dma_wait3A_518 = tpu.memref_squeeze %dma_wait3A_517 : memref<1x48x128xf32, #tpu.memory_space<vmem>> -> memref<48x128xf32, #tpu.memory_space<vmem>>
        %dma_wait3A_519 = arith.constant 0 : i32
        %dma_wait3A_520 = tpu.memref_slice %arg6[%dma_wait3A_514, %dma_wait3A_519] : memref<14x48xi32, #tpu.memory_space<vmem>> -> memref<1x48xi32, #tpu.memory_space<vmem>>
        %dma_wait3A_521 = tpu.memref_squeeze %dma_wait3A_520 : memref<1x48xi32, #tpu.memory_space<vmem>> -> memref<48xi32, #tpu.memory_space<vmem>>
        %dma_wait3A_522 = arith.constant 0 : i32
        %dma_wait3A_523 = arith.constant 0 : i32
        %dma_wait3A_524 = tpu.memref_slice %arg8[%dma_wait3A_522, %dma_wait3A_523] : memref<10240x128xf32, #tpu.memory_space<vmem_shared>> -> memref<10240x128xf32, #tpu.memory_space<vmem_shared>>
        tpu.wait_indirect_dma semaphore(%arg26 : memref<!tpu.dma_semaphore, #tpu.memory_space<semaphore_mem>>) src(%dma_wait3A_518 : memref<48x128xf32, #tpu.memory_space<vmem>>) dst(%dma_wait3A_524 : memref<10240x128xf32, #tpu.memory_space<vmem_shared>>)
      } else {
      }
      %add3A_473 = arith.constant 3 : i32
      %add3A_474 = arith.addi %add3A_467, %add3A_473 : i32
      %add3A_475 = arith.constant 1 : i32
      %add3A_476 = arith.addi %add3A_474, %add3A_475 : i32
      %lt3A_477 = arith.constant 210 : i32
      %lt3A_478 = arith.cmpi slt, %add3A_476, %lt3A_477 : i32
      %convert_element_type3A_479 = arith.extui %lt3A_478 : i1 to i32
      %cond3A_480 = arith.constant 0 : i32
      %cond3A_481 = arith.cmpi ne, %convert_element_type3A_479, %cond3A_480 : i32
      scf.if %cond3A_481 {
        %add3A_513 = arith.constant 3 : i32
        %add3A_514 = arith.addi %add3A_467, %add3A_513 : i32
        %add3A_515 = arith.constant 1 : i32
        %add3A_516 = arith.addi %add3A_514, %add3A_515 : i32
        %dma_start3A_517 = arith.constant 6 : i32
        %dma_start3A_518 = arith.constant 0 : i32
        %dma_start3A_519 = tpu.memref_slice %arg6[%dma_start3A_517, %dma_start3A_518] : memref<14x48xi32, #tpu.memory_space<vmem>> -> memref<2x48xi32, #tpu.memory_space<vmem>>
        %dma_start3A_520 = arith.constant 0 : i32
        %dma_start3A_521 = arith.constant 0 : i32
        %dma_start3A_522 = tpu.memref_slice %arg3[%add3A, %add3A_516, %dma_start3A_520, %dma_start3A_521] : memref<32x210x2x48xi32, #tpu.memory_space<hbm>> -> memref<1x1x2x48xi32, #tpu.memory_space<hbm>>
        %dma_start3A_523 = tpu.memref_squeeze %dma_start3A_522 : memref<1x1x2x48xi32, #tpu.memory_space<hbm>> -> memref<2x48xi32, #tpu.memory_space<hbm>>
        %dma_start3A_524 = arith.constant 6 : i32
        %dma_start3A_525 = arith.constant 0 : i32
        %dma_start3A_526 = tpu.memref_slice %arg6[%dma_start3A_524, %dma_start3A_525] : memref<14x48xi32, #tpu.memory_space<vmem>> -> memref<2x48xi32, #tpu.memory_space<vmem>>
        %dma_start3A_527 = arith.constant 0 : i32
        %dma_start3A_528 = arith.constant 0 : i32
        %dma_start3A_529 = tpu.memref_slice %arg3[%add3A, %add3A_516, %dma_start3A_527, %dma_start3A_528] : memref<32x210x2x48xi32, #tpu.memory_space<hbm>> -> memref<1x1x2x48xi32, #tpu.memory_space<hbm>>
        %dma_start3A_530 = tpu.memref_squeeze %dma_start3A_529 : memref<1x1x2x48xi32, #tpu.memory_space<hbm>> -> memref<2x48xi32, #tpu.memory_space<hbm>>
        tpu.enqueue_dma source(%dma_start3A_530 : memref<2x48xi32, #tpu.memory_space<hbm>>) target(%dma_start3A_526 : memref<2x48xi32, #tpu.memory_space<vmem>>) target_semaphore(%arg12 : memref<!tpu.dma_semaphore, #tpu.memory_space<semaphore_mem>>)
      } else {
      }
      %add3A_482 = arith.constant 3 : i32
      %add3A_483 = arith.addi %add3A_467, %add3A_482 : i32
      %lt3A_484 = arith.constant 210 : i32
      %lt3A_485 = arith.cmpi slt, %add3A_483, %lt3A_484 : i32
      %convert_element_type3A_486 = arith.extui %lt3A_485 : i1 to i32
      %cond3A_487 = arith.constant 0 : i32
      %cond3A_488 = arith.cmpi ne, %convert_element_type3A_486, %cond3A_487 : i32
      scf.if %cond3A_488 {
        %add3A_513 = arith.constant 3 : i32
        %add3A_514 = arith.addi %add3A_467, %add3A_513 : i32
        %dma_wait3A_515 = arith.constant 4 : i32
        %dma_wait3A_516 = arith.constant 0 : i32
        %dma_wait3A_517 = tpu.memref_slice %arg6[%dma_wait3A_515, %dma_wait3A_516] : memref<14x48xi32, #tpu.memory_space<vmem>> -> memref<2x48xi32, #tpu.memory_space<vmem>>
        %dma_wait3A_518 = arith.constant 0 : i32
        %dma_wait3A_519 = arith.constant 0 : i32
        %dma_wait3A_520 = tpu.memref_slice %arg3[%add3A, %add3A_514, %dma_wait3A_518, %dma_wait3A_519] : memref<32x210x2x48xi32, #tpu.memory_space<hbm>> -> memref<1x1x2x48xi32, #tpu.memory_space<hbm>>
        %dma_wait3A_521 = tpu.memref_squeeze %dma_wait3A_520 : memref<1x1x2x48xi32, #tpu.memory_space<hbm>> -> memref<2x48xi32, #tpu.memory_space<hbm>>
        %dma_wait3A_522 = arith.constant 4 : i32
        %dma_wait3A_523 = arith.constant 0 : i32
        %dma_wait3A_524 = tpu.memref_slice %arg6[%dma_wait3A_522, %dma_wait3A_523] : memref<14x48xi32, #tpu.memory_space<vmem>> -> memref<2x48xi32, #tpu.memory_space<vmem>>
        %dma_wait3A_525 = arith.constant 0 : i32
        %dma_wait3A_526 = arith.constant 0 : i32
        %dma_wait3A_527 = tpu.memref_slice %arg3[%add3A, %add3A_514, %dma_wait3A_525, %dma_wait3A_526] : memref<32x210x2x48xi32, #tpu.memory_space<hbm>> -> memref<1x1x2x48xi32, #tpu.memory_space<hbm>>
        %dma_wait3A_528 = tpu.memref_squeeze %dma_wait3A_527 : memref<1x1x2x48xi32, #tpu.memory_space<hbm>> -> memref<2x48xi32, #tpu.memory_space<hbm>>
        tpu.wait_dma2 semaphore(%arg11 : memref<!tpu.dma_semaphore, #tpu.memory_space<semaphore_mem>>) src(%dma_wait3A_528 : memref<2x48xi32, #tpu.memory_space<hbm>>) dst(%dma_wait3A_524 : memref<2x48xi32, #tpu.memory_space<vmem>>)
        %dma_start3A_529 = arith.constant 4 : i32
        %dma_start3A_530 = arith.constant 2 : i32
        %dma_start3A_531 = arith.constant 0 : i32
        %dma_start3A_532 = arith.constant 0 : i32
        %dma_start3A_533 = tpu.memref_slice %arg7[%dma_start3A_530, %dma_start3A_531, %dma_start3A_532] : memref<7x48x128xf32, #tpu.memory_space<vmem>> -> memref<1x48x128xf32, #tpu.memory_space<vmem>>
        %dma_start3A_534 = tpu.memref_squeeze %dma_start3A_533 : memref<1x48x128xf32, #tpu.memory_space<vmem>> -> memref<48x128xf32, #tpu.memory_space<vmem>>
        %dma_start3A_535 = arith.constant 0 : i32
        %dma_start3A_536 = tpu.memref_slice %arg6[%dma_start3A_529, %dma_start3A_535] : memref<14x48xi32, #tpu.memory_space<vmem>> -> memref<1x48xi32, #tpu.memory_space<vmem>>
        %dma_start3A_537 = tpu.memref_squeeze %dma_start3A_536 : memref<1x48xi32, #tpu.memory_space<vmem>> -> memref<48xi32, #tpu.memory_space<vmem>>
        %dma_start3A_538 = arith.constant 0 : i32
        %dma_start3A_539 = arith.constant 0 : i32
        %dma_start3A_540 = tpu.memref_slice %arg2[%dma_start3A_538, %dma_start3A_539] : memref<10240x128xf32, #tpu.memory_space<hbm>> -> memref<10240x128xf32, #tpu.memory_space<hbm>>
        tpu.enqueue_indirect_dma source(%dma_start3A_540 : memref<10240x128xf32, #tpu.memory_space<hbm>>) target(%dma_start3A_534 : memref<48x128xf32, #tpu.memory_space<vmem>>) offsets(%dma_start3A_537 : memref<48xi32, #tpu.memory_space<vmem>>) semaphore(%arg18 : memref<!tpu.dma_semaphore, #tpu.memory_space<semaphore_mem>>)
      } else {
      }
      %dma_wait3A_489 = arith.constant 12 : i32
      %dma_wait3A_490 = arith.constant 6 : i32
      %dma_wait3A_491 = arith.constant 0 : i32
      %dma_wait3A_492 = arith.constant 0 : i32
      %dma_wait3A_493 = tpu.memref_slice %arg7[%dma_wait3A_490, %dma_wait3A_491, %dma_wait3A_492] : memref<7x48x128xf32, #tpu.memory_space<vmem>> -> memref<1x48x128xf32, #tpu.memory_space<vmem>>
      %dma_wait3A_494 = tpu.memref_squeeze %dma_wait3A_493 : memref<1x48x128xf32, #tpu.memory_space<vmem>> -> memref<48x128xf32, #tpu.memory_space<vmem>>
      %dma_wait3A_495 = arith.constant 0 : i32
      %dma_wait3A_496 = tpu.memref_slice %arg6[%dma_wait3A_489, %dma_wait3A_495] : memref<14x48xi32, #tpu.memory_space<vmem>> -> memref<1x48xi32, #tpu.memory_space<vmem>>
      %dma_wait3A_497 = tpu.memref_squeeze %dma_wait3A_496 : memref<1x48xi32, #tpu.memory_space<vmem>> -> memref<48xi32, #tpu.memory_space<vmem>>
      %dma_wait3A_498 = arith.constant 0 : i32
      %dma_wait3A_499 = arith.constant 0 : i32
      %dma_wait3A_500 = tpu.memref_slice %arg2[%dma_wait3A_498, %dma_wait3A_499] : memref<10240x128xf32, #tpu.memory_space<hbm>> -> memref<10240x128xf32, #tpu.memory_space<hbm>>
      tpu.wait_indirect_dma semaphore(%arg22 : memref<!tpu.dma_semaphore, #tpu.memory_space<semaphore_mem>>) src(%dma_wait3A_500 : memref<10240x128xf32, #tpu.memory_space<hbm>>) dst(%dma_wait3A_494 : memref<48x128xf32, #tpu.memory_space<vmem>>)
      %dma_start3A_501 = arith.constant 6 : i32
      %dma_start3A_502 = arith.constant 13 : i32
      %dma_start3A_503 = arith.constant 0 : i32
      %dma_start3A_504 = arith.constant 0 : i32
      %dma_start3A_505 = tpu.memref_slice %arg7[%dma_start3A_501, %dma_start3A_503, %dma_start3A_504] : memref<7x48x128xf32, #tpu.memory_space<vmem>> -> memref<1x48x128xf32, #tpu.memory_space<vmem>>
      %dma_start3A_506 = tpu.memref_squeeze %dma_start3A_505 : memref<1x48x128xf32, #tpu.memory_space<vmem>> -> memref<48x128xf32, #tpu.memory_space<vmem>>
      %dma_start3A_507 = arith.constant 0 : i32
      %dma_start3A_508 = tpu.memref_slice %arg6[%dma_start3A_502, %dma_start3A_507] : memref<14x48xi32, #tpu.memory_space<vmem>> -> memref<1x48xi32, #tpu.memory_space<vmem>>
      %dma_start3A_509 = tpu.memref_squeeze %dma_start3A_508 : memref<1x48xi32, #tpu.memory_space<vmem>> -> memref<48xi32, #tpu.memory_space<vmem>>
      %dma_start3A_510 = arith.constant 0 : i32
      %dma_start3A_511 = arith.constant 0 : i32
      %dma_start3A_512 = tpu.memref_slice %arg8[%dma_start3A_510, %dma_start3A_511] : memref<10240x128xf32, #tpu.memory_space<vmem_shared>> -> memref<10240x128xf32, #tpu.memory_space<vmem_shared>>
      tpu.enqueue_indirect_dma source(%dma_start3A_506 : memref<48x128xf32, #tpu.memory_space<vmem>>) target(%dma_start3A_512 : memref<10240x128xf32, #tpu.memory_space<vmem_shared>>) offsets(%dma_start3A_509 : memref<48xi32, #tpu.memory_space<vmem>>) semaphore(%arg29 : memref<!tpu.dma_semaphore, #tpu.memory_space<semaphore_mem>>) {add = true}
    }
    %scan3A_145 = arith.constant 30 : i32
    %dma_wait3A_146 = arith.constant 4 : i32
    %dma_wait3A_147 = arith.constant 9 : i32
    %dma_wait3A_148 = arith.constant 0 : i32
    %dma_wait3A_149 = arith.constant 0 : i32
    %dma_wait3A_150 = tpu.memref_slice %arg7[%dma_wait3A_146, %dma_wait3A_148, %dma_wait3A_149] : memref<7x48x128xf32, #tpu.memory_space<vmem>> -> memref<1x48x128xf32, #tpu.memory_space<vmem>>
    %dma_wait3A_151 = tpu.memref_squeeze %dma_wait3A_150 : memref<1x48x128xf32, #tpu.memory_space<vmem>> -> memref<48x128xf32, #tpu.memory_space<vmem>>
    %dma_wait3A_152 = arith.constant 0 : i32
    %dma_wait3A_153 = tpu.memref_slice %arg6[%dma_wait3A_147, %dma_wait3A_152] : memref<14x48xi32, #tpu.memory_space<vmem>> -> memref<1x48xi32, #tpu.memory_space<vmem>>
    %dma_wait3A_154 = tpu.memref_squeeze %dma_wait3A_153 : memref<1x48xi32, #tpu.memory_space<vmem>> -> memref<48xi32, #tpu.memory_space<vmem>>
    %dma_wait3A_155 = arith.constant 0 : i32
    %dma_wait3A_156 = arith.constant 0 : i32
    %dma_wait3A_157 = tpu.memref_slice %arg8[%dma_wait3A_155, %dma_wait3A_156] : memref<10240x128xf32, #tpu.memory_space<vmem_shared>> -> memref<10240x128xf32, #tpu.memory_space<vmem_shared>>
    tpu.wait_indirect_dma semaphore(%arg27 : memref<!tpu.dma_semaphore, #tpu.memory_space<semaphore_mem>>) src(%dma_wait3A_151 : memref<48x128xf32, #tpu.memory_space<vmem>>) dst(%dma_wait3A_157 : memref<10240x128xf32, #tpu.memory_space<vmem_shared>>)
    %dma_wait3A_158 = arith.constant 5 : i32
    %dma_wait3A_159 = arith.constant 11 : i32
    %dma_wait3A_160 = arith.constant 0 : i32
    %dma_wait3A_161 = arith.constant 0 : i32
    %dma_wait3A_162 = tpu.memref_slice %arg7[%dma_wait3A_158, %dma_wait3A_160, %dma_wait3A_161] : memref<7x48x128xf32, #tpu.memory_space<vmem>> -> memref<1x48x128xf32, #tpu.memory_space<vmem>>
    %dma_wait3A_163 = tpu.memref_squeeze %dma_wait3A_162 : memref<1x48x128xf32, #tpu.memory_space<vmem>> -> memref<48x128xf32, #tpu.memory_space<vmem>>
    %dma_wait3A_164 = arith.constant 0 : i32
    %dma_wait3A_165 = tpu.memref_slice %arg6[%dma_wait3A_159, %dma_wait3A_164] : memref<14x48xi32, #tpu.memory_space<vmem>> -> memref<1x48xi32, #tpu.memory_space<vmem>>
    %dma_wait3A_166 = tpu.memref_squeeze %dma_wait3A_165 : memref<1x48xi32, #tpu.memory_space<vmem>> -> memref<48xi32, #tpu.memory_space<vmem>>
    %dma_wait3A_167 = arith.constant 0 : i32
    %dma_wait3A_168 = arith.constant 0 : i32
    %dma_wait3A_169 = tpu.memref_slice %arg8[%dma_wait3A_167, %dma_wait3A_168] : memref<10240x128xf32, #tpu.memory_space<vmem_shared>> -> memref<10240x128xf32, #tpu.memory_space<vmem_shared>>
    tpu.wait_indirect_dma semaphore(%arg28 : memref<!tpu.dma_semaphore, #tpu.memory_space<semaphore_mem>>) src(%dma_wait3A_163 : memref<48x128xf32, #tpu.memory_space<vmem>>) dst(%dma_wait3A_169 : memref<10240x128xf32, #tpu.memory_space<vmem_shared>>)
    %dma_wait3A_170 = arith.constant 6 : i32
    %dma_wait3A_171 = arith.constant 13 : i32
    %dma_wait3A_172 = arith.constant 0 : i32
    %dma_wait3A_173 = arith.constant 0 : i32
    %dma_wait3A_174 = tpu.memref_slice %arg7[%dma_wait3A_170, %dma_wait3A_172, %dma_wait3A_173] : memref<7x48x128xf32, #tpu.memory_space<vmem>> -> memref<1x48x128xf32, #tpu.memory_space<vmem>>
    %dma_wait3A_175 = tpu.memref_squeeze %dma_wait3A_174 : memref<1x48x128xf32, #tpu.memory_space<vmem>> -> memref<48x128xf32, #tpu.memory_space<vmem>>
    %dma_wait3A_176 = arith.constant 0 : i32
    %dma_wait3A_177 = tpu.memref_slice %arg6[%dma_wait3A_171, %dma_wait3A_176] : memref<14x48xi32, #tpu.memory_space<vmem>> -> memref<1x48xi32, #tpu.memory_space<vmem>>
    %dma_wait3A_178 = tpu.memref_squeeze %dma_wait3A_177 : memref<1x48xi32, #tpu.memory_space<vmem>> -> memref<48xi32, #tpu.memory_space<vmem>>
    %dma_wait3A_179 = arith.constant 0 : i32
    %dma_wait3A_180 = arith.constant 0 : i32
    %dma_wait3A_181 = tpu.memref_slice %arg8[%dma_wait3A_179, %dma_wait3A_180] : memref<10240x128xf32, #tpu.memory_space<vmem_shared>> -> memref<10240x128xf32, #tpu.memory_space<vmem_shared>>
    tpu.wait_indirect_dma semaphore(%arg29 : memref<!tpu.dma_semaphore, #tpu.memory_space<semaphore_mem>>) src(%dma_wait3A_175 : memref<48x128xf32, #tpu.memory_space<vmem>>) dst(%dma_wait3A_181 : memref<10240x128xf32, #tpu.memory_space<vmem_shared>>)
    %barrier3A_182 = arith.constant 0 : index
    tpu.barrier barrier_id(%barrier3A_182)
    "tpu.region"() ({
      %run_scoped3A = tpu.sem_alloc : memref<!tpu.dma_semaphore, #tpu.memory_space<semaphore_mem>>
      %dma_start3A_183 = arith.constant 0 : i32
      %dma_start3A_184 = tpu.memref_slice %arg5[%arg0, %mul3A_2, %dma_start3A_183] : memref<2x10240x128xf32, #tpu.memory_space<hbm>> -> memref<1x640x128xf32, #tpu.memory_space<hbm>>
      %dma_start3A_185 = tpu.memref_squeeze %dma_start3A_184 : memref<1x640x128xf32, #tpu.memory_space<hbm>> -> memref<640x128xf32, #tpu.memory_space<hbm>>
      %dma_start3A_186 = arith.constant 0 : i32
      %dma_start3A_187 = tpu.memref_slice %arg8[%mul3A_2, %dma_start3A_186] : memref<10240x128xf32, #tpu.memory_space<vmem_shared>> -> memref<640x128xf32, #tpu.memory_space<vmem_shared>>
      tpu.enqueue_dma source(%dma_start3A_187 : memref<640x128xf32, #tpu.memory_space<vmem_shared>>) target(%dma_start3A_185 : memref<640x128xf32, #tpu.memory_space<hbm>>) target_semaphore(%run_scoped3A : memref<!tpu.dma_semaphore, #tpu.memory_space<semaphore_mem>>)
      %dma_wait3A_188 = arith.constant 0 : i32
      %dma_wait3A_189 = tpu.memref_slice %arg5[%arg0, %mul3A_2, %dma_wait3A_188] : memref<2x10240x128xf32, #tpu.memory_space<hbm>> -> memref<1x640x128xf32, #tpu.memory_space<hbm>>
      %dma_wait3A_190 = tpu.memref_squeeze %dma_wait3A_189 : memref<1x640x128xf32, #tpu.memory_space<hbm>> -> memref<640x128xf32, #tpu.memory_space<hbm>>
      %dma_wait3A_191 = arith.constant 0 : i32
      %dma_wait3A_192 = tpu.memref_slice %arg8[%mul3A_2, %dma_wait3A_191] : memref<10240x128xf32, #tpu.memory_space<vmem_shared>> -> memref<640x128xf32, #tpu.memory_space<vmem_shared>>
      tpu.wait_dma2 semaphore(%run_scoped3A : memref<!tpu.dma_semaphore, #tpu.memory_space<semaphore_mem>>) src(%dma_wait3A_192 : memref<640x128xf32, #tpu.memory_space<vmem_shared>>) dst(%dma_wait3A_190 : memref<640x128xf32, #tpu.memory_space<hbm>>)
      tpu.yield
    }) : () -> ()
    return
  }
}

#map = affine_map<(d0, d1) -> (0, 0, 0)>
#map1 = affine_map<(d0, d1) -> (0, 0)>
module attributes {stable_mosaic.version = 14 : i64} {
  func.func @deg_kernel(%arg0: i32, %arg1: i32, %arg2: memref<32x80x128xi32, #tpu.memory_space<hbm>>, %arg3: memref<10240x128xf32, #tpu.memory_space<hbm>>, %arg4: memref<128x128xf32, #tpu.memory_space<hbm>>, %arg5: memref<2x10240x128xf32, #tpu.memory_space<hbm>>, %arg6: memref<80x128xi32, #tpu.memory_space<vmem>>, %arg7: memref<128x128xf32, #tpu.memory_space<vmem>>, %arg8: memref<10240x128xf32, #tpu.memory_space<vmem_shared>>, %arg9: memref<!tpu.dma_semaphore, #tpu.memory_space<semaphore_mem>>) attributes {dimension_semantics = [#tpu.dimension_semantics<core_parallel>, #tpu.dimension_semantics<subcore_parallel>], iteration_bounds = array<i64: 2, 16>, scalar_prefetch = 0 : i64, scratch_operands = 4 : i64, tpu.core_type = #tpu.core_type<sc_vector_subcore>, window_params = [{transform_indices = #map}, {transform_indices = #map1}, {transform_indices = #map1}, {transform_indices = #map}]} {
    %mul3A = arith.constant 2 : i32
    %mul3A_0 = arith.muli %arg1, %mul3A : i32
    %add3A = arith.addi %mul3A_0, %arg0 : i32
    %mul3A_1 = arith.constant 640 : i32
    %mul3A_2 = arith.muli %arg1, %mul3A_1 : i32
    "tpu.region"() ({
      %run_scoped3A = tpu.sem_alloc : memref<!tpu.dma_semaphore, #tpu.memory_space<semaphore_mem>>
      %dma_start3A_40 = arith.constant 0 : i32
      %dma_start3A_41 = tpu.memref_slice %arg8[%mul3A_2, %dma_start3A_40] : memref<10240x128xf32, #tpu.memory_space<vmem_shared>> -> memref<640x128xf32, #tpu.memory_space<vmem_shared>>
      %dma_start3A_42 = arith.constant 0 : i32
      %dma_start3A_43 = tpu.memref_slice %arg3[%mul3A_2, %dma_start3A_42] : memref<10240x128xf32, #tpu.memory_space<hbm>> -> memref<640x128xf32, #tpu.memory_space<hbm>>
      tpu.enqueue_dma source(%dma_start3A_43 : memref<640x128xf32, #tpu.memory_space<hbm>>) target(%dma_start3A_41 : memref<640x128xf32, #tpu.memory_space<vmem_shared>>) target_semaphore(%run_scoped3A : memref<!tpu.dma_semaphore, #tpu.memory_space<semaphore_mem>>)
      %dma_wait3A = arith.constant 0 : i32
      %dma_wait3A_44 = tpu.memref_slice %arg8[%mul3A_2, %dma_wait3A] : memref<10240x128xf32, #tpu.memory_space<vmem_shared>> -> memref<640x128xf32, #tpu.memory_space<vmem_shared>>
      %dma_wait3A_45 = arith.constant 0 : i32
      %dma_wait3A_46 = tpu.memref_slice %arg3[%mul3A_2, %dma_wait3A_45] : memref<10240x128xf32, #tpu.memory_space<hbm>> -> memref<640x128xf32, #tpu.memory_space<hbm>>
      tpu.wait_dma2 semaphore(%run_scoped3A : memref<!tpu.dma_semaphore, #tpu.memory_space<semaphore_mem>>) src(%dma_wait3A_46 : memref<640x128xf32, #tpu.memory_space<hbm>>) dst(%dma_wait3A_44 : memref<640x128xf32, #tpu.memory_space<vmem_shared>>)
      tpu.yield
    }) : () -> ()
    "tpu.region"() ({
      %run_scoped3A = tpu.sem_alloc : memref<!tpu.dma_semaphore, #tpu.memory_space<semaphore_mem>>
      %dma_start3A_40 = arith.constant 0 : i32
      %dma_start3A_41 = arith.constant 0 : i32
      %dma_start3A_42 = tpu.memref_slice %arg2[%add3A, %dma_start3A_40, %dma_start3A_41] : memref<32x80x128xi32, #tpu.memory_space<hbm>> -> memref<1x80x128xi32, #tpu.memory_space<hbm>>
      %dma_start3A_43 = tpu.memref_squeeze %dma_start3A_42 : memref<1x80x128xi32, #tpu.memory_space<hbm>> -> memref<80x128xi32, #tpu.memory_space<hbm>>
      %dma_start3A_44 = arith.constant 0 : i32
      %dma_start3A_45 = arith.constant 0 : i32
      %dma_start3A_46 = tpu.memref_slice %arg2[%add3A, %dma_start3A_44, %dma_start3A_45] : memref<32x80x128xi32, #tpu.memory_space<hbm>> -> memref<1x80x128xi32, #tpu.memory_space<hbm>>
      %dma_start3A_47 = tpu.memref_squeeze %dma_start3A_46 : memref<1x80x128xi32, #tpu.memory_space<hbm>> -> memref<80x128xi32, #tpu.memory_space<hbm>>
      tpu.enqueue_dma source(%dma_start3A_47 : memref<80x128xi32, #tpu.memory_space<hbm>>) target(%arg6 : memref<80x128xi32, #tpu.memory_space<vmem>>) target_semaphore(%run_scoped3A : memref<!tpu.dma_semaphore, #tpu.memory_space<semaphore_mem>>)
      %dma_wait3A = arith.constant 0 : i32
      %dma_wait3A_48 = arith.constant 0 : i32
      %dma_wait3A_49 = tpu.memref_slice %arg2[%add3A, %dma_wait3A, %dma_wait3A_48] : memref<32x80x128xi32, #tpu.memory_space<hbm>> -> memref<1x80x128xi32, #tpu.memory_space<hbm>>
      %dma_wait3A_50 = tpu.memref_squeeze %dma_wait3A_49 : memref<1x80x128xi32, #tpu.memory_space<hbm>> -> memref<80x128xi32, #tpu.memory_space<hbm>>
      %dma_wait3A_51 = arith.constant 0 : i32
      %dma_wait3A_52 = arith.constant 0 : i32
      %dma_wait3A_53 = tpu.memref_slice %arg2[%add3A, %dma_wait3A_51, %dma_wait3A_52] : memref<32x80x128xi32, #tpu.memory_space<hbm>> -> memref<1x80x128xi32, #tpu.memory_space<hbm>>
      %dma_wait3A_54 = tpu.memref_squeeze %dma_wait3A_53 : memref<1x80x128xi32, #tpu.memory_space<hbm>> -> memref<80x128xi32, #tpu.memory_space<hbm>>
      tpu.wait_dma2 semaphore(%run_scoped3A : memref<!tpu.dma_semaphore, #tpu.memory_space<semaphore_mem>>) src(%dma_wait3A_54 : memref<80x128xi32, #tpu.memory_space<hbm>>) dst(%arg6 : memref<80x128xi32, #tpu.memory_space<vmem>>)
      tpu.yield
    }) : () -> ()
    "tpu.region"() ({
      %run_scoped3A = tpu.sem_alloc : memref<!tpu.dma_semaphore, #tpu.memory_space<semaphore_mem>>
      tpu.enqueue_dma source(%arg4 : memref<128x128xf32, #tpu.memory_space<hbm>>) target(%arg7 : memref<128x128xf32, #tpu.memory_space<vmem>>) target_semaphore(%run_scoped3A : memref<!tpu.dma_semaphore, #tpu.memory_space<semaphore_mem>>)
      tpu.wait_dma2 semaphore(%run_scoped3A : memref<!tpu.dma_semaphore, #tpu.memory_space<semaphore_mem>>) src(%arg4 : memref<128x128xf32, #tpu.memory_space<hbm>>) dst(%arg7 : memref<128x128xf32, #tpu.memory_space<vmem>>)
      tpu.yield
    }) : () -> ()
    %barrier3A = arith.constant 0 : index
    tpu.barrier barrier_id(%barrier3A)
    %dma_start3A = arith.constant 0 : i32
    %dma_start3A_3 = arith.constant 0 : i32
    %dma_start3A_4 = tpu.memref_slice %arg6[%dma_start3A, %dma_start3A_3] : memref<80x128xi32, #tpu.memory_space<vmem>> -> memref<1x128xi32, #tpu.memory_space<vmem>>
    %dma_start3A_5 = tpu.memref_squeeze %dma_start3A_4 : memref<1x128xi32, #tpu.memory_space<vmem>> -> memref<128xi32, #tpu.memory_space<vmem>>
    %dma_start3A_6 = arith.constant 0 : i32
    %dma_start3A_7 = arith.constant 0 : i32
    %dma_start3A_8 = tpu.memref_slice %arg8[%dma_start3A_6, %dma_start3A_7] : memref<10240x128xf32, #tpu.memory_space<vmem_shared>> -> memref<10240x128xf32, #tpu.memory_space<vmem_shared>>
    tpu.enqueue_indirect_dma source(%arg7 : memref<128x128xf32, #tpu.memory_space<vmem>>) target(%dma_start3A_8 : memref<10240x128xf32, #tpu.memory_space<vmem_shared>>) offsets(%dma_start3A_5 : memref<128xi32, #tpu.memory_space<vmem>>) semaphore(%arg9 : memref<!tpu.dma_semaphore, #tpu.memory_space<semaphore_mem>>) {add = true}
    %dma_start3A_9 = arith.constant 1 : i32
    %dma_start3A_10 = arith.constant 0 : i32
    %dma_start3A_11 = tpu.memref_slice %arg6[%dma_start3A_9, %dma_start3A_10] : memref<80x128xi32, #tpu.memory_space<vmem>> -> memref<1x128xi32, #tpu.memory_space<vmem>>
    %dma_start3A_12 = tpu.memref_squeeze %dma_start3A_11 : memref<1x128xi32, #tpu.memory_space<vmem>> -> memref<128xi32, #tpu.memory_space<vmem>>
    %dma_start3A_13 = arith.constant 0 : i32
    %dma_start3A_14 = arith.constant 0 : i32
    %dma_start3A_15 = tpu.memref_slice %arg8[%dma_start3A_13, %dma_start3A_14] : memref<10240x128xf32, #tpu.memory_space<vmem_shared>> -> memref<10240x128xf32, #tpu.memory_space<vmem_shared>>
    tpu.enqueue_indirect_dma source(%arg7 : memref<128x128xf32, #tpu.memory_space<vmem>>) target(%dma_start3A_15 : memref<10240x128xf32, #tpu.memory_space<vmem_shared>>) offsets(%dma_start3A_12 : memref<128xi32, #tpu.memory_space<vmem>>) semaphore(%arg9 : memref<!tpu.dma_semaphore, #tpu.memory_space<semaphore_mem>>) {add = true}
    %dma_start3A_16 = arith.constant 2 : i32
    %dma_start3A_17 = arith.constant 0 : i32
    %dma_start3A_18 = tpu.memref_slice %arg6[%dma_start3A_16, %dma_start3A_17] : memref<80x128xi32, #tpu.memory_space<vmem>> -> memref<1x128xi32, #tpu.memory_space<vmem>>
    %dma_start3A_19 = tpu.memref_squeeze %dma_start3A_18 : memref<1x128xi32, #tpu.memory_space<vmem>> -> memref<128xi32, #tpu.memory_space<vmem>>
    %dma_start3A_20 = arith.constant 0 : i32
    %dma_start3A_21 = arith.constant 0 : i32
    %dma_start3A_22 = tpu.memref_slice %arg8[%dma_start3A_20, %dma_start3A_21] : memref<10240x128xf32, #tpu.memory_space<vmem_shared>> -> memref<10240x128xf32, #tpu.memory_space<vmem_shared>>
    tpu.enqueue_indirect_dma source(%arg7 : memref<128x128xf32, #tpu.memory_space<vmem>>) target(%dma_start3A_22 : memref<10240x128xf32, #tpu.memory_space<vmem_shared>>) offsets(%dma_start3A_19 : memref<128xi32, #tpu.memory_space<vmem>>) semaphore(%arg9 : memref<!tpu.dma_semaphore, #tpu.memory_space<semaphore_mem>>) {add = true}
    %dma_start3A_23 = arith.constant 3 : i32
    %dma_start3A_24 = arith.constant 0 : i32
    %dma_start3A_25 = tpu.memref_slice %arg6[%dma_start3A_23, %dma_start3A_24] : memref<80x128xi32, #tpu.memory_space<vmem>> -> memref<1x128xi32, #tpu.memory_space<vmem>>
    %dma_start3A_26 = tpu.memref_squeeze %dma_start3A_25 : memref<1x128xi32, #tpu.memory_space<vmem>> -> memref<128xi32, #tpu.memory_space<vmem>>
    %dma_start3A_27 = arith.constant 0 : i32
    %dma_start3A_28 = arith.constant 0 : i32
    %dma_start3A_29 = tpu.memref_slice %arg8[%dma_start3A_27, %dma_start3A_28] : memref<10240x128xf32, #tpu.memory_space<vmem_shared>> -> memref<10240x128xf32, #tpu.memory_space<vmem_shared>>
    tpu.enqueue_indirect_dma source(%arg7 : memref<128x128xf32, #tpu.memory_space<vmem>>) target(%dma_start3A_29 : memref<10240x128xf32, #tpu.memory_space<vmem_shared>>) offsets(%dma_start3A_26 : memref<128xi32, #tpu.memory_space<vmem>>) semaphore(%arg9 : memref<!tpu.dma_semaphore, #tpu.memory_space<semaphore_mem>>) {add = true}
    %scan3A = arith.constant 0 : i32
    %scan3A_30 = arith.constant 76 : i32
    %scan3A_31 = arith.addi %scan3A, %scan3A_30 : i32
    %scan3A_32 = arith.constant 1 : i32
    scf.for %scan3A_40 = %scan3A to %scan3A_31 step %scan3A_32  : i32 {
      %mul3A_41 = arith.constant 1 : i32
      %mul3A_42 = arith.muli %scan3A_40, %mul3A_41 : i32
      %add3A_43 = arith.constant 4 : i32
      %add3A_44 = arith.addi %add3A_43, %mul3A_42 : i32
      %sub3A = arith.constant 4 : i32
      %sub3A_45 = arith.subi %add3A_44, %sub3A : i32
      %dma_wait3A = arith.constant 0 : i32
      %dma_wait3A_46 = tpu.memref_slice %arg6[%sub3A_45, %dma_wait3A] : memref<80x128xi32, #tpu.memory_space<vmem>> -> memref<1x128xi32, #tpu.memory_space<vmem>>
      %dma_wait3A_47 = tpu.memref_squeeze %dma_wait3A_46 : memref<1x128xi32, #tpu.memory_space<vmem>> -> memref<128xi32, #tpu.memory_space<vmem>>
      %dma_wait3A_48 = arith.constant 0 : i32
      %dma_wait3A_49 = arith.constant 0 : i32
      %dma_wait3A_50 = tpu.memref_slice %arg8[%dma_wait3A_48, %dma_wait3A_49] : memref<10240x128xf32, #tpu.memory_space<vmem_shared>> -> memref<10240x128xf32, #tpu.memory_space<vmem_shared>>
      tpu.wait_indirect_dma semaphore(%arg9 : memref<!tpu.dma_semaphore, #tpu.memory_space<semaphore_mem>>) src(%arg7 : memref<128x128xf32, #tpu.memory_space<vmem>>) dst(%dma_wait3A_50 : memref<10240x128xf32, #tpu.memory_space<vmem_shared>>)
      %dma_start3A_51 = arith.constant 0 : i32
      %dma_start3A_52 = tpu.memref_slice %arg6[%add3A_44, %dma_start3A_51] : memref<80x128xi32, #tpu.memory_space<vmem>> -> memref<1x128xi32, #tpu.memory_space<vmem>>
      %dma_start3A_53 = tpu.memref_squeeze %dma_start3A_52 : memref<1x128xi32, #tpu.memory_space<vmem>> -> memref<128xi32, #tpu.memory_space<vmem>>
      %dma_start3A_54 = arith.constant 0 : i32
      %dma_start3A_55 = arith.constant 0 : i32
      %dma_start3A_56 = tpu.memref_slice %arg8[%dma_start3A_54, %dma_start3A_55] : memref<10240x128xf32, #tpu.memory_space<vmem_shared>> -> memref<10240x128xf32, #tpu.memory_space<vmem_shared>>
      tpu.enqueue_indirect_dma source(%arg7 : memref<128x128xf32, #tpu.memory_space<vmem>>) target(%dma_start3A_56 : memref<10240x128xf32, #tpu.memory_space<vmem_shared>>) offsets(%dma_start3A_53 : memref<128xi32, #tpu.memory_space<vmem>>) semaphore(%arg9 : memref<!tpu.dma_semaphore, #tpu.memory_space<semaphore_mem>>) {add = true}
    }
    %scan3A_33 = arith.constant 76 : i32
    %scan3A_34 = arith.constant 0 : i32
    %scan3A_35 = arith.constant 4 : i32
    %scan3A_36 = arith.addi %scan3A_34, %scan3A_35 : i32
    %scan3A_37 = arith.constant 1 : i32
    scf.for %scan3A_40 = %scan3A_34 to %scan3A_36 step %scan3A_37  : i32 {
      %mul3A_41 = arith.constant 1 : i32
      %mul3A_42 = arith.muli %scan3A_40, %mul3A_41 : i32
      %add3A_43 = arith.constant 0 : i32
      %add3A_44 = arith.addi %add3A_43, %mul3A_42 : i32
      %dma_wait3A = arith.constant 0 : i32
      %dma_wait3A_45 = tpu.memref_slice %arg6[%add3A_44, %dma_wait3A] : memref<80x128xi32, #tpu.memory_space<vmem>> -> memref<1x128xi32, #tpu.memory_space<vmem>>
      %dma_wait3A_46 = tpu.memref_squeeze %dma_wait3A_45 : memref<1x128xi32, #tpu.memory_space<vmem>> -> memref<128xi32, #tpu.memory_space<vmem>>
      %dma_wait3A_47 = arith.constant 0 : i32
      %dma_wait3A_48 = arith.constant 0 : i32
      %dma_wait3A_49 = tpu.memref_slice %arg8[%dma_wait3A_47, %dma_wait3A_48] : memref<10240x128xf32, #tpu.memory_space<vmem_shared>> -> memref<10240x128xf32, #tpu.memory_space<vmem_shared>>
      tpu.wait_indirect_dma semaphore(%arg9 : memref<!tpu.dma_semaphore, #tpu.memory_space<semaphore_mem>>) src(%arg7 : memref<128x128xf32, #tpu.memory_space<vmem>>) dst(%dma_wait3A_49 : memref<10240x128xf32, #tpu.memory_space<vmem_shared>>)
    }
    %scan3A_38 = arith.constant 4 : i32
    %barrier3A_39 = arith.constant 0 : index
    tpu.barrier barrier_id(%barrier3A_39)
    "tpu.region"() ({
      %run_scoped3A = tpu.sem_alloc : memref<!tpu.dma_semaphore, #tpu.memory_space<semaphore_mem>>
      %dma_start3A_40 = arith.constant 0 : i32
      %dma_start3A_41 = tpu.memref_slice %arg5[%arg0, %mul3A_2, %dma_start3A_40] : memref<2x10240x128xf32, #tpu.memory_space<hbm>> -> memref<1x640x128xf32, #tpu.memory_space<hbm>>
      %dma_start3A_42 = tpu.memref_squeeze %dma_start3A_41 : memref<1x640x128xf32, #tpu.memory_space<hbm>> -> memref<640x128xf32, #tpu.memory_space<hbm>>
      %dma_start3A_43 = arith.constant 0 : i32
      %dma_start3A_44 = tpu.memref_slice %arg8[%mul3A_2, %dma_start3A_43] : memref<10240x128xf32, #tpu.memory_space<vmem_shared>> -> memref<640x128xf32, #tpu.memory_space<vmem_shared>>
      tpu.enqueue_dma source(%dma_start3A_44 : memref<640x128xf32, #tpu.memory_space<vmem_shared>>) target(%dma_start3A_42 : memref<640x128xf32, #tpu.memory_space<hbm>>) target_semaphore(%run_scoped3A : memref<!tpu.dma_semaphore, #tpu.memory_space<semaphore_mem>>)
      %dma_wait3A = arith.constant 0 : i32
      %dma_wait3A_45 = tpu.memref_slice %arg5[%arg0, %mul3A_2, %dma_wait3A] : memref<2x10240x128xf32, #tpu.memory_space<hbm>> -> memref<1x640x128xf32, #tpu.memory_space<hbm>>
      %dma_wait3A_46 = tpu.memref_squeeze %dma_wait3A_45 : memref<1x640x128xf32, #tpu.memory_space<hbm>> -> memref<640x128xf32, #tpu.memory_space<hbm>>
      %dma_wait3A_47 = arith.constant 0 : i32
      %dma_wait3A_48 = tpu.memref_slice %arg8[%mul3A_2, %dma_wait3A_47] : memref<10240x128xf32, #tpu.memory_space<vmem_shared>> -> memref<640x128xf32, #tpu.memory_space<vmem_shared>>
      tpu.wait_dma2 semaphore(%run_scoped3A : memref<!tpu.dma_semaphore, #tpu.memory_space<semaphore_mem>>) src(%dma_wait3A_48 : memref<640x128xf32, #tpu.memory_space<vmem_shared>>) dst(%dma_wait3A_46 : memref<640x128xf32, #tpu.memory_space<hbm>>)
      tpu.yield
    }) : () -> ()
    return
  }
}

#map = affine_map<(d0, d1) -> (0, 0)>
#map1 = affine_map<(d0, d1) -> (0, 0, 0, 0)>
#map2 = affine_map<(d0, d1) -> (0, 0, 0)>
module attributes {stable_mosaic.version = 14 : i64} {
  func.func @scatter_kernel(%arg0: i32, %arg1: i32, %arg2: memref<10240x128xf32, #tpu.memory_space<hbm>>, %arg3: memref<32x210x2x48xi32, #tpu.memory_space<hbm>>, %arg4: memref<10240x128xf32, #tpu.memory_space<hbm>>, %arg5: memref<2x10240x128xf32, #tpu.memory_space<hbm>>, %arg6: memref<14x48xi32, #tpu.memory_space<vmem>>, %arg7: memref<7x48x128xf32, #tpu.memory_space<vmem>>, %arg8: memref<10240x128xf32, #tpu.memory_space<vmem_shared>>, %arg9: memref<!tpu.dma_semaphore, #tpu.memory_space<semaphore_mem>>, %arg10: memref<!tpu.dma_semaphore, #tpu.memory_space<semaphore_mem>>, %arg11: memref<!tpu.dma_semaphore, #tpu.memory_space<semaphore_mem>>, %arg12: memref<!tpu.dma_semaphore, #tpu.memory_space<semaphore_mem>>, %arg13: memref<!tpu.dma_semaphore, #tpu.memory_space<semaphore_mem>>, %arg14: memref<!tpu.dma_semaphore, #tpu.memory_space<semaphore_mem>>, %arg15: memref<!tpu.dma_semaphore, #tpu.memory_space<semaphore_mem>>, %arg16: memref<!tpu.dma_semaphore, #tpu.memory_space<semaphore_mem>>, %arg17: memref<!tpu.dma_semaphore, #tpu.memory_space<semaphore_mem>>, %arg18: memref<!tpu.dma_semaphore, #tpu.memory_space<semaphore_mem>>, %arg19: memref<!tpu.dma_semaphore, #tpu.memory_space<semaphore_mem>>, %arg20: memref<!tpu.dma_semaphore, #tpu.memory_space<semaphore_mem>>, %arg21: memref<!tpu.dma_semaphore, #tpu.memory_space<semaphore_mem>>, %arg22: memref<!tpu.dma_semaphore, #tpu.memory_space<semaphore_mem>>, %arg23: memref<!tpu.dma_semaphore, #tpu.memory_space<semaphore_mem>>, %arg24: memref<!tpu.dma_semaphore, #tpu.memory_space<semaphore_mem>>, %arg25: memref<!tpu.dma_semaphore, #tpu.memory_space<semaphore_mem>>, %arg26: memref<!tpu.dma_semaphore, #tpu.memory_space<semaphore_mem>>, %arg27: memref<!tpu.dma_semaphore, #tpu.memory_space<semaphore_mem>>, %arg28: memref<!tpu.dma_semaphore, #tpu.memory_space<semaphore_mem>>, %arg29: memref<!tpu.dma_semaphore, #tpu.memory_space<semaphore_mem>>) attributes {dimension_semantics = [#tpu.dimension_semantics<core_parallel>, #tpu.dimension_semantics<subcore_parallel>], iteration_bounds = array<i64: 2, 16>, scalar_prefetch = 0 : i64, scratch_operands = 24 : i64, tpu.core_type = #tpu.core_type<sc_vector_subcore>, window_params = [{transform_indices = #map}, {transform_indices = #map1}, {transform_indices = #map}, {transform_indices = #map2}]} {
    %mul3A = arith.constant 2 : i32
    %mul3A_0 = arith.muli %arg1, %mul3A : i32
    %add3A = arith.addi %mul3A_0, %arg0 : i32
    %mul3A_1 = arith.constant 640 : i32
    %mul3A_2 = arith.muli %arg1, %mul3A_1 : i32
    %dma_start3A = arith.constant 0 : i32
    %dma_start3A_3 = arith.constant 0 : i32
    %dma_start3A_4 = arith.constant 0 : i32
    %dma_start3A_5 = tpu.memref_slice %arg6[%dma_start3A_3, %dma_start3A_4] : memref<14x48xi32, #tpu.memory_space<vmem>> -> memref<2x48xi32, #tpu.memory_space<vmem>>
    %dma_start3A_6 = arith.constant 0 : i32
    %dma_start3A_7 = arith.constant 0 : i32
    %dma_start3A_8 = tpu.memref_slice %arg3[%add3A, %dma_start3A, %dma_start3A_6, %dma_start3A_7] : memref<32x210x2x48xi32, #tpu.memory_space<hbm>> -> memref<1x1x2x48xi32, #tpu.memory_space<hbm>>
    %dma_start3A_9 = tpu.memref_squeeze %dma_start3A_8 : memref<1x1x2x48xi32, #tpu.memory_space<hbm>> -> memref<2x48xi32, #tpu.memory_space<hbm>>
    %dma_start3A_10 = arith.constant 0 : i32
    %dma_start3A_11 = arith.constant 0 : i32
    %dma_start3A_12 = tpu.memref_slice %arg6[%dma_start3A_10, %dma_start3A_11] : memref<14x48xi32, #tpu.memory_space<vmem>> -> memref<2x48xi32, #tpu.memory_space<vmem>>
    %dma_start3A_13 = arith.constant 0 : i32
    %dma_start3A_14 = arith.constant 0 : i32
    %dma_start3A_15 = tpu.memref_slice %arg3[%add3A, %dma_start3A, %dma_start3A_13, %dma_start3A_14] : memref<32x210x2x48xi32, #tpu.memory_space<hbm>> -> memref<1x1x2x48xi32, #tpu.memory_space<hbm>>
    %dma_start3A_16 = tpu.memref_squeeze %dma_start3A_15 : memref<1x1x2x48xi32, #tpu.memory_space<hbm>> -> memref<2x48xi32, #tpu.memory_space<hbm>>
    tpu.enqueue_dma source(%dma_start3A_16 : memref<2x48xi32, #tpu.memory_space<hbm>>) target(%dma_start3A_12 : memref<2x48xi32, #tpu.memory_space<vmem>>) target_semaphore(%arg9 : memref<!tpu.dma_semaphore, #tpu.memory_space<semaphore_mem>>)
    %dma_start3A_17 = arith.constant 1 : i32
    %dma_start3A_18 = arith.constant 2 : i32
    %dma_start3A_19 = arith.constant 0 : i32
    %dma_start3A_20 = tpu.memref_slice %arg6[%dma_start3A_18, %dma_start3A_19] : memref<14x48xi32, #tpu.memory_space<vmem>> -> memref<2x48xi32, #tpu.memory_space<vmem>>
    %dma_start3A_21 = arith.constant 0 : i32
    %dma_start3A_22 = arith.constant 0 : i32
    %dma_start3A_23 = tpu.memref_slice %arg3[%add3A, %dma_start3A_17, %dma_start3A_21, %dma_start3A_22] : memref<32x210x2x48xi32, #tpu.memory_space<hbm>> -> memref<1x1x2x48xi32, #tpu.memory_space<hbm>>
    %dma_start3A_24 = tpu.memref_squeeze %dma_start3A_23 : memref<1x1x2x48xi32, #tpu.memory_space<hbm>> -> memref<2x48xi32, #tpu.memory_space<hbm>>
    %dma_start3A_25 = arith.constant 2 : i32
    %dma_start3A_26 = arith.constant 0 : i32
    %dma_start3A_27 = tpu.memref_slice %arg6[%dma_start3A_25, %dma_start3A_26] : memref<14x48xi32, #tpu.memory_space<vmem>> -> memref<2x48xi32, #tpu.memory_space<vmem>>
    %dma_start3A_28 = arith.constant 0 : i32
    %dma_start3A_29 = arith.constant 0 : i32
    %dma_start3A_30 = tpu.memref_slice %arg3[%add3A, %dma_start3A_17, %dma_start3A_28, %dma_start3A_29] : memref<32x210x2x48xi32, #tpu.memory_space<hbm>> -> memref<1x1x2x48xi32, #tpu.memory_space<hbm>>
    %dma_start3A_31 = tpu.memref_squeeze %dma_start3A_30 : memref<1x1x2x48xi32, #tpu.memory_space<hbm>> -> memref<2x48xi32, #tpu.memory_space<hbm>>
    tpu.enqueue_dma source(%dma_start3A_31 : memref<2x48xi32, #tpu.memory_space<hbm>>) target(%dma_start3A_27 : memref<2x48xi32, #tpu.memory_space<vmem>>) target_semaphore(%arg10 : memref<!tpu.dma_semaphore, #tpu.memory_space<semaphore_mem>>)
    %dma_start3A_32 = arith.constant 2 : i32
    %dma_start3A_33 = arith.constant 4 : i32
    %dma_start3A_34 = arith.constant 0 : i32
    %dma_start3A_35 = tpu.memref_slice %arg6[%dma_start3A_33, %dma_start3A_34] : memref<14x48xi32, #tpu.memory_space<vmem>> -> memref<2x48xi32, #tpu.memory_space<vmem>>
    %dma_start3A_36 = arith.constant 0 : i32
    %dma_start3A_37 = arith.constant 0 : i32
    %dma_start3A_38 = tpu.memref_slice %arg3[%add3A, %dma_start3A_32, %dma_start3A_36, %dma_start3A_37] : memref<32x210x2x48xi32, #tpu.memory_space<hbm>> -> memref<1x1x2x48xi32, #tpu.memory_space<hbm>>
    %dma_start3A_39 = tpu.memref_squeeze %dma_start3A_38 : memref<1x1x2x48xi32, #tpu.memory_space<hbm>> -> memref<2x48xi32, #tpu.memory_space<hbm>>
    %dma_start3A_40 = arith.constant 4 : i32
    %dma_start3A_41 = arith.constant 0 : i32
    %dma_start3A_42 = tpu.memref_slice %arg6[%dma_start3A_40, %dma_start3A_41] : memref<14x48xi32, #tpu.memory_space<vmem>> -> memref<2x48xi32, #tpu.memory_space<vmem>>
    %dma_start3A_43 = arith.constant 0 : i32
    %dma_start3A_44 = arith.constant 0 : i32
    %dma_start3A_45 = tpu.memref_slice %arg3[%add3A, %dma_start3A_32, %dma_start3A_43, %dma_start3A_44] : memref<32x210x2x48xi32, #tpu.memory_space<hbm>> -> memref<1x1x2x48xi32, #tpu.memory_space<hbm>>
    %dma_start3A_46 = tpu.memref_squeeze %dma_start3A_45 : memref<1x1x2x48xi32, #tpu.memory_space<hbm>> -> memref<2x48xi32, #tpu.memory_space<hbm>>
    tpu.enqueue_dma source(%dma_start3A_46 : memref<2x48xi32, #tpu.memory_space<hbm>>) target(%dma_start3A_42 : memref<2x48xi32, #tpu.memory_space<vmem>>) target_semaphore(%arg11 : memref<!tpu.dma_semaphore, #tpu.memory_space<semaphore_mem>>)
    %dma_start3A_47 = arith.constant 3 : i32
    %dma_start3A_48 = arith.constant 6 : i32
    %dma_start3A_49 = arith.constant 0 : i32
    %dma_start3A_50 = tpu.memref_slice %arg6[%dma_start3A_48, %dma_start3A_49] : memref<14x48xi32, #tpu.memory_space<vmem>> -> memref<2x48xi32, #tpu.memory_space<vmem>>
    %dma_start3A_51 = arith.constant 0 : i32
    %dma_start3A_52 = arith.constant 0 : i32
    %dma_start3A_53 = tpu.memref_slice %arg3[%add3A, %dma_start3A_47, %dma_start3A_51, %dma_start3A_52] : memref<32x210x2x48xi32, #tpu.memory_space<hbm>> -> memref<1x1x2x48xi32, #tpu.memory_space<hbm>>
    %dma_start3A_54 = tpu.memref_squeeze %dma_start3A_53 : memref<1x1x2x48xi32, #tpu.memory_space<hbm>> -> memref<2x48xi32, #tpu.memory_space<hbm>>
    %dma_start3A_55 = arith.constant 6 : i32
    %dma_start3A_56 = arith.constant 0 : i32
    %dma_start3A_57 = tpu.memref_slice %arg6[%dma_start3A_55, %dma_start3A_56] : memref<14x48xi32, #tpu.memory_space<vmem>> -> memref<2x48xi32, #tpu.memory_space<vmem>>
    %dma_start3A_58 = arith.constant 0 : i32
    %dma_start3A_59 = arith.constant 0 : i32
    %dma_start3A_60 = tpu.memref_slice %arg3[%add3A, %dma_start3A_47, %dma_start3A_58, %dma_start3A_59] : memref<32x210x2x48xi32, #tpu.memory_space<hbm>> -> memref<1x1x2x48xi32, #tpu.memory_space<hbm>>
    %dma_start3A_61 = tpu.memref_squeeze %dma_start3A_60 : memref<1x1x2x48xi32, #tpu.memory_space<hbm>> -> memref<2x48xi32, #tpu.memory_space<hbm>>
    tpu.enqueue_dma source(%dma_start3A_61 : memref<2x48xi32, #tpu.memory_space<hbm>>) target(%dma_start3A_57 : memref<2x48xi32, #tpu.memory_space<vmem>>) target_semaphore(%arg12 : memref<!tpu.dma_semaphore, #tpu.memory_space<semaphore_mem>>)
    "tpu.region"() ({
      %run_scoped3A = tpu.sem_alloc : memref<!tpu.dma_semaphore, #tpu.memory_space<semaphore_mem>>
      %dma_start3A_183 = arith.constant 0 : i32
      %dma_start3A_184 = tpu.memref_slice %arg8[%mul3A_2, %dma_start3A_183] : memref<10240x128xf32, #tpu.memory_space<vmem_shared>> -> memref<640x128xf32, #tpu.memory_space<vmem_shared>>
      %dma_start3A_185 = arith.constant 0 : i32
      %dma_start3A_186 = tpu.memref_slice %arg4[%mul3A_2, %dma_start3A_185] : memref<10240x128xf32, #tpu.memory_space<hbm>> -> memref<640x128xf32, #tpu.memory_space<hbm>>
      tpu.enqueue_dma source(%dma_start3A_186 : memref<640x128xf32, #tpu.memory_space<hbm>>) target(%dma_start3A_184 : memref<640x128xf32, #tpu.memory_space<vmem_shared>>) target_semaphore(%run_scoped3A : memref<!tpu.dma_semaphore, #tpu.memory_space<semaphore_mem>>)
      %dma_wait3A_187 = arith.constant 0 : i32
      %dma_wait3A_188 = tpu.memref_slice %arg8[%mul3A_2, %dma_wait3A_187] : memref<10240x128xf32, #tpu.memory_space<vmem_shared>> -> memref<640x128xf32, #tpu.memory_space<vmem_shared>>
      %dma_wait3A_189 = arith.constant 0 : i32
      %dma_wait3A_190 = tpu.memref_slice %arg4[%mul3A_2, %dma_wait3A_189] : memref<10240x128xf32, #tpu.memory_space<hbm>> -> memref<640x128xf32, #tpu.memory_space<hbm>>
      tpu.wait_dma2 semaphore(%run_scoped3A : memref<!tpu.dma_semaphore, #tpu.memory_space<semaphore_mem>>) src(%dma_wait3A_190 : memref<640x128xf32, #tpu.memory_space<hbm>>) dst(%dma_wait3A_188 : memref<640x128xf32, #tpu.memory_space<vmem_shared>>)
      tpu.yield
    }) : () -> ()
    %barrier3A = arith.constant 0 : index
    tpu.barrier barrier_id(%barrier3A)
    %dma_wait3A = arith.constant 0 : i32
    %dma_wait3A_62 = arith.constant 0 : i32
    %dma_wait3A_63 = arith.constant 0 : i32
    %dma_wait3A_64 = tpu.memref_slice %arg6[%dma_wait3A_62, %dma_wait3A_63] : memref<14x48xi32, #tpu.memory_space<vmem>> -> memref<2x48xi32, #tpu.memory_space<vmem>>
    %dma_wait3A_65 = arith.constant 0 : i32
    %dma_wait3A_66 = arith.constant 0 : i32
    %dma_wait3A_67 = tpu.memref_slice %arg3[%add3A, %dma_wait3A, %dma_wait3A_65, %dma_wait3A_66] : memref<32x210x2x48xi32, #tpu.memory_space<hbm>> -> memref<1x1x2x48xi32, #tpu.memory_space<hbm>>
    %dma_wait3A_68 = tpu.memref_squeeze %dma_wait3A_67 : memref<1x1x2x48xi32, #tpu.memory_space<hbm>> -> memref<2x48xi32, #tpu.memory_space<hbm>>
    %dma_wait3A_69 = arith.constant 0 : i32
    %dma_wait3A_70 = arith.constant 0 : i32
    %dma_wait3A_71 = tpu.memref_slice %arg6[%dma_wait3A_69, %dma_wait3A_70] : memref<14x48xi32, #tpu.memory_space<vmem>> -> memref<2x48xi32, #tpu.memory_space<vmem>>
    %dma_wait3A_72 = arith.constant 0 : i32
    %dma_wait3A_73 = arith.constant 0 : i32
    %dma_wait3A_74 = tpu.memref_slice %arg3[%add3A, %dma_wait3A, %dma_wait3A_72, %dma_wait3A_73] : memref<32x210x2x48xi32, #tpu.memory_space<hbm>> -> memref<1x1x2x48xi32, #tpu.memory_space<hbm>>
    %dma_wait3A_75 = tpu.memref_squeeze %dma_wait3A_74 : memref<1x1x2x48xi32, #tpu.memory_space<hbm>> -> memref<2x48xi32, #tpu.memory_space<hbm>>
    tpu.wait_dma2 semaphore(%arg9 : memref<!tpu.dma_semaphore, #tpu.memory_space<semaphore_mem>>) src(%dma_wait3A_75 : memref<2x48xi32, #tpu.memory_space<hbm>>) dst(%dma_wait3A_71 : memref<2x48xi32, #tpu.memory_space<vmem>>)
    %dma_start3A_76 = arith.constant 0 : i32
    %dma_start3A_77 = arith.constant 0 : i32
    %dma_start3A_78 = arith.constant 0 : i32
    %dma_start3A_79 = arith.constant 0 : i32
    %dma_start3A_80 = tpu.memref_slice %arg7[%dma_start3A_77, %dma_start3A_78, %dma_start3A_79] : memref<7x48x128xf32, #tpu.memory_space<vmem>> -> memref<1x48x128xf32, #tpu.memory_space<vmem>>
    %dma_start3A_81 = tpu.memref_squeeze %dma_start3A_80 : memref<1x48x128xf32, #tpu.memory_space<vmem>> -> memref<48x128xf32, #tpu.memory_space<vmem>>
    %dma_start3A_82 = arith.constant 0 : i32
    %dma_start3A_83 = tpu.memref_slice %arg6[%dma_start3A_76, %dma_start3A_82] : memref<14x48xi32, #tpu.memory_space<vmem>> -> memref<1x48xi32, #tpu.memory_space<vmem>>
    %dma_start3A_84 = tpu.memref_squeeze %dma_start3A_83 : memref<1x48xi32, #tpu.memory_space<vmem>> -> memref<48xi32, #tpu.memory_space<vmem>>
    %dma_start3A_85 = arith.constant 0 : i32
    %dma_start3A_86 = arith.constant 0 : i32
    %dma_start3A_87 = tpu.memref_slice %arg2[%dma_start3A_85, %dma_start3A_86] : memref<10240x128xf32, #tpu.memory_space<hbm>> -> memref<10240x128xf32, #tpu.memory_space<hbm>>
    tpu.enqueue_indirect_dma source(%dma_start3A_87 : memref<10240x128xf32, #tpu.memory_space<hbm>>) target(%dma_start3A_81 : memref<48x128xf32, #tpu.memory_space<vmem>>) offsets(%dma_start3A_84 : memref<48xi32, #tpu.memory_space<vmem>>) semaphore(%arg16 : memref<!tpu.dma_semaphore, #tpu.memory_space<semaphore_mem>>)
    %dma_wait3A_88 = arith.constant 1 : i32
    %dma_wait3A_89 = arith.constant 2 : i32
    %dma_wait3A_90 = arith.constant 0 : i32
    %dma_wait3A_91 = tpu.memref_slice %arg6[%dma_wait3A_89, %dma_wait3A_90] : memref<14x48xi32, #tpu.memory_space<vmem>> -> memref<2x48xi32, #tpu.memory_space<vmem>>
    %dma_wait3A_92 = arith.constant 0 : i32
    %dma_wait3A_93 = arith.constant 0 : i32
    %dma_wait3A_94 = tpu.memref_slice %arg3[%add3A, %dma_wait3A_88, %dma_wait3A_92, %dma_wait3A_93] : memref<32x210x2x48xi32, #tpu.memory_space<hbm>> -> memref<1x1x2x48xi32, #tpu.memory_space<hbm>>
    %dma_wait3A_95 = tpu.memref_squeeze %dma_wait3A_94 : memref<1x1x2x48xi32, #tpu.memory_space<hbm>> -> memref<2x48xi32, #tpu.memory_space<hbm>>
    %dma_wait3A_96 = arith.constant 2 : i32
    %dma_wait3A_97 = arith.constant 0 : i32
    %dma_wait3A_98 = tpu.memref_slice %arg6[%dma_wait3A_96, %dma_wait3A_97] : memref<14x48xi32, #tpu.memory_space<vmem>> -> memref<2x48xi32, #tpu.memory_space<vmem>>
    %dma_wait3A_99 = arith.constant 0 : i32
    %dma_wait3A_100 = arith.constant 0 : i32
    %dma_wait3A_101 = tpu.memref_slice %arg3[%add3A, %dma_wait3A_88, %dma_wait3A_99, %dma_wait3A_100] : memref<32x210x2x48xi32, #tpu.memory_space<hbm>> -> memref<1x1x2x48xi32, #tpu.memory_space<hbm>>
    %dma_wait3A_102 = tpu.memref_squeeze %dma_wait3A_101 : memref<1x1x2x48xi32, #tpu.memory_space<hbm>> -> memref<2x48xi32, #tpu.memory_space<hbm>>
    tpu.wait_dma2 semaphore(%arg10 : memref<!tpu.dma_semaphore, #tpu.memory_space<semaphore_mem>>) src(%dma_wait3A_102 : memref<2x48xi32, #tpu.memory_space<hbm>>) dst(%dma_wait3A_98 : memref<2x48xi32, #tpu.memory_space<vmem>>)
    %dma_start3A_103 = arith.constant 2 : i32
    %dma_start3A_104 = arith.constant 1 : i32
    %dma_start3A_105 = arith.constant 0 : i32
    %dma_start3A_106 = arith.constant 0 : i32
    %dma_start3A_107 = tpu.memref_slice %arg7[%dma_start3A_104, %dma_start3A_105, %dma_start3A_106] : memref<7x48x128xf32, #tpu.memory_space<vmem>> -> memref<1x48x128xf32, #tpu.memory_space<vmem>>
    %dma_start3A_108 = tpu.memref_squeeze %dma_start3A_107 : memref<1x48x128xf32, #tpu.memory_space<vmem>> -> memref<48x128xf32, #tpu.memory_space<vmem>>
    %dma_start3A_109 = arith.constant 0 : i32
    %dma_start3A_110 = tpu.memref_slice %arg6[%dma_start3A_103, %dma_start3A_109] : memref<14x48xi32, #tpu.memory_space<vmem>> -> memref<1x48xi32, #tpu.memory_space<vmem>>
    %dma_start3A_111 = tpu.memref_squeeze %dma_start3A_110 : memref<1x48xi32, #tpu.memory_space<vmem>> -> memref<48xi32, #tpu.memory_space<vmem>>
    %dma_start3A_112 = arith.constant 0 : i32
    %dma_start3A_113 = arith.constant 0 : i32
    %dma_start3A_114 = tpu.memref_slice %arg2[%dma_start3A_112, %dma_start3A_113] : memref<10240x128xf32, #tpu.memory_space<hbm>> -> memref<10240x128xf32, #tpu.memory_space<hbm>>
    tpu.enqueue_indirect_dma source(%dma_start3A_114 : memref<10240x128xf32, #tpu.memory_space<hbm>>) target(%dma_start3A_108 : memref<48x128xf32, #tpu.memory_space<vmem>>) offsets(%dma_start3A_111 : memref<48xi32, #tpu.memory_space<vmem>>) semaphore(%arg17 : memref<!tpu.dma_semaphore, #tpu.memory_space<semaphore_mem>>)
    %dma_wait3A_115 = arith.constant 2 : i32
    %dma_wait3A_116 = arith.constant 4 : i32
    %dma_wait3A_117 = arith.constant 0 : i32
    %dma_wait3A_118 = tpu.memref_slice %arg6[%dma_wait3A_116, %dma_wait3A_117] : memref<14x48xi32, #tpu.memory_space<vmem>> -> memref<2x48xi32, #tpu.memory_space<vmem>>
    %dma_wait3A_119 = arith.constant 0 : i32
    %dma_wait3A_120 = arith.constant 0 : i32
    %dma_wait3A_121 = tpu.memref_slice %arg3[%add3A, %dma_wait3A_115, %dma_wait3A_119, %dma_wait3A_120] : memref<32x210x2x48xi32, #tpu.memory_space<hbm>> -> memref<1x1x2x48xi32, #tpu.memory_space<hbm>>
    %dma_wait3A_122 = tpu.memref_squeeze %dma_wait3A_121 : memref<1x1x2x48xi32, #tpu.memory_space<hbm>> -> memref<2x48xi32, #tpu.memory_space<hbm>>
    %dma_wait3A_123 = arith.constant 4 : i32
    %dma_wait3A_124 = arith.constant 0 : i32
    %dma_wait3A_125 = tpu.memref_slice %arg6[%dma_wait3A_123, %dma_wait3A_124] : memref<14x48xi32, #tpu.memory_space<vmem>> -> memref<2x48xi32, #tpu.memory_space<vmem>>
    %dma_wait3A_126 = arith.constant 0 : i32
    %dma_wait3A_127 = arith.constant 0 : i32
    %dma_wait3A_128 = tpu.memref_slice %arg3[%add3A, %dma_wait3A_115, %dma_wait3A_126, %dma_wait3A_127] : memref<32x210x2x48xi32, #tpu.memory_space<hbm>> -> memref<1x1x2x48xi32, #tpu.memory_space<hbm>>
    %dma_wait3A_129 = tpu.memref_squeeze %dma_wait3A_128 : memref<1x1x2x48xi32, #tpu.memory_space<hbm>> -> memref<2x48xi32, #tpu.memory_space<hbm>>
    tpu.wait_dma2 semaphore(%arg11 : memref<!tpu.dma_semaphore, #tpu.memory_space<semaphore_mem>>) src(%dma_wait3A_129 : memref<2x48xi32, #tpu.memory_space<hbm>>) dst(%dma_wait3A_125 : memref<2x48xi32, #tpu.memory_space<vmem>>)
    %dma_start3A_130 = arith.constant 4 : i32
    %dma_start3A_131 = arith.constant 2 : i32
    %dma_start3A_132 = arith.constant 0 : i32
    %dma_start3A_133 = arith.constant 0 : i32
    %dma_start3A_134 = tpu.memref_slice %arg7[%dma_start3A_131, %dma_start3A_132, %dma_start3A_133] : memref<7x48x128xf32, #tpu.memory_space<vmem>> -> memref<1x48x128xf32, #tpu.memory_space<vmem>>
    %dma_start3A_135 = tpu.memref_squeeze %dma_start3A_134 : memref<1x48x128xf32, #tpu.memory_space<vmem>> -> memref<48x128xf32, #tpu.memory_space<vmem>>
    %dma_start3A_136 = arith.constant 0 : i32
    %dma_start3A_137 = tpu.memref_slice %arg6[%dma_start3A_130, %dma_start3A_136] : memref<14x48xi32, #tpu.memory_space<vmem>> -> memref<1x48xi32, #tpu.memory_space<vmem>>
    %dma_start3A_138 = tpu.memref_squeeze %dma_start3A_137 : memref<1x48xi32, #tpu.memory_space<vmem>> -> memref<48xi32, #tpu.memory_space<vmem>>
    %dma_start3A_139 = arith.constant 0 : i32
    %dma_start3A_140 = arith.constant 0 : i32
    %dma_start3A_141 = tpu.memref_slice %arg2[%dma_start3A_139, %dma_start3A_140] : memref<10240x128xf32, #tpu.memory_space<hbm>> -> memref<10240x128xf32, #tpu.memory_space<hbm>>
    tpu.enqueue_indirect_dma source(%dma_start3A_141 : memref<10240x128xf32, #tpu.memory_space<hbm>>) target(%dma_start3A_135 : memref<48x128xf32, #tpu.memory_space<vmem>>) offsets(%dma_start3A_138 : memref<48xi32, #tpu.memory_space<vmem>>) semaphore(%arg18 : memref<!tpu.dma_semaphore, #tpu.memory_space<semaphore_mem>>)
    %scan3A = arith.constant 0 : i32
    %scan3A_142 = arith.constant 30 : i32
    %scan3A_143 = arith.addi %scan3A, %scan3A_142 : i32
    %scan3A_144 = arith.constant 1 : i32
    scf.for %scan3A_183 = %scan3A to %scan3A_143 step %scan3A_144  : i32 {
      %mul3A_184 = arith.constant 7 : i32
      %mul3A_185 = arith.muli %scan3A_183, %mul3A_184 : i32
      %add3A_186 = arith.constant 0 : i32
      %add3A_187 = arith.addi %add3A_186, %mul3A_185 : i32
      %add3A_188 = arith.constant 0 : i32
      %add3A_189 = arith.addi %add3A_187, %add3A_188 : i32
      %ge3A = arith.constant 3 : i32
      %ge3A_190 = arith.cmpi sge, %add3A_189, %ge3A : i32
      %convert_element_type3A = arith.extui %ge3A_190 : i1 to i32
      %cond3A = arith.constant 0 : i32
      %cond3A_191 = arith.cmpi ne, %convert_element_type3A, %cond3A : i32
      scf.if %cond3A_191 {
        %dma_wait3A_513 = arith.constant 4 : i32
        %dma_wait3A_514 = arith.constant 9 : i32
        %dma_wait3A_515 = arith.constant 0 : i32
        %dma_wait3A_516 = arith.constant 0 : i32
        %dma_wait3A_517 = tpu.memref_slice %arg7[%dma_wait3A_513, %dma_wait3A_515, %dma_wait3A_516] : memref<7x48x128xf32, #tpu.memory_space<vmem>> -> memref<1x48x128xf32, #tpu.memory_space<vmem>>
        %dma_wait3A_518 = tpu.memref_squeeze %dma_wait3A_517 : memref<1x48x128xf32, #tpu.memory_space<vmem>> -> memref<48x128xf32, #tpu.memory_space<vmem>>
        %dma_wait3A_519 = arith.constant 0 : i32
        %dma_wait3A_520 = tpu.memref_slice %arg6[%dma_wait3A_514, %dma_wait3A_519] : memref<14x48xi32, #tpu.memory_space<vmem>> -> memref<1x48xi32, #tpu.memory_space<vmem>>
        %dma_wait3A_521 = tpu.memref_squeeze %dma_wait3A_520 : memref<1x48xi32, #tpu.memory_space<vmem>> -> memref<48xi32, #tpu.memory_space<vmem>>
        %dma_wait3A_522 = arith.constant 0 : i32
        %dma_wait3A_523 = arith.constant 0 : i32
        %dma_wait3A_524 = tpu.memref_slice %arg8[%dma_wait3A_522, %dma_wait3A_523] : memref<10240x128xf32, #tpu.memory_space<vmem_shared>> -> memref<10240x128xf32, #tpu.memory_space<vmem_shared>>
        tpu.wait_indirect_dma semaphore(%arg27 : memref<!tpu.dma_semaphore, #tpu.memory_space<semaphore_mem>>) src(%dma_wait3A_518 : memref<48x128xf32, #tpu.memory_space<vmem>>) dst(%dma_wait3A_524 : memref<10240x128xf32, #tpu.memory_space<vmem_shared>>)
      } else {
      }
      %add3A_192 = arith.constant 3 : i32
      %add3A_193 = arith.addi %add3A_189, %add3A_192 : i32
      %add3A_194 = arith.constant 1 : i32
      %add3A_195 = arith.addi %add3A_193, %add3A_194 : i32
      %lt3A = arith.constant 210 : i32
      %lt3A_196 = arith.cmpi slt, %add3A_195, %lt3A : i32
      %convert_element_type3A_197 = arith.extui %lt3A_196 : i1 to i32
      %cond3A_198 = arith.constant 0 : i32
      %cond3A_199 = arith.cmpi ne, %convert_element_type3A_197, %cond3A_198 : i32
      scf.if %cond3A_199 {
        %add3A_513 = arith.constant 3 : i32
        %add3A_514 = arith.addi %add3A_189, %add3A_513 : i32
        %add3A_515 = arith.constant 1 : i32
        %add3A_516 = arith.addi %add3A_514, %add3A_515 : i32
        %dma_start3A_517 = arith.constant 8 : i32
        %dma_start3A_518 = arith.constant 0 : i32
        %dma_start3A_519 = tpu.memref_slice %arg6[%dma_start3A_517, %dma_start3A_518] : memref<14x48xi32, #tpu.memory_space<vmem>> -> memref<2x48xi32, #tpu.memory_space<vmem>>
        %dma_start3A_520 = arith.constant 0 : i32
        %dma_start3A_521 = arith.constant 0 : i32
        %dma_start3A_522 = tpu.memref_slice %arg3[%add3A, %add3A_516, %dma_start3A_520, %dma_start3A_521] : memref<32x210x2x48xi32, #tpu.memory_space<hbm>> -> memref<1x1x2x48xi32, #tpu.memory_space<hbm>>
        %dma_start3A_523 = tpu.memref_squeeze %dma_start3A_522 : memref<1x1x2x48xi32, #tpu.memory_space<hbm>> -> memref<2x48xi32, #tpu.memory_space<hbm>>
        %dma_start3A_524 = arith.constant 8 : i32
        %dma_start3A_525 = arith.constant 0 : i32
        %dma_start3A_526 = tpu.memref_slice %arg6[%dma_start3A_524, %dma_start3A_525] : memref<14x48xi32, #tpu.memory_space<vmem>> -> memref<2x48xi32, #tpu.memory_space<vmem>>
        %dma_start3A_527 = arith.constant 0 : i32
        %dma_start3A_528 = arith.constant 0 : i32
        %dma_start3A_529 = tpu.memref_slice %arg3[%add3A, %add3A_516, %dma_start3A_527, %dma_start3A_528] : memref<32x210x2x48xi32, #tpu.memory_space<hbm>> -> memref<1x1x2x48xi32, #tpu.memory_space<hbm>>
        %dma_start3A_530 = tpu.memref_squeeze %dma_start3A_529 : memref<1x1x2x48xi32, #tpu.memory_space<hbm>> -> memref<2x48xi32, #tpu.memory_space<hbm>>
        tpu.enqueue_dma source(%dma_start3A_530 : memref<2x48xi32, #tpu.memory_space<hbm>>) target(%dma_start3A_526 : memref<2x48xi32, #tpu.memory_space<vmem>>) target_semaphore(%arg13 : memref<!tpu.dma_semaphore, #tpu.memory_space<semaphore_mem>>)
      } else {
      }
      %add3A_200 = arith.constant 3 : i32
      %add3A_201 = arith.addi %add3A_189, %add3A_200 : i32
      %lt3A_202 = arith.constant 210 : i32
      %lt3A_203 = arith.cmpi slt, %add3A_201, %lt3A_202 : i32
      %convert_element_type3A_204 = arith.extui %lt3A_203 : i1 to i32
      %cond3A_205 = arith.constant 0 : i32
      %cond3A_206 = arith.cmpi ne, %convert_element_type3A_204, %cond3A_205 : i32
      scf.if %cond3A_206 {
        %add3A_513 = arith.constant 3 : i32
        %add3A_514 = arith.addi %add3A_189, %add3A_513 : i32
        %dma_wait3A_515 = arith.constant 6 : i32
        %dma_wait3A_516 = arith.constant 0 : i32
        %dma_wait3A_517 = tpu.memref_slice %arg6[%dma_wait3A_515, %dma_wait3A_516] : memref<14x48xi32, #tpu.memory_space<vmem>> -> memref<2x48xi32, #tpu.memory_space<vmem>>
        %dma_wait3A_518 = arith.constant 0 : i32
        %dma_wait3A_519 = arith.constant 0 : i32
        %dma_wait3A_520 = tpu.memref_slice %arg3[%add3A, %add3A_514, %dma_wait3A_518, %dma_wait3A_519] : memref<32x210x2x48xi32, #tpu.memory_space<hbm>> -> memref<1x1x2x48xi32, #tpu.memory_space<hbm>>
        %dma_wait3A_521 = tpu.memref_squeeze %dma_wait3A_520 : memref<1x1x2x48xi32, #tpu.memory_space<hbm>> -> memref<2x48xi32, #tpu.memory_space<hbm>>
        %dma_wait3A_522 = arith.constant 6 : i32
        %dma_wait3A_523 = arith.constant 0 : i32
        %dma_wait3A_524 = tpu.memref_slice %arg6[%dma_wait3A_522, %dma_wait3A_523] : memref<14x48xi32, #tpu.memory_space<vmem>> -> memref<2x48xi32, #tpu.memory_space<vmem>>
        %dma_wait3A_525 = arith.constant 0 : i32
        %dma_wait3A_526 = arith.constant 0 : i32
        %dma_wait3A_527 = tpu.memref_slice %arg3[%add3A, %add3A_514, %dma_wait3A_525, %dma_wait3A_526] : memref<32x210x2x48xi32, #tpu.memory_space<hbm>> -> memref<1x1x2x48xi32, #tpu.memory_space<hbm>>
        %dma_wait3A_528 = tpu.memref_squeeze %dma_wait3A_527 : memref<1x1x2x48xi32, #tpu.memory_space<hbm>> -> memref<2x48xi32, #tpu.memory_space<hbm>>
        tpu.wait_dma2 semaphore(%arg12 : memref<!tpu.dma_semaphore, #tpu.memory_space<semaphore_mem>>) src(%dma_wait3A_528 : memref<2x48xi32, #tpu.memory_space<hbm>>) dst(%dma_wait3A_524 : memref<2x48xi32, #tpu.memory_space<vmem>>)
        %dma_start3A_529 = arith.constant 6 : i32
        %dma_start3A_530 = arith.constant 3 : i32
        %dma_start3A_531 = arith.constant 0 : i32
        %dma_start3A_532 = arith.constant 0 : i32
        %dma_start3A_533 = tpu.memref_slice %arg7[%dma_start3A_530, %dma_start3A_531, %dma_start3A_532] : memref<7x48x128xf32, #tpu.memory_space<vmem>> -> memref<1x48x128xf32, #tpu.memory_space<vmem>>
        %dma_start3A_534 = tpu.memref_squeeze %dma_start3A_533 : memref<1x48x128xf32, #tpu.memory_space<vmem>> -> memref<48x128xf32, #tpu.memory_space<vmem>>
        %dma_start3A_535 = arith.constant 0 : i32
        %dma_start3A_536 = tpu.memref_slice %arg6[%dma_start3A_529, %dma_start3A_535] : memref<14x48xi32, #tpu.memory_space<vmem>> -> memref<1x48xi32, #tpu.memory_space<vmem>>
        %dma_start3A_537 = tpu.memref_squeeze %dma_start3A_536 : memref<1x48xi32, #tpu.memory_space<vmem>> -> memref<48xi32, #tpu.memory_space<vmem>>
        %dma_start3A_538 = arith.constant 0 : i32
        %dma_start3A_539 = arith.constant 0 : i32
        %dma_start3A_540 = tpu.memref_slice %arg2[%dma_start3A_538, %dma_start3A_539] : memref<10240x128xf32, #tpu.memory_space<hbm>> -> memref<10240x128xf32, #tpu.memory_space<hbm>>
        tpu.enqueue_indirect_dma source(%dma_start3A_540 : memref<10240x128xf32, #tpu.memory_space<hbm>>) target(%dma_start3A_534 : memref<48x128xf32, #tpu.memory_space<vmem>>) offsets(%dma_start3A_537 : memref<48xi32, #tpu.memory_space<vmem>>) semaphore(%arg19 : memref<!tpu.dma_semaphore, #tpu.memory_space<semaphore_mem>>)
      } else {
      }
      %dma_wait3A_207 = arith.constant 0 : i32
      %dma_wait3A_208 = arith.constant 0 : i32
      %dma_wait3A_209 = arith.constant 0 : i32
      %dma_wait3A_210 = arith.constant 0 : i32
      %dma_wait3A_211 = tpu.memref_slice %arg7[%dma_wait3A_208, %dma_wait3A_209, %dma_wait3A_210] : memref<7x48x128xf32, #tpu.memory_space<vmem>> -> memref<1x48x128xf32, #tpu.memory_space<vmem>>
      %dma_wait3A_212 = tpu.memref_squeeze %dma_wait3A_211 : memref<1x48x128xf32, #tpu.memory_space<vmem>> -> memref<48x128xf32, #tpu.memory_space<vmem>>
      %dma_wait3A_213 = arith.constant 0 : i32
      %dma_wait3A_214 = tpu.memref_slice %arg6[%dma_wait3A_207, %dma_wait3A_213] : memref<14x48xi32, #tpu.memory_space<vmem>> -> memref<1x48xi32, #tpu.memory_space<vmem>>
      %dma_wait3A_215 = tpu.memref_squeeze %dma_wait3A_214 : memref<1x48xi32, #tpu.memory_space<vmem>> -> memref<48xi32, #tpu.memory_space<vmem>>
      %dma_wait3A_216 = arith.constant 0 : i32
      %dma_wait3A_217 = arith.constant 0 : i32
      %dma_wait3A_218 = tpu.memref_slice %arg2[%dma_wait3A_216, %dma_wait3A_217] : memref<10240x128xf32, #tpu.memory_space<hbm>> -> memref<10240x128xf32, #tpu.memory_space<hbm>>
      tpu.wait_indirect_dma semaphore(%arg16 : memref<!tpu.dma_semaphore, #tpu.memory_space<semaphore_mem>>) src(%dma_wait3A_218 : memref<10240x128xf32, #tpu.memory_space<hbm>>) dst(%dma_wait3A_212 : memref<48x128xf32, #tpu.memory_space<vmem>>)
      %dma_start3A_219 = arith.constant 0 : i32
      %dma_start3A_220 = arith.constant 1 : i32
      %dma_start3A_221 = arith.constant 0 : i32
      %dma_start3A_222 = arith.constant 0 : i32
      %dma_start3A_223 = tpu.memref_slice %arg7[%dma_start3A_219, %dma_start3A_221, %dma_start3A_222] : memref<7x48x128xf32, #tpu.memory_space<vmem>> -> memref<1x48x128xf32, #tpu.memory_space<vmem>>
      %dma_start3A_224 = tpu.memref_squeeze %dma_start3A_223 : memref<1x48x128xf32, #tpu.memory_space<vmem>> -> memref<48x128xf32, #tpu.memory_space<vmem>>
      %dma_start3A_225 = arith.constant 0 : i32
      %dma_start3A_226 = tpu.memref_slice %arg6[%dma_start3A_220, %dma_start3A_225] : memref<14x48xi32, #tpu.memory_space<vmem>> -> memref<1x48xi32, #tpu.memory_space<vmem>>
      %dma_start3A_227 = tpu.memref_squeeze %dma_start3A_226 : memref<1x48xi32, #tpu.memory_space<vmem>> -> memref<48xi32, #tpu.memory_space<vmem>>
      %dma_start3A_228 = arith.constant 0 : i32
      %dma_start3A_229 = arith.constant 0 : i32
      %dma_start3A_230 = tpu.memref_slice %arg8[%dma_start3A_228, %dma_start3A_229] : memref<10240x128xf32, #tpu.memory_space<vmem_shared>> -> memref<10240x128xf32, #tpu.memory_space<vmem_shared>>
      tpu.enqueue_indirect_dma source(%dma_start3A_224 : memref<48x128xf32, #tpu.memory_space<vmem>>) target(%dma_start3A_230 : memref<10240x128xf32, #tpu.memory_space<vmem_shared>>) offsets(%dma_start3A_227 : memref<48xi32, #tpu.memory_space<vmem>>) semaphore(%arg23 : memref<!tpu.dma_semaphore, #tpu.memory_space<semaphore_mem>>) {add = true}
      %add3A_231 = arith.constant 1 : i32
      %add3A_232 = arith.addi %add3A_187, %add3A_231 : i32
      %ge3A_233 = arith.constant 3 : i32
      %ge3A_234 = arith.cmpi sge, %add3A_232, %ge3A_233 : i32
      %convert_element_type3A_235 = arith.extui %ge3A_234 : i1 to i32
      %cond3A_236 = arith.constant 0 : i32
      %cond3A_237 = arith.cmpi ne, %convert_element_type3A_235, %cond3A_236 : i32
      scf.if %cond3A_237 {
        %dma_wait3A_513 = arith.constant 5 : i32
        %dma_wait3A_514 = arith.constant 11 : i32
        %dma_wait3A_515 = arith.constant 0 : i32
        %dma_wait3A_516 = arith.constant 0 : i32
        %dma_wait3A_517 = tpu.memref_slice %arg7[%dma_wait3A_513, %dma_wait3A_515, %dma_wait3A_516] : memref<7x48x128xf32, #tpu.memory_space<vmem>> -> memref<1x48x128xf32, #tpu.memory_space<vmem>>
        %dma_wait3A_518 = tpu.memref_squeeze %dma_wait3A_517 : memref<1x48x128xf32, #tpu.memory_space<vmem>> -> memref<48x128xf32, #tpu.memory_space<vmem>>
        %dma_wait3A_519 = arith.constant 0 : i32
        %dma_wait3A_520 = tpu.memref_slice %arg6[%dma_wait3A_514, %dma_wait3A_519] : memref<14x48xi32, #tpu.memory_space<vmem>> -> memref<1x48xi32, #tpu.memory_space<vmem>>
        %dma_wait3A_521 = tpu.memref_squeeze %dma_wait3A_520 : memref<1x48xi32, #tpu.memory_space<vmem>> -> memref<48xi32, #tpu.memory_space<vmem>>
        %dma_wait3A_522 = arith.constant 0 : i32
        %dma_wait3A_523 = arith.constant 0 : i32
        %dma_wait3A_524 = tpu.memref_slice %arg8[%dma_wait3A_522, %dma_wait3A_523] : memref<10240x128xf32, #tpu.memory_space<vmem_shared>> -> memref<10240x128xf32, #tpu.memory_space<vmem_shared>>
        tpu.wait_indirect_dma semaphore(%arg28 : memref<!tpu.dma_semaphore, #tpu.memory_space<semaphore_mem>>) src(%dma_wait3A_518 : memref<48x128xf32, #tpu.memory_space<vmem>>) dst(%dma_wait3A_524 : memref<10240x128xf32, #tpu.memory_space<vmem_shared>>)
      } else {
      }
      %add3A_238 = arith.constant 3 : i32
      %add3A_239 = arith.addi %add3A_232, %add3A_238 : i32
      %add3A_240 = arith.constant 1 : i32
      %add3A_241 = arith.addi %add3A_239, %add3A_240 : i32
      %lt3A_242 = arith.constant 210 : i32
      %lt3A_243 = arith.cmpi slt, %add3A_241, %lt3A_242 : i32
      %convert_element_type3A_244 = arith.extui %lt3A_243 : i1 to i32
      %cond3A_245 = arith.constant 0 : i32
      %cond3A_246 = arith.cmpi ne, %convert_element_type3A_244, %cond3A_245 : i32
      scf.if %cond3A_246 {
        %add3A_513 = arith.constant 3 : i32
        %add3A_514 = arith.addi %add3A_232, %add3A_513 : i32
        %add3A_515 = arith.constant 1 : i32
        %add3A_516 = arith.addi %add3A_514, %add3A_515 : i32
        %dma_start3A_517 = arith.constant 10 : i32
        %dma_start3A_518 = arith.constant 0 : i32
        %dma_start3A_519 = tpu.memref_slice %arg6[%dma_start3A_517, %dma_start3A_518] : memref<14x48xi32, #tpu.memory_space<vmem>> -> memref<2x48xi32, #tpu.memory_space<vmem>>
        %dma_start3A_520 = arith.constant 0 : i32
        %dma_start3A_521 = arith.constant 0 : i32
        %dma_start3A_522 = tpu.memref_slice %arg3[%add3A, %add3A_516, %dma_start3A_520, %dma_start3A_521] : memref<32x210x2x48xi32, #tpu.memory_space<hbm>> -> memref<1x1x2x48xi32, #tpu.memory_space<hbm>>
        %dma_start3A_523 = tpu.memref_squeeze %dma_start3A_522 : memref<1x1x2x48xi32, #tpu.memory_space<hbm>> -> memref<2x48xi32, #tpu.memory_space<hbm>>
        %dma_start3A_524 = arith.constant 10 : i32
        %dma_start3A_525 = arith.constant 0 : i32
        %dma_start3A_526 = tpu.memref_slice %arg6[%dma_start3A_524, %dma_start3A_525] : memref<14x48xi32, #tpu.memory_space<vmem>> -> memref<2x48xi32, #tpu.memory_space<vmem>>
        %dma_start3A_527 = arith.constant 0 : i32
        %dma_start3A_528 = arith.constant 0 : i32
        %dma_start3A_529 = tpu.memref_slice %arg3[%add3A, %add3A_516, %dma_start3A_527, %dma_start3A_528] : memref<32x210x2x48xi32, #tpu.memory_space<hbm>> -> memref<1x1x2x48xi32, #tpu.memory_space<hbm>>
        %dma_start3A_530 = tpu.memref_squeeze %dma_start3A_529 : memref<1x1x2x48xi32, #tpu.memory_space<hbm>> -> memref<2x48xi32, #tpu.memory_space<hbm>>
        tpu.enqueue_dma source(%dma_start3A_530 : memref<2x48xi32, #tpu.memory_space<hbm>>) target(%dma_start3A_526 : memref<2x48xi32, #tpu.memory_space<vmem>>) target_semaphore(%arg14 : memref<!tpu.dma_semaphore, #tpu.memory_space<semaphore_mem>>)
      } else {
      }
      %add3A_247 = arith.constant 3 : i32
      %add3A_248 = arith.addi %add3A_232, %add3A_247 : i32
      %lt3A_249 = arith.constant 210 : i32
      %lt3A_250 = arith.cmpi slt, %add3A_248, %lt3A_249 : i32
      %convert_element_type3A_251 = arith.extui %lt3A_250 : i1 to i32
      %cond3A_252 = arith.constant 0 : i32
      %cond3A_253 = arith.cmpi ne, %convert_element_type3A_251, %cond3A_252 : i32
      scf.if %cond3A_253 {
        %add3A_513 = arith.constant 3 : i32
        %add3A_514 = arith.addi %add3A_232, %add3A_513 : i32
        %dma_wait3A_515 = arith.constant 8 : i32
        %dma_wait3A_516 = arith.constant 0 : i32
        %dma_wait3A_517 = tpu.memref_slice %arg6[%dma_wait3A_515, %dma_wait3A_516] : memref<14x48xi32, #tpu.memory_space<vmem>> -> memref<2x48xi32, #tpu.memory_space<vmem>>
        %dma_wait3A_518 = arith.constant 0 : i32
        %dma_wait3A_519 = arith.constant 0 : i32
        %dma_wait3A_520 = tpu.memref_slice %arg3[%add3A, %add3A_514, %dma_wait3A_518, %dma_wait3A_519] : memref<32x210x2x48xi32, #tpu.memory_space<hbm>> -> memref<1x1x2x48xi32, #tpu.memory_space<hbm>>
        %dma_wait3A_521 = tpu.memref_squeeze %dma_wait3A_520 : memref<1x1x2x48xi32, #tpu.memory_space<hbm>> -> memref<2x48xi32, #tpu.memory_space<hbm>>
        %dma_wait3A_522 = arith.constant 8 : i32
        %dma_wait3A_523 = arith.constant 0 : i32
        %dma_wait3A_524 = tpu.memref_slice %arg6[%dma_wait3A_522, %dma_wait3A_523] : memref<14x48xi32, #tpu.memory_space<vmem>> -> memref<2x48xi32, #tpu.memory_space<vmem>>
        %dma_wait3A_525 = arith.constant 0 : i32
        %dma_wait3A_526 = arith.constant 0 : i32
        %dma_wait3A_527 = tpu.memref_slice %arg3[%add3A, %add3A_514, %dma_wait3A_525, %dma_wait3A_526] : memref<32x210x2x48xi32, #tpu.memory_space<hbm>> -> memref<1x1x2x48xi32, #tpu.memory_space<hbm>>
        %dma_wait3A_528 = tpu.memref_squeeze %dma_wait3A_527 : memref<1x1x2x48xi32, #tpu.memory_space<hbm>> -> memref<2x48xi32, #tpu.memory_space<hbm>>
        tpu.wait_dma2 semaphore(%arg13 : memref<!tpu.dma_semaphore, #tpu.memory_space<semaphore_mem>>) src(%dma_wait3A_528 : memref<2x48xi32, #tpu.memory_space<hbm>>) dst(%dma_wait3A_524 : memref<2x48xi32, #tpu.memory_space<vmem>>)
        %dma_start3A_529 = arith.constant 8 : i32
        %dma_start3A_530 = arith.constant 4 : i32
        %dma_start3A_531 = arith.constant 0 : i32
        %dma_start3A_532 = arith.constant 0 : i32
        %dma_start3A_533 = tpu.memref_slice %arg7[%dma_start3A_530, %dma_start3A_531, %dma_start3A_532] : memref<7x48x128xf32, #tpu.memory_space<vmem>> -> memref<1x48x128xf32, #tpu.memory_space<vmem>>
        %dma_start3A_534 = tpu.memref_squeeze %dma_start3A_533 : memref<1x48x128xf32, #tpu.memory_space<vmem>> -> memref<48x128xf32, #tpu.memory_space<vmem>>
        %dma_start3A_535 = arith.constant 0 : i32
        %dma_start3A_536 = tpu.memref_slice %arg6[%dma_start3A_529, %dma_start3A_535] : memref<14x48xi32, #tpu.memory_space<vmem>> -> memref<1x48xi32, #tpu.memory_space<vmem>>
        %dma_start3A_537 = tpu.memref_squeeze %dma_start3A_536 : memref<1x48xi32, #tpu.memory_space<vmem>> -> memref<48xi32, #tpu.memory_space<vmem>>
        %dma_start3A_538 = arith.constant 0 : i32
        %dma_start3A_539 = arith.constant 0 : i32
        %dma_start3A_540 = tpu.memref_slice %arg2[%dma_start3A_538, %dma_start3A_539] : memref<10240x128xf32, #tpu.memory_space<hbm>> -> memref<10240x128xf32, #tpu.memory_space<hbm>>
        tpu.enqueue_indirect_dma source(%dma_start3A_540 : memref<10240x128xf32, #tpu.memory_space<hbm>>) target(%dma_start3A_534 : memref<48x128xf32, #tpu.memory_space<vmem>>) offsets(%dma_start3A_537 : memref<48xi32, #tpu.memory_space<vmem>>) semaphore(%arg20 : memref<!tpu.dma_semaphore, #tpu.memory_space<semaphore_mem>>)
      } else {
      }
      %dma_wait3A_254 = arith.constant 2 : i32
      %dma_wait3A_255 = arith.constant 1 : i32
      %dma_wait3A_256 = arith.constant 0 : i32
      %dma_wait3A_257 = arith.constant 0 : i32
      %dma_wait3A_258 = tpu.memref_slice %arg7[%dma_wait3A_255, %dma_wait3A_256, %dma_wait3A_257] : memref<7x48x128xf32, #tpu.memory_space<vmem>> -> memref<1x48x128xf32, #tpu.memory_space<vmem>>
      %dma_wait3A_259 = tpu.memref_squeeze %dma_wait3A_258 : memref<1x48x128xf32, #tpu.memory_space<vmem>> -> memref<48x128xf32, #tpu.memory_space<vmem>>
      %dma_wait3A_260 = arith.constant 0 : i32
      %dma_wait3A_261 = tpu.memref_slice %arg6[%dma_wait3A_254, %dma_wait3A_260] : memref<14x48xi32, #tpu.memory_space<vmem>> -> memref<1x48xi32, #tpu.memory_space<vmem>>
      %dma_wait3A_262 = tpu.memref_squeeze %dma_wait3A_261 : memref<1x48xi32, #tpu.memory_space<vmem>> -> memref<48xi32, #tpu.memory_space<vmem>>
      %dma_wait3A_263 = arith.constant 0 : i32
      %dma_wait3A_264 = arith.constant 0 : i32
      %dma_wait3A_265 = tpu.memref_slice %arg2[%dma_wait3A_263, %dma_wait3A_264] : memref<10240x128xf32, #tpu.memory_space<hbm>> -> memref<10240x128xf32, #tpu.memory_space<hbm>>
      tpu.wait_indirect_dma semaphore(%arg17 : memref<!tpu.dma_semaphore, #tpu.memory_space<semaphore_mem>>) src(%dma_wait3A_265 : memref<10240x128xf32, #tpu.memory_space<hbm>>) dst(%dma_wait3A_259 : memref<48x128xf32, #tpu.memory_space<vmem>>)
      %dma_start3A_266 = arith.constant 1 : i32
      %dma_start3A_267 = arith.constant 3 : i32
      %dma_start3A_268 = arith.constant 0 : i32
      %dma_start3A_269 = arith.constant 0 : i32
      %dma_start3A_270 = tpu.memref_slice %arg7[%dma_start3A_266, %dma_start3A_268, %dma_start3A_269] : memref<7x48x128xf32, #tpu.memory_space<vmem>> -> memref<1x48x128xf32, #tpu.memory_space<vmem>>
      %dma_start3A_271 = tpu.memref_squeeze %dma_start3A_270 : memref<1x48x128xf32, #tpu.memory_space<vmem>> -> memref<48x128xf32, #tpu.memory_space<vmem>>
      %dma_start3A_272 = arith.constant 0 : i32
      %dma_start3A_273 = tpu.memref_slice %arg6[%dma_start3A_267, %dma_start3A_272] : memref<14x48xi32, #tpu.memory_space<vmem>> -> memref<1x48xi32, #tpu.memory_space<vmem>>
      %dma_start3A_274 = tpu.memref_squeeze %dma_start3A_273 : memref<1x48xi32, #tpu.memory_space<vmem>> -> memref<48xi32, #tpu.memory_space<vmem>>
      %dma_start3A_275 = arith.constant 0 : i32
      %dma_start3A_276 = arith.constant 0 : i32
      %dma_start3A_277 = tpu.memref_slice %arg8[%dma_start3A_275, %dma_start3A_276] : memref<10240x128xf32, #tpu.memory_space<vmem_shared>> -> memref<10240x128xf32, #tpu.memory_space<vmem_shared>>
      tpu.enqueue_indirect_dma source(%dma_start3A_271 : memref<48x128xf32, #tpu.memory_space<vmem>>) target(%dma_start3A_277 : memref<10240x128xf32, #tpu.memory_space<vmem_shared>>) offsets(%dma_start3A_274 : memref<48xi32, #tpu.memory_space<vmem>>) semaphore(%arg24 : memref<!tpu.dma_semaphore, #tpu.memory_space<semaphore_mem>>) {add = true}
      %add3A_278 = arith.constant 2 : i32
      %add3A_279 = arith.addi %add3A_187, %add3A_278 : i32
      %ge3A_280 = arith.constant 3 : i32
      %ge3A_281 = arith.cmpi sge, %add3A_279, %ge3A_280 : i32
      %convert_element_type3A_282 = arith.extui %ge3A_281 : i1 to i32
      %cond3A_283 = arith.constant 0 : i32
      %cond3A_284 = arith.cmpi ne, %convert_element_type3A_282, %cond3A_283 : i32
      scf.if %cond3A_284 {
        %dma_wait3A_513 = arith.constant 6 : i32
        %dma_wait3A_514 = arith.constant 13 : i32
        %dma_wait3A_515 = arith.constant 0 : i32
        %dma_wait3A_516 = arith.constant 0 : i32
        %dma_wait3A_517 = tpu.memref_slice %arg7[%dma_wait3A_513, %dma_wait3A_515, %dma_wait3A_516] : memref<7x48x128xf32, #tpu.memory_space<vmem>> -> memref<1x48x128xf32, #tpu.memory_space<vmem>>
        %dma_wait3A_518 = tpu.memref_squeeze %dma_wait3A_517 : memref<1x48x128xf32, #tpu.memory_space<vmem>> -> memref<48x128xf32, #tpu.memory_space<vmem>>
        %dma_wait3A_519 = arith.constant 0 : i32
        %dma_wait3A_520 = tpu.memref_slice %arg6[%dma_wait3A_514, %dma_wait3A_519] : memref<14x48xi32, #tpu.memory_space<vmem>> -> memref<1x48xi32, #tpu.memory_space<vmem>>
        %dma_wait3A_521 = tpu.memref_squeeze %dma_wait3A_520 : memref<1x48xi32, #tpu.memory_space<vmem>> -> memref<48xi32, #tpu.memory_space<vmem>>
        %dma_wait3A_522 = arith.constant 0 : i32
        %dma_wait3A_523 = arith.constant 0 : i32
        %dma_wait3A_524 = tpu.memref_slice %arg8[%dma_wait3A_522, %dma_wait3A_523] : memref<10240x128xf32, #tpu.memory_space<vmem_shared>> -> memref<10240x128xf32, #tpu.memory_space<vmem_shared>>
        tpu.wait_indirect_dma semaphore(%arg29 : memref<!tpu.dma_semaphore, #tpu.memory_space<semaphore_mem>>) src(%dma_wait3A_518 : memref<48x128xf32, #tpu.memory_space<vmem>>) dst(%dma_wait3A_524 : memref<10240x128xf32, #tpu.memory_space<vmem_shared>>)
      } else {
      }
      %add3A_285 = arith.constant 3 : i32
      %add3A_286 = arith.addi %add3A_279, %add3A_285 : i32
      %add3A_287 = arith.constant 1 : i32
      %add3A_288 = arith.addi %add3A_286, %add3A_287 : i32
      %lt3A_289 = arith.constant 210 : i32
      %lt3A_290 = arith.cmpi slt, %add3A_288, %lt3A_289 : i32
      %convert_element_type3A_291 = arith.extui %lt3A_290 : i1 to i32
      %cond3A_292 = arith.constant 0 : i32
      %cond3A_293 = arith.cmpi ne, %convert_element_type3A_291, %cond3A_292 : i32
      scf.if %cond3A_293 {
        %add3A_513 = arith.constant 3 : i32
        %add3A_514 = arith.addi %add3A_279, %add3A_513 : i32
        %add3A_515 = arith.constant 1 : i32
        %add3A_516 = arith.addi %add3A_514, %add3A_515 : i32
        %dma_start3A_517 = arith.constant 12 : i32
        %dma_start3A_518 = arith.constant 0 : i32
        %dma_start3A_519 = tpu.memref_slice %arg6[%dma_start3A_517, %dma_start3A_518] : memref<14x48xi32, #tpu.memory_space<vmem>> -> memref<2x48xi32, #tpu.memory_space<vmem>>
        %dma_start3A_520 = arith.constant 0 : i32
        %dma_start3A_521 = arith.constant 0 : i32
        %dma_start3A_522 = tpu.memref_slice %arg3[%add3A, %add3A_516, %dma_start3A_520, %dma_start3A_521] : memref<32x210x2x48xi32, #tpu.memory_space<hbm>> -> memref<1x1x2x48xi32, #tpu.memory_space<hbm>>
        %dma_start3A_523 = tpu.memref_squeeze %dma_start3A_522 : memref<1x1x2x48xi32, #tpu.memory_space<hbm>> -> memref<2x48xi32, #tpu.memory_space<hbm>>
        %dma_start3A_524 = arith.constant 12 : i32
        %dma_start3A_525 = arith.constant 0 : i32
        %dma_start3A_526 = tpu.memref_slice %arg6[%dma_start3A_524, %dma_start3A_525] : memref<14x48xi32, #tpu.memory_space<vmem>> -> memref<2x48xi32, #tpu.memory_space<vmem>>
        %dma_start3A_527 = arith.constant 0 : i32
        %dma_start3A_528 = arith.constant 0 : i32
        %dma_start3A_529 = tpu.memref_slice %arg3[%add3A, %add3A_516, %dma_start3A_527, %dma_start3A_528] : memref<32x210x2x48xi32, #tpu.memory_space<hbm>> -> memref<1x1x2x48xi32, #tpu.memory_space<hbm>>
        %dma_start3A_530 = tpu.memref_squeeze %dma_start3A_529 : memref<1x1x2x48xi32, #tpu.memory_space<hbm>> -> memref<2x48xi32, #tpu.memory_space<hbm>>
        tpu.enqueue_dma source(%dma_start3A_530 : memref<2x48xi32, #tpu.memory_space<hbm>>) target(%dma_start3A_526 : memref<2x48xi32, #tpu.memory_space<vmem>>) target_semaphore(%arg15 : memref<!tpu.dma_semaphore, #tpu.memory_space<semaphore_mem>>)
      } else {
      }
      %add3A_294 = arith.constant 3 : i32
      %add3A_295 = arith.addi %add3A_279, %add3A_294 : i32
      %lt3A_296 = arith.constant 210 : i32
      %lt3A_297 = arith.cmpi slt, %add3A_295, %lt3A_296 : i32
      %convert_element_type3A_298 = arith.extui %lt3A_297 : i1 to i32
      %cond3A_299 = arith.constant 0 : i32
      %cond3A_300 = arith.cmpi ne, %convert_element_type3A_298, %cond3A_299 : i32
      scf.if %cond3A_300 {
        %add3A_513 = arith.constant 3 : i32
        %add3A_514 = arith.addi %add3A_279, %add3A_513 : i32
        %dma_wait3A_515 = arith.constant 10 : i32
        %dma_wait3A_516 = arith.constant 0 : i32
        %dma_wait3A_517 = tpu.memref_slice %arg6[%dma_wait3A_515, %dma_wait3A_516] : memref<14x48xi32, #tpu.memory_space<vmem>> -> memref<2x48xi32, #tpu.memory_space<vmem>>
        %dma_wait3A_518 = arith.constant 0 : i32
        %dma_wait3A_519 = arith.constant 0 : i32
        %dma_wait3A_520 = tpu.memref_slice %arg3[%add3A, %add3A_514, %dma_wait3A_518, %dma_wait3A_519] : memref<32x210x2x48xi32, #tpu.memory_space<hbm>> -> memref<1x1x2x48xi32, #tpu.memory_space<hbm>>
        %dma_wait3A_521 = tpu.memref_squeeze %dma_wait3A_520 : memref<1x1x2x48xi32, #tpu.memory_space<hbm>> -> memref<2x48xi32, #tpu.memory_space<hbm>>
        %dma_wait3A_522 = arith.constant 10 : i32
        %dma_wait3A_523 = arith.constant 0 : i32
        %dma_wait3A_524 = tpu.memref_slice %arg6[%dma_wait3A_522, %dma_wait3A_523] : memref<14x48xi32, #tpu.memory_space<vmem>> -> memref<2x48xi32, #tpu.memory_space<vmem>>
        %dma_wait3A_525 = arith.constant 0 : i32
        %dma_wait3A_526 = arith.constant 0 : i32
        %dma_wait3A_527 = tpu.memref_slice %arg3[%add3A, %add3A_514, %dma_wait3A_525, %dma_wait3A_526] : memref<32x210x2x48xi32, #tpu.memory_space<hbm>> -> memref<1x1x2x48xi32, #tpu.memory_space<hbm>>
        %dma_wait3A_528 = tpu.memref_squeeze %dma_wait3A_527 : memref<1x1x2x48xi32, #tpu.memory_space<hbm>> -> memref<2x48xi32, #tpu.memory_space<hbm>>
        tpu.wait_dma2 semaphore(%arg14 : memref<!tpu.dma_semaphore, #tpu.memory_space<semaphore_mem>>) src(%dma_wait3A_528 : memref<2x48xi32, #tpu.memory_space<hbm>>) dst(%dma_wait3A_524 : memref<2x48xi32, #tpu.memory_space<vmem>>)
        %dma_start3A_529 = arith.constant 10 : i32
        %dma_start3A_530 = arith.constant 5 : i32
        %dma_start3A_531 = arith.constant 0 : i32
        %dma_start3A_532 = arith.constant 0 : i32
        %dma_start3A_533 = tpu.memref_slice %arg7[%dma_start3A_530, %dma_start3A_531, %dma_start3A_532] : memref<7x48x128xf32, #tpu.memory_space<vmem>> -> memref<1x48x128xf32, #tpu.memory_space<vmem>>
        %dma_start3A_534 = tpu.memref_squeeze %dma_start3A_533 : memref<1x48x128xf32, #tpu.memory_space<vmem>> -> memref<48x128xf32, #tpu.memory_space<vmem>>
        %dma_start3A_535 = arith.constant 0 : i32
        %dma_start3A_536 = tpu.memref_slice %arg6[%dma_start3A_529, %dma_start3A_535] : memref<14x48xi32, #tpu.memory_space<vmem>> -> memref<1x48xi32, #tpu.memory_space<vmem>>
        %dma_start3A_537 = tpu.memref_squeeze %dma_start3A_536 : memref<1x48xi32, #tpu.memory_space<vmem>> -> memref<48xi32, #tpu.memory_space<vmem>>
        %dma_start3A_538 = arith.constant 0 : i32
        %dma_start3A_539 = arith.constant 0 : i32
        %dma_start3A_540 = tpu.memref_slice %arg2[%dma_start3A_538, %dma_start3A_539] : memref<10240x128xf32, #tpu.memory_space<hbm>> -> memref<10240x128xf32, #tpu.memory_space<hbm>>
        tpu.enqueue_indirect_dma source(%dma_start3A_540 : memref<10240x128xf32, #tpu.memory_space<hbm>>) target(%dma_start3A_534 : memref<48x128xf32, #tpu.memory_space<vmem>>) offsets(%dma_start3A_537 : memref<48xi32, #tpu.memory_space<vmem>>) semaphore(%arg21 : memref<!tpu.dma_semaphore, #tpu.memory_space<semaphore_mem>>)
      } else {
      }
      %dma_wait3A_301 = arith.constant 4 : i32
      %dma_wait3A_302 = arith.constant 2 : i32
      %dma_wait3A_303 = arith.constant 0 : i32
      %dma_wait3A_304 = arith.constant 0 : i32
      %dma_wait3A_305 = tpu.memref_slice %arg7[%dma_wait3A_302, %dma_wait3A_303, %dma_wait3A_304] : memref<7x48x128xf32, #tpu.memory_space<vmem>> -> memref<1x48x128xf32, #tpu.memory_space<vmem>>
      %dma_wait3A_306 = tpu.memref_squeeze %dma_wait3A_305 : memref<1x48x128xf32, #tpu.memory_space<vmem>> -> memref<48x128xf32, #tpu.memory_space<vmem>>
      %dma_wait3A_307 = arith.constant 0 : i32
      %dma_wait3A_308 = tpu.memref_slice %arg6[%dma_wait3A_301, %dma_wait3A_307] : memref<14x48xi32, #tpu.memory_space<vmem>> -> memref<1x48xi32, #tpu.memory_space<vmem>>
      %dma_wait3A_309 = tpu.memref_squeeze %dma_wait3A_308 : memref<1x48xi32, #tpu.memory_space<vmem>> -> memref<48xi32, #tpu.memory_space<vmem>>
      %dma_wait3A_310 = arith.constant 0 : i32
      %dma_wait3A_311 = arith.constant 0 : i32
      %dma_wait3A_312 = tpu.memref_slice %arg2[%dma_wait3A_310, %dma_wait3A_311] : memref<10240x128xf32, #tpu.memory_space<hbm>> -> memref<10240x128xf32, #tpu.memory_space<hbm>>
      tpu.wait_indirect_dma semaphore(%arg18 : memref<!tpu.dma_semaphore, #tpu.memory_space<semaphore_mem>>) src(%dma_wait3A_312 : memref<10240x128xf32, #tpu.memory_space<hbm>>) dst(%dma_wait3A_306 : memref<48x128xf32, #tpu.memory_space<vmem>>)
      %dma_start3A_313 = arith.constant 2 : i32
      %dma_start3A_314 = arith.constant 5 : i32
      %dma_start3A_315 = arith.constant 0 : i32
      %dma_start3A_316 = arith.constant 0 : i32
      %dma_start3A_317 = tpu.memref_slice %arg7[%dma_start3A_313, %dma_start3A_315, %dma_start3A_316] : memref<7x48x128xf32, #tpu.memory_space<vmem>> -> memref<1x48x128xf32, #tpu.memory_space<vmem>>
      %dma_start3A_318 = tpu.memref_squeeze %dma_start3A_317 : memref<1x48x128xf32, #tpu.memory_space<vmem>> -> memref<48x128xf32, #tpu.memory_space<vmem>>
      %dma_start3A_319 = arith.constant 0 : i32
      %dma_start3A_320 = tpu.memref_slice %arg6[%dma_start3A_314, %dma_start3A_319] : memref<14x48xi32, #tpu.memory_space<vmem>> -> memref<1x48xi32, #tpu.memory_space<vmem>>
      %dma_start3A_321 = tpu.memref_squeeze %dma_start3A_320 : memref<1x48xi32, #tpu.memory_space<vmem>> -> memref<48xi32, #tpu.memory_space<vmem>>
      %dma_start3A_322 = arith.constant 0 : i32
      %dma_start3A_323 = arith.constant 0 : i32
      %dma_start3A_324 = tpu.memref_slice %arg8[%dma_start3A_322, %dma_start3A_323] : memref<10240x128xf32, #tpu.memory_space<vmem_shared>> -> memref<10240x128xf32, #tpu.memory_space<vmem_shared>>
      tpu.enqueue_indirect_dma source(%dma_start3A_318 : memref<48x128xf32, #tpu.memory_space<vmem>>) target(%dma_start3A_324 : memref<10240x128xf32, #tpu.memory_space<vmem_shared>>) offsets(%dma_start3A_321 : memref<48xi32, #tpu.memory_space<vmem>>) semaphore(%arg25 : memref<!tpu.dma_semaphore, #tpu.memory_space<semaphore_mem>>) {add = true}
      %add3A_325 = arith.constant 3 : i32
      %add3A_326 = arith.addi %add3A_187, %add3A_325 : i32
      %ge3A_327 = arith.constant 3 : i32
      %ge3A_328 = arith.cmpi sge, %add3A_326, %ge3A_327 : i32
      %convert_element_type3A_329 = arith.extui %ge3A_328 : i1 to i32
      %cond3A_330 = arith.constant 0 : i32
      %cond3A_331 = arith.cmpi ne, %convert_element_type3A_329, %cond3A_330 : i32
      scf.if %cond3A_331 {
        %dma_wait3A_513 = arith.constant 0 : i32
        %dma_wait3A_514 = arith.constant 1 : i32
        %dma_wait3A_515 = arith.constant 0 : i32
        %dma_wait3A_516 = arith.constant 0 : i32
        %dma_wait3A_517 = tpu.memref_slice %arg7[%dma_wait3A_513, %dma_wait3A_515, %dma_wait3A_516] : memref<7x48x128xf32, #tpu.memory_space<vmem>> -> memref<1x48x128xf32, #tpu.memory_space<vmem>>
        %dma_wait3A_518 = tpu.memref_squeeze %dma_wait3A_517 : memref<1x48x128xf32, #tpu.memory_space<vmem>> -> memref<48x128xf32, #tpu.memory_space<vmem>>
        %dma_wait3A_519 = arith.constant 0 : i32
        %dma_wait3A_520 = tpu.memref_slice %arg6[%dma_wait3A_514, %dma_wait3A_519] : memref<14x48xi32, #tpu.memory_space<vmem>> -> memref<1x48xi32, #tpu.memory_space<vmem>>
        %dma_wait3A_521 = tpu.memref_squeeze %dma_wait3A_520 : memref<1x48xi32, #tpu.memory_space<vmem>> -> memref<48xi32, #tpu.memory_space<vmem>>
        %dma_wait3A_522 = arith.constant 0 : i32
        %dma_wait3A_523 = arith.constant 0 : i32
        %dma_wait3A_524 = tpu.memref_slice %arg8[%dma_wait3A_522, %dma_wait3A_523] : memref<10240x128xf32, #tpu.memory_space<vmem_shared>> -> memref<10240x128xf32, #tpu.memory_space<vmem_shared>>
        tpu.wait_indirect_dma semaphore(%arg23 : memref<!tpu.dma_semaphore, #tpu.memory_space<semaphore_mem>>) src(%dma_wait3A_518 : memref<48x128xf32, #tpu.memory_space<vmem>>) dst(%dma_wait3A_524 : memref<10240x128xf32, #tpu.memory_space<vmem_shared>>)
      } else {
      }
      %add3A_332 = arith.constant 3 : i32
      %add3A_333 = arith.addi %add3A_326, %add3A_332 : i32
      %add3A_334 = arith.constant 1 : i32
      %add3A_335 = arith.addi %add3A_333, %add3A_334 : i32
      %lt3A_336 = arith.constant 210 : i32
      %lt3A_337 = arith.cmpi slt, %add3A_335, %lt3A_336 : i32
      %convert_element_type3A_338 = arith.extui %lt3A_337 : i1 to i32
      %cond3A_339 = arith.constant 0 : i32
      %cond3A_340 = arith.cmpi ne, %convert_element_type3A_338, %cond3A_339 : i32
      scf.if %cond3A_340 {
        %add3A_513 = arith.constant 3 : i32
        %add3A_514 = arith.addi %add3A_326, %add3A_513 : i32
        %add3A_515 = arith.constant 1 : i32
        %add3A_516 = arith.addi %add3A_514, %add3A_515 : i32
        %dma_start3A_517 = arith.constant 0 : i32
        %dma_start3A_518 = arith.constant 0 : i32
        %dma_start3A_519 = tpu.memref_slice %arg6[%dma_start3A_517, %dma_start3A_518] : memref<14x48xi32, #tpu.memory_space<vmem>> -> memref<2x48xi32, #tpu.memory_space<vmem>>
        %dma_start3A_520 = arith.constant 0 : i32
        %dma_start3A_521 = arith.constant 0 : i32
        %dma_start3A_522 = tpu.memref_slice %arg3[%add3A, %add3A_516, %dma_start3A_520, %dma_start3A_521] : memref<32x210x2x48xi32, #tpu.memory_space<hbm>> -> memref<1x1x2x48xi32, #tpu.memory_space<hbm>>
        %dma_start3A_523 = tpu.memref_squeeze %dma_start3A_522 : memref<1x1x2x48xi32, #tpu.memory_space<hbm>> -> memref<2x48xi32, #tpu.memory_space<hbm>>
        %dma_start3A_524 = arith.constant 0 : i32
        %dma_start3A_525 = arith.constant 0 : i32
        %dma_start3A_526 = tpu.memref_slice %arg6[%dma_start3A_524, %dma_start3A_525] : memref<14x48xi32, #tpu.memory_space<vmem>> -> memref<2x48xi32, #tpu.memory_space<vmem>>
        %dma_start3A_527 = arith.constant 0 : i32
        %dma_start3A_528 = arith.constant 0 : i32
        %dma_start3A_529 = tpu.memref_slice %arg3[%add3A, %add3A_516, %dma_start3A_527, %dma_start3A_528] : memref<32x210x2x48xi32, #tpu.memory_space<hbm>> -> memref<1x1x2x48xi32, #tpu.memory_space<hbm>>
        %dma_start3A_530 = tpu.memref_squeeze %dma_start3A_529 : memref<1x1x2x48xi32, #tpu.memory_space<hbm>> -> memref<2x48xi32, #tpu.memory_space<hbm>>
        tpu.enqueue_dma source(%dma_start3A_530 : memref<2x48xi32, #tpu.memory_space<hbm>>) target(%dma_start3A_526 : memref<2x48xi32, #tpu.memory_space<vmem>>) target_semaphore(%arg9 : memref<!tpu.dma_semaphore, #tpu.memory_space<semaphore_mem>>)
      } else {
      }
      %add3A_341 = arith.constant 3 : i32
      %add3A_342 = arith.addi %add3A_326, %add3A_341 : i32
      %lt3A_343 = arith.constant 210 : i32
      %lt3A_344 = arith.cmpi slt, %add3A_342, %lt3A_343 : i32
      %convert_element_type3A_345 = arith.extui %lt3A_344 : i1 to i32
      %cond3A_346 = arith.constant 0 : i32
      %cond3A_347 = arith.cmpi ne, %convert_element_type3A_345, %cond3A_346 : i32
      scf.if %cond3A_347 {
        %add3A_513 = arith.constant 3 : i32
        %add3A_514 = arith.addi %add3A_326, %add3A_513 : i32
        %dma_wait3A_515 = arith.constant 12 : i32
        %dma_wait3A_516 = arith.constant 0 : i32
        %dma_wait3A_517 = tpu.memref_slice %arg6[%dma_wait3A_515, %dma_wait3A_516] : memref<14x48xi32, #tpu.memory_space<vmem>> -> memref<2x48xi32, #tpu.memory_space<vmem>>
        %dma_wait3A_518 = arith.constant 0 : i32
        %dma_wait3A_519 = arith.constant 0 : i32
        %dma_wait3A_520 = tpu.memref_slice %arg3[%add3A, %add3A_514, %dma_wait3A_518, %dma_wait3A_519] : memref<32x210x2x48xi32, #tpu.memory_space<hbm>> -> memref<1x1x2x48xi32, #tpu.memory_space<hbm>>
        %dma_wait3A_521 = tpu.memref_squeeze %dma_wait3A_520 : memref<1x1x2x48xi32, #tpu.memory_space<hbm>> -> memref<2x48xi32, #tpu.memory_space<hbm>>
        %dma_wait3A_522 = arith.constant 12 : i32
        %dma_wait3A_523 = arith.constant 0 : i32
        %dma_wait3A_524 = tpu.memref_slice %arg6[%dma_wait3A_522, %dma_wait3A_523] : memref<14x48xi32, #tpu.memory_space<vmem>> -> memref<2x48xi32, #tpu.memory_space<vmem>>
        %dma_wait3A_525 = arith.constant 0 : i32
        %dma_wait3A_526 = arith.constant 0 : i32
        %dma_wait3A_527 = tpu.memref_slice %arg3[%add3A, %add3A_514, %dma_wait3A_525, %dma_wait3A_526] : memref<32x210x2x48xi32, #tpu.memory_space<hbm>> -> memref<1x1x2x48xi32, #tpu.memory_space<hbm>>
        %dma_wait3A_528 = tpu.memref_squeeze %dma_wait3A_527 : memref<1x1x2x48xi32, #tpu.memory_space<hbm>> -> memref<2x48xi32, #tpu.memory_space<hbm>>
        tpu.wait_dma2 semaphore(%arg15 : memref<!tpu.dma_semaphore, #tpu.memory_space<semaphore_mem>>) src(%dma_wait3A_528 : memref<2x48xi32, #tpu.memory_space<hbm>>) dst(%dma_wait3A_524 : memref<2x48xi32, #tpu.memory_space<vmem>>)
        %dma_start3A_529 = arith.constant 12 : i32
        %dma_start3A_530 = arith.constant 6 : i32
        %dma_start3A_531 = arith.constant 0 : i32
        %dma_start3A_532 = arith.constant 0 : i32
        %dma_start3A_533 = tpu.memref_slice %arg7[%dma_start3A_530, %dma_start3A_531, %dma_start3A_532] : memref<7x48x128xf32, #tpu.memory_space<vmem>> -> memref<1x48x128xf32, #tpu.memory_space<vmem>>
        %dma_start3A_534 = tpu.memref_squeeze %dma_start3A_533 : memref<1x48x128xf32, #tpu.memory_space<vmem>> -> memref<48x128xf32, #tpu.memory_space<vmem>>
        %dma_start3A_535 = arith.constant 0 : i32
        %dma_start3A_536 = tpu.memref_slice %arg6[%dma_start3A_529, %dma_start3A_535] : memref<14x48xi32, #tpu.memory_space<vmem>> -> memref<1x48xi32, #tpu.memory_space<vmem>>
        %dma_start3A_537 = tpu.memref_squeeze %dma_start3A_536 : memref<1x48xi32, #tpu.memory_space<vmem>> -> memref<48xi32, #tpu.memory_space<vmem>>
        %dma_start3A_538 = arith.constant 0 : i32
        %dma_start3A_539 = arith.constant 0 : i32
        %dma_start3A_540 = tpu.memref_slice %arg2[%dma_start3A_538, %dma_start3A_539] : memref<10240x128xf32, #tpu.memory_space<hbm>> -> memref<10240x128xf32, #tpu.memory_space<hbm>>
        tpu.enqueue_indirect_dma source(%dma_start3A_540 : memref<10240x128xf32, #tpu.memory_space<hbm>>) target(%dma_start3A_534 : memref<48x128xf32, #tpu.memory_space<vmem>>) offsets(%dma_start3A_537 : memref<48xi32, #tpu.memory_space<vmem>>) semaphore(%arg22 : memref<!tpu.dma_semaphore, #tpu.memory_space<semaphore_mem>>)
      } else {
      }
      %dma_wait3A_348 = arith.constant 6 : i32
      %dma_wait3A_349 = arith.constant 3 : i32
      %dma_wait3A_350 = arith.constant 0 : i32
      %dma_wait3A_351 = arith.constant 0 : i32
      %dma_wait3A_352 = tpu.memref_slice %arg7[%dma_wait3A_349, %dma_wait3A_350, %dma_wait3A_351] : memref<7x48x128xf32, #tpu.memory_space<vmem>> -> memref<1x48x128xf32, #tpu.memory_space<vmem>>
      %dma_wait3A_353 = tpu.memref_squeeze %dma_wait3A_352 : memref<1x48x128xf32, #tpu.memory_space<vmem>> -> memref<48x128xf32, #tpu.memory_space<vmem>>
      %dma_wait3A_354 = arith.constant 0 : i32
      %dma_wait3A_355 = tpu.memref_slice %arg6[%dma_wait3A_348, %dma_wait3A_354] : memref<14x48xi32, #tpu.memory_space<vmem>> -> memref<1x48xi32, #tpu.memory_space<vmem>>
      %dma_wait3A_356 = tpu.memref_squeeze %dma_wait3A_355 : memref<1x48xi32, #tpu.memory_space<vmem>> -> memref<48xi32, #tpu.memory_space<vmem>>
      %dma_wait3A_357 = arith.constant 0 : i32
      %dma_wait3A_358 = arith.constant 0 : i32
      %dma_wait3A_359 = tpu.memref_slice %arg2[%dma_wait3A_357, %dma_wait3A_358] : memref<10240x128xf32, #tpu.memory_space<hbm>> -> memref<10240x128xf32, #tpu.memory_space<hbm>>
      tpu.wait_indirect_dma semaphore(%arg19 : memref<!tpu.dma_semaphore, #tpu.memory_space<semaphore_mem>>) src(%dma_wait3A_359 : memref<10240x128xf32, #tpu.memory_space<hbm>>) dst(%dma_wait3A_353 : memref<48x128xf32, #tpu.memory_space<vmem>>)
      %dma_start3A_360 = arith.constant 3 : i32
      %dma_start3A_361 = arith.constant 7 : i32
      %dma_start3A_362 = arith.constant 0 : i32
      %dma_start3A_363 = arith.constant 0 : i32
      %dma_start3A_364 = tpu.memref_slice %arg7[%dma_start3A_360, %dma_start3A_362, %dma_start3A_363] : memref<7x48x128xf32, #tpu.memory_space<vmem>> -> memref<1x48x128xf32, #tpu.memory_space<vmem>>
      %dma_start3A_365 = tpu.memref_squeeze %dma_start3A_364 : memref<1x48x128xf32, #tpu.memory_space<vmem>> -> memref<48x128xf32, #tpu.memory_space<vmem>>
      %dma_start3A_366 = arith.constant 0 : i32
      %dma_start3A_367 = tpu.memref_slice %arg6[%dma_start3A_361, %dma_start3A_366] : memref<14x48xi32, #tpu.memory_space<vmem>> -> memref<1x48xi32, #tpu.memory_space<vmem>>
      %dma_start3A_368 = tpu.memref_squeeze %dma_start3A_367 : memref<1x48xi32, #tpu.memory_space<vmem>> -> memref<48xi32, #tpu.memory_space<vmem>>
      %dma_start3A_369 = arith.constant 0 : i32
      %dma_start3A_370 = arith.constant 0 : i32
      %dma_start3A_371 = tpu.memref_slice %arg8[%dma_start3A_369, %dma_start3A_370] : memref<10240x128xf32, #tpu.memory_space<vmem_shared>> -> memref<10240x128xf32, #tpu.memory_space<vmem_shared>>
      tpu.enqueue_indirect_dma source(%dma_start3A_365 : memref<48x128xf32, #tpu.memory_space<vmem>>) target(%dma_start3A_371 : memref<10240x128xf32, #tpu.memory_space<vmem_shared>>) offsets(%dma_start3A_368 : memref<48xi32, #tpu.memory_space<vmem>>) semaphore(%arg26 : memref<!tpu.dma_semaphore, #tpu.memory_space<semaphore_mem>>) {add = true}
      %add3A_372 = arith.constant 4 : i32
      %add3A_373 = arith.addi %add3A_187, %add3A_372 : i32
      %ge3A_374 = arith.constant 3 : i32
      %ge3A_375 = arith.cmpi sge, %add3A_373, %ge3A_374 : i32
      %convert_element_type3A_376 = arith.extui %ge3A_375 : i1 to i32
      %cond3A_377 = arith.constant 0 : i32
      %cond3A_378 = arith.cmpi ne, %convert_element_type3A_376, %cond3A_377 : i32
      scf.if %cond3A_378 {
        %dma_wait3A_513 = arith.constant 1 : i32
        %dma_wait3A_514 = arith.constant 3 : i32
        %dma_wait3A_515 = arith.constant 0 : i32
        %dma_wait3A_516 = arith.constant 0 : i32
        %dma_wait3A_517 = tpu.memref_slice %arg7[%dma_wait3A_513, %dma_wait3A_515, %dma_wait3A_516] : memref<7x48x128xf32, #tpu.memory_space<vmem>> -> memref<1x48x128xf32, #tpu.memory_space<vmem>>
        %dma_wait3A_518 = tpu.memref_squeeze %dma_wait3A_517 : memref<1x48x128xf32, #tpu.memory_space<vmem>> -> memref<48x128xf32, #tpu.memory_space<vmem>>
        %dma_wait3A_519 = arith.constant 0 : i32
        %dma_wait3A_520 = tpu.memref_slice %arg6[%dma_wait3A_514, %dma_wait3A_519] : memref<14x48xi32, #tpu.memory_space<vmem>> -> memref<1x48xi32, #tpu.memory_space<vmem>>
        %dma_wait3A_521 = tpu.memref_squeeze %dma_wait3A_520 : memref<1x48xi32, #tpu.memory_space<vmem>> -> memref<48xi32, #tpu.memory_space<vmem>>
        %dma_wait3A_522 = arith.constant 0 : i32
        %dma_wait3A_523 = arith.constant 0 : i32
        %dma_wait3A_524 = tpu.memref_slice %arg8[%dma_wait3A_522, %dma_wait3A_523] : memref<10240x128xf32, #tpu.memory_space<vmem_shared>> -> memref<10240x128xf32, #tpu.memory_space<vmem_shared>>
        tpu.wait_indirect_dma semaphore(%arg24 : memref<!tpu.dma_semaphore, #tpu.memory_space<semaphore_mem>>) src(%dma_wait3A_518 : memref<48x128xf32, #tpu.memory_space<vmem>>) dst(%dma_wait3A_524 : memref<10240x128xf32, #tpu.memory_space<vmem_shared>>)
      } else {
      }
      %add3A_379 = arith.constant 3 : i32
      %add3A_380 = arith.addi %add3A_373, %add3A_379 : i32
      %add3A_381 = arith.constant 1 : i32
      %add3A_382 = arith.addi %add3A_380, %add3A_381 : i32
      %lt3A_383 = arith.constant 210 : i32
      %lt3A_384 = arith.cmpi slt, %add3A_382, %lt3A_383 : i32
      %convert_element_type3A_385 = arith.extui %lt3A_384 : i1 to i32
      %cond3A_386 = arith.constant 0 : i32
      %cond3A_387 = arith.cmpi ne, %convert_element_type3A_385, %cond3A_386 : i32
      scf.if %cond3A_387 {
        %add3A_513 = arith.constant 3 : i32
        %add3A_514 = arith.addi %add3A_373, %add3A_513 : i32
        %add3A_515 = arith.constant 1 : i32
        %add3A_516 = arith.addi %add3A_514, %add3A_515 : i32
        %dma_start3A_517 = arith.constant 2 : i32
        %dma_start3A_518 = arith.constant 0 : i32
        %dma_start3A_519 = tpu.memref_slice %arg6[%dma_start3A_517, %dma_start3A_518] : memref<14x48xi32, #tpu.memory_space<vmem>> -> memref<2x48xi32, #tpu.memory_space<vmem>>
        %dma_start3A_520 = arith.constant 0 : i32
        %dma_start3A_521 = arith.constant 0 : i32
        %dma_start3A_522 = tpu.memref_slice %arg3[%add3A, %add3A_516, %dma_start3A_520, %dma_start3A_521] : memref<32x210x2x48xi32, #tpu.memory_space<hbm>> -> memref<1x1x2x48xi32, #tpu.memory_space<hbm>>
        %dma_start3A_523 = tpu.memref_squeeze %dma_start3A_522 : memref<1x1x2x48xi32, #tpu.memory_space<hbm>> -> memref<2x48xi32, #tpu.memory_space<hbm>>
        %dma_start3A_524 = arith.constant 2 : i32
        %dma_start3A_525 = arith.constant 0 : i32
        %dma_start3A_526 = tpu.memref_slice %arg6[%dma_start3A_524, %dma_start3A_525] : memref<14x48xi32, #tpu.memory_space<vmem>> -> memref<2x48xi32, #tpu.memory_space<vmem>>
        %dma_start3A_527 = arith.constant 0 : i32
        %dma_start3A_528 = arith.constant 0 : i32
        %dma_start3A_529 = tpu.memref_slice %arg3[%add3A, %add3A_516, %dma_start3A_527, %dma_start3A_528] : memref<32x210x2x48xi32, #tpu.memory_space<hbm>> -> memref<1x1x2x48xi32, #tpu.memory_space<hbm>>
        %dma_start3A_530 = tpu.memref_squeeze %dma_start3A_529 : memref<1x1x2x48xi32, #tpu.memory_space<hbm>> -> memref<2x48xi32, #tpu.memory_space<hbm>>
        tpu.enqueue_dma source(%dma_start3A_530 : memref<2x48xi32, #tpu.memory_space<hbm>>) target(%dma_start3A_526 : memref<2x48xi32, #tpu.memory_space<vmem>>) target_semaphore(%arg10 : memref<!tpu.dma_semaphore, #tpu.memory_space<semaphore_mem>>)
      } else {
      }
      %add3A_388 = arith.constant 3 : i32
      %add3A_389 = arith.addi %add3A_373, %add3A_388 : i32
      %lt3A_390 = arith.constant 210 : i32
      %lt3A_391 = arith.cmpi slt, %add3A_389, %lt3A_390 : i32
      %convert_element_type3A_392 = arith.extui %lt3A_391 : i1 to i32
      %cond3A_393 = arith.constant 0 : i32
      %cond3A_394 = arith.cmpi ne, %convert_element_type3A_392, %cond3A_393 : i32
      scf.if %cond3A_394 {
        %add3A_513 = arith.constant 3 : i32
        %add3A_514 = arith.addi %add3A_373, %add3A_513 : i32
        %dma_wait3A_515 = arith.constant 0 : i32
        %dma_wait3A_516 = arith.constant 0 : i32
        %dma_wait3A_517 = tpu.memref_slice %arg6[%dma_wait3A_515, %dma_wait3A_516] : memref<14x48xi32, #tpu.memory_space<vmem>> -> memref<2x48xi32, #tpu.memory_space<vmem>>
        %dma_wait3A_518 = arith.constant 0 : i32
        %dma_wait3A_519 = arith.constant 0 : i32
        %dma_wait3A_520 = tpu.memref_slice %arg3[%add3A, %add3A_514, %dma_wait3A_518, %dma_wait3A_519] : memref<32x210x2x48xi32, #tpu.memory_space<hbm>> -> memref<1x1x2x48xi32, #tpu.memory_space<hbm>>
        %dma_wait3A_521 = tpu.memref_squeeze %dma_wait3A_520 : memref<1x1x2x48xi32, #tpu.memory_space<hbm>> -> memref<2x48xi32, #tpu.memory_space<hbm>>
        %dma_wait3A_522 = arith.constant 0 : i32
        %dma_wait3A_523 = arith.constant 0 : i32
        %dma_wait3A_524 = tpu.memref_slice %arg6[%dma_wait3A_522, %dma_wait3A_523] : memref<14x48xi32, #tpu.memory_space<vmem>> -> memref<2x48xi32, #tpu.memory_space<vmem>>
        %dma_wait3A_525 = arith.constant 0 : i32
        %dma_wait3A_526 = arith.constant 0 : i32
        %dma_wait3A_527 = tpu.memref_slice %arg3[%add3A, %add3A_514, %dma_wait3A_525, %dma_wait3A_526] : memref<32x210x2x48xi32, #tpu.memory_space<hbm>> -> memref<1x1x2x48xi32, #tpu.memory_space<hbm>>
        %dma_wait3A_528 = tpu.memref_squeeze %dma_wait3A_527 : memref<1x1x2x48xi32, #tpu.memory_space<hbm>> -> memref<2x48xi32, #tpu.memory_space<hbm>>
        tpu.wait_dma2 semaphore(%arg9 : memref<!tpu.dma_semaphore, #tpu.memory_space<semaphore_mem>>) src(%dma_wait3A_528 : memref<2x48xi32, #tpu.memory_space<hbm>>) dst(%dma_wait3A_524 : memref<2x48xi32, #tpu.memory_space<vmem>>)
        %dma_start3A_529 = arith.constant 0 : i32
        %dma_start3A_530 = arith.constant 0 : i32
        %dma_start3A_531 = arith.constant 0 : i32
        %dma_start3A_532 = arith.constant 0 : i32
        %dma_start3A_533 = tpu.memref_slice %arg7[%dma_start3A_530, %dma_start3A_531, %dma_start3A_532] : memref<7x48x128xf32, #tpu.memory_space<vmem>> -> memref<1x48x128xf32, #tpu.memory_space<vmem>>
        %dma_start3A_534 = tpu.memref_squeeze %dma_start3A_533 : memref<1x48x128xf32, #tpu.memory_space<vmem>> -> memref<48x128xf32, #tpu.memory_space<vmem>>
        %dma_start3A_535 = arith.constant 0 : i32
        %dma_start3A_536 = tpu.memref_slice %arg6[%dma_start3A_529, %dma_start3A_535] : memref<14x48xi32, #tpu.memory_space<vmem>> -> memref<1x48xi32, #tpu.memory_space<vmem>>
        %dma_start3A_537 = tpu.memref_squeeze %dma_start3A_536 : memref<1x48xi32, #tpu.memory_space<vmem>> -> memref<48xi32, #tpu.memory_space<vmem>>
        %dma_start3A_538 = arith.constant 0 : i32
        %dma_start3A_539 = arith.constant 0 : i32
        %dma_start3A_540 = tpu.memref_slice %arg2[%dma_start3A_538, %dma_start3A_539] : memref<10240x128xf32, #tpu.memory_space<hbm>> -> memref<10240x128xf32, #tpu.memory_space<hbm>>
        tpu.enqueue_indirect_dma source(%dma_start3A_540 : memref<10240x128xf32, #tpu.memory_space<hbm>>) target(%dma_start3A_534 : memref<48x128xf32, #tpu.memory_space<vmem>>) offsets(%dma_start3A_537 : memref<48xi32, #tpu.memory_space<vmem>>) semaphore(%arg16 : memref<!tpu.dma_semaphore, #tpu.memory_space<semaphore_mem>>)
      } else {
      }
      %dma_wait3A_395 = arith.constant 8 : i32
      %dma_wait3A_396 = arith.constant 4 : i32
      %dma_wait3A_397 = arith.constant 0 : i32
      %dma_wait3A_398 = arith.constant 0 : i32
      %dma_wait3A_399 = tpu.memref_slice %arg7[%dma_wait3A_396, %dma_wait3A_397, %dma_wait3A_398] : memref<7x48x128xf32, #tpu.memory_space<vmem>> -> memref<1x48x128xf32, #tpu.memory_space<vmem>>
      %dma_wait3A_400 = tpu.memref_squeeze %dma_wait3A_399 : memref<1x48x128xf32, #tpu.memory_space<vmem>> -> memref<48x128xf32, #tpu.memory_space<vmem>>
      %dma_wait3A_401 = arith.constant 0 : i32
      %dma_wait3A_402 = tpu.memref_slice %arg6[%dma_wait3A_395, %dma_wait3A_401] : memref<14x48xi32, #tpu.memory_space<vmem>> -> memref<1x48xi32, #tpu.memory_space<vmem>>
      %dma_wait3A_403 = tpu.memref_squeeze %dma_wait3A_402 : memref<1x48xi32, #tpu.memory_space<vmem>> -> memref<48xi32, #tpu.memory_space<vmem>>
      %dma_wait3A_404 = arith.constant 0 : i32
      %dma_wait3A_405 = arith.constant 0 : i32
      %dma_wait3A_406 = tpu.memref_slice %arg2[%dma_wait3A_404, %dma_wait3A_405] : memref<10240x128xf32, #tpu.memory_space<hbm>> -> memref<10240x128xf32, #tpu.memory_space<hbm>>
      tpu.wait_indirect_dma semaphore(%arg20 : memref<!tpu.dma_semaphore, #tpu.memory_space<semaphore_mem>>) src(%dma_wait3A_406 : memref<10240x128xf32, #tpu.memory_space<hbm>>) dst(%dma_wait3A_400 : memref<48x128xf32, #tpu.memory_space<vmem>>)
      %dma_start3A_407 = arith.constant 4 : i32
      %dma_start3A_408 = arith.constant 9 : i32
      %dma_start3A_409 = arith.constant 0 : i32
      %dma_start3A_410 = arith.constant 0 : i32
      %dma_start3A_411 = tpu.memref_slice %arg7[%dma_start3A_407, %dma_start3A_409, %dma_start3A_410] : memref<7x48x128xf32, #tpu.memory_space<vmem>> -> memref<1x48x128xf32, #tpu.memory_space<vmem>>
      %dma_start3A_412 = tpu.memref_squeeze %dma_start3A_411 : memref<1x48x128xf32, #tpu.memory_space<vmem>> -> memref<48x128xf32, #tpu.memory_space<vmem>>
      %dma_start3A_413 = arith.constant 0 : i32
      %dma_start3A_414 = tpu.memref_slice %arg6[%dma_start3A_408, %dma_start3A_413] : memref<14x48xi32, #tpu.memory_space<vmem>> -> memref<1x48xi32, #tpu.memory_space<vmem>>
      %dma_start3A_415 = tpu.memref_squeeze %dma_start3A_414 : memref<1x48xi32, #tpu.memory_space<vmem>> -> memref<48xi32, #tpu.memory_space<vmem>>
      %dma_start3A_416 = arith.constant 0 : i32
      %dma_start3A_417 = arith.constant 0 : i32
      %dma_start3A_418 = tpu.memref_slice %arg8[%dma_start3A_416, %dma_start3A_417] : memref<10240x128xf32, #tpu.memory_space<vmem_shared>> -> memref<10240x128xf32, #tpu.memory_space<vmem_shared>>
      tpu.enqueue_indirect_dma source(%dma_start3A_412 : memref<48x128xf32, #tpu.memory_space<vmem>>) target(%dma_start3A_418 : memref<10240x128xf32, #tpu.memory_space<vmem_shared>>) offsets(%dma_start3A_415 : memref<48xi32, #tpu.memory_space<vmem>>) semaphore(%arg27 : memref<!tpu.dma_semaphore, #tpu.memory_space<semaphore_mem>>) {add = true}
      %add3A_419 = arith.constant 5 : i32
      %add3A_420 = arith.addi %add3A_187, %add3A_419 : i32
      %ge3A_421 = arith.constant 3 : i32
      %ge3A_422 = arith.cmpi sge, %add3A_420, %ge3A_421 : i32
      %convert_element_type3A_423 = arith.extui %ge3A_422 : i1 to i32
      %cond3A_424 = arith.constant 0 : i32
      %cond3A_425 = arith.cmpi ne, %convert_element_type3A_423, %cond3A_424 : i32
      scf.if %cond3A_425 {
        %dma_wait3A_513 = arith.constant 2 : i32
        %dma_wait3A_514 = arith.constant 5 : i32
        %dma_wait3A_515 = arith.constant 0 : i32
        %dma_wait3A_516 = arith.constant 0 : i32
        %dma_wait3A_517 = tpu.memref_slice %arg7[%dma_wait3A_513, %dma_wait3A_515, %dma_wait3A_516] : memref<7x48x128xf32, #tpu.memory_space<vmem>> -> memref<1x48x128xf32, #tpu.memory_space<vmem>>
        %dma_wait3A_518 = tpu.memref_squeeze %dma_wait3A_517 : memref<1x48x128xf32, #tpu.memory_space<vmem>> -> memref<48x128xf32, #tpu.memory_space<vmem>>
        %dma_wait3A_519 = arith.constant 0 : i32
        %dma_wait3A_520 = tpu.memref_slice %arg6[%dma_wait3A_514, %dma_wait3A_519] : memref<14x48xi32, #tpu.memory_space<vmem>> -> memref<1x48xi32, #tpu.memory_space<vmem>>
        %dma_wait3A_521 = tpu.memref_squeeze %dma_wait3A_520 : memref<1x48xi32, #tpu.memory_space<vmem>> -> memref<48xi32, #tpu.memory_space<vmem>>
        %dma_wait3A_522 = arith.constant 0 : i32
        %dma_wait3A_523 = arith.constant 0 : i32
        %dma_wait3A_524 = tpu.memref_slice %arg8[%dma_wait3A_522, %dma_wait3A_523] : memref<10240x128xf32, #tpu.memory_space<vmem_shared>> -> memref<10240x128xf32, #tpu.memory_space<vmem_shared>>
        tpu.wait_indirect_dma semaphore(%arg25 : memref<!tpu.dma_semaphore, #tpu.memory_space<semaphore_mem>>) src(%dma_wait3A_518 : memref<48x128xf32, #tpu.memory_space<vmem>>) dst(%dma_wait3A_524 : memref<10240x128xf32, #tpu.memory_space<vmem_shared>>)
      } else {
      }
      %add3A_426 = arith.constant 3 : i32
      %add3A_427 = arith.addi %add3A_420, %add3A_426 : i32
      %add3A_428 = arith.constant 1 : i32
      %add3A_429 = arith.addi %add3A_427, %add3A_428 : i32
      %lt3A_430 = arith.constant 210 : i32
      %lt3A_431 = arith.cmpi slt, %add3A_429, %lt3A_430 : i32
      %convert_element_type3A_432 = arith.extui %lt3A_431 : i1 to i32
      %cond3A_433 = arith.constant 0 : i32
      %cond3A_434 = arith.cmpi ne, %convert_element_type3A_432, %cond3A_433 : i32
      scf.if %cond3A_434 {
        %add3A_513 = arith.constant 3 : i32
        %add3A_514 = arith.addi %add3A_420, %add3A_513 : i32
        %add3A_515 = arith.constant 1 : i32
        %add3A_516 = arith.addi %add3A_514, %add3A_515 : i32
        %dma_start3A_517 = arith.constant 4 : i32
        %dma_start3A_518 = arith.constant 0 : i32
        %dma_start3A_519 = tpu.memref_slice %arg6[%dma_start3A_517, %dma_start3A_518] : memref<14x48xi32, #tpu.memory_space<vmem>> -> memref<2x48xi32, #tpu.memory_space<vmem>>
        %dma_start3A_520 = arith.constant 0 : i32
        %dma_start3A_521 = arith.constant 0 : i32
        %dma_start3A_522 = tpu.memref_slice %arg3[%add3A, %add3A_516, %dma_start3A_520, %dma_start3A_521] : memref<32x210x2x48xi32, #tpu.memory_space<hbm>> -> memref<1x1x2x48xi32, #tpu.memory_space<hbm>>
        %dma_start3A_523 = tpu.memref_squeeze %dma_start3A_522 : memref<1x1x2x48xi32, #tpu.memory_space<hbm>> -> memref<2x48xi32, #tpu.memory_space<hbm>>
        %dma_start3A_524 = arith.constant 4 : i32
        %dma_start3A_525 = arith.constant 0 : i32
        %dma_start3A_526 = tpu.memref_slice %arg6[%dma_start3A_524, %dma_start3A_525] : memref<14x48xi32, #tpu.memory_space<vmem>> -> memref<2x48xi32, #tpu.memory_space<vmem>>
        %dma_start3A_527 = arith.constant 0 : i32
        %dma_start3A_528 = arith.constant 0 : i32
        %dma_start3A_529 = tpu.memref_slice %arg3[%add3A, %add3A_516, %dma_start3A_527, %dma_start3A_528] : memref<32x210x2x48xi32, #tpu.memory_space<hbm>> -> memref<1x1x2x48xi32, #tpu.memory_space<hbm>>
        %dma_start3A_530 = tpu.memref_squeeze %dma_start3A_529 : memref<1x1x2x48xi32, #tpu.memory_space<hbm>> -> memref<2x48xi32, #tpu.memory_space<hbm>>
        tpu.enqueue_dma source(%dma_start3A_530 : memref<2x48xi32, #tpu.memory_space<hbm>>) target(%dma_start3A_526 : memref<2x48xi32, #tpu.memory_space<vmem>>) target_semaphore(%arg11 : memref<!tpu.dma_semaphore, #tpu.memory_space<semaphore_mem>>)
      } else {
      }
      %add3A_435 = arith.constant 3 : i32
      %add3A_436 = arith.addi %add3A_420, %add3A_435 : i32
      %lt3A_437 = arith.constant 210 : i32
      %lt3A_438 = arith.cmpi slt, %add3A_436, %lt3A_437 : i32
      %convert_element_type3A_439 = arith.extui %lt3A_438 : i1 to i32
      %cond3A_440 = arith.constant 0 : i32
      %cond3A_441 = arith.cmpi ne, %convert_element_type3A_439, %cond3A_440 : i32
      scf.if %cond3A_441 {
        %add3A_513 = arith.constant 3 : i32
        %add3A_514 = arith.addi %add3A_420, %add3A_513 : i32
        %dma_wait3A_515 = arith.constant 2 : i32
        %dma_wait3A_516 = arith.constant 0 : i32
        %dma_wait3A_517 = tpu.memref_slice %arg6[%dma_wait3A_515, %dma_wait3A_516] : memref<14x48xi32, #tpu.memory_space<vmem>> -> memref<2x48xi32, #tpu.memory_space<vmem>>
        %dma_wait3A_518 = arith.constant 0 : i32
        %dma_wait3A_519 = arith.constant 0 : i32
        %dma_wait3A_520 = tpu.memref_slice %arg3[%add3A, %add3A_514, %dma_wait3A_518, %dma_wait3A_519] : memref<32x210x2x48xi32, #tpu.memory_space<hbm>> -> memref<1x1x2x48xi32, #tpu.memory_space<hbm>>
        %dma_wait3A_521 = tpu.memref_squeeze %dma_wait3A_520 : memref<1x1x2x48xi32, #tpu.memory_space<hbm>> -> memref<2x48xi32, #tpu.memory_space<hbm>>
        %dma_wait3A_522 = arith.constant 2 : i32
        %dma_wait3A_523 = arith.constant 0 : i32
        %dma_wait3A_524 = tpu.memref_slice %arg6[%dma_wait3A_522, %dma_wait3A_523] : memref<14x48xi32, #tpu.memory_space<vmem>> -> memref<2x48xi32, #tpu.memory_space<vmem>>
        %dma_wait3A_525 = arith.constant 0 : i32
        %dma_wait3A_526 = arith.constant 0 : i32
        %dma_wait3A_527 = tpu.memref_slice %arg3[%add3A, %add3A_514, %dma_wait3A_525, %dma_wait3A_526] : memref<32x210x2x48xi32, #tpu.memory_space<hbm>> -> memref<1x1x2x48xi32, #tpu.memory_space<hbm>>
        %dma_wait3A_528 = tpu.memref_squeeze %dma_wait3A_527 : memref<1x1x2x48xi32, #tpu.memory_space<hbm>> -> memref<2x48xi32, #tpu.memory_space<hbm>>
        tpu.wait_dma2 semaphore(%arg10 : memref<!tpu.dma_semaphore, #tpu.memory_space<semaphore_mem>>) src(%dma_wait3A_528 : memref<2x48xi32, #tpu.memory_space<hbm>>) dst(%dma_wait3A_524 : memref<2x48xi32, #tpu.memory_space<vmem>>)
        %dma_start3A_529 = arith.constant 2 : i32
        %dma_start3A_530 = arith.constant 1 : i32
        %dma_start3A_531 = arith.constant 0 : i32
        %dma_start3A_532 = arith.constant 0 : i32
        %dma_start3A_533 = tpu.memref_slice %arg7[%dma_start3A_530, %dma_start3A_531, %dma_start3A_532] : memref<7x48x128xf32, #tpu.memory_space<vmem>> -> memref<1x48x128xf32, #tpu.memory_space<vmem>>
        %dma_start3A_534 = tpu.memref_squeeze %dma_start3A_533 : memref<1x48x128xf32, #tpu.memory_space<vmem>> -> memref<48x128xf32, #tpu.memory_space<vmem>>
        %dma_start3A_535 = arith.constant 0 : i32
        %dma_start3A_536 = tpu.memref_slice %arg6[%dma_start3A_529, %dma_start3A_535] : memref<14x48xi32, #tpu.memory_space<vmem>> -> memref<1x48xi32, #tpu.memory_space<vmem>>
        %dma_start3A_537 = tpu.memref_squeeze %dma_start3A_536 : memref<1x48xi32, #tpu.memory_space<vmem>> -> memref<48xi32, #tpu.memory_space<vmem>>
        %dma_start3A_538 = arith.constant 0 : i32
        %dma_start3A_539 = arith.constant 0 : i32
        %dma_start3A_540 = tpu.memref_slice %arg2[%dma_start3A_538, %dma_start3A_539] : memref<10240x128xf32, #tpu.memory_space<hbm>> -> memref<10240x128xf32, #tpu.memory_space<hbm>>
        tpu.enqueue_indirect_dma source(%dma_start3A_540 : memref<10240x128xf32, #tpu.memory_space<hbm>>) target(%dma_start3A_534 : memref<48x128xf32, #tpu.memory_space<vmem>>) offsets(%dma_start3A_537 : memref<48xi32, #tpu.memory_space<vmem>>) semaphore(%arg17 : memref<!tpu.dma_semaphore, #tpu.memory_space<semaphore_mem>>)
      } else {
      }
      %dma_wait3A_442 = arith.constant 10 : i32
      %dma_wait3A_443 = arith.constant 5 : i32
      %dma_wait3A_444 = arith.constant 0 : i32
      %dma_wait3A_445 = arith.constant 0 : i32
      %dma_wait3A_446 = tpu.memref_slice %arg7[%dma_wait3A_443, %dma_wait3A_444, %dma_wait3A_445] : memref<7x48x128xf32, #tpu.memory_space<vmem>> -> memref<1x48x128xf32, #tpu.memory_space<vmem>>
      %dma_wait3A_447 = tpu.memref_squeeze %dma_wait3A_446 : memref<1x48x128xf32, #tpu.memory_space<vmem>> -> memref<48x128xf32, #tpu.memory_space<vmem>>
      %dma_wait3A_448 = arith.constant 0 : i32
      %dma_wait3A_449 = tpu.memref_slice %arg6[%dma_wait3A_442, %dma_wait3A_448] : memref<14x48xi32, #tpu.memory_space<vmem>> -> memref<1x48xi32, #tpu.memory_space<vmem>>
      %dma_wait3A_450 = tpu.memref_squeeze %dma_wait3A_449 : memref<1x48xi32, #tpu.memory_space<vmem>> -> memref<48xi32, #tpu.memory_space<vmem>>
      %dma_wait3A_451 = arith.constant 0 : i32
      %dma_wait3A_452 = arith.constant 0 : i32
      %dma_wait3A_453 = tpu.memref_slice %arg2[%dma_wait3A_451, %dma_wait3A_452] : memref<10240x128xf32, #tpu.memory_space<hbm>> -> memref<10240x128xf32, #tpu.memory_space<hbm>>
      tpu.wait_indirect_dma semaphore(%arg21 : memref<!tpu.dma_semaphore, #tpu.memory_space<semaphore_mem>>) src(%dma_wait3A_453 : memref<10240x128xf32, #tpu.memory_space<hbm>>) dst(%dma_wait3A_447 : memref<48x128xf32, #tpu.memory_space<vmem>>)
      %dma_start3A_454 = arith.constant 5 : i32
      %dma_start3A_455 = arith.constant 11 : i32
      %dma_start3A_456 = arith.constant 0 : i32
      %dma_start3A_457 = arith.constant 0 : i32
      %dma_start3A_458 = tpu.memref_slice %arg7[%dma_start3A_454, %dma_start3A_456, %dma_start3A_457] : memref<7x48x128xf32, #tpu.memory_space<vmem>> -> memref<1x48x128xf32, #tpu.memory_space<vmem>>
      %dma_start3A_459 = tpu.memref_squeeze %dma_start3A_458 : memref<1x48x128xf32, #tpu.memory_space<vmem>> -> memref<48x128xf32, #tpu.memory_space<vmem>>
      %dma_start3A_460 = arith.constant 0 : i32
      %dma_start3A_461 = tpu.memref_slice %arg6[%dma_start3A_455, %dma_start3A_460] : memref<14x48xi32, #tpu.memory_space<vmem>> -> memref<1x48xi32, #tpu.memory_space<vmem>>
      %dma_start3A_462 = tpu.memref_squeeze %dma_start3A_461 : memref<1x48xi32, #tpu.memory_space<vmem>> -> memref<48xi32, #tpu.memory_space<vmem>>
      %dma_start3A_463 = arith.constant 0 : i32
      %dma_start3A_464 = arith.constant 0 : i32
      %dma_start3A_465 = tpu.memref_slice %arg8[%dma_start3A_463, %dma_start3A_464] : memref<10240x128xf32, #tpu.memory_space<vmem_shared>> -> memref<10240x128xf32, #tpu.memory_space<vmem_shared>>
      tpu.enqueue_indirect_dma source(%dma_start3A_459 : memref<48x128xf32, #tpu.memory_space<vmem>>) target(%dma_start3A_465 : memref<10240x128xf32, #tpu.memory_space<vmem_shared>>) offsets(%dma_start3A_462 : memref<48xi32, #tpu.memory_space<vmem>>) semaphore(%arg28 : memref<!tpu.dma_semaphore, #tpu.memory_space<semaphore_mem>>) {add = true}
      %add3A_466 = arith.constant 6 : i32
      %add3A_467 = arith.addi %add3A_187, %add3A_466 : i32
      %ge3A_468 = arith.constant 3 : i32
      %ge3A_469 = arith.cmpi sge, %add3A_467, %ge3A_468 : i32
      %convert_element_type3A_470 = arith.extui %ge3A_469 : i1 to i32
      %cond3A_471 = arith.constant 0 : i32
      %cond3A_472 = arith.cmpi ne, %convert_element_type3A_470, %cond3A_471 : i32
      scf.if %cond3A_472 {
        %dma_wait3A_513 = arith.constant 3 : i32
        %dma_wait3A_514 = arith.constant 7 : i32
        %dma_wait3A_515 = arith.constant 0 : i32
        %dma_wait3A_516 = arith.constant 0 : i32
        %dma_wait3A_517 = tpu.memref_slice %arg7[%dma_wait3A_513, %dma_wait3A_515, %dma_wait3A_516] : memref<7x48x128xf32, #tpu.memory_space<vmem>> -> memref<1x48x128xf32, #tpu.memory_space<vmem>>
        %dma_wait3A_518 = tpu.memref_squeeze %dma_wait3A_517 : memref<1x48x128xf32, #tpu.memory_space<vmem>> -> memref<48x128xf32, #tpu.memory_space<vmem>>
        %dma_wait3A_519 = arith.constant 0 : i32
        %dma_wait3A_520 = tpu.memref_slice %arg6[%dma_wait3A_514, %dma_wait3A_519] : memref<14x48xi32, #tpu.memory_space<vmem>> -> memref<1x48xi32, #tpu.memory_space<vmem>>
        %dma_wait3A_521 = tpu.memref_squeeze %dma_wait3A_520 : memref<1x48xi32, #tpu.memory_space<vmem>> -> memref<48xi32, #tpu.memory_space<vmem>>
        %dma_wait3A_522 = arith.constant 0 : i32
        %dma_wait3A_523 = arith.constant 0 : i32
        %dma_wait3A_524 = tpu.memref_slice %arg8[%dma_wait3A_522, %dma_wait3A_523] : memref<10240x128xf32, #tpu.memory_space<vmem_shared>> -> memref<10240x128xf32, #tpu.memory_space<vmem_shared>>
        tpu.wait_indirect_dma semaphore(%arg26 : memref<!tpu.dma_semaphore, #tpu.memory_space<semaphore_mem>>) src(%dma_wait3A_518 : memref<48x128xf32, #tpu.memory_space<vmem>>) dst(%dma_wait3A_524 : memref<10240x128xf32, #tpu.memory_space<vmem_shared>>)
      } else {
      }
      %add3A_473 = arith.constant 3 : i32
      %add3A_474 = arith.addi %add3A_467, %add3A_473 : i32
      %add3A_475 = arith.constant 1 : i32
      %add3A_476 = arith.addi %add3A_474, %add3A_475 : i32
      %lt3A_477 = arith.constant 210 : i32
      %lt3A_478 = arith.cmpi slt, %add3A_476, %lt3A_477 : i32
      %convert_element_type3A_479 = arith.extui %lt3A_478 : i1 to i32
      %cond3A_480 = arith.constant 0 : i32
      %cond3A_481 = arith.cmpi ne, %convert_element_type3A_479, %cond3A_480 : i32
      scf.if %cond3A_481 {
        %add3A_513 = arith.constant 3 : i32
        %add3A_514 = arith.addi %add3A_467, %add3A_513 : i32
        %add3A_515 = arith.constant 1 : i32
        %add3A_516 = arith.addi %add3A_514, %add3A_515 : i32
        %dma_start3A_517 = arith.constant 6 : i32
        %dma_start3A_518 = arith.constant 0 : i32
        %dma_start3A_519 = tpu.memref_slice %arg6[%dma_start3A_517, %dma_start3A_518] : memref<14x48xi32, #tpu.memory_space<vmem>> -> memref<2x48xi32, #tpu.memory_space<vmem>>
        %dma_start3A_520 = arith.constant 0 : i32
        %dma_start3A_521 = arith.constant 0 : i32
        %dma_start3A_522 = tpu.memref_slice %arg3[%add3A, %add3A_516, %dma_start3A_520, %dma_start3A_521] : memref<32x210x2x48xi32, #tpu.memory_space<hbm>> -> memref<1x1x2x48xi32, #tpu.memory_space<hbm>>
        %dma_start3A_523 = tpu.memref_squeeze %dma_start3A_522 : memref<1x1x2x48xi32, #tpu.memory_space<hbm>> -> memref<2x48xi32, #tpu.memory_space<hbm>>
        %dma_start3A_524 = arith.constant 6 : i32
        %dma_start3A_525 = arith.constant 0 : i32
        %dma_start3A_526 = tpu.memref_slice %arg6[%dma_start3A_524, %dma_start3A_525] : memref<14x48xi32, #tpu.memory_space<vmem>> -> memref<2x48xi32, #tpu.memory_space<vmem>>
        %dma_start3A_527 = arith.constant 0 : i32
        %dma_start3A_528 = arith.constant 0 : i32
        %dma_start3A_529 = tpu.memref_slice %arg3[%add3A, %add3A_516, %dma_start3A_527, %dma_start3A_528] : memref<32x210x2x48xi32, #tpu.memory_space<hbm>> -> memref<1x1x2x48xi32, #tpu.memory_space<hbm>>
        %dma_start3A_530 = tpu.memref_squeeze %dma_start3A_529 : memref<1x1x2x48xi32, #tpu.memory_space<hbm>> -> memref<2x48xi32, #tpu.memory_space<hbm>>
        tpu.enqueue_dma source(%dma_start3A_530 : memref<2x48xi32, #tpu.memory_space<hbm>>) target(%dma_start3A_526 : memref<2x48xi32, #tpu.memory_space<vmem>>) target_semaphore(%arg12 : memref<!tpu.dma_semaphore, #tpu.memory_space<semaphore_mem>>)
      } else {
      }
      %add3A_482 = arith.constant 3 : i32
      %add3A_483 = arith.addi %add3A_467, %add3A_482 : i32
      %lt3A_484 = arith.constant 210 : i32
      %lt3A_485 = arith.cmpi slt, %add3A_483, %lt3A_484 : i32
      %convert_element_type3A_486 = arith.extui %lt3A_485 : i1 to i32
      %cond3A_487 = arith.constant 0 : i32
      %cond3A_488 = arith.cmpi ne, %convert_element_type3A_486, %cond3A_487 : i32
      scf.if %cond3A_488 {
        %add3A_513 = arith.constant 3 : i32
        %add3A_514 = arith.addi %add3A_467, %add3A_513 : i32
        %dma_wait3A_515 = arith.constant 4 : i32
        %dma_wait3A_516 = arith.constant 0 : i32
        %dma_wait3A_517 = tpu.memref_slice %arg6[%dma_wait3A_515, %dma_wait3A_516] : memref<14x48xi32, #tpu.memory_space<vmem>> -> memref<2x48xi32, #tpu.memory_space<vmem>>
        %dma_wait3A_518 = arith.constant 0 : i32
        %dma_wait3A_519 = arith.constant 0 : i32
        %dma_wait3A_520 = tpu.memref_slice %arg3[%add3A, %add3A_514, %dma_wait3A_518, %dma_wait3A_519] : memref<32x210x2x48xi32, #tpu.memory_space<hbm>> -> memref<1x1x2x48xi32, #tpu.memory_space<hbm>>
        %dma_wait3A_521 = tpu.memref_squeeze %dma_wait3A_520 : memref<1x1x2x48xi32, #tpu.memory_space<hbm>> -> memref<2x48xi32, #tpu.memory_space<hbm>>
        %dma_wait3A_522 = arith.constant 4 : i32
        %dma_wait3A_523 = arith.constant 0 : i32
        %dma_wait3A_524 = tpu.memref_slice %arg6[%dma_wait3A_522, %dma_wait3A_523] : memref<14x48xi32, #tpu.memory_space<vmem>> -> memref<2x48xi32, #tpu.memory_space<vmem>>
        %dma_wait3A_525 = arith.constant 0 : i32
        %dma_wait3A_526 = arith.constant 0 : i32
        %dma_wait3A_527 = tpu.memref_slice %arg3[%add3A, %add3A_514, %dma_wait3A_525, %dma_wait3A_526] : memref<32x210x2x48xi32, #tpu.memory_space<hbm>> -> memref<1x1x2x48xi32, #tpu.memory_space<hbm>>
        %dma_wait3A_528 = tpu.memref_squeeze %dma_wait3A_527 : memref<1x1x2x48xi32, #tpu.memory_space<hbm>> -> memref<2x48xi32, #tpu.memory_space<hbm>>
        tpu.wait_dma2 semaphore(%arg11 : memref<!tpu.dma_semaphore, #tpu.memory_space<semaphore_mem>>) src(%dma_wait3A_528 : memref<2x48xi32, #tpu.memory_space<hbm>>) dst(%dma_wait3A_524 : memref<2x48xi32, #tpu.memory_space<vmem>>)
        %dma_start3A_529 = arith.constant 4 : i32
        %dma_start3A_530 = arith.constant 2 : i32
        %dma_start3A_531 = arith.constant 0 : i32
        %dma_start3A_532 = arith.constant 0 : i32
        %dma_start3A_533 = tpu.memref_slice %arg7[%dma_start3A_530, %dma_start3A_531, %dma_start3A_532] : memref<7x48x128xf32, #tpu.memory_space<vmem>> -> memref<1x48x128xf32, #tpu.memory_space<vmem>>
        %dma_start3A_534 = tpu.memref_squeeze %dma_start3A_533 : memref<1x48x128xf32, #tpu.memory_space<vmem>> -> memref<48x128xf32, #tpu.memory_space<vmem>>
        %dma_start3A_535 = arith.constant 0 : i32
        %dma_start3A_536 = tpu.memref_slice %arg6[%dma_start3A_529, %dma_start3A_535] : memref<14x48xi32, #tpu.memory_space<vmem>> -> memref<1x48xi32, #tpu.memory_space<vmem>>
        %dma_start3A_537 = tpu.memref_squeeze %dma_start3A_536 : memref<1x48xi32, #tpu.memory_space<vmem>> -> memref<48xi32, #tpu.memory_space<vmem>>
        %dma_start3A_538 = arith.constant 0 : i32
        %dma_start3A_539 = arith.constant 0 : i32
        %dma_start3A_540 = tpu.memref_slice %arg2[%dma_start3A_538, %dma_start3A_539] : memref<10240x128xf32, #tpu.memory_space<hbm>> -> memref<10240x128xf32, #tpu.memory_space<hbm>>
        tpu.enqueue_indirect_dma source(%dma_start3A_540 : memref<10240x128xf32, #tpu.memory_space<hbm>>) target(%dma_start3A_534 : memref<48x128xf32, #tpu.memory_space<vmem>>) offsets(%dma_start3A_537 : memref<48xi32, #tpu.memory_space<vmem>>) semaphore(%arg18 : memref<!tpu.dma_semaphore, #tpu.memory_space<semaphore_mem>>)
      } else {
      }
      %dma_wait3A_489 = arith.constant 12 : i32
      %dma_wait3A_490 = arith.constant 6 : i32
      %dma_wait3A_491 = arith.constant 0 : i32
      %dma_wait3A_492 = arith.constant 0 : i32
      %dma_wait3A_493 = tpu.memref_slice %arg7[%dma_wait3A_490, %dma_wait3A_491, %dma_wait3A_492] : memref<7x48x128xf32, #tpu.memory_space<vmem>> -> memref<1x48x128xf32, #tpu.memory_space<vmem>>
      %dma_wait3A_494 = tpu.memref_squeeze %dma_wait3A_493 : memref<1x48x128xf32, #tpu.memory_space<vmem>> -> memref<48x128xf32, #tpu.memory_space<vmem>>
      %dma_wait3A_495 = arith.constant 0 : i32
      %dma_wait3A_496 = tpu.memref_slice %arg6[%dma_wait3A_489, %dma_wait3A_495] : memref<14x48xi32, #tpu.memory_space<vmem>> -> memref<1x48xi32, #tpu.memory_space<vmem>>
      %dma_wait3A_497 = tpu.memref_squeeze %dma_wait3A_496 : memref<1x48xi32, #tpu.memory_space<vmem>> -> memref<48xi32, #tpu.memory_space<vmem>>
      %dma_wait3A_498 = arith.constant 0 : i32
      %dma_wait3A_499 = arith.constant 0 : i32
      %dma_wait3A_500 = tpu.memref_slice %arg2[%dma_wait3A_498, %dma_wait3A_499] : memref<10240x128xf32, #tpu.memory_space<hbm>> -> memref<10240x128xf32, #tpu.memory_space<hbm>>
      tpu.wait_indirect_dma semaphore(%arg22 : memref<!tpu.dma_semaphore, #tpu.memory_space<semaphore_mem>>) src(%dma_wait3A_500 : memref<10240x128xf32, #tpu.memory_space<hbm>>) dst(%dma_wait3A_494 : memref<48x128xf32, #tpu.memory_space<vmem>>)
      %dma_start3A_501 = arith.constant 6 : i32
      %dma_start3A_502 = arith.constant 13 : i32
      %dma_start3A_503 = arith.constant 0 : i32
      %dma_start3A_504 = arith.constant 0 : i32
      %dma_start3A_505 = tpu.memref_slice %arg7[%dma_start3A_501, %dma_start3A_503, %dma_start3A_504] : memref<7x48x128xf32, #tpu.memory_space<vmem>> -> memref<1x48x128xf32, #tpu.memory_space<vmem>>
      %dma_start3A_506 = tpu.memref_squeeze %dma_start3A_505 : memref<1x48x128xf32, #tpu.memory_space<vmem>> -> memref<48x128xf32, #tpu.memory_space<vmem>>
      %dma_start3A_507 = arith.constant 0 : i32
      %dma_start3A_508 = tpu.memref_slice %arg6[%dma_start3A_502, %dma_start3A_507] : memref<14x48xi32, #tpu.memory_space<vmem>> -> memref<1x48xi32, #tpu.memory_space<vmem>>
      %dma_start3A_509 = tpu.memref_squeeze %dma_start3A_508 : memref<1x48xi32, #tpu.memory_space<vmem>> -> memref<48xi32, #tpu.memory_space<vmem>>
      %dma_start3A_510 = arith.constant 0 : i32
      %dma_start3A_511 = arith.constant 0 : i32
      %dma_start3A_512 = tpu.memref_slice %arg8[%dma_start3A_510, %dma_start3A_511] : memref<10240x128xf32, #tpu.memory_space<vmem_shared>> -> memref<10240x128xf32, #tpu.memory_space<vmem_shared>>
      tpu.enqueue_indirect_dma source(%dma_start3A_506 : memref<48x128xf32, #tpu.memory_space<vmem>>) target(%dma_start3A_512 : memref<10240x128xf32, #tpu.memory_space<vmem_shared>>) offsets(%dma_start3A_509 : memref<48xi32, #tpu.memory_space<vmem>>) semaphore(%arg29 : memref<!tpu.dma_semaphore, #tpu.memory_space<semaphore_mem>>) {add = true}
    }
    %scan3A_145 = arith.constant 30 : i32
    %dma_wait3A_146 = arith.constant 4 : i32
    %dma_wait3A_147 = arith.constant 9 : i32
    %dma_wait3A_148 = arith.constant 0 : i32
    %dma_wait3A_149 = arith.constant 0 : i32
    %dma_wait3A_150 = tpu.memref_slice %arg7[%dma_wait3A_146, %dma_wait3A_148, %dma_wait3A_149] : memref<7x48x128xf32, #tpu.memory_space<vmem>> -> memref<1x48x128xf32, #tpu.memory_space<vmem>>
    %dma_wait3A_151 = tpu.memref_squeeze %dma_wait3A_150 : memref<1x48x128xf32, #tpu.memory_space<vmem>> -> memref<48x128xf32, #tpu.memory_space<vmem>>
    %dma_wait3A_152 = arith.constant 0 : i32
    %dma_wait3A_153 = tpu.memref_slice %arg6[%dma_wait3A_147, %dma_wait3A_152] : memref<14x48xi32, #tpu.memory_space<vmem>> -> memref<1x48xi32, #tpu.memory_space<vmem>>
    %dma_wait3A_154 = tpu.memref_squeeze %dma_wait3A_153 : memref<1x48xi32, #tpu.memory_space<vmem>> -> memref<48xi32, #tpu.memory_space<vmem>>
    %dma_wait3A_155 = arith.constant 0 : i32
    %dma_wait3A_156 = arith.constant 0 : i32
    %dma_wait3A_157 = tpu.memref_slice %arg8[%dma_wait3A_155, %dma_wait3A_156] : memref<10240x128xf32, #tpu.memory_space<vmem_shared>> -> memref<10240x128xf32, #tpu.memory_space<vmem_shared>>
    tpu.wait_indirect_dma semaphore(%arg27 : memref<!tpu.dma_semaphore, #tpu.memory_space<semaphore_mem>>) src(%dma_wait3A_151 : memref<48x128xf32, #tpu.memory_space<vmem>>) dst(%dma_wait3A_157 : memref<10240x128xf32, #tpu.memory_space<vmem_shared>>)
    %dma_wait3A_158 = arith.constant 5 : i32
    %dma_wait3A_159 = arith.constant 11 : i32
    %dma_wait3A_160 = arith.constant 0 : i32
    %dma_wait3A_161 = arith.constant 0 : i32
    %dma_wait3A_162 = tpu.memref_slice %arg7[%dma_wait3A_158, %dma_wait3A_160, %dma_wait3A_161] : memref<7x48x128xf32, #tpu.memory_space<vmem>> -> memref<1x48x128xf32, #tpu.memory_space<vmem>>
    %dma_wait3A_163 = tpu.memref_squeeze %dma_wait3A_162 : memref<1x48x128xf32, #tpu.memory_space<vmem>> -> memref<48x128xf32, #tpu.memory_space<vmem>>
    %dma_wait3A_164 = arith.constant 0 : i32
    %dma_wait3A_165 = tpu.memref_slice %arg6[%dma_wait3A_159, %dma_wait3A_164] : memref<14x48xi32, #tpu.memory_space<vmem>> -> memref<1x48xi32, #tpu.memory_space<vmem>>
    %dma_wait3A_166 = tpu.memref_squeeze %dma_wait3A_165 : memref<1x48xi32, #tpu.memory_space<vmem>> -> memref<48xi32, #tpu.memory_space<vmem>>
    %dma_wait3A_167 = arith.constant 0 : i32
    %dma_wait3A_168 = arith.constant 0 : i32
    %dma_wait3A_169 = tpu.memref_slice %arg8[%dma_wait3A_167, %dma_wait3A_168] : memref<10240x128xf32, #tpu.memory_space<vmem_shared>> -> memref<10240x128xf32, #tpu.memory_space<vmem_shared>>
    tpu.wait_indirect_dma semaphore(%arg28 : memref<!tpu.dma_semaphore, #tpu.memory_space<semaphore_mem>>) src(%dma_wait3A_163 : memref<48x128xf32, #tpu.memory_space<vmem>>) dst(%dma_wait3A_169 : memref<10240x128xf32, #tpu.memory_space<vmem_shared>>)
    %dma_wait3A_170 = arith.constant 6 : i32
    %dma_wait3A_171 = arith.constant 13 : i32
    %dma_wait3A_172 = arith.constant 0 : i32
    %dma_wait3A_173 = arith.constant 0 : i32
    %dma_wait3A_174 = tpu.memref_slice %arg7[%dma_wait3A_170, %dma_wait3A_172, %dma_wait3A_173] : memref<7x48x128xf32, #tpu.memory_space<vmem>> -> memref<1x48x128xf32, #tpu.memory_space<vmem>>
    %dma_wait3A_175 = tpu.memref_squeeze %dma_wait3A_174 : memref<1x48x128xf32, #tpu.memory_space<vmem>> -> memref<48x128xf32, #tpu.memory_space<vmem>>
    %dma_wait3A_176 = arith.constant 0 : i32
    %dma_wait3A_177 = tpu.memref_slice %arg6[%dma_wait3A_171, %dma_wait3A_176] : memref<14x48xi32, #tpu.memory_space<vmem>> -> memref<1x48xi32, #tpu.memory_space<vmem>>
    %dma_wait3A_178 = tpu.memref_squeeze %dma_wait3A_177 : memref<1x48xi32, #tpu.memory_space<vmem>> -> memref<48xi32, #tpu.memory_space<vmem>>
    %dma_wait3A_179 = arith.constant 0 : i32
    %dma_wait3A_180 = arith.constant 0 : i32
    %dma_wait3A_181 = tpu.memref_slice %arg8[%dma_wait3A_179, %dma_wait3A_180] : memref<10240x128xf32, #tpu.memory_space<vmem_shared>> -> memref<10240x128xf32, #tpu.memory_space<vmem_shared>>
    tpu.wait_indirect_dma semaphore(%arg29 : memref<!tpu.dma_semaphore, #tpu.memory_space<semaphore_mem>>) src(%dma_wait3A_175 : memref<48x128xf32, #tpu.memory_space<vmem>>) dst(%dma_wait3A_181 : memref<10240x128xf32, #tpu.memory_space<vmem_shared>>)
    %barrier3A_182 = arith.constant 0 : index
    tpu.barrier barrier_id(%barrier3A_182)
    "tpu.region"() ({
      %run_scoped3A = tpu.sem_alloc : memref<!tpu.dma_semaphore, #tpu.memory_space<semaphore_mem>>
      %dma_start3A_183 = arith.constant 0 : i32
      %dma_start3A_184 = tpu.memref_slice %arg5[%arg0, %mul3A_2, %dma_start3A_183] : memref<2x10240x128xf32, #tpu.memory_space<hbm>> -> memref<1x640x128xf32, #tpu.memory_space<hbm>>
      %dma_start3A_185 = tpu.memref_squeeze %dma_start3A_184 : memref<1x640x128xf32, #tpu.memory_space<hbm>> -> memref<640x128xf32, #tpu.memory_space<hbm>>
      %dma_start3A_186 = arith.constant 0 : i32
      %dma_start3A_187 = tpu.memref_slice %arg8[%mul3A_2, %dma_start3A_186] : memref<10240x128xf32, #tpu.memory_space<vmem_shared>> -> memref<640x128xf32, #tpu.memory_space<vmem_shared>>
      tpu.enqueue_dma source(%dma_start3A_187 : memref<640x128xf32, #tpu.memory_space<vmem_shared>>) target(%dma_start3A_185 : memref<640x128xf32, #tpu.memory_space<hbm>>) target_semaphore(%run_scoped3A : memref<!tpu.dma_semaphore, #tpu.memory_space<semaphore_mem>>)
      %dma_wait3A_188 = arith.constant 0 : i32
      %dma_wait3A_189 = tpu.memref_slice %arg5[%arg0, %mul3A_2, %dma_wait3A_188] : memref<2x10240x128xf32, #tpu.memory_space<hbm>> -> memref<1x640x128xf32, #tpu.memory_space<hbm>>
      %dma_wait3A_190 = tpu.memref_squeeze %dma_wait3A_189 : memref<1x640x128xf32, #tpu.memory_space<hbm>> -> memref<640x128xf32, #tpu.memory_space<hbm>>
      %dma_wait3A_191 = arith.constant 0 : i32
      %dma_wait3A_192 = tpu.memref_slice %arg8[%mul3A_2, %dma_wait3A_191] : memref<10240x128xf32, #tpu.memory_space<vmem_shared>> -> memref<640x128xf32, #tpu.memory_space<vmem_shared>>
      tpu.wait_dma2 semaphore(%run_scoped3A : memref<!tpu.dma_semaphore, #tpu.memory_space<semaphore_mem>>) src(%dma_wait3A_192 : memref<640x128xf32, #tpu.memory_space<vmem_shared>>) dst(%dma_wait3A_190 : memref<640x128xf32, #tpu.memory_space<hbm>>)
      tpu.yield
    }) : () -> ()
    return
  }
}

#map = affine_map<(d0, d1) -> (0, 0)>
#map1 = affine_map<(d0, d1) -> (0, 0, 0, 0)>
#map2 = affine_map<(d0, d1) -> (0, 0, 0)>
module attributes {stable_mosaic.version = 14 : i64} {
  func.func @scatter_kernel(%arg0: i32, %arg1: i32, %arg2: memref<10240x128xf32, #tpu.memory_space<hbm>>, %arg3: memref<32x210x2x48xi32, #tpu.memory_space<hbm>>, %arg4: memref<10240x128xf32, #tpu.memory_space<hbm>>, %arg5: memref<2x10240x128xf32, #tpu.memory_space<hbm>>, %arg6: memref<14x48xi32, #tpu.memory_space<vmem>>, %arg7: memref<7x48x128xf32, #tpu.memory_space<vmem>>, %arg8: memref<10240x128xf32, #tpu.memory_space<vmem_shared>>, %arg9: memref<!tpu.dma_semaphore, #tpu.memory_space<semaphore_mem>>, %arg10: memref<!tpu.dma_semaphore, #tpu.memory_space<semaphore_mem>>, %arg11: memref<!tpu.dma_semaphore, #tpu.memory_space<semaphore_mem>>, %arg12: memref<!tpu.dma_semaphore, #tpu.memory_space<semaphore_mem>>, %arg13: memref<!tpu.dma_semaphore, #tpu.memory_space<semaphore_mem>>, %arg14: memref<!tpu.dma_semaphore, #tpu.memory_space<semaphore_mem>>, %arg15: memref<!tpu.dma_semaphore, #tpu.memory_space<semaphore_mem>>, %arg16: memref<!tpu.dma_semaphore, #tpu.memory_space<semaphore_mem>>, %arg17: memref<!tpu.dma_semaphore, #tpu.memory_space<semaphore_mem>>, %arg18: memref<!tpu.dma_semaphore, #tpu.memory_space<semaphore_mem>>, %arg19: memref<!tpu.dma_semaphore, #tpu.memory_space<semaphore_mem>>, %arg20: memref<!tpu.dma_semaphore, #tpu.memory_space<semaphore_mem>>, %arg21: memref<!tpu.dma_semaphore, #tpu.memory_space<semaphore_mem>>, %arg22: memref<!tpu.dma_semaphore, #tpu.memory_space<semaphore_mem>>, %arg23: memref<!tpu.dma_semaphore, #tpu.memory_space<semaphore_mem>>, %arg24: memref<!tpu.dma_semaphore, #tpu.memory_space<semaphore_mem>>, %arg25: memref<!tpu.dma_semaphore, #tpu.memory_space<semaphore_mem>>, %arg26: memref<!tpu.dma_semaphore, #tpu.memory_space<semaphore_mem>>, %arg27: memref<!tpu.dma_semaphore, #tpu.memory_space<semaphore_mem>>, %arg28: memref<!tpu.dma_semaphore, #tpu.memory_space<semaphore_mem>>, %arg29: memref<!tpu.dma_semaphore, #tpu.memory_space<semaphore_mem>>) attributes {dimension_semantics = [#tpu.dimension_semantics<core_parallel>, #tpu.dimension_semantics<subcore_parallel>], iteration_bounds = array<i64: 2, 16>, scalar_prefetch = 0 : i64, scratch_operands = 24 : i64, tpu.core_type = #tpu.core_type<sc_vector_subcore>, window_params = [{transform_indices = #map}, {transform_indices = #map1}, {transform_indices = #map}, {transform_indices = #map2}]} {
    %mul3A = arith.constant 2 : i32
    %mul3A_0 = arith.muli %arg1, %mul3A : i32
    %add3A = arith.addi %mul3A_0, %arg0 : i32
    %mul3A_1 = arith.constant 640 : i32
    %mul3A_2 = arith.muli %arg1, %mul3A_1 : i32
    %dma_start3A = arith.constant 0 : i32
    %dma_start3A_3 = arith.constant 0 : i32
    %dma_start3A_4 = arith.constant 0 : i32
    %dma_start3A_5 = tpu.memref_slice %arg6[%dma_start3A_3, %dma_start3A_4] : memref<14x48xi32, #tpu.memory_space<vmem>> -> memref<2x48xi32, #tpu.memory_space<vmem>>
    %dma_start3A_6 = arith.constant 0 : i32
    %dma_start3A_7 = arith.constant 0 : i32
    %dma_start3A_8 = tpu.memref_slice %arg3[%add3A, %dma_start3A, %dma_start3A_6, %dma_start3A_7] : memref<32x210x2x48xi32, #tpu.memory_space<hbm>> -> memref<1x1x2x48xi32, #tpu.memory_space<hbm>>
    %dma_start3A_9 = tpu.memref_squeeze %dma_start3A_8 : memref<1x1x2x48xi32, #tpu.memory_space<hbm>> -> memref<2x48xi32, #tpu.memory_space<hbm>>
    %dma_start3A_10 = arith.constant 0 : i32
    %dma_start3A_11 = arith.constant 0 : i32
    %dma_start3A_12 = tpu.memref_slice %arg6[%dma_start3A_10, %dma_start3A_11] : memref<14x48xi32, #tpu.memory_space<vmem>> -> memref<2x48xi32, #tpu.memory_space<vmem>>
    %dma_start3A_13 = arith.constant 0 : i32
    %dma_start3A_14 = arith.constant 0 : i32
    %dma_start3A_15 = tpu.memref_slice %arg3[%add3A, %dma_start3A, %dma_start3A_13, %dma_start3A_14] : memref<32x210x2x48xi32, #tpu.memory_space<hbm>> -> memref<1x1x2x48xi32, #tpu.memory_space<hbm>>
    %dma_start3A_16 = tpu.memref_squeeze %dma_start3A_15 : memref<1x1x2x48xi32, #tpu.memory_space<hbm>> -> memref<2x48xi32, #tpu.memory_space<hbm>>
    tpu.enqueue_dma source(%dma_start3A_16 : memref<2x48xi32, #tpu.memory_space<hbm>>) target(%dma_start3A_12 : memref<2x48xi32, #tpu.memory_space<vmem>>) target_semaphore(%arg9 : memref<!tpu.dma_semaphore, #tpu.memory_space<semaphore_mem>>)
    %dma_start3A_17 = arith.constant 1 : i32
    %dma_start3A_18 = arith.constant 2 : i32
    %dma_start3A_19 = arith.constant 0 : i32
    %dma_start3A_20 = tpu.memref_slice %arg6[%dma_start3A_18, %dma_start3A_19] : memref<14x48xi32, #tpu.memory_space<vmem>> -> memref<2x48xi32, #tpu.memory_space<vmem>>
    %dma_start3A_21 = arith.constant 0 : i32
    %dma_start3A_22 = arith.constant 0 : i32
    %dma_start3A_23 = tpu.memref_slice %arg3[%add3A, %dma_start3A_17, %dma_start3A_21, %dma_start3A_22] : memref<32x210x2x48xi32, #tpu.memory_space<hbm>> -> memref<1x1x2x48xi32, #tpu.memory_space<hbm>>
    %dma_start3A_24 = tpu.memref_squeeze %dma_start3A_23 : memref<1x1x2x48xi32, #tpu.memory_space<hbm>> -> memref<2x48xi32, #tpu.memory_space<hbm>>
    %dma_start3A_25 = arith.constant 2 : i32
    %dma_start3A_26 = arith.constant 0 : i32
    %dma_start3A_27 = tpu.memref_slice %arg6[%dma_start3A_25, %dma_start3A_26] : memref<14x48xi32, #tpu.memory_space<vmem>> -> memref<2x48xi32, #tpu.memory_space<vmem>>
    %dma_start3A_28 = arith.constant 0 : i32
    %dma_start3A_29 = arith.constant 0 : i32
    %dma_start3A_30 = tpu.memref_slice %arg3[%add3A, %dma_start3A_17, %dma_start3A_28, %dma_start3A_29] : memref<32x210x2x48xi32, #tpu.memory_space<hbm>> -> memref<1x1x2x48xi32, #tpu.memory_space<hbm>>
    %dma_start3A_31 = tpu.memref_squeeze %dma_start3A_30 : memref<1x1x2x48xi32, #tpu.memory_space<hbm>> -> memref<2x48xi32, #tpu.memory_space<hbm>>
    tpu.enqueue_dma source(%dma_start3A_31 : memref<2x48xi32, #tpu.memory_space<hbm>>) target(%dma_start3A_27 : memref<2x48xi32, #tpu.memory_space<vmem>>) target_semaphore(%arg10 : memref<!tpu.dma_semaphore, #tpu.memory_space<semaphore_mem>>)
    %dma_start3A_32 = arith.constant 2 : i32
    %dma_start3A_33 = arith.constant 4 : i32
    %dma_start3A_34 = arith.constant 0 : i32
    %dma_start3A_35 = tpu.memref_slice %arg6[%dma_start3A_33, %dma_start3A_34] : memref<14x48xi32, #tpu.memory_space<vmem>> -> memref<2x48xi32, #tpu.memory_space<vmem>>
    %dma_start3A_36 = arith.constant 0 : i32
    %dma_start3A_37 = arith.constant 0 : i32
    %dma_start3A_38 = tpu.memref_slice %arg3[%add3A, %dma_start3A_32, %dma_start3A_36, %dma_start3A_37] : memref<32x210x2x48xi32, #tpu.memory_space<hbm>> -> memref<1x1x2x48xi32, #tpu.memory_space<hbm>>
    %dma_start3A_39 = tpu.memref_squeeze %dma_start3A_38 : memref<1x1x2x48xi32, #tpu.memory_space<hbm>> -> memref<2x48xi32, #tpu.memory_space<hbm>>
    %dma_start3A_40 = arith.constant 4 : i32
    %dma_start3A_41 = arith.constant 0 : i32
    %dma_start3A_42 = tpu.memref_slice %arg6[%dma_start3A_40, %dma_start3A_41] : memref<14x48xi32, #tpu.memory_space<vmem>> -> memref<2x48xi32, #tpu.memory_space<vmem>>
    %dma_start3A_43 = arith.constant 0 : i32
    %dma_start3A_44 = arith.constant 0 : i32
    %dma_start3A_45 = tpu.memref_slice %arg3[%add3A, %dma_start3A_32, %dma_start3A_43, %dma_start3A_44] : memref<32x210x2x48xi32, #tpu.memory_space<hbm>> -> memref<1x1x2x48xi32, #tpu.memory_space<hbm>>
    %dma_start3A_46 = tpu.memref_squeeze %dma_start3A_45 : memref<1x1x2x48xi32, #tpu.memory_space<hbm>> -> memref<2x48xi32, #tpu.memory_space<hbm>>
    tpu.enqueue_dma source(%dma_start3A_46 : memref<2x48xi32, #tpu.memory_space<hbm>>) target(%dma_start3A_42 : memref<2x48xi32, #tpu.memory_space<vmem>>) target_semaphore(%arg11 : memref<!tpu.dma_semaphore, #tpu.memory_space<semaphore_mem>>)
    %dma_start3A_47 = arith.constant 3 : i32
    %dma_start3A_48 = arith.constant 6 : i32
    %dma_start3A_49 = arith.constant 0 : i32
    %dma_start3A_50 = tpu.memref_slice %arg6[%dma_start3A_48, %dma_start3A_49] : memref<14x48xi32, #tpu.memory_space<vmem>> -> memref<2x48xi32, #tpu.memory_space<vmem>>
    %dma_start3A_51 = arith.constant 0 : i32
    %dma_start3A_52 = arith.constant 0 : i32
    %dma_start3A_53 = tpu.memref_slice %arg3[%add3A, %dma_start3A_47, %dma_start3A_51, %dma_start3A_52] : memref<32x210x2x48xi32, #tpu.memory_space<hbm>> -> memref<1x1x2x48xi32, #tpu.memory_space<hbm>>
    %dma_start3A_54 = tpu.memref_squeeze %dma_start3A_53 : memref<1x1x2x48xi32, #tpu.memory_space<hbm>> -> memref<2x48xi32, #tpu.memory_space<hbm>>
    %dma_start3A_55 = arith.constant 6 : i32
    %dma_start3A_56 = arith.constant 0 : i32
    %dma_start3A_57 = tpu.memref_slice %arg6[%dma_start3A_55, %dma_start3A_56] : memref<14x48xi32, #tpu.memory_space<vmem>> -> memref<2x48xi32, #tpu.memory_space<vmem>>
    %dma_start3A_58 = arith.constant 0 : i32
    %dma_start3A_59 = arith.constant 0 : i32
    %dma_start3A_60 = tpu.memref_slice %arg3[%add3A, %dma_start3A_47, %dma_start3A_58, %dma_start3A_59] : memref<32x210x2x48xi32, #tpu.memory_space<hbm>> -> memref<1x1x2x48xi32, #tpu.memory_space<hbm>>
    %dma_start3A_61 = tpu.memref_squeeze %dma_start3A_60 : memref<1x1x2x48xi32, #tpu.memory_space<hbm>> -> memref<2x48xi32, #tpu.memory_space<hbm>>
    tpu.enqueue_dma source(%dma_start3A_61 : memref<2x48xi32, #tpu.memory_space<hbm>>) target(%dma_start3A_57 : memref<2x48xi32, #tpu.memory_space<vmem>>) target_semaphore(%arg12 : memref<!tpu.dma_semaphore, #tpu.memory_space<semaphore_mem>>)
    "tpu.region"() ({
      %run_scoped3A = tpu.sem_alloc : memref<!tpu.dma_semaphore, #tpu.memory_space<semaphore_mem>>
      %dma_start3A_183 = arith.constant 0 : i32
      %dma_start3A_184 = tpu.memref_slice %arg8[%mul3A_2, %dma_start3A_183] : memref<10240x128xf32, #tpu.memory_space<vmem_shared>> -> memref<640x128xf32, #tpu.memory_space<vmem_shared>>
      %dma_start3A_185 = arith.constant 0 : i32
      %dma_start3A_186 = tpu.memref_slice %arg4[%mul3A_2, %dma_start3A_185] : memref<10240x128xf32, #tpu.memory_space<hbm>> -> memref<640x128xf32, #tpu.memory_space<hbm>>
      tpu.enqueue_dma source(%dma_start3A_186 : memref<640x128xf32, #tpu.memory_space<hbm>>) target(%dma_start3A_184 : memref<640x128xf32, #tpu.memory_space<vmem_shared>>) target_semaphore(%run_scoped3A : memref<!tpu.dma_semaphore, #tpu.memory_space<semaphore_mem>>)
      %dma_wait3A_187 = arith.constant 0 : i32
      %dma_wait3A_188 = tpu.memref_slice %arg8[%mul3A_2, %dma_wait3A_187] : memref<10240x128xf32, #tpu.memory_space<vmem_shared>> -> memref<640x128xf32, #tpu.memory_space<vmem_shared>>
      %dma_wait3A_189 = arith.constant 0 : i32
      %dma_wait3A_190 = tpu.memref_slice %arg4[%mul3A_2, %dma_wait3A_189] : memref<10240x128xf32, #tpu.memory_space<hbm>> -> memref<640x128xf32, #tpu.memory_space<hbm>>
      tpu.wait_dma2 semaphore(%run_scoped3A : memref<!tpu.dma_semaphore, #tpu.memory_space<semaphore_mem>>) src(%dma_wait3A_190 : memref<640x128xf32, #tpu.memory_space<hbm>>) dst(%dma_wait3A_188 : memref<640x128xf32, #tpu.memory_space<vmem_shared>>)
      tpu.yield
    }) : () -> ()
    %barrier3A = arith.constant 0 : index
    tpu.barrier barrier_id(%barrier3A)
    %dma_wait3A = arith.constant 0 : i32
    %dma_wait3A_62 = arith.constant 0 : i32
    %dma_wait3A_63 = arith.constant 0 : i32
    %dma_wait3A_64 = tpu.memref_slice %arg6[%dma_wait3A_62, %dma_wait3A_63] : memref<14x48xi32, #tpu.memory_space<vmem>> -> memref<2x48xi32, #tpu.memory_space<vmem>>
    %dma_wait3A_65 = arith.constant 0 : i32
    %dma_wait3A_66 = arith.constant 0 : i32
    %dma_wait3A_67 = tpu.memref_slice %arg3[%add3A, %dma_wait3A, %dma_wait3A_65, %dma_wait3A_66] : memref<32x210x2x48xi32, #tpu.memory_space<hbm>> -> memref<1x1x2x48xi32, #tpu.memory_space<hbm>>
    %dma_wait3A_68 = tpu.memref_squeeze %dma_wait3A_67 : memref<1x1x2x48xi32, #tpu.memory_space<hbm>> -> memref<2x48xi32, #tpu.memory_space<hbm>>
    %dma_wait3A_69 = arith.constant 0 : i32
    %dma_wait3A_70 = arith.constant 0 : i32
    %dma_wait3A_71 = tpu.memref_slice %arg6[%dma_wait3A_69, %dma_wait3A_70] : memref<14x48xi32, #tpu.memory_space<vmem>> -> memref<2x48xi32, #tpu.memory_space<vmem>>
    %dma_wait3A_72 = arith.constant 0 : i32
    %dma_wait3A_73 = arith.constant 0 : i32
    %dma_wait3A_74 = tpu.memref_slice %arg3[%add3A, %dma_wait3A, %dma_wait3A_72, %dma_wait3A_73] : memref<32x210x2x48xi32, #tpu.memory_space<hbm>> -> memref<1x1x2x48xi32, #tpu.memory_space<hbm>>
    %dma_wait3A_75 = tpu.memref_squeeze %dma_wait3A_74 : memref<1x1x2x48xi32, #tpu.memory_space<hbm>> -> memref<2x48xi32, #tpu.memory_space<hbm>>
    tpu.wait_dma2 semaphore(%arg9 : memref<!tpu.dma_semaphore, #tpu.memory_space<semaphore_mem>>) src(%dma_wait3A_75 : memref<2x48xi32, #tpu.memory_space<hbm>>) dst(%dma_wait3A_71 : memref<2x48xi32, #tpu.memory_space<vmem>>)
    %dma_start3A_76 = arith.constant 0 : i32
    %dma_start3A_77 = arith.constant 0 : i32
    %dma_start3A_78 = arith.constant 0 : i32
    %dma_start3A_79 = arith.constant 0 : i32
    %dma_start3A_80 = tpu.memref_slice %arg7[%dma_start3A_77, %dma_start3A_78, %dma_start3A_79] : memref<7x48x128xf32, #tpu.memory_space<vmem>> -> memref<1x48x128xf32, #tpu.memory_space<vmem>>
    %dma_start3A_81 = tpu.memref_squeeze %dma_start3A_80 : memref<1x48x128xf32, #tpu.memory_space<vmem>> -> memref<48x128xf32, #tpu.memory_space<vmem>>
    %dma_start3A_82 = arith.constant 0 : i32
    %dma_start3A_83 = tpu.memref_slice %arg6[%dma_start3A_76, %dma_start3A_82] : memref<14x48xi32, #tpu.memory_space<vmem>> -> memref<1x48xi32, #tpu.memory_space<vmem>>
    %dma_start3A_84 = tpu.memref_squeeze %dma_start3A_83 : memref<1x48xi32, #tpu.memory_space<vmem>> -> memref<48xi32, #tpu.memory_space<vmem>>
    %dma_start3A_85 = arith.constant 0 : i32
    %dma_start3A_86 = arith.constant 0 : i32
    %dma_start3A_87 = tpu.memref_slice %arg2[%dma_start3A_85, %dma_start3A_86] : memref<10240x128xf32, #tpu.memory_space<hbm>> -> memref<10240x128xf32, #tpu.memory_space<hbm>>
    tpu.enqueue_indirect_dma source(%dma_start3A_87 : memref<10240x128xf32, #tpu.memory_space<hbm>>) target(%dma_start3A_81 : memref<48x128xf32, #tpu.memory_space<vmem>>) offsets(%dma_start3A_84 : memref<48xi32, #tpu.memory_space<vmem>>) semaphore(%arg16 : memref<!tpu.dma_semaphore, #tpu.memory_space<semaphore_mem>>)
    %dma_wait3A_88 = arith.constant 1 : i32
    %dma_wait3A_89 = arith.constant 2 : i32
    %dma_wait3A_90 = arith.constant 0 : i32
    %dma_wait3A_91 = tpu.memref_slice %arg6[%dma_wait3A_89, %dma_wait3A_90] : memref<14x48xi32, #tpu.memory_space<vmem>> -> memref<2x48xi32, #tpu.memory_space<vmem>>
    %dma_wait3A_92 = arith.constant 0 : i32
    %dma_wait3A_93 = arith.constant 0 : i32
    %dma_wait3A_94 = tpu.memref_slice %arg3[%add3A, %dma_wait3A_88, %dma_wait3A_92, %dma_wait3A_93] : memref<32x210x2x48xi32, #tpu.memory_space<hbm>> -> memref<1x1x2x48xi32, #tpu.memory_space<hbm>>
    %dma_wait3A_95 = tpu.memref_squeeze %dma_wait3A_94 : memref<1x1x2x48xi32, #tpu.memory_space<hbm>> -> memref<2x48xi32, #tpu.memory_space<hbm>>
    %dma_wait3A_96 = arith.constant 2 : i32
    %dma_wait3A_97 = arith.constant 0 : i32
    %dma_wait3A_98 = tpu.memref_slice %arg6[%dma_wait3A_96, %dma_wait3A_97] : memref<14x48xi32, #tpu.memory_space<vmem>> -> memref<2x48xi32, #tpu.memory_space<vmem>>
    %dma_wait3A_99 = arith.constant 0 : i32
    %dma_wait3A_100 = arith.constant 0 : i32
    %dma_wait3A_101 = tpu.memref_slice %arg3[%add3A, %dma_wait3A_88, %dma_wait3A_99, %dma_wait3A_100] : memref<32x210x2x48xi32, #tpu.memory_space<hbm>> -> memref<1x1x2x48xi32, #tpu.memory_space<hbm>>
    %dma_wait3A_102 = tpu.memref_squeeze %dma_wait3A_101 : memref<1x1x2x48xi32, #tpu.memory_space<hbm>> -> memref<2x48xi32, #tpu.memory_space<hbm>>
    tpu.wait_dma2 semaphore(%arg10 : memref<!tpu.dma_semaphore, #tpu.memory_space<semaphore_mem>>) src(%dma_wait3A_102 : memref<2x48xi32, #tpu.memory_space<hbm>>) dst(%dma_wait3A_98 : memref<2x48xi32, #tpu.memory_space<vmem>>)
    %dma_start3A_103 = arith.constant 2 : i32
    %dma_start3A_104 = arith.constant 1 : i32
    %dma_start3A_105 = arith.constant 0 : i32
    %dma_start3A_106 = arith.constant 0 : i32
    %dma_start3A_107 = tpu.memref_slice %arg7[%dma_start3A_104, %dma_start3A_105, %dma_start3A_106] : memref<7x48x128xf32, #tpu.memory_space<vmem>> -> memref<1x48x128xf32, #tpu.memory_space<vmem>>
    %dma_start3A_108 = tpu.memref_squeeze %dma_start3A_107 : memref<1x48x128xf32, #tpu.memory_space<vmem>> -> memref<48x128xf32, #tpu.memory_space<vmem>>
    %dma_start3A_109 = arith.constant 0 : i32
    %dma_start3A_110 = tpu.memref_slice %arg6[%dma_start3A_103, %dma_start3A_109] : memref<14x48xi32, #tpu.memory_space<vmem>> -> memref<1x48xi32, #tpu.memory_space<vmem>>
    %dma_start3A_111 = tpu.memref_squeeze %dma_start3A_110 : memref<1x48xi32, #tpu.memory_space<vmem>> -> memref<48xi32, #tpu.memory_space<vmem>>
    %dma_start3A_112 = arith.constant 0 : i32
    %dma_start3A_113 = arith.constant 0 : i32
    %dma_start3A_114 = tpu.memref_slice %arg2[%dma_start3A_112, %dma_start3A_113] : memref<10240x128xf32, #tpu.memory_space<hbm>> -> memref<10240x128xf32, #tpu.memory_space<hbm>>
    tpu.enqueue_indirect_dma source(%dma_start3A_114 : memref<10240x128xf32, #tpu.memory_space<hbm>>) target(%dma_start3A_108 : memref<48x128xf32, #tpu.memory_space<vmem>>) offsets(%dma_start3A_111 : memref<48xi32, #tpu.memory_space<vmem>>) semaphore(%arg17 : memref<!tpu.dma_semaphore, #tpu.memory_space<semaphore_mem>>)
    %dma_wait3A_115 = arith.constant 2 : i32
    %dma_wait3A_116 = arith.constant 4 : i32
    %dma_wait3A_117 = arith.constant 0 : i32
    %dma_wait3A_118 = tpu.memref_slice %arg6[%dma_wait3A_116, %dma_wait3A_117] : memref<14x48xi32, #tpu.memory_space<vmem>> -> memref<2x48xi32, #tpu.memory_space<vmem>>
    %dma_wait3A_119 = arith.constant 0 : i32
    %dma_wait3A_120 = arith.constant 0 : i32
    %dma_wait3A_121 = tpu.memref_slice %arg3[%add3A, %dma_wait3A_115, %dma_wait3A_119, %dma_wait3A_120] : memref<32x210x2x48xi32, #tpu.memory_space<hbm>> -> memref<1x1x2x48xi32, #tpu.memory_space<hbm>>
    %dma_wait3A_122 = tpu.memref_squeeze %dma_wait3A_121 : memref<1x1x2x48xi32, #tpu.memory_space<hbm>> -> memref<2x48xi32, #tpu.memory_space<hbm>>
    %dma_wait3A_123 = arith.constant 4 : i32
    %dma_wait3A_124 = arith.constant 0 : i32
    %dma_wait3A_125 = tpu.memref_slice %arg6[%dma_wait3A_123, %dma_wait3A_124] : memref<14x48xi32, #tpu.memory_space<vmem>> -> memref<2x48xi32, #tpu.memory_space<vmem>>
    %dma_wait3A_126 = arith.constant 0 : i32
    %dma_wait3A_127 = arith.constant 0 : i32
    %dma_wait3A_128 = tpu.memref_slice %arg3[%add3A, %dma_wait3A_115, %dma_wait3A_126, %dma_wait3A_127] : memref<32x210x2x48xi32, #tpu.memory_space<hbm>> -> memref<1x1x2x48xi32, #tpu.memory_space<hbm>>
    %dma_wait3A_129 = tpu.memref_squeeze %dma_wait3A_128 : memref<1x1x2x48xi32, #tpu.memory_space<hbm>> -> memref<2x48xi32, #tpu.memory_space<hbm>>
    tpu.wait_dma2 semaphore(%arg11 : memref<!tpu.dma_semaphore, #tpu.memory_space<semaphore_mem>>) src(%dma_wait3A_129 : memref<2x48xi32, #tpu.memory_space<hbm>>) dst(%dma_wait3A_125 : memref<2x48xi32, #tpu.memory_space<vmem>>)
    %dma_start3A_130 = arith.constant 4 : i32
    %dma_start3A_131 = arith.constant 2 : i32
    %dma_start3A_132 = arith.constant 0 : i32
    %dma_start3A_133 = arith.constant 0 : i32
    %dma_start3A_134 = tpu.memref_slice %arg7[%dma_start3A_131, %dma_start3A_132, %dma_start3A_133] : memref<7x48x128xf32, #tpu.memory_space<vmem>> -> memref<1x48x128xf32, #tpu.memory_space<vmem>>
    %dma_start3A_135 = tpu.memref_squeeze %dma_start3A_134 : memref<1x48x128xf32, #tpu.memory_space<vmem>> -> memref<48x128xf32, #tpu.memory_space<vmem>>
    %dma_start3A_136 = arith.constant 0 : i32
    %dma_start3A_137 = tpu.memref_slice %arg6[%dma_start3A_130, %dma_start3A_136] : memref<14x48xi32, #tpu.memory_space<vmem>> -> memref<1x48xi32, #tpu.memory_space<vmem>>
    %dma_start3A_138 = tpu.memref_squeeze %dma_start3A_137 : memref<1x48xi32, #tpu.memory_space<vmem>> -> memref<48xi32, #tpu.memory_space<vmem>>
    %dma_start3A_139 = arith.constant 0 : i32
    %dma_start3A_140 = arith.constant 0 : i32
    %dma_start3A_141 = tpu.memref_slice %arg2[%dma_start3A_139, %dma_start3A_140] : memref<10240x128xf32, #tpu.memory_space<hbm>> -> memref<10240x128xf32, #tpu.memory_space<hbm>>
    tpu.enqueue_indirect_dma source(%dma_start3A_141 : memref<10240x128xf32, #tpu.memory_space<hbm>>) target(%dma_start3A_135 : memref<48x128xf32, #tpu.memory_space<vmem>>) offsets(%dma_start3A_138 : memref<48xi32, #tpu.memory_space<vmem>>) semaphore(%arg18 : memref<!tpu.dma_semaphore, #tpu.memory_space<semaphore_mem>>)
    %scan3A = arith.constant 0 : i32
    %scan3A_142 = arith.constant 30 : i32
    %scan3A_143 = arith.addi %scan3A, %scan3A_142 : i32
    %scan3A_144 = arith.constant 1 : i32
    scf.for %scan3A_183 = %scan3A to %scan3A_143 step %scan3A_144  : i32 {
      %mul3A_184 = arith.constant 7 : i32
      %mul3A_185 = arith.muli %scan3A_183, %mul3A_184 : i32
      %add3A_186 = arith.constant 0 : i32
      %add3A_187 = arith.addi %add3A_186, %mul3A_185 : i32
      %add3A_188 = arith.constant 0 : i32
      %add3A_189 = arith.addi %add3A_187, %add3A_188 : i32
      %ge3A = arith.constant 3 : i32
      %ge3A_190 = arith.cmpi sge, %add3A_189, %ge3A : i32
      %convert_element_type3A = arith.extui %ge3A_190 : i1 to i32
      %cond3A = arith.constant 0 : i32
      %cond3A_191 = arith.cmpi ne, %convert_element_type3A, %cond3A : i32
      scf.if %cond3A_191 {
        %dma_wait3A_513 = arith.constant 4 : i32
        %dma_wait3A_514 = arith.constant 9 : i32
        %dma_wait3A_515 = arith.constant 0 : i32
        %dma_wait3A_516 = arith.constant 0 : i32
        %dma_wait3A_517 = tpu.memref_slice %arg7[%dma_wait3A_513, %dma_wait3A_515, %dma_wait3A_516] : memref<7x48x128xf32, #tpu.memory_space<vmem>> -> memref<1x48x128xf32, #tpu.memory_space<vmem>>
        %dma_wait3A_518 = tpu.memref_squeeze %dma_wait3A_517 : memref<1x48x128xf32, #tpu.memory_space<vmem>> -> memref<48x128xf32, #tpu.memory_space<vmem>>
        %dma_wait3A_519 = arith.constant 0 : i32
        %dma_wait3A_520 = tpu.memref_slice %arg6[%dma_wait3A_514, %dma_wait3A_519] : memref<14x48xi32, #tpu.memory_space<vmem>> -> memref<1x48xi32, #tpu.memory_space<vmem>>
        %dma_wait3A_521 = tpu.memref_squeeze %dma_wait3A_520 : memref<1x48xi32, #tpu.memory_space<vmem>> -> memref<48xi32, #tpu.memory_space<vmem>>
        %dma_wait3A_522 = arith.constant 0 : i32
        %dma_wait3A_523 = arith.constant 0 : i32
        %dma_wait3A_524 = tpu.memref_slice %arg8[%dma_wait3A_522, %dma_wait3A_523] : memref<10240x128xf32, #tpu.memory_space<vmem_shared>> -> memref<10240x128xf32, #tpu.memory_space<vmem_shared>>
        tpu.wait_indirect_dma semaphore(%arg27 : memref<!tpu.dma_semaphore, #tpu.memory_space<semaphore_mem>>) src(%dma_wait3A_518 : memref<48x128xf32, #tpu.memory_space<vmem>>) dst(%dma_wait3A_524 : memref<10240x128xf32, #tpu.memory_space<vmem_shared>>)
      } else {
      }
      %add3A_192 = arith.constant 3 : i32
      %add3A_193 = arith.addi %add3A_189, %add3A_192 : i32
      %add3A_194 = arith.constant 1 : i32
      %add3A_195 = arith.addi %add3A_193, %add3A_194 : i32
      %lt3A = arith.constant 210 : i32
      %lt3A_196 = arith.cmpi slt, %add3A_195, %lt3A : i32
      %convert_element_type3A_197 = arith.extui %lt3A_196 : i1 to i32
      %cond3A_198 = arith.constant 0 : i32
      %cond3A_199 = arith.cmpi ne, %convert_element_type3A_197, %cond3A_198 : i32
      scf.if %cond3A_199 {
        %add3A_513 = arith.constant 3 : i32
        %add3A_514 = arith.addi %add3A_189, %add3A_513 : i32
        %add3A_515 = arith.constant 1 : i32
        %add3A_516 = arith.addi %add3A_514, %add3A_515 : i32
        %dma_start3A_517 = arith.constant 8 : i32
        %dma_start3A_518 = arith.constant 0 : i32
        %dma_start3A_519 = tpu.memref_slice %arg6[%dma_start3A_517, %dma_start3A_518] : memref<14x48xi32, #tpu.memory_space<vmem>> -> memref<2x48xi32, #tpu.memory_space<vmem>>
        %dma_start3A_520 = arith.constant 0 : i32
        %dma_start3A_521 = arith.constant 0 : i32
        %dma_start3A_522 = tpu.memref_slice %arg3[%add3A, %add3A_516, %dma_start3A_520, %dma_start3A_521] : memref<32x210x2x48xi32, #tpu.memory_space<hbm>> -> memref<1x1x2x48xi32, #tpu.memory_space<hbm>>
        %dma_start3A_523 = tpu.memref_squeeze %dma_start3A_522 : memref<1x1x2x48xi32, #tpu.memory_space<hbm>> -> memref<2x48xi32, #tpu.memory_space<hbm>>
        %dma_start3A_524 = arith.constant 8 : i32
        %dma_start3A_525 = arith.constant 0 : i32
        %dma_start3A_526 = tpu.memref_slice %arg6[%dma_start3A_524, %dma_start3A_525] : memref<14x48xi32, #tpu.memory_space<vmem>> -> memref<2x48xi32, #tpu.memory_space<vmem>>
        %dma_start3A_527 = arith.constant 0 : i32
        %dma_start3A_528 = arith.constant 0 : i32
        %dma_start3A_529 = tpu.memref_slice %arg3[%add3A, %add3A_516, %dma_start3A_527, %dma_start3A_528] : memref<32x210x2x48xi32, #tpu.memory_space<hbm>> -> memref<1x1x2x48xi32, #tpu.memory_space<hbm>>
        %dma_start3A_530 = tpu.memref_squeeze %dma_start3A_529 : memref<1x1x2x48xi32, #tpu.memory_space<hbm>> -> memref<2x48xi32, #tpu.memory_space<hbm>>
        tpu.enqueue_dma source(%dma_start3A_530 : memref<2x48xi32, #tpu.memory_space<hbm>>) target(%dma_start3A_526 : memref<2x48xi32, #tpu.memory_space<vmem>>) target_semaphore(%arg13 : memref<!tpu.dma_semaphore, #tpu.memory_space<semaphore_mem>>)
      } else {
      }
      %add3A_200 = arith.constant 3 : i32
      %add3A_201 = arith.addi %add3A_189, %add3A_200 : i32
      %lt3A_202 = arith.constant 210 : i32
      %lt3A_203 = arith.cmpi slt, %add3A_201, %lt3A_202 : i32
      %convert_element_type3A_204 = arith.extui %lt3A_203 : i1 to i32
      %cond3A_205 = arith.constant 0 : i32
      %cond3A_206 = arith.cmpi ne, %convert_element_type3A_204, %cond3A_205 : i32
      scf.if %cond3A_206 {
        %add3A_513 = arith.constant 3 : i32
        %add3A_514 = arith.addi %add3A_189, %add3A_513 : i32
        %dma_wait3A_515 = arith.constant 6 : i32
        %dma_wait3A_516 = arith.constant 0 : i32
        %dma_wait3A_517 = tpu.memref_slice %arg6[%dma_wait3A_515, %dma_wait3A_516] : memref<14x48xi32, #tpu.memory_space<vmem>> -> memref<2x48xi32, #tpu.memory_space<vmem>>
        %dma_wait3A_518 = arith.constant 0 : i32
        %dma_wait3A_519 = arith.constant 0 : i32
        %dma_wait3A_520 = tpu.memref_slice %arg3[%add3A, %add3A_514, %dma_wait3A_518, %dma_wait3A_519] : memref<32x210x2x48xi32, #tpu.memory_space<hbm>> -> memref<1x1x2x48xi32, #tpu.memory_space<hbm>>
        %dma_wait3A_521 = tpu.memref_squeeze %dma_wait3A_520 : memref<1x1x2x48xi32, #tpu.memory_space<hbm>> -> memref<2x48xi32, #tpu.memory_space<hbm>>
        %dma_wait3A_522 = arith.constant 6 : i32
        %dma_wait3A_523 = arith.constant 0 : i32
        %dma_wait3A_524 = tpu.memref_slice %arg6[%dma_wait3A_522, %dma_wait3A_523] : memref<14x48xi32, #tpu.memory_space<vmem>> -> memref<2x48xi32, #tpu.memory_space<vmem>>
        %dma_wait3A_525 = arith.constant 0 : i32
        %dma_wait3A_526 = arith.constant 0 : i32
        %dma_wait3A_527 = tpu.memref_slice %arg3[%add3A, %add3A_514, %dma_wait3A_525, %dma_wait3A_526] : memref<32x210x2x48xi32, #tpu.memory_space<hbm>> -> memref<1x1x2x48xi32, #tpu.memory_space<hbm>>
        %dma_wait3A_528 = tpu.memref_squeeze %dma_wait3A_527 : memref<1x1x2x48xi32, #tpu.memory_space<hbm>> -> memref<2x48xi32, #tpu.memory_space<hbm>>
        tpu.wait_dma2 semaphore(%arg12 : memref<!tpu.dma_semaphore, #tpu.memory_space<semaphore_mem>>) src(%dma_wait3A_528 : memref<2x48xi32, #tpu.memory_space<hbm>>) dst(%dma_wait3A_524 : memref<2x48xi32, #tpu.memory_space<vmem>>)
        %dma_start3A_529 = arith.constant 6 : i32
        %dma_start3A_530 = arith.constant 3 : i32
        %dma_start3A_531 = arith.constant 0 : i32
        %dma_start3A_532 = arith.constant 0 : i32
        %dma_start3A_533 = tpu.memref_slice %arg7[%dma_start3A_530, %dma_start3A_531, %dma_start3A_532] : memref<7x48x128xf32, #tpu.memory_space<vmem>> -> memref<1x48x128xf32, #tpu.memory_space<vmem>>
        %dma_start3A_534 = tpu.memref_squeeze %dma_start3A_533 : memref<1x48x128xf32, #tpu.memory_space<vmem>> -> memref<48x128xf32, #tpu.memory_space<vmem>>
        %dma_start3A_535 = arith.constant 0 : i32
        %dma_start3A_536 = tpu.memref_slice %arg6[%dma_start3A_529, %dma_start3A_535] : memref<14x48xi32, #tpu.memory_space<vmem>> -> memref<1x48xi32, #tpu.memory_space<vmem>>
        %dma_start3A_537 = tpu.memref_squeeze %dma_start3A_536 : memref<1x48xi32, #tpu.memory_space<vmem>> -> memref<48xi32, #tpu.memory_space<vmem>>
        %dma_start3A_538 = arith.constant 0 : i32
        %dma_start3A_539 = arith.constant 0 : i32
        %dma_start3A_540 = tpu.memref_slice %arg2[%dma_start3A_538, %dma_start3A_539] : memref<10240x128xf32, #tpu.memory_space<hbm>> -> memref<10240x128xf32, #tpu.memory_space<hbm>>
        tpu.enqueue_indirect_dma source(%dma_start3A_540 : memref<10240x128xf32, #tpu.memory_space<hbm>>) target(%dma_start3A_534 : memref<48x128xf32, #tpu.memory_space<vmem>>) offsets(%dma_start3A_537 : memref<48xi32, #tpu.memory_space<vmem>>) semaphore(%arg19 : memref<!tpu.dma_semaphore, #tpu.memory_space<semaphore_mem>>)
      } else {
      }
      %dma_wait3A_207 = arith.constant 0 : i32
      %dma_wait3A_208 = arith.constant 0 : i32
      %dma_wait3A_209 = arith.constant 0 : i32
      %dma_wait3A_210 = arith.constant 0 : i32
      %dma_wait3A_211 = tpu.memref_slice %arg7[%dma_wait3A_208, %dma_wait3A_209, %dma_wait3A_210] : memref<7x48x128xf32, #tpu.memory_space<vmem>> -> memref<1x48x128xf32, #tpu.memory_space<vmem>>
      %dma_wait3A_212 = tpu.memref_squeeze %dma_wait3A_211 : memref<1x48x128xf32, #tpu.memory_space<vmem>> -> memref<48x128xf32, #tpu.memory_space<vmem>>
      %dma_wait3A_213 = arith.constant 0 : i32
      %dma_wait3A_214 = tpu.memref_slice %arg6[%dma_wait3A_207, %dma_wait3A_213] : memref<14x48xi32, #tpu.memory_space<vmem>> -> memref<1x48xi32, #tpu.memory_space<vmem>>
      %dma_wait3A_215 = tpu.memref_squeeze %dma_wait3A_214 : memref<1x48xi32, #tpu.memory_space<vmem>> -> memref<48xi32, #tpu.memory_space<vmem>>
      %dma_wait3A_216 = arith.constant 0 : i32
      %dma_wait3A_217 = arith.constant 0 : i32
      %dma_wait3A_218 = tpu.memref_slice %arg2[%dma_wait3A_216, %dma_wait3A_217] : memref<10240x128xf32, #tpu.memory_space<hbm>> -> memref<10240x128xf32, #tpu.memory_space<hbm>>
      tpu.wait_indirect_dma semaphore(%arg16 : memref<!tpu.dma_semaphore, #tpu.memory_space<semaphore_mem>>) src(%dma_wait3A_218 : memref<10240x128xf32, #tpu.memory_space<hbm>>) dst(%dma_wait3A_212 : memref<48x128xf32, #tpu.memory_space<vmem>>)
      %dma_start3A_219 = arith.constant 0 : i32
      %dma_start3A_220 = arith.constant 1 : i32
      %dma_start3A_221 = arith.constant 0 : i32
      %dma_start3A_222 = arith.constant 0 : i32
      %dma_start3A_223 = tpu.memref_slice %arg7[%dma_start3A_219, %dma_start3A_221, %dma_start3A_222] : memref<7x48x128xf32, #tpu.memory_space<vmem>> -> memref<1x48x128xf32, #tpu.memory_space<vmem>>
      %dma_start3A_224 = tpu.memref_squeeze %dma_start3A_223 : memref<1x48x128xf32, #tpu.memory_space<vmem>> -> memref<48x128xf32, #tpu.memory_space<vmem>>
      %dma_start3A_225 = arith.constant 0 : i32
      %dma_start3A_226 = tpu.memref_slice %arg6[%dma_start3A_220, %dma_start3A_225] : memref<14x48xi32, #tpu.memory_space<vmem>> -> memref<1x48xi32, #tpu.memory_space<vmem>>
      %dma_start3A_227 = tpu.memref_squeeze %dma_start3A_226 : memref<1x48xi32, #tpu.memory_space<vmem>> -> memref<48xi32, #tpu.memory_space<vmem>>
      %dma_start3A_228 = arith.constant 0 : i32
      %dma_start3A_229 = arith.constant 0 : i32
      %dma_start3A_230 = tpu.memref_slice %arg8[%dma_start3A_228, %dma_start3A_229] : memref<10240x128xf32, #tpu.memory_space<vmem_shared>> -> memref<10240x128xf32, #tpu.memory_space<vmem_shared>>
      tpu.enqueue_indirect_dma source(%dma_start3A_224 : memref<48x128xf32, #tpu.memory_space<vmem>>) target(%dma_start3A_230 : memref<10240x128xf32, #tpu.memory_space<vmem_shared>>) offsets(%dma_start3A_227 : memref<48xi32, #tpu.memory_space<vmem>>) semaphore(%arg23 : memref<!tpu.dma_semaphore, #tpu.memory_space<semaphore_mem>>) {add = true}
      %add3A_231 = arith.constant 1 : i32
      %add3A_232 = arith.addi %add3A_187, %add3A_231 : i32
      %ge3A_233 = arith.constant 3 : i32
      %ge3A_234 = arith.cmpi sge, %add3A_232, %ge3A_233 : i32
      %convert_element_type3A_235 = arith.extui %ge3A_234 : i1 to i32
      %cond3A_236 = arith.constant 0 : i32
      %cond3A_237 = arith.cmpi ne, %convert_element_type3A_235, %cond3A_236 : i32
      scf.if %cond3A_237 {
        %dma_wait3A_513 = arith.constant 5 : i32
        %dma_wait3A_514 = arith.constant 11 : i32
        %dma_wait3A_515 = arith.constant 0 : i32
        %dma_wait3A_516 = arith.constant 0 : i32
        %dma_wait3A_517 = tpu.memref_slice %arg7[%dma_wait3A_513, %dma_wait3A_515, %dma_wait3A_516] : memref<7x48x128xf32, #tpu.memory_space<vmem>> -> memref<1x48x128xf32, #tpu.memory_space<vmem>>
        %dma_wait3A_518 = tpu.memref_squeeze %dma_wait3A_517 : memref<1x48x128xf32, #tpu.memory_space<vmem>> -> memref<48x128xf32, #tpu.memory_space<vmem>>
        %dma_wait3A_519 = arith.constant 0 : i32
        %dma_wait3A_520 = tpu.memref_slice %arg6[%dma_wait3A_514, %dma_wait3A_519] : memref<14x48xi32, #tpu.memory_space<vmem>> -> memref<1x48xi32, #tpu.memory_space<vmem>>
        %dma_wait3A_521 = tpu.memref_squeeze %dma_wait3A_520 : memref<1x48xi32, #tpu.memory_space<vmem>> -> memref<48xi32, #tpu.memory_space<vmem>>
        %dma_wait3A_522 = arith.constant 0 : i32
        %dma_wait3A_523 = arith.constant 0 : i32
        %dma_wait3A_524 = tpu.memref_slice %arg8[%dma_wait3A_522, %dma_wait3A_523] : memref<10240x128xf32, #tpu.memory_space<vmem_shared>> -> memref<10240x128xf32, #tpu.memory_space<vmem_shared>>
        tpu.wait_indirect_dma semaphore(%arg28 : memref<!tpu.dma_semaphore, #tpu.memory_space<semaphore_mem>>) src(%dma_wait3A_518 : memref<48x128xf32, #tpu.memory_space<vmem>>) dst(%dma_wait3A_524 : memref<10240x128xf32, #tpu.memory_space<vmem_shared>>)
      } else {
      }
      %add3A_238 = arith.constant 3 : i32
      %add3A_239 = arith.addi %add3A_232, %add3A_238 : i32
      %add3A_240 = arith.constant 1 : i32
      %add3A_241 = arith.addi %add3A_239, %add3A_240 : i32
      %lt3A_242 = arith.constant 210 : i32
      %lt3A_243 = arith.cmpi slt, %add3A_241, %lt3A_242 : i32
      %convert_element_type3A_244 = arith.extui %lt3A_243 : i1 to i32
      %cond3A_245 = arith.constant 0 : i32
      %cond3A_246 = arith.cmpi ne, %convert_element_type3A_244, %cond3A_245 : i32
      scf.if %cond3A_246 {
        %add3A_513 = arith.constant 3 : i32
        %add3A_514 = arith.addi %add3A_232, %add3A_513 : i32
        %add3A_515 = arith.constant 1 : i32
        %add3A_516 = arith.addi %add3A_514, %add3A_515 : i32
        %dma_start3A_517 = arith.constant 10 : i32
        %dma_start3A_518 = arith.constant 0 : i32
        %dma_start3A_519 = tpu.memref_slice %arg6[%dma_start3A_517, %dma_start3A_518] : memref<14x48xi32, #tpu.memory_space<vmem>> -> memref<2x48xi32, #tpu.memory_space<vmem>>
        %dma_start3A_520 = arith.constant 0 : i32
        %dma_start3A_521 = arith.constant 0 : i32
        %dma_start3A_522 = tpu.memref_slice %arg3[%add3A, %add3A_516, %dma_start3A_520, %dma_start3A_521] : memref<32x210x2x48xi32, #tpu.memory_space<hbm>> -> memref<1x1x2x48xi32, #tpu.memory_space<hbm>>
        %dma_start3A_523 = tpu.memref_squeeze %dma_start3A_522 : memref<1x1x2x48xi32, #tpu.memory_space<hbm>> -> memref<2x48xi32, #tpu.memory_space<hbm>>
        %dma_start3A_524 = arith.constant 10 : i32
        %dma_start3A_525 = arith.constant 0 : i32
        %dma_start3A_526 = tpu.memref_slice %arg6[%dma_start3A_524, %dma_start3A_525] : memref<14x48xi32, #tpu.memory_space<vmem>> -> memref<2x48xi32, #tpu.memory_space<vmem>>
        %dma_start3A_527 = arith.constant 0 : i32
        %dma_start3A_528 = arith.constant 0 : i32
        %dma_start3A_529 = tpu.memref_slice %arg3[%add3A, %add3A_516, %dma_start3A_527, %dma_start3A_528] : memref<32x210x2x48xi32, #tpu.memory_space<hbm>> -> memref<1x1x2x48xi32, #tpu.memory_space<hbm>>
        %dma_start3A_530 = tpu.memref_squeeze %dma_start3A_529 : memref<1x1x2x48xi32, #tpu.memory_space<hbm>> -> memref<2x48xi32, #tpu.memory_space<hbm>>
        tpu.enqueue_dma source(%dma_start3A_530 : memref<2x48xi32, #tpu.memory_space<hbm>>) target(%dma_start3A_526 : memref<2x48xi32, #tpu.memory_space<vmem>>) target_semaphore(%arg14 : memref<!tpu.dma_semaphore, #tpu.memory_space<semaphore_mem>>)
      } else {
      }
      %add3A_247 = arith.constant 3 : i32
      %add3A_248 = arith.addi %add3A_232, %add3A_247 : i32
      %lt3A_249 = arith.constant 210 : i32
      %lt3A_250 = arith.cmpi slt, %add3A_248, %lt3A_249 : i32
      %convert_element_type3A_251 = arith.extui %lt3A_250 : i1 to i32
      %cond3A_252 = arith.constant 0 : i32
      %cond3A_253 = arith.cmpi ne, %convert_element_type3A_251, %cond3A_252 : i32
      scf.if %cond3A_253 {
        %add3A_513 = arith.constant 3 : i32
        %add3A_514 = arith.addi %add3A_232, %add3A_513 : i32
        %dma_wait3A_515 = arith.constant 8 : i32
        %dma_wait3A_516 = arith.constant 0 : i32
        %dma_wait3A_517 = tpu.memref_slice %arg6[%dma_wait3A_515, %dma_wait3A_516] : memref<14x48xi32, #tpu.memory_space<vmem>> -> memref<2x48xi32, #tpu.memory_space<vmem>>
        %dma_wait3A_518 = arith.constant 0 : i32
        %dma_wait3A_519 = arith.constant 0 : i32
        %dma_wait3A_520 = tpu.memref_slice %arg3[%add3A, %add3A_514, %dma_wait3A_518, %dma_wait3A_519] : memref<32x210x2x48xi32, #tpu.memory_space<hbm>> -> memref<1x1x2x48xi32, #tpu.memory_space<hbm>>
        %dma_wait3A_521 = tpu.memref_squeeze %dma_wait3A_520 : memref<1x1x2x48xi32, #tpu.memory_space<hbm>> -> memref<2x48xi32, #tpu.memory_space<hbm>>
        %dma_wait3A_522 = arith.constant 8 : i32
        %dma_wait3A_523 = arith.constant 0 : i32
        %dma_wait3A_524 = tpu.memref_slice %arg6[%dma_wait3A_522, %dma_wait3A_523] : memref<14x48xi32, #tpu.memory_space<vmem>> -> memref<2x48xi32, #tpu.memory_space<vmem>>
        %dma_wait3A_525 = arith.constant 0 : i32
        %dma_wait3A_526 = arith.constant 0 : i32
        %dma_wait3A_527 = tpu.memref_slice %arg3[%add3A, %add3A_514, %dma_wait3A_525, %dma_wait3A_526] : memref<32x210x2x48xi32, #tpu.memory_space<hbm>> -> memref<1x1x2x48xi32, #tpu.memory_space<hbm>>
        %dma_wait3A_528 = tpu.memref_squeeze %dma_wait3A_527 : memref<1x1x2x48xi32, #tpu.memory_space<hbm>> -> memref<2x48xi32, #tpu.memory_space<hbm>>
        tpu.wait_dma2 semaphore(%arg13 : memref<!tpu.dma_semaphore, #tpu.memory_space<semaphore_mem>>) src(%dma_wait3A_528 : memref<2x48xi32, #tpu.memory_space<hbm>>) dst(%dma_wait3A_524 : memref<2x48xi32, #tpu.memory_space<vmem>>)
        %dma_start3A_529 = arith.constant 8 : i32
        %dma_start3A_530 = arith.constant 4 : i32
        %dma_start3A_531 = arith.constant 0 : i32
        %dma_start3A_532 = arith.constant 0 : i32
        %dma_start3A_533 = tpu.memref_slice %arg7[%dma_start3A_530, %dma_start3A_531, %dma_start3A_532] : memref<7x48x128xf32, #tpu.memory_space<vmem>> -> memref<1x48x128xf32, #tpu.memory_space<vmem>>
        %dma_start3A_534 = tpu.memref_squeeze %dma_start3A_533 : memref<1x48x128xf32, #tpu.memory_space<vmem>> -> memref<48x128xf32, #tpu.memory_space<vmem>>
        %dma_start3A_535 = arith.constant 0 : i32
        %dma_start3A_536 = tpu.memref_slice %arg6[%dma_start3A_529, %dma_start3A_535] : memref<14x48xi32, #tpu.memory_space<vmem>> -> memref<1x48xi32, #tpu.memory_space<vmem>>
        %dma_start3A_537 = tpu.memref_squeeze %dma_start3A_536 : memref<1x48xi32, #tpu.memory_space<vmem>> -> memref<48xi32, #tpu.memory_space<vmem>>
        %dma_start3A_538 = arith.constant 0 : i32
        %dma_start3A_539 = arith.constant 0 : i32
        %dma_start3A_540 = tpu.memref_slice %arg2[%dma_start3A_538, %dma_start3A_539] : memref<10240x128xf32, #tpu.memory_space<hbm>> -> memref<10240x128xf32, #tpu.memory_space<hbm>>
        tpu.enqueue_indirect_dma source(%dma_start3A_540 : memref<10240x128xf32, #tpu.memory_space<hbm>>) target(%dma_start3A_534 : memref<48x128xf32, #tpu.memory_space<vmem>>) offsets(%dma_start3A_537 : memref<48xi32, #tpu.memory_space<vmem>>) semaphore(%arg20 : memref<!tpu.dma_semaphore, #tpu.memory_space<semaphore_mem>>)
      } else {
      }
      %dma_wait3A_254 = arith.constant 2 : i32
      %dma_wait3A_255 = arith.constant 1 : i32
      %dma_wait3A_256 = arith.constant 0 : i32
      %dma_wait3A_257 = arith.constant 0 : i32
      %dma_wait3A_258 = tpu.memref_slice %arg7[%dma_wait3A_255, %dma_wait3A_256, %dma_wait3A_257] : memref<7x48x128xf32, #tpu.memory_space<vmem>> -> memref<1x48x128xf32, #tpu.memory_space<vmem>>
      %dma_wait3A_259 = tpu.memref_squeeze %dma_wait3A_258 : memref<1x48x128xf32, #tpu.memory_space<vmem>> -> memref<48x128xf32, #tpu.memory_space<vmem>>
      %dma_wait3A_260 = arith.constant 0 : i32
      %dma_wait3A_261 = tpu.memref_slice %arg6[%dma_wait3A_254, %dma_wait3A_260] : memref<14x48xi32, #tpu.memory_space<vmem>> -> memref<1x48xi32, #tpu.memory_space<vmem>>
      %dma_wait3A_262 = tpu.memref_squeeze %dma_wait3A_261 : memref<1x48xi32, #tpu.memory_space<vmem>> -> memref<48xi32, #tpu.memory_space<vmem>>
      %dma_wait3A_263 = arith.constant 0 : i32
      %dma_wait3A_264 = arith.constant 0 : i32
      %dma_wait3A_265 = tpu.memref_slice %arg2[%dma_wait3A_263, %dma_wait3A_264] : memref<10240x128xf32, #tpu.memory_space<hbm>> -> memref<10240x128xf32, #tpu.memory_space<hbm>>
      tpu.wait_indirect_dma semaphore(%arg17 : memref<!tpu.dma_semaphore, #tpu.memory_space<semaphore_mem>>) src(%dma_wait3A_265 : memref<10240x128xf32, #tpu.memory_space<hbm>>) dst(%dma_wait3A_259 : memref<48x128xf32, #tpu.memory_space<vmem>>)
      %dma_start3A_266 = arith.constant 1 : i32
      %dma_start3A_267 = arith.constant 3 : i32
      %dma_start3A_268 = arith.constant 0 : i32
      %dma_start3A_269 = arith.constant 0 : i32
      %dma_start3A_270 = tpu.memref_slice %arg7[%dma_start3A_266, %dma_start3A_268, %dma_start3A_269] : memref<7x48x128xf32, #tpu.memory_space<vmem>> -> memref<1x48x128xf32, #tpu.memory_space<vmem>>
      %dma_start3A_271 = tpu.memref_squeeze %dma_start3A_270 : memref<1x48x128xf32, #tpu.memory_space<vmem>> -> memref<48x128xf32, #tpu.memory_space<vmem>>
      %dma_start3A_272 = arith.constant 0 : i32
      %dma_start3A_273 = tpu.memref_slice %arg6[%dma_start3A_267, %dma_start3A_272] : memref<14x48xi32, #tpu.memory_space<vmem>> -> memref<1x48xi32, #tpu.memory_space<vmem>>
      %dma_start3A_274 = tpu.memref_squeeze %dma_start3A_273 : memref<1x48xi32, #tpu.memory_space<vmem>> -> memref<48xi32, #tpu.memory_space<vmem>>
      %dma_start3A_275 = arith.constant 0 : i32
      %dma_start3A_276 = arith.constant 0 : i32
      %dma_start3A_277 = tpu.memref_slice %arg8[%dma_start3A_275, %dma_start3A_276] : memref<10240x128xf32, #tpu.memory_space<vmem_shared>> -> memref<10240x128xf32, #tpu.memory_space<vmem_shared>>
      tpu.enqueue_indirect_dma source(%dma_start3A_271 : memref<48x128xf32, #tpu.memory_space<vmem>>) target(%dma_start3A_277 : memref<10240x128xf32, #tpu.memory_space<vmem_shared>>) offsets(%dma_start3A_274 : memref<48xi32, #tpu.memory_space<vmem>>) semaphore(%arg24 : memref<!tpu.dma_semaphore, #tpu.memory_space<semaphore_mem>>) {add = true}
      %add3A_278 = arith.constant 2 : i32
      %add3A_279 = arith.addi %add3A_187, %add3A_278 : i32
      %ge3A_280 = arith.constant 3 : i32
      %ge3A_281 = arith.cmpi sge, %add3A_279, %ge3A_280 : i32
      %convert_element_type3A_282 = arith.extui %ge3A_281 : i1 to i32
      %cond3A_283 = arith.constant 0 : i32
      %cond3A_284 = arith.cmpi ne, %convert_element_type3A_282, %cond3A_283 : i32
      scf.if %cond3A_284 {
        %dma_wait3A_513 = arith.constant 6 : i32
        %dma_wait3A_514 = arith.constant 13 : i32
        %dma_wait3A_515 = arith.constant 0 : i32
        %dma_wait3A_516 = arith.constant 0 : i32
        %dma_wait3A_517 = tpu.memref_slice %arg7[%dma_wait3A_513, %dma_wait3A_515, %dma_wait3A_516] : memref<7x48x128xf32, #tpu.memory_space<vmem>> -> memref<1x48x128xf32, #tpu.memory_space<vmem>>
        %dma_wait3A_518 = tpu.memref_squeeze %dma_wait3A_517 : memref<1x48x128xf32, #tpu.memory_space<vmem>> -> memref<48x128xf32, #tpu.memory_space<vmem>>
        %dma_wait3A_519 = arith.constant 0 : i32
        %dma_wait3A_520 = tpu.memref_slice %arg6[%dma_wait3A_514, %dma_wait3A_519] : memref<14x48xi32, #tpu.memory_space<vmem>> -> memref<1x48xi32, #tpu.memory_space<vmem>>
        %dma_wait3A_521 = tpu.memref_squeeze %dma_wait3A_520 : memref<1x48xi32, #tpu.memory_space<vmem>> -> memref<48xi32, #tpu.memory_space<vmem>>
        %dma_wait3A_522 = arith.constant 0 : i32
        %dma_wait3A_523 = arith.constant 0 : i32
        %dma_wait3A_524 = tpu.memref_slice %arg8[%dma_wait3A_522, %dma_wait3A_523] : memref<10240x128xf32, #tpu.memory_space<vmem_shared>> -> memref<10240x128xf32, #tpu.memory_space<vmem_shared>>
        tpu.wait_indirect_dma semaphore(%arg29 : memref<!tpu.dma_semaphore, #tpu.memory_space<semaphore_mem>>) src(%dma_wait3A_518 : memref<48x128xf32, #tpu.memory_space<vmem>>) dst(%dma_wait3A_524 : memref<10240x128xf32, #tpu.memory_space<vmem_shared>>)
      } else {
      }
      %add3A_285 = arith.constant 3 : i32
      %add3A_286 = arith.addi %add3A_279, %add3A_285 : i32
      %add3A_287 = arith.constant 1 : i32
      %add3A_288 = arith.addi %add3A_286, %add3A_287 : i32
      %lt3A_289 = arith.constant 210 : i32
      %lt3A_290 = arith.cmpi slt, %add3A_288, %lt3A_289 : i32
      %convert_element_type3A_291 = arith.extui %lt3A_290 : i1 to i32
      %cond3A_292 = arith.constant 0 : i32
      %cond3A_293 = arith.cmpi ne, %convert_element_type3A_291, %cond3A_292 : i32
      scf.if %cond3A_293 {
        %add3A_513 = arith.constant 3 : i32
        %add3A_514 = arith.addi %add3A_279, %add3A_513 : i32
        %add3A_515 = arith.constant 1 : i32
        %add3A_516 = arith.addi %add3A_514, %add3A_515 : i32
        %dma_start3A_517 = arith.constant 12 : i32
        %dma_start3A_518 = arith.constant 0 : i32
        %dma_start3A_519 = tpu.memref_slice %arg6[%dma_start3A_517, %dma_start3A_518] : memref<14x48xi32, #tpu.memory_space<vmem>> -> memref<2x48xi32, #tpu.memory_space<vmem>>
        %dma_start3A_520 = arith.constant 0 : i32
        %dma_start3A_521 = arith.constant 0 : i32
        %dma_start3A_522 = tpu.memref_slice %arg3[%add3A, %add3A_516, %dma_start3A_520, %dma_start3A_521] : memref<32x210x2x48xi32, #tpu.memory_space<hbm>> -> memref<1x1x2x48xi32, #tpu.memory_space<hbm>>
        %dma_start3A_523 = tpu.memref_squeeze %dma_start3A_522 : memref<1x1x2x48xi32, #tpu.memory_space<hbm>> -> memref<2x48xi32, #tpu.memory_space<hbm>>
        %dma_start3A_524 = arith.constant 12 : i32
        %dma_start3A_525 = arith.constant 0 : i32
        %dma_start3A_526 = tpu.memref_slice %arg6[%dma_start3A_524, %dma_start3A_525] : memref<14x48xi32, #tpu.memory_space<vmem>> -> memref<2x48xi32, #tpu.memory_space<vmem>>
        %dma_start3A_527 = arith.constant 0 : i32
        %dma_start3A_528 = arith.constant 0 : i32
        %dma_start3A_529 = tpu.memref_slice %arg3[%add3A, %add3A_516, %dma_start3A_527, %dma_start3A_528] : memref<32x210x2x48xi32, #tpu.memory_space<hbm>> -> memref<1x1x2x48xi32, #tpu.memory_space<hbm>>
        %dma_start3A_530 = tpu.memref_squeeze %dma_start3A_529 : memref<1x1x2x48xi32, #tpu.memory_space<hbm>> -> memref<2x48xi32, #tpu.memory_space<hbm>>
        tpu.enqueue_dma source(%dma_start3A_530 : memref<2x48xi32, #tpu.memory_space<hbm>>) target(%dma_start3A_526 : memref<2x48xi32, #tpu.memory_space<vmem>>) target_semaphore(%arg15 : memref<!tpu.dma_semaphore, #tpu.memory_space<semaphore_mem>>)
      } else {
      }
      %add3A_294 = arith.constant 3 : i32
      %add3A_295 = arith.addi %add3A_279, %add3A_294 : i32
      %lt3A_296 = arith.constant 210 : i32
      %lt3A_297 = arith.cmpi slt, %add3A_295, %lt3A_296 : i32
      %convert_element_type3A_298 = arith.extui %lt3A_297 : i1 to i32
      %cond3A_299 = arith.constant 0 : i32
      %cond3A_300 = arith.cmpi ne, %convert_element_type3A_298, %cond3A_299 : i32
      scf.if %cond3A_300 {
        %add3A_513 = arith.constant 3 : i32
        %add3A_514 = arith.addi %add3A_279, %add3A_513 : i32
        %dma_wait3A_515 = arith.constant 10 : i32
        %dma_wait3A_516 = arith.constant 0 : i32
        %dma_wait3A_517 = tpu.memref_slice %arg6[%dma_wait3A_515, %dma_wait3A_516] : memref<14x48xi32, #tpu.memory_space<vmem>> -> memref<2x48xi32, #tpu.memory_space<vmem>>
        %dma_wait3A_518 = arith.constant 0 : i32
        %dma_wait3A_519 = arith.constant 0 : i32
        %dma_wait3A_520 = tpu.memref_slice %arg3[%add3A, %add3A_514, %dma_wait3A_518, %dma_wait3A_519] : memref<32x210x2x48xi32, #tpu.memory_space<hbm>> -> memref<1x1x2x48xi32, #tpu.memory_space<hbm>>
        %dma_wait3A_521 = tpu.memref_squeeze %dma_wait3A_520 : memref<1x1x2x48xi32, #tpu.memory_space<hbm>> -> memref<2x48xi32, #tpu.memory_space<hbm>>
        %dma_wait3A_522 = arith.constant 10 : i32
        %dma_wait3A_523 = arith.constant 0 : i32
        %dma_wait3A_524 = tpu.memref_slice %arg6[%dma_wait3A_522, %dma_wait3A_523] : memref<14x48xi32, #tpu.memory_space<vmem>> -> memref<2x48xi32, #tpu.memory_space<vmem>>
        %dma_wait3A_525 = arith.constant 0 : i32
        %dma_wait3A_526 = arith.constant 0 : i32
        %dma_wait3A_527 = tpu.memref_slice %arg3[%add3A, %add3A_514, %dma_wait3A_525, %dma_wait3A_526] : memref<32x210x2x48xi32, #tpu.memory_space<hbm>> -> memref<1x1x2x48xi32, #tpu.memory_space<hbm>>
        %dma_wait3A_528 = tpu.memref_squeeze %dma_wait3A_527 : memref<1x1x2x48xi32, #tpu.memory_space<hbm>> -> memref<2x48xi32, #tpu.memory_space<hbm>>
        tpu.wait_dma2 semaphore(%arg14 : memref<!tpu.dma_semaphore, #tpu.memory_space<semaphore_mem>>) src(%dma_wait3A_528 : memref<2x48xi32, #tpu.memory_space<hbm>>) dst(%dma_wait3A_524 : memref<2x48xi32, #tpu.memory_space<vmem>>)
        %dma_start3A_529 = arith.constant 10 : i32
        %dma_start3A_530 = arith.constant 5 : i32
        %dma_start3A_531 = arith.constant 0 : i32
        %dma_start3A_532 = arith.constant 0 : i32
        %dma_start3A_533 = tpu.memref_slice %arg7[%dma_start3A_530, %dma_start3A_531, %dma_start3A_532] : memref<7x48x128xf32, #tpu.memory_space<vmem>> -> memref<1x48x128xf32, #tpu.memory_space<vmem>>
        %dma_start3A_534 = tpu.memref_squeeze %dma_start3A_533 : memref<1x48x128xf32, #tpu.memory_space<vmem>> -> memref<48x128xf32, #tpu.memory_space<vmem>>
        %dma_start3A_535 = arith.constant 0 : i32
        %dma_start3A_536 = tpu.memref_slice %arg6[%dma_start3A_529, %dma_start3A_535] : memref<14x48xi32, #tpu.memory_space<vmem>> -> memref<1x48xi32, #tpu.memory_space<vmem>>
        %dma_start3A_537 = tpu.memref_squeeze %dma_start3A_536 : memref<1x48xi32, #tpu.memory_space<vmem>> -> memref<48xi32, #tpu.memory_space<vmem>>
        %dma_start3A_538 = arith.constant 0 : i32
        %dma_start3A_539 = arith.constant 0 : i32
        %dma_start3A_540 = tpu.memref_slice %arg2[%dma_start3A_538, %dma_start3A_539] : memref<10240x128xf32, #tpu.memory_space<hbm>> -> memref<10240x128xf32, #tpu.memory_space<hbm>>
        tpu.enqueue_indirect_dma source(%dma_start3A_540 : memref<10240x128xf32, #tpu.memory_space<hbm>>) target(%dma_start3A_534 : memref<48x128xf32, #tpu.memory_space<vmem>>) offsets(%dma_start3A_537 : memref<48xi32, #tpu.memory_space<vmem>>) semaphore(%arg21 : memref<!tpu.dma_semaphore, #tpu.memory_space<semaphore_mem>>)
      } else {
      }
      %dma_wait3A_301 = arith.constant 4 : i32
      %dma_wait3A_302 = arith.constant 2 : i32
      %dma_wait3A_303 = arith.constant 0 : i32
      %dma_wait3A_304 = arith.constant 0 : i32
      %dma_wait3A_305 = tpu.memref_slice %arg7[%dma_wait3A_302, %dma_wait3A_303, %dma_wait3A_304] : memref<7x48x128xf32, #tpu.memory_space<vmem>> -> memref<1x48x128xf32, #tpu.memory_space<vmem>>
      %dma_wait3A_306 = tpu.memref_squeeze %dma_wait3A_305 : memref<1x48x128xf32, #tpu.memory_space<vmem>> -> memref<48x128xf32, #tpu.memory_space<vmem>>
      %dma_wait3A_307 = arith.constant 0 : i32
      %dma_wait3A_308 = tpu.memref_slice %arg6[%dma_wait3A_301, %dma_wait3A_307] : memref<14x48xi32, #tpu.memory_space<vmem>> -> memref<1x48xi32, #tpu.memory_space<vmem>>
      %dma_wait3A_309 = tpu.memref_squeeze %dma_wait3A_308 : memref<1x48xi32, #tpu.memory_space<vmem>> -> memref<48xi32, #tpu.memory_space<vmem>>
      %dma_wait3A_310 = arith.constant 0 : i32
      %dma_wait3A_311 = arith.constant 0 : i32
      %dma_wait3A_312 = tpu.memref_slice %arg2[%dma_wait3A_310, %dma_wait3A_311] : memref<10240x128xf32, #tpu.memory_space<hbm>> -> memref<10240x128xf32, #tpu.memory_space<hbm>>
      tpu.wait_indirect_dma semaphore(%arg18 : memref<!tpu.dma_semaphore, #tpu.memory_space<semaphore_mem>>) src(%dma_wait3A_312 : memref<10240x128xf32, #tpu.memory_space<hbm>>) dst(%dma_wait3A_306 : memref<48x128xf32, #tpu.memory_space<vmem>>)
      %dma_start3A_313 = arith.constant 2 : i32
      %dma_start3A_314 = arith.constant 5 : i32
      %dma_start3A_315 = arith.constant 0 : i32
      %dma_start3A_316 = arith.constant 0 : i32
      %dma_start3A_317 = tpu.memref_slice %arg7[%dma_start3A_313, %dma_start3A_315, %dma_start3A_316] : memref<7x48x128xf32, #tpu.memory_space<vmem>> -> memref<1x48x128xf32, #tpu.memory_space<vmem>>
      %dma_start3A_318 = tpu.memref_squeeze %dma_start3A_317 : memref<1x48x128xf32, #tpu.memory_space<vmem>> -> memref<48x128xf32, #tpu.memory_space<vmem>>
      %dma_start3A_319 = arith.constant 0 : i32
      %dma_start3A_320 = tpu.memref_slice %arg6[%dma_start3A_314, %dma_start3A_319] : memref<14x48xi32, #tpu.memory_space<vmem>> -> memref<1x48xi32, #tpu.memory_space<vmem>>
      %dma_start3A_321 = tpu.memref_squeeze %dma_start3A_320 : memref<1x48xi32, #tpu.memory_space<vmem>> -> memref<48xi32, #tpu.memory_space<vmem>>
      %dma_start3A_322 = arith.constant 0 : i32
      %dma_start3A_323 = arith.constant 0 : i32
      %dma_start3A_324 = tpu.memref_slice %arg8[%dma_start3A_322, %dma_start3A_323] : memref<10240x128xf32, #tpu.memory_space<vmem_shared>> -> memref<10240x128xf32, #tpu.memory_space<vmem_shared>>
      tpu.enqueue_indirect_dma source(%dma_start3A_318 : memref<48x128xf32, #tpu.memory_space<vmem>>) target(%dma_start3A_324 : memref<10240x128xf32, #tpu.memory_space<vmem_shared>>) offsets(%dma_start3A_321 : memref<48xi32, #tpu.memory_space<vmem>>) semaphore(%arg25 : memref<!tpu.dma_semaphore, #tpu.memory_space<semaphore_mem>>) {add = true}
      %add3A_325 = arith.constant 3 : i32
      %add3A_326 = arith.addi %add3A_187, %add3A_325 : i32
      %ge3A_327 = arith.constant 3 : i32
      %ge3A_328 = arith.cmpi sge, %add3A_326, %ge3A_327 : i32
      %convert_element_type3A_329 = arith.extui %ge3A_328 : i1 to i32
      %cond3A_330 = arith.constant 0 : i32
      %cond3A_331 = arith.cmpi ne, %convert_element_type3A_329, %cond3A_330 : i32
      scf.if %cond3A_331 {
        %dma_wait3A_513 = arith.constant 0 : i32
        %dma_wait3A_514 = arith.constant 1 : i32
        %dma_wait3A_515 = arith.constant 0 : i32
        %dma_wait3A_516 = arith.constant 0 : i32
        %dma_wait3A_517 = tpu.memref_slice %arg7[%dma_wait3A_513, %dma_wait3A_515, %dma_wait3A_516] : memref<7x48x128xf32, #tpu.memory_space<vmem>> -> memref<1x48x128xf32, #tpu.memory_space<vmem>>
        %dma_wait3A_518 = tpu.memref_squeeze %dma_wait3A_517 : memref<1x48x128xf32, #tpu.memory_space<vmem>> -> memref<48x128xf32, #tpu.memory_space<vmem>>
        %dma_wait3A_519 = arith.constant 0 : i32
        %dma_wait3A_520 = tpu.memref_slice %arg6[%dma_wait3A_514, %dma_wait3A_519] : memref<14x48xi32, #tpu.memory_space<vmem>> -> memref<1x48xi32, #tpu.memory_space<vmem>>
        %dma_wait3A_521 = tpu.memref_squeeze %dma_wait3A_520 : memref<1x48xi32, #tpu.memory_space<vmem>> -> memref<48xi32, #tpu.memory_space<vmem>>
        %dma_wait3A_522 = arith.constant 0 : i32
        %dma_wait3A_523 = arith.constant 0 : i32
        %dma_wait3A_524 = tpu.memref_slice %arg8[%dma_wait3A_522, %dma_wait3A_523] : memref<10240x128xf32, #tpu.memory_space<vmem_shared>> -> memref<10240x128xf32, #tpu.memory_space<vmem_shared>>
        tpu.wait_indirect_dma semaphore(%arg23 : memref<!tpu.dma_semaphore, #tpu.memory_space<semaphore_mem>>) src(%dma_wait3A_518 : memref<48x128xf32, #tpu.memory_space<vmem>>) dst(%dma_wait3A_524 : memref<10240x128xf32, #tpu.memory_space<vmem_shared>>)
      } else {
      }
      %add3A_332 = arith.constant 3 : i32
      %add3A_333 = arith.addi %add3A_326, %add3A_332 : i32
      %add3A_334 = arith.constant 1 : i32
      %add3A_335 = arith.addi %add3A_333, %add3A_334 : i32
      %lt3A_336 = arith.constant 210 : i32
      %lt3A_337 = arith.cmpi slt, %add3A_335, %lt3A_336 : i32
      %convert_element_type3A_338 = arith.extui %lt3A_337 : i1 to i32
      %cond3A_339 = arith.constant 0 : i32
      %cond3A_340 = arith.cmpi ne, %convert_element_type3A_338, %cond3A_339 : i32
      scf.if %cond3A_340 {
        %add3A_513 = arith.constant 3 : i32
        %add3A_514 = arith.addi %add3A_326, %add3A_513 : i32
        %add3A_515 = arith.constant 1 : i32
        %add3A_516 = arith.addi %add3A_514, %add3A_515 : i32
        %dma_start3A_517 = arith.constant 0 : i32
        %dma_start3A_518 = arith.constant 0 : i32
        %dma_start3A_519 = tpu.memref_slice %arg6[%dma_start3A_517, %dma_start3A_518] : memref<14x48xi32, #tpu.memory_space<vmem>> -> memref<2x48xi32, #tpu.memory_space<vmem>>
        %dma_start3A_520 = arith.constant 0 : i32
        %dma_start3A_521 = arith.constant 0 : i32
        %dma_start3A_522 = tpu.memref_slice %arg3[%add3A, %add3A_516, %dma_start3A_520, %dma_start3A_521] : memref<32x210x2x48xi32, #tpu.memory_space<hbm>> -> memref<1x1x2x48xi32, #tpu.memory_space<hbm>>
        %dma_start3A_523 = tpu.memref_squeeze %dma_start3A_522 : memref<1x1x2x48xi32, #tpu.memory_space<hbm>> -> memref<2x48xi32, #tpu.memory_space<hbm>>
        %dma_start3A_524 = arith.constant 0 : i32
        %dma_start3A_525 = arith.constant 0 : i32
        %dma_start3A_526 = tpu.memref_slice %arg6[%dma_start3A_524, %dma_start3A_525] : memref<14x48xi32, #tpu.memory_space<vmem>> -> memref<2x48xi32, #tpu.memory_space<vmem>>
        %dma_start3A_527 = arith.constant 0 : i32
        %dma_start3A_528 = arith.constant 0 : i32
        %dma_start3A_529 = tpu.memref_slice %arg3[%add3A, %add3A_516, %dma_start3A_527, %dma_start3A_528] : memref<32x210x2x48xi32, #tpu.memory_space<hbm>> -> memref<1x1x2x48xi32, #tpu.memory_space<hbm>>
        %dma_start3A_530 = tpu.memref_squeeze %dma_start3A_529 : memref<1x1x2x48xi32, #tpu.memory_space<hbm>> -> memref<2x48xi32, #tpu.memory_space<hbm>>
        tpu.enqueue_dma source(%dma_start3A_530 : memref<2x48xi32, #tpu.memory_space<hbm>>) target(%dma_start3A_526 : memref<2x48xi32, #tpu.memory_space<vmem>>) target_semaphore(%arg9 : memref<!tpu.dma_semaphore, #tpu.memory_space<semaphore_mem>>)
      } else {
      }
      %add3A_341 = arith.constant 3 : i32
      %add3A_342 = arith.addi %add3A_326, %add3A_341 : i32
      %lt3A_343 = arith.constant 210 : i32
      %lt3A_344 = arith.cmpi slt, %add3A_342, %lt3A_343 : i32
      %convert_element_type3A_345 = arith.extui %lt3A_344 : i1 to i32
      %cond3A_346 = arith.constant 0 : i32
      %cond3A_347 = arith.cmpi ne, %convert_element_type3A_345, %cond3A_346 : i32
      scf.if %cond3A_347 {
        %add3A_513 = arith.constant 3 : i32
        %add3A_514 = arith.addi %add3A_326, %add3A_513 : i32
        %dma_wait3A_515 = arith.constant 12 : i32
        %dma_wait3A_516 = arith.constant 0 : i32
        %dma_wait3A_517 = tpu.memref_slice %arg6[%dma_wait3A_515, %dma_wait3A_516] : memref<14x48xi32, #tpu.memory_space<vmem>> -> memref<2x48xi32, #tpu.memory_space<vmem>>
        %dma_wait3A_518 = arith.constant 0 : i32
        %dma_wait3A_519 = arith.constant 0 : i32
        %dma_wait3A_520 = tpu.memref_slice %arg3[%add3A, %add3A_514, %dma_wait3A_518, %dma_wait3A_519] : memref<32x210x2x48xi32, #tpu.memory_space<hbm>> -> memref<1x1x2x48xi32, #tpu.memory_space<hbm>>
        %dma_wait3A_521 = tpu.memref_squeeze %dma_wait3A_520 : memref<1x1x2x48xi32, #tpu.memory_space<hbm>> -> memref<2x48xi32, #tpu.memory_space<hbm>>
        %dma_wait3A_522 = arith.constant 12 : i32
        %dma_wait3A_523 = arith.constant 0 : i32
        %dma_wait3A_524 = tpu.memref_slice %arg6[%dma_wait3A_522, %dma_wait3A_523] : memref<14x48xi32, #tpu.memory_space<vmem>> -> memref<2x48xi32, #tpu.memory_space<vmem>>
        %dma_wait3A_525 = arith.constant 0 : i32
        %dma_wait3A_526 = arith.constant 0 : i32
        %dma_wait3A_527 = tpu.memref_slice %arg3[%add3A, %add3A_514, %dma_wait3A_525, %dma_wait3A_526] : memref<32x210x2x48xi32, #tpu.memory_space<hbm>> -> memref<1x1x2x48xi32, #tpu.memory_space<hbm>>
        %dma_wait3A_528 = tpu.memref_squeeze %dma_wait3A_527 : memref<1x1x2x48xi32, #tpu.memory_space<hbm>> -> memref<2x48xi32, #tpu.memory_space<hbm>>
        tpu.wait_dma2 semaphore(%arg15 : memref<!tpu.dma_semaphore, #tpu.memory_space<semaphore_mem>>) src(%dma_wait3A_528 : memref<2x48xi32, #tpu.memory_space<hbm>>) dst(%dma_wait3A_524 : memref<2x48xi32, #tpu.memory_space<vmem>>)
        %dma_start3A_529 = arith.constant 12 : i32
        %dma_start3A_530 = arith.constant 6 : i32
        %dma_start3A_531 = arith.constant 0 : i32
        %dma_start3A_532 = arith.constant 0 : i32
        %dma_start3A_533 = tpu.memref_slice %arg7[%dma_start3A_530, %dma_start3A_531, %dma_start3A_532] : memref<7x48x128xf32, #tpu.memory_space<vmem>> -> memref<1x48x128xf32, #tpu.memory_space<vmem>>
        %dma_start3A_534 = tpu.memref_squeeze %dma_start3A_533 : memref<1x48x128xf32, #tpu.memory_space<vmem>> -> memref<48x128xf32, #tpu.memory_space<vmem>>
        %dma_start3A_535 = arith.constant 0 : i32
        %dma_start3A_536 = tpu.memref_slice %arg6[%dma_start3A_529, %dma_start3A_535] : memref<14x48xi32, #tpu.memory_space<vmem>> -> memref<1x48xi32, #tpu.memory_space<vmem>>
        %dma_start3A_537 = tpu.memref_squeeze %dma_start3A_536 : memref<1x48xi32, #tpu.memory_space<vmem>> -> memref<48xi32, #tpu.memory_space<vmem>>
        %dma_start3A_538 = arith.constant 0 : i32
        %dma_start3A_539 = arith.constant 0 : i32
        %dma_start3A_540 = tpu.memref_slice %arg2[%dma_start3A_538, %dma_start3A_539] : memref<10240x128xf32, #tpu.memory_space<hbm>> -> memref<10240x128xf32, #tpu.memory_space<hbm>>
        tpu.enqueue_indirect_dma source(%dma_start3A_540 : memref<10240x128xf32, #tpu.memory_space<hbm>>) target(%dma_start3A_534 : memref<48x128xf32, #tpu.memory_space<vmem>>) offsets(%dma_start3A_537 : memref<48xi32, #tpu.memory_space<vmem>>) semaphore(%arg22 : memref<!tpu.dma_semaphore, #tpu.memory_space<semaphore_mem>>)
      } else {
      }
      %dma_wait3A_348 = arith.constant 6 : i32
      %dma_wait3A_349 = arith.constant 3 : i32
      %dma_wait3A_350 = arith.constant 0 : i32
      %dma_wait3A_351 = arith.constant 0 : i32
      %dma_wait3A_352 = tpu.memref_slice %arg7[%dma_wait3A_349, %dma_wait3A_350, %dma_wait3A_351] : memref<7x48x128xf32, #tpu.memory_space<vmem>> -> memref<1x48x128xf32, #tpu.memory_space<vmem>>
      %dma_wait3A_353 = tpu.memref_squeeze %dma_wait3A_352 : memref<1x48x128xf32, #tpu.memory_space<vmem>> -> memref<48x128xf32, #tpu.memory_space<vmem>>
      %dma_wait3A_354 = arith.constant 0 : i32
      %dma_wait3A_355 = tpu.memref_slice %arg6[%dma_wait3A_348, %dma_wait3A_354] : memref<14x48xi32, #tpu.memory_space<vmem>> -> memref<1x48xi32, #tpu.memory_space<vmem>>
      %dma_wait3A_356 = tpu.memref_squeeze %dma_wait3A_355 : memref<1x48xi32, #tpu.memory_space<vmem>> -> memref<48xi32, #tpu.memory_space<vmem>>
      %dma_wait3A_357 = arith.constant 0 : i32
      %dma_wait3A_358 = arith.constant 0 : i32
      %dma_wait3A_359 = tpu.memref_slice %arg2[%dma_wait3A_357, %dma_wait3A_358] : memref<10240x128xf32, #tpu.memory_space<hbm>> -> memref<10240x128xf32, #tpu.memory_space<hbm>>
      tpu.wait_indirect_dma semaphore(%arg19 : memref<!tpu.dma_semaphore, #tpu.memory_space<semaphore_mem>>) src(%dma_wait3A_359 : memref<10240x128xf32, #tpu.memory_space<hbm>>) dst(%dma_wait3A_353 : memref<48x128xf32, #tpu.memory_space<vmem>>)
      %dma_start3A_360 = arith.constant 3 : i32
      %dma_start3A_361 = arith.constant 7 : i32
      %dma_start3A_362 = arith.constant 0 : i32
      %dma_start3A_363 = arith.constant 0 : i32
      %dma_start3A_364 = tpu.memref_slice %arg7[%dma_start3A_360, %dma_start3A_362, %dma_start3A_363] : memref<7x48x128xf32, #tpu.memory_space<vmem>> -> memref<1x48x128xf32, #tpu.memory_space<vmem>>
      %dma_start3A_365 = tpu.memref_squeeze %dma_start3A_364 : memref<1x48x128xf32, #tpu.memory_space<vmem>> -> memref<48x128xf32, #tpu.memory_space<vmem>>
      %dma_start3A_366 = arith.constant 0 : i32
      %dma_start3A_367 = tpu.memref_slice %arg6[%dma_start3A_361, %dma_start3A_366] : memref<14x48xi32, #tpu.memory_space<vmem>> -> memref<1x48xi32, #tpu.memory_space<vmem>>
      %dma_start3A_368 = tpu.memref_squeeze %dma_start3A_367 : memref<1x48xi32, #tpu.memory_space<vmem>> -> memref<48xi32, #tpu.memory_space<vmem>>
      %dma_start3A_369 = arith.constant 0 : i32
      %dma_start3A_370 = arith.constant 0 : i32
      %dma_start3A_371 = tpu.memref_slice %arg8[%dma_start3A_369, %dma_start3A_370] : memref<10240x128xf32, #tpu.memory_space<vmem_shared>> -> memref<10240x128xf32, #tpu.memory_space<vmem_shared>>
      tpu.enqueue_indirect_dma source(%dma_start3A_365 : memref<48x128xf32, #tpu.memory_space<vmem>>) target(%dma_start3A_371 : memref<10240x128xf32, #tpu.memory_space<vmem_shared>>) offsets(%dma_start3A_368 : memref<48xi32, #tpu.memory_space<vmem>>) semaphore(%arg26 : memref<!tpu.dma_semaphore, #tpu.memory_space<semaphore_mem>>) {add = true}
      %add3A_372 = arith.constant 4 : i32
      %add3A_373 = arith.addi %add3A_187, %add3A_372 : i32
      %ge3A_374 = arith.constant 3 : i32
      %ge3A_375 = arith.cmpi sge, %add3A_373, %ge3A_374 : i32
      %convert_element_type3A_376 = arith.extui %ge3A_375 : i1 to i32
      %cond3A_377 = arith.constant 0 : i32
      %cond3A_378 = arith.cmpi ne, %convert_element_type3A_376, %cond3A_377 : i32
      scf.if %cond3A_378 {
        %dma_wait3A_513 = arith.constant 1 : i32
        %dma_wait3A_514 = arith.constant 3 : i32
        %dma_wait3A_515 = arith.constant 0 : i32
        %dma_wait3A_516 = arith.constant 0 : i32
        %dma_wait3A_517 = tpu.memref_slice %arg7[%dma_wait3A_513, %dma_wait3A_515, %dma_wait3A_516] : memref<7x48x128xf32, #tpu.memory_space<vmem>> -> memref<1x48x128xf32, #tpu.memory_space<vmem>>
        %dma_wait3A_518 = tpu.memref_squeeze %dma_wait3A_517 : memref<1x48x128xf32, #tpu.memory_space<vmem>> -> memref<48x128xf32, #tpu.memory_space<vmem>>
        %dma_wait3A_519 = arith.constant 0 : i32
        %dma_wait3A_520 = tpu.memref_slice %arg6[%dma_wait3A_514, %dma_wait3A_519] : memref<14x48xi32, #tpu.memory_space<vmem>> -> memref<1x48xi32, #tpu.memory_space<vmem>>
        %dma_wait3A_521 = tpu.memref_squeeze %dma_wait3A_520 : memref<1x48xi32, #tpu.memory_space<vmem>> -> memref<48xi32, #tpu.memory_space<vmem>>
        %dma_wait3A_522 = arith.constant 0 : i32
        %dma_wait3A_523 = arith.constant 0 : i32
        %dma_wait3A_524 = tpu.memref_slice %arg8[%dma_wait3A_522, %dma_wait3A_523] : memref<10240x128xf32, #tpu.memory_space<vmem_shared>> -> memref<10240x128xf32, #tpu.memory_space<vmem_shared>>
        tpu.wait_indirect_dma semaphore(%arg24 : memref<!tpu.dma_semaphore, #tpu.memory_space<semaphore_mem>>) src(%dma_wait3A_518 : memref<48x128xf32, #tpu.memory_space<vmem>>) dst(%dma_wait3A_524 : memref<10240x128xf32, #tpu.memory_space<vmem_shared>>)
      } else {
      }
      %add3A_379 = arith.constant 3 : i32
      %add3A_380 = arith.addi %add3A_373, %add3A_379 : i32
      %add3A_381 = arith.constant 1 : i32
      %add3A_382 = arith.addi %add3A_380, %add3A_381 : i32
      %lt3A_383 = arith.constant 210 : i32
      %lt3A_384 = arith.cmpi slt, %add3A_382, %lt3A_383 : i32
      %convert_element_type3A_385 = arith.extui %lt3A_384 : i1 to i32
      %cond3A_386 = arith.constant 0 : i32
      %cond3A_387 = arith.cmpi ne, %convert_element_type3A_385, %cond3A_386 : i32
      scf.if %cond3A_387 {
        %add3A_513 = arith.constant 3 : i32
        %add3A_514 = arith.addi %add3A_373, %add3A_513 : i32
        %add3A_515 = arith.constant 1 : i32
        %add3A_516 = arith.addi %add3A_514, %add3A_515 : i32
        %dma_start3A_517 = arith.constant 2 : i32
        %dma_start3A_518 = arith.constant 0 : i32
        %dma_start3A_519 = tpu.memref_slice %arg6[%dma_start3A_517, %dma_start3A_518] : memref<14x48xi32, #tpu.memory_space<vmem>> -> memref<2x48xi32, #tpu.memory_space<vmem>>
        %dma_start3A_520 = arith.constant 0 : i32
        %dma_start3A_521 = arith.constant 0 : i32
        %dma_start3A_522 = tpu.memref_slice %arg3[%add3A, %add3A_516, %dma_start3A_520, %dma_start3A_521] : memref<32x210x2x48xi32, #tpu.memory_space<hbm>> -> memref<1x1x2x48xi32, #tpu.memory_space<hbm>>
        %dma_start3A_523 = tpu.memref_squeeze %dma_start3A_522 : memref<1x1x2x48xi32, #tpu.memory_space<hbm>> -> memref<2x48xi32, #tpu.memory_space<hbm>>
        %dma_start3A_524 = arith.constant 2 : i32
        %dma_start3A_525 = arith.constant 0 : i32
        %dma_start3A_526 = tpu.memref_slice %arg6[%dma_start3A_524, %dma_start3A_525] : memref<14x48xi32, #tpu.memory_space<vmem>> -> memref<2x48xi32, #tpu.memory_space<vmem>>
        %dma_start3A_527 = arith.constant 0 : i32
        %dma_start3A_528 = arith.constant 0 : i32
        %dma_start3A_529 = tpu.memref_slice %arg3[%add3A, %add3A_516, %dma_start3A_527, %dma_start3A_528] : memref<32x210x2x48xi32, #tpu.memory_space<hbm>> -> memref<1x1x2x48xi32, #tpu.memory_space<hbm>>
        %dma_start3A_530 = tpu.memref_squeeze %dma_start3A_529 : memref<1x1x2x48xi32, #tpu.memory_space<hbm>> -> memref<2x48xi32, #tpu.memory_space<hbm>>
        tpu.enqueue_dma source(%dma_start3A_530 : memref<2x48xi32, #tpu.memory_space<hbm>>) target(%dma_start3A_526 : memref<2x48xi32, #tpu.memory_space<vmem>>) target_semaphore(%arg10 : memref<!tpu.dma_semaphore, #tpu.memory_space<semaphore_mem>>)
      } else {
      }
      %add3A_388 = arith.constant 3 : i32
      %add3A_389 = arith.addi %add3A_373, %add3A_388 : i32
      %lt3A_390 = arith.constant 210 : i32
      %lt3A_391 = arith.cmpi slt, %add3A_389, %lt3A_390 : i32
      %convert_element_type3A_392 = arith.extui %lt3A_391 : i1 to i32
      %cond3A_393 = arith.constant 0 : i32
      %cond3A_394 = arith.cmpi ne, %convert_element_type3A_392, %cond3A_393 : i32
      scf.if %cond3A_394 {
        %add3A_513 = arith.constant 3 : i32
        %add3A_514 = arith.addi %add3A_373, %add3A_513 : i32
        %dma_wait3A_515 = arith.constant 0 : i32
        %dma_wait3A_516 = arith.constant 0 : i32
        %dma_wait3A_517 = tpu.memref_slice %arg6[%dma_wait3A_515, %dma_wait3A_516] : memref<14x48xi32, #tpu.memory_space<vmem>> -> memref<2x48xi32, #tpu.memory_space<vmem>>
        %dma_wait3A_518 = arith.constant 0 : i32
        %dma_wait3A_519 = arith.constant 0 : i32
        %dma_wait3A_520 = tpu.memref_slice %arg3[%add3A, %add3A_514, %dma_wait3A_518, %dma_wait3A_519] : memref<32x210x2x48xi32, #tpu.memory_space<hbm>> -> memref<1x1x2x48xi32, #tpu.memory_space<hbm>>
        %dma_wait3A_521 = tpu.memref_squeeze %dma_wait3A_520 : memref<1x1x2x48xi32, #tpu.memory_space<hbm>> -> memref<2x48xi32, #tpu.memory_space<hbm>>
        %dma_wait3A_522 = arith.constant 0 : i32
        %dma_wait3A_523 = arith.constant 0 : i32
        %dma_wait3A_524 = tpu.memref_slice %arg6[%dma_wait3A_522, %dma_wait3A_523] : memref<14x48xi32, #tpu.memory_space<vmem>> -> memref<2x48xi32, #tpu.memory_space<vmem>>
        %dma_wait3A_525 = arith.constant 0 : i32
        %dma_wait3A_526 = arith.constant 0 : i32
        %dma_wait3A_527 = tpu.memref_slice %arg3[%add3A, %add3A_514, %dma_wait3A_525, %dma_wait3A_526] : memref<32x210x2x48xi32, #tpu.memory_space<hbm>> -> memref<1x1x2x48xi32, #tpu.memory_space<hbm>>
        %dma_wait3A_528 = tpu.memref_squeeze %dma_wait3A_527 : memref<1x1x2x48xi32, #tpu.memory_space<hbm>> -> memref<2x48xi32, #tpu.memory_space<hbm>>
        tpu.wait_dma2 semaphore(%arg9 : memref<!tpu.dma_semaphore, #tpu.memory_space<semaphore_mem>>) src(%dma_wait3A_528 : memref<2x48xi32, #tpu.memory_space<hbm>>) dst(%dma_wait3A_524 : memref<2x48xi32, #tpu.memory_space<vmem>>)
        %dma_start3A_529 = arith.constant 0 : i32
        %dma_start3A_530 = arith.constant 0 : i32
        %dma_start3A_531 = arith.constant 0 : i32
        %dma_start3A_532 = arith.constant 0 : i32
        %dma_start3A_533 = tpu.memref_slice %arg7[%dma_start3A_530, %dma_start3A_531, %dma_start3A_532] : memref<7x48x128xf32, #tpu.memory_space<vmem>> -> memref<1x48x128xf32, #tpu.memory_space<vmem>>
        %dma_start3A_534 = tpu.memref_squeeze %dma_start3A_533 : memref<1x48x128xf32, #tpu.memory_space<vmem>> -> memref<48x128xf32, #tpu.memory_space<vmem>>
        %dma_start3A_535 = arith.constant 0 : i32
        %dma_start3A_536 = tpu.memref_slice %arg6[%dma_start3A_529, %dma_start3A_535] : memref<14x48xi32, #tpu.memory_space<vmem>> -> memref<1x48xi32, #tpu.memory_space<vmem>>
        %dma_start3A_537 = tpu.memref_squeeze %dma_start3A_536 : memref<1x48xi32, #tpu.memory_space<vmem>> -> memref<48xi32, #tpu.memory_space<vmem>>
        %dma_start3A_538 = arith.constant 0 : i32
        %dma_start3A_539 = arith.constant 0 : i32
        %dma_start3A_540 = tpu.memref_slice %arg2[%dma_start3A_538, %dma_start3A_539] : memref<10240x128xf32, #tpu.memory_space<hbm>> -> memref<10240x128xf32, #tpu.memory_space<hbm>>
        tpu.enqueue_indirect_dma source(%dma_start3A_540 : memref<10240x128xf32, #tpu.memory_space<hbm>>) target(%dma_start3A_534 : memref<48x128xf32, #tpu.memory_space<vmem>>) offsets(%dma_start3A_537 : memref<48xi32, #tpu.memory_space<vmem>>) semaphore(%arg16 : memref<!tpu.dma_semaphore, #tpu.memory_space<semaphore_mem>>)
      } else {
      }
      %dma_wait3A_395 = arith.constant 8 : i32
      %dma_wait3A_396 = arith.constant 4 : i32
      %dma_wait3A_397 = arith.constant 0 : i32
      %dma_wait3A_398 = arith.constant 0 : i32
      %dma_wait3A_399 = tpu.memref_slice %arg7[%dma_wait3A_396, %dma_wait3A_397, %dma_wait3A_398] : memref<7x48x128xf32, #tpu.memory_space<vmem>> -> memref<1x48x128xf32, #tpu.memory_space<vmem>>
      %dma_wait3A_400 = tpu.memref_squeeze %dma_wait3A_399 : memref<1x48x128xf32, #tpu.memory_space<vmem>> -> memref<48x128xf32, #tpu.memory_space<vmem>>
      %dma_wait3A_401 = arith.constant 0 : i32
      %dma_wait3A_402 = tpu.memref_slice %arg6[%dma_wait3A_395, %dma_wait3A_401] : memref<14x48xi32, #tpu.memory_space<vmem>> -> memref<1x48xi32, #tpu.memory_space<vmem>>
      %dma_wait3A_403 = tpu.memref_squeeze %dma_wait3A_402 : memref<1x48xi32, #tpu.memory_space<vmem>> -> memref<48xi32, #tpu.memory_space<vmem>>
      %dma_wait3A_404 = arith.constant 0 : i32
      %dma_wait3A_405 = arith.constant 0 : i32
      %dma_wait3A_406 = tpu.memref_slice %arg2[%dma_wait3A_404, %dma_wait3A_405] : memref<10240x128xf32, #tpu.memory_space<hbm>> -> memref<10240x128xf32, #tpu.memory_space<hbm>>
      tpu.wait_indirect_dma semaphore(%arg20 : memref<!tpu.dma_semaphore, #tpu.memory_space<semaphore_mem>>) src(%dma_wait3A_406 : memref<10240x128xf32, #tpu.memory_space<hbm>>) dst(%dma_wait3A_400 : memref<48x128xf32, #tpu.memory_space<vmem>>)
      %dma_start3A_407 = arith.constant 4 : i32
      %dma_start3A_408 = arith.constant 9 : i32
      %dma_start3A_409 = arith.constant 0 : i32
      %dma_start3A_410 = arith.constant 0 : i32
      %dma_start3A_411 = tpu.memref_slice %arg7[%dma_start3A_407, %dma_start3A_409, %dma_start3A_410] : memref<7x48x128xf32, #tpu.memory_space<vmem>> -> memref<1x48x128xf32, #tpu.memory_space<vmem>>
      %dma_start3A_412 = tpu.memref_squeeze %dma_start3A_411 : memref<1x48x128xf32, #tpu.memory_space<vmem>> -> memref<48x128xf32, #tpu.memory_space<vmem>>
      %dma_start3A_413 = arith.constant 0 : i32
      %dma_start3A_414 = tpu.memref_slice %arg6[%dma_start3A_408, %dma_start3A_413] : memref<14x48xi32, #tpu.memory_space<vmem>> -> memref<1x48xi32, #tpu.memory_space<vmem>>
      %dma_start3A_415 = tpu.memref_squeeze %dma_start3A_414 : memref<1x48xi32, #tpu.memory_space<vmem>> -> memref<48xi32, #tpu.memory_space<vmem>>
      %dma_start3A_416 = arith.constant 0 : i32
      %dma_start3A_417 = arith.constant 0 : i32
      %dma_start3A_418 = tpu.memref_slice %arg8[%dma_start3A_416, %dma_start3A_417] : memref<10240x128xf32, #tpu.memory_space<vmem_shared>> -> memref<10240x128xf32, #tpu.memory_space<vmem_shared>>
      tpu.enqueue_indirect_dma source(%dma_start3A_412 : memref<48x128xf32, #tpu.memory_space<vmem>>) target(%dma_start3A_418 : memref<10240x128xf32, #tpu.memory_space<vmem_shared>>) offsets(%dma_start3A_415 : memref<48xi32, #tpu.memory_space<vmem>>) semaphore(%arg27 : memref<!tpu.dma_semaphore, #tpu.memory_space<semaphore_mem>>) {add = true}
      %add3A_419 = arith.constant 5 : i32
      %add3A_420 = arith.addi %add3A_187, %add3A_419 : i32
      %ge3A_421 = arith.constant 3 : i32
      %ge3A_422 = arith.cmpi sge, %add3A_420, %ge3A_421 : i32
      %convert_element_type3A_423 = arith.extui %ge3A_422 : i1 to i32
      %cond3A_424 = arith.constant 0 : i32
      %cond3A_425 = arith.cmpi ne, %convert_element_type3A_423, %cond3A_424 : i32
      scf.if %cond3A_425 {
        %dma_wait3A_513 = arith.constant 2 : i32
        %dma_wait3A_514 = arith.constant 5 : i32
        %dma_wait3A_515 = arith.constant 0 : i32
        %dma_wait3A_516 = arith.constant 0 : i32
        %dma_wait3A_517 = tpu.memref_slice %arg7[%dma_wait3A_513, %dma_wait3A_515, %dma_wait3A_516] : memref<7x48x128xf32, #tpu.memory_space<vmem>> -> memref<1x48x128xf32, #tpu.memory_space<vmem>>
        %dma_wait3A_518 = tpu.memref_squeeze %dma_wait3A_517 : memref<1x48x128xf32, #tpu.memory_space<vmem>> -> memref<48x128xf32, #tpu.memory_space<vmem>>
        %dma_wait3A_519 = arith.constant 0 : i32
        %dma_wait3A_520 = tpu.memref_slice %arg6[%dma_wait3A_514, %dma_wait3A_519] : memref<14x48xi32, #tpu.memory_space<vmem>> -> memref<1x48xi32, #tpu.memory_space<vmem>>
        %dma_wait3A_521 = tpu.memref_squeeze %dma_wait3A_520 : memref<1x48xi32, #tpu.memory_space<vmem>> -> memref<48xi32, #tpu.memory_space<vmem>>
        %dma_wait3A_522 = arith.constant 0 : i32
        %dma_wait3A_523 = arith.constant 0 : i32
        %dma_wait3A_524 = tpu.memref_slice %arg8[%dma_wait3A_522, %dma_wait3A_523] : memref<10240x128xf32, #tpu.memory_space<vmem_shared>> -> memref<10240x128xf32, #tpu.memory_space<vmem_shared>>
        tpu.wait_indirect_dma semaphore(%arg25 : memref<!tpu.dma_semaphore, #tpu.memory_space<semaphore_mem>>) src(%dma_wait3A_518 : memref<48x128xf32, #tpu.memory_space<vmem>>) dst(%dma_wait3A_524 : memref<10240x128xf32, #tpu.memory_space<vmem_shared>>)
      } else {
      }
      %add3A_426 = arith.constant 3 : i32
      %add3A_427 = arith.addi %add3A_420, %add3A_426 : i32
      %add3A_428 = arith.constant 1 : i32
      %add3A_429 = arith.addi %add3A_427, %add3A_428 : i32
      %lt3A_430 = arith.constant 210 : i32
      %lt3A_431 = arith.cmpi slt, %add3A_429, %lt3A_430 : i32
      %convert_element_type3A_432 = arith.extui %lt3A_431 : i1 to i32
      %cond3A_433 = arith.constant 0 : i32
      %cond3A_434 = arith.cmpi ne, %convert_element_type3A_432, %cond3A_433 : i32
      scf.if %cond3A_434 {
        %add3A_513 = arith.constant 3 : i32
        %add3A_514 = arith.addi %add3A_420, %add3A_513 : i32
        %add3A_515 = arith.constant 1 : i32
        %add3A_516 = arith.addi %add3A_514, %add3A_515 : i32
        %dma_start3A_517 = arith.constant 4 : i32
        %dma_start3A_518 = arith.constant 0 : i32
        %dma_start3A_519 = tpu.memref_slice %arg6[%dma_start3A_517, %dma_start3A_518] : memref<14x48xi32, #tpu.memory_space<vmem>> -> memref<2x48xi32, #tpu.memory_space<vmem>>
        %dma_start3A_520 = arith.constant 0 : i32
        %dma_start3A_521 = arith.constant 0 : i32
        %dma_start3A_522 = tpu.memref_slice %arg3[%add3A, %add3A_516, %dma_start3A_520, %dma_start3A_521] : memref<32x210x2x48xi32, #tpu.memory_space<hbm>> -> memref<1x1x2x48xi32, #tpu.memory_space<hbm>>
        %dma_start3A_523 = tpu.memref_squeeze %dma_start3A_522 : memref<1x1x2x48xi32, #tpu.memory_space<hbm>> -> memref<2x48xi32, #tpu.memory_space<hbm>>
        %dma_start3A_524 = arith.constant 4 : i32
        %dma_start3A_525 = arith.constant 0 : i32
        %dma_start3A_526 = tpu.memref_slice %arg6[%dma_start3A_524, %dma_start3A_525] : memref<14x48xi32, #tpu.memory_space<vmem>> -> memref<2x48xi32, #tpu.memory_space<vmem>>
        %dma_start3A_527 = arith.constant 0 : i32
        %dma_start3A_528 = arith.constant 0 : i32
        %dma_start3A_529 = tpu.memref_slice %arg3[%add3A, %add3A_516, %dma_start3A_527, %dma_start3A_528] : memref<32x210x2x48xi32, #tpu.memory_space<hbm>> -> memref<1x1x2x48xi32, #tpu.memory_space<hbm>>
        %dma_start3A_530 = tpu.memref_squeeze %dma_start3A_529 : memref<1x1x2x48xi32, #tpu.memory_space<hbm>> -> memref<2x48xi32, #tpu.memory_space<hbm>>
        tpu.enqueue_dma source(%dma_start3A_530 : memref<2x48xi32, #tpu.memory_space<hbm>>) target(%dma_start3A_526 : memref<2x48xi32, #tpu.memory_space<vmem>>) target_semaphore(%arg11 : memref<!tpu.dma_semaphore, #tpu.memory_space<semaphore_mem>>)
      } else {
      }
      %add3A_435 = arith.constant 3 : i32
      %add3A_436 = arith.addi %add3A_420, %add3A_435 : i32
      %lt3A_437 = arith.constant 210 : i32
      %lt3A_438 = arith.cmpi slt, %add3A_436, %lt3A_437 : i32
      %convert_element_type3A_439 = arith.extui %lt3A_438 : i1 to i32
      %cond3A_440 = arith.constant 0 : i32
      %cond3A_441 = arith.cmpi ne, %convert_element_type3A_439, %cond3A_440 : i32
      scf.if %cond3A_441 {
        %add3A_513 = arith.constant 3 : i32
        %add3A_514 = arith.addi %add3A_420, %add3A_513 : i32
        %dma_wait3A_515 = arith.constant 2 : i32
        %dma_wait3A_516 = arith.constant 0 : i32
        %dma_wait3A_517 = tpu.memref_slice %arg6[%dma_wait3A_515, %dma_wait3A_516] : memref<14x48xi32, #tpu.memory_space<vmem>> -> memref<2x48xi32, #tpu.memory_space<vmem>>
        %dma_wait3A_518 = arith.constant 0 : i32
        %dma_wait3A_519 = arith.constant 0 : i32
        %dma_wait3A_520 = tpu.memref_slice %arg3[%add3A, %add3A_514, %dma_wait3A_518, %dma_wait3A_519] : memref<32x210x2x48xi32, #tpu.memory_space<hbm>> -> memref<1x1x2x48xi32, #tpu.memory_space<hbm>>
        %dma_wait3A_521 = tpu.memref_squeeze %dma_wait3A_520 : memref<1x1x2x48xi32, #tpu.memory_space<hbm>> -> memref<2x48xi32, #tpu.memory_space<hbm>>
        %dma_wait3A_522 = arith.constant 2 : i32
        %dma_wait3A_523 = arith.constant 0 : i32
        %dma_wait3A_524 = tpu.memref_slice %arg6[%dma_wait3A_522, %dma_wait3A_523] : memref<14x48xi32, #tpu.memory_space<vmem>> -> memref<2x48xi32, #tpu.memory_space<vmem>>
        %dma_wait3A_525 = arith.constant 0 : i32
        %dma_wait3A_526 = arith.constant 0 : i32
        %dma_wait3A_527 = tpu.memref_slice %arg3[%add3A, %add3A_514, %dma_wait3A_525, %dma_wait3A_526] : memref<32x210x2x48xi32, #tpu.memory_space<hbm>> -> memref<1x1x2x48xi32, #tpu.memory_space<hbm>>
        %dma_wait3A_528 = tpu.memref_squeeze %dma_wait3A_527 : memref<1x1x2x48xi32, #tpu.memory_space<hbm>> -> memref<2x48xi32, #tpu.memory_space<hbm>>
        tpu.wait_dma2 semaphore(%arg10 : memref<!tpu.dma_semaphore, #tpu.memory_space<semaphore_mem>>) src(%dma_wait3A_528 : memref<2x48xi32, #tpu.memory_space<hbm>>) dst(%dma_wait3A_524 : memref<2x48xi32, #tpu.memory_space<vmem>>)
        %dma_start3A_529 = arith.constant 2 : i32
        %dma_start3A_530 = arith.constant 1 : i32
        %dma_start3A_531 = arith.constant 0 : i32
        %dma_start3A_532 = arith.constant 0 : i32
        %dma_start3A_533 = tpu.memref_slice %arg7[%dma_start3A_530, %dma_start3A_531, %dma_start3A_532] : memref<7x48x128xf32, #tpu.memory_space<vmem>> -> memref<1x48x128xf32, #tpu.memory_space<vmem>>
        %dma_start3A_534 = tpu.memref_squeeze %dma_start3A_533 : memref<1x48x128xf32, #tpu.memory_space<vmem>> -> memref<48x128xf32, #tpu.memory_space<vmem>>
        %dma_start3A_535 = arith.constant 0 : i32
        %dma_start3A_536 = tpu.memref_slice %arg6[%dma_start3A_529, %dma_start3A_535] : memref<14x48xi32, #tpu.memory_space<vmem>> -> memref<1x48xi32, #tpu.memory_space<vmem>>
        %dma_start3A_537 = tpu.memref_squeeze %dma_start3A_536 : memref<1x48xi32, #tpu.memory_space<vmem>> -> memref<48xi32, #tpu.memory_space<vmem>>
        %dma_start3A_538 = arith.constant 0 : i32
        %dma_start3A_539 = arith.constant 0 : i32
        %dma_start3A_540 = tpu.memref_slice %arg2[%dma_start3A_538, %dma_start3A_539] : memref<10240x128xf32, #tpu.memory_space<hbm>> -> memref<10240x128xf32, #tpu.memory_space<hbm>>
        tpu.enqueue_indirect_dma source(%dma_start3A_540 : memref<10240x128xf32, #tpu.memory_space<hbm>>) target(%dma_start3A_534 : memref<48x128xf32, #tpu.memory_space<vmem>>) offsets(%dma_start3A_537 : memref<48xi32, #tpu.memory_space<vmem>>) semaphore(%arg17 : memref<!tpu.dma_semaphore, #tpu.memory_space<semaphore_mem>>)
      } else {
      }
      %dma_wait3A_442 = arith.constant 10 : i32
      %dma_wait3A_443 = arith.constant 5 : i32
      %dma_wait3A_444 = arith.constant 0 : i32
      %dma_wait3A_445 = arith.constant 0 : i32
      %dma_wait3A_446 = tpu.memref_slice %arg7[%dma_wait3A_443, %dma_wait3A_444, %dma_wait3A_445] : memref<7x48x128xf32, #tpu.memory_space<vmem>> -> memref<1x48x128xf32, #tpu.memory_space<vmem>>
      %dma_wait3A_447 = tpu.memref_squeeze %dma_wait3A_446 : memref<1x48x128xf32, #tpu.memory_space<vmem>> -> memref<48x128xf32, #tpu.memory_space<vmem>>
      %dma_wait3A_448 = arith.constant 0 : i32
      %dma_wait3A_449 = tpu.memref_slice %arg6[%dma_wait3A_442, %dma_wait3A_448] : memref<14x48xi32, #tpu.memory_space<vmem>> -> memref<1x48xi32, #tpu.memory_space<vmem>>
      %dma_wait3A_450 = tpu.memref_squeeze %dma_wait3A_449 : memref<1x48xi32, #tpu.memory_space<vmem>> -> memref<48xi32, #tpu.memory_space<vmem>>
      %dma_wait3A_451 = arith.constant 0 : i32
      %dma_wait3A_452 = arith.constant 0 : i32
      %dma_wait3A_453 = tpu.memref_slice %arg2[%dma_wait3A_451, %dma_wait3A_452] : memref<10240x128xf32, #tpu.memory_space<hbm>> -> memref<10240x128xf32, #tpu.memory_space<hbm>>
      tpu.wait_indirect_dma semaphore(%arg21 : memref<!tpu.dma_semaphore, #tpu.memory_space<semaphore_mem>>) src(%dma_wait3A_453 : memref<10240x128xf32, #tpu.memory_space<hbm>>) dst(%dma_wait3A_447 : memref<48x128xf32, #tpu.memory_space<vmem>>)
      %dma_start3A_454 = arith.constant 5 : i32
      %dma_start3A_455 = arith.constant 11 : i32
      %dma_start3A_456 = arith.constant 0 : i32
      %dma_start3A_457 = arith.constant 0 : i32
      %dma_start3A_458 = tpu.memref_slice %arg7[%dma_start3A_454, %dma_start3A_456, %dma_start3A_457] : memref<7x48x128xf32, #tpu.memory_space<vmem>> -> memref<1x48x128xf32, #tpu.memory_space<vmem>>
      %dma_start3A_459 = tpu.memref_squeeze %dma_start3A_458 : memref<1x48x128xf32, #tpu.memory_space<vmem>> -> memref<48x128xf32, #tpu.memory_space<vmem>>
      %dma_start3A_460 = arith.constant 0 : i32
      %dma_start3A_461 = tpu.memref_slice %arg6[%dma_start3A_455, %dma_start3A_460] : memref<14x48xi32, #tpu.memory_space<vmem>> -> memref<1x48xi32, #tpu.memory_space<vmem>>
      %dma_start3A_462 = tpu.memref_squeeze %dma_start3A_461 : memref<1x48xi32, #tpu.memory_space<vmem>> -> memref<48xi32, #tpu.memory_space<vmem>>
      %dma_start3A_463 = arith.constant 0 : i32
      %dma_start3A_464 = arith.constant 0 : i32
      %dma_start3A_465 = tpu.memref_slice %arg8[%dma_start3A_463, %dma_start3A_464] : memref<10240x128xf32, #tpu.memory_space<vmem_shared>> -> memref<10240x128xf32, #tpu.memory_space<vmem_shared>>
      tpu.enqueue_indirect_dma source(%dma_start3A_459 : memref<48x128xf32, #tpu.memory_space<vmem>>) target(%dma_start3A_465 : memref<10240x128xf32, #tpu.memory_space<vmem_shared>>) offsets(%dma_start3A_462 : memref<48xi32, #tpu.memory_space<vmem>>) semaphore(%arg28 : memref<!tpu.dma_semaphore, #tpu.memory_space<semaphore_mem>>) {add = true}
      %add3A_466 = arith.constant 6 : i32
      %add3A_467 = arith.addi %add3A_187, %add3A_466 : i32
      %ge3A_468 = arith.constant 3 : i32
      %ge3A_469 = arith.cmpi sge, %add3A_467, %ge3A_468 : i32
      %convert_element_type3A_470 = arith.extui %ge3A_469 : i1 to i32
      %cond3A_471 = arith.constant 0 : i32
      %cond3A_472 = arith.cmpi ne, %convert_element_type3A_470, %cond3A_471 : i32
      scf.if %cond3A_472 {
        %dma_wait3A_513 = arith.constant 3 : i32
        %dma_wait3A_514 = arith.constant 7 : i32
        %dma_wait3A_515 = arith.constant 0 : i32
        %dma_wait3A_516 = arith.constant 0 : i32
        %dma_wait3A_517 = tpu.memref_slice %arg7[%dma_wait3A_513, %dma_wait3A_515, %dma_wait3A_516] : memref<7x48x128xf32, #tpu.memory_space<vmem>> -> memref<1x48x128xf32, #tpu.memory_space<vmem>>
        %dma_wait3A_518 = tpu.memref_squeeze %dma_wait3A_517 : memref<1x48x128xf32, #tpu.memory_space<vmem>> -> memref<48x128xf32, #tpu.memory_space<vmem>>
        %dma_wait3A_519 = arith.constant 0 : i32
        %dma_wait3A_520 = tpu.memref_slice %arg6[%dma_wait3A_514, %dma_wait3A_519] : memref<14x48xi32, #tpu.memory_space<vmem>> -> memref<1x48xi32, #tpu.memory_space<vmem>>
        %dma_wait3A_521 = tpu.memref_squeeze %dma_wait3A_520 : memref<1x48xi32, #tpu.memory_space<vmem>> -> memref<48xi32, #tpu.memory_space<vmem>>
        %dma_wait3A_522 = arith.constant 0 : i32
        %dma_wait3A_523 = arith.constant 0 : i32
        %dma_wait3A_524 = tpu.memref_slice %arg8[%dma_wait3A_522, %dma_wait3A_523] : memref<10240x128xf32, #tpu.memory_space<vmem_shared>> -> memref<10240x128xf32, #tpu.memory_space<vmem_shared>>
        tpu.wait_indirect_dma semaphore(%arg26 : memref<!tpu.dma_semaphore, #tpu.memory_space<semaphore_mem>>) src(%dma_wait3A_518 : memref<48x128xf32, #tpu.memory_space<vmem>>) dst(%dma_wait3A_524 : memref<10240x128xf32, #tpu.memory_space<vmem_shared>>)
      } else {
      }
      %add3A_473 = arith.constant 3 : i32
      %add3A_474 = arith.addi %add3A_467, %add3A_473 : i32
      %add3A_475 = arith.constant 1 : i32
      %add3A_476 = arith.addi %add3A_474, %add3A_475 : i32
      %lt3A_477 = arith.constant 210 : i32
      %lt3A_478 = arith.cmpi slt, %add3A_476, %lt3A_477 : i32
      %convert_element_type3A_479 = arith.extui %lt3A_478 : i1 to i32
      %cond3A_480 = arith.constant 0 : i32
      %cond3A_481 = arith.cmpi ne, %convert_element_type3A_479, %cond3A_480 : i32
      scf.if %cond3A_481 {
        %add3A_513 = arith.constant 3 : i32
        %add3A_514 = arith.addi %add3A_467, %add3A_513 : i32
        %add3A_515 = arith.constant 1 : i32
        %add3A_516 = arith.addi %add3A_514, %add3A_515 : i32
        %dma_start3A_517 = arith.constant 6 : i32
        %dma_start3A_518 = arith.constant 0 : i32
        %dma_start3A_519 = tpu.memref_slice %arg6[%dma_start3A_517, %dma_start3A_518] : memref<14x48xi32, #tpu.memory_space<vmem>> -> memref<2x48xi32, #tpu.memory_space<vmem>>
        %dma_start3A_520 = arith.constant 0 : i32
        %dma_start3A_521 = arith.constant 0 : i32
        %dma_start3A_522 = tpu.memref_slice %arg3[%add3A, %add3A_516, %dma_start3A_520, %dma_start3A_521] : memref<32x210x2x48xi32, #tpu.memory_space<hbm>> -> memref<1x1x2x48xi32, #tpu.memory_space<hbm>>
        %dma_start3A_523 = tpu.memref_squeeze %dma_start3A_522 : memref<1x1x2x48xi32, #tpu.memory_space<hbm>> -> memref<2x48xi32, #tpu.memory_space<hbm>>
        %dma_start3A_524 = arith.constant 6 : i32
        %dma_start3A_525 = arith.constant 0 : i32
        %dma_start3A_526 = tpu.memref_slice %arg6[%dma_start3A_524, %dma_start3A_525] : memref<14x48xi32, #tpu.memory_space<vmem>> -> memref<2x48xi32, #tpu.memory_space<vmem>>
        %dma_start3A_527 = arith.constant 0 : i32
        %dma_start3A_528 = arith.constant 0 : i32
        %dma_start3A_529 = tpu.memref_slice %arg3[%add3A, %add3A_516, %dma_start3A_527, %dma_start3A_528] : memref<32x210x2x48xi32, #tpu.memory_space<hbm>> -> memref<1x1x2x48xi32, #tpu.memory_space<hbm>>
        %dma_start3A_530 = tpu.memref_squeeze %dma_start3A_529 : memref<1x1x2x48xi32, #tpu.memory_space<hbm>> -> memref<2x48xi32, #tpu.memory_space<hbm>>
        tpu.enqueue_dma source(%dma_start3A_530 : memref<2x48xi32, #tpu.memory_space<hbm>>) target(%dma_start3A_526 : memref<2x48xi32, #tpu.memory_space<vmem>>) target_semaphore(%arg12 : memref<!tpu.dma_semaphore, #tpu.memory_space<semaphore_mem>>)
      } else {
      }
      %add3A_482 = arith.constant 3 : i32
      %add3A_483 = arith.addi %add3A_467, %add3A_482 : i32
      %lt3A_484 = arith.constant 210 : i32
      %lt3A_485 = arith.cmpi slt, %add3A_483, %lt3A_484 : i32
      %convert_element_type3A_486 = arith.extui %lt3A_485 : i1 to i32
      %cond3A_487 = arith.constant 0 : i32
      %cond3A_488 = arith.cmpi ne, %convert_element_type3A_486, %cond3A_487 : i32
      scf.if %cond3A_488 {
        %add3A_513 = arith.constant 3 : i32
        %add3A_514 = arith.addi %add3A_467, %add3A_513 : i32
        %dma_wait3A_515 = arith.constant 4 : i32
        %dma_wait3A_516 = arith.constant 0 : i32
        %dma_wait3A_517 = tpu.memref_slice %arg6[%dma_wait3A_515, %dma_wait3A_516] : memref<14x48xi32, #tpu.memory_space<vmem>> -> memref<2x48xi32, #tpu.memory_space<vmem>>
        %dma_wait3A_518 = arith.constant 0 : i32
        %dma_wait3A_519 = arith.constant 0 : i32
        %dma_wait3A_520 = tpu.memref_slice %arg3[%add3A, %add3A_514, %dma_wait3A_518, %dma_wait3A_519] : memref<32x210x2x48xi32, #tpu.memory_space<hbm>> -> memref<1x1x2x48xi32, #tpu.memory_space<hbm>>
        %dma_wait3A_521 = tpu.memref_squeeze %dma_wait3A_520 : memref<1x1x2x48xi32, #tpu.memory_space<hbm>> -> memref<2x48xi32, #tpu.memory_space<hbm>>
        %dma_wait3A_522 = arith.constant 4 : i32
        %dma_wait3A_523 = arith.constant 0 : i32
        %dma_wait3A_524 = tpu.memref_slice %arg6[%dma_wait3A_522, %dma_wait3A_523] : memref<14x48xi32, #tpu.memory_space<vmem>> -> memref<2x48xi32, #tpu.memory_space<vmem>>
        %dma_wait3A_525 = arith.constant 0 : i32
        %dma_wait3A_526 = arith.constant 0 : i32
        %dma_wait3A_527 = tpu.memref_slice %arg3[%add3A, %add3A_514, %dma_wait3A_525, %dma_wait3A_526] : memref<32x210x2x48xi32, #tpu.memory_space<hbm>> -> memref<1x1x2x48xi32, #tpu.memory_space<hbm>>
        %dma_wait3A_528 = tpu.memref_squeeze %dma_wait3A_527 : memref<1x1x2x48xi32, #tpu.memory_space<hbm>> -> memref<2x48xi32, #tpu.memory_space<hbm>>
        tpu.wait_dma2 semaphore(%arg11 : memref<!tpu.dma_semaphore, #tpu.memory_space<semaphore_mem>>) src(%dma_wait3A_528 : memref<2x48xi32, #tpu.memory_space<hbm>>) dst(%dma_wait3A_524 : memref<2x48xi32, #tpu.memory_space<vmem>>)
        %dma_start3A_529 = arith.constant 4 : i32
        %dma_start3A_530 = arith.constant 2 : i32
        %dma_start3A_531 = arith.constant 0 : i32
        %dma_start3A_532 = arith.constant 0 : i32
        %dma_start3A_533 = tpu.memref_slice %arg7[%dma_start3A_530, %dma_start3A_531, %dma_start3A_532] : memref<7x48x128xf32, #tpu.memory_space<vmem>> -> memref<1x48x128xf32, #tpu.memory_space<vmem>>
        %dma_start3A_534 = tpu.memref_squeeze %dma_start3A_533 : memref<1x48x128xf32, #tpu.memory_space<vmem>> -> memref<48x128xf32, #tpu.memory_space<vmem>>
        %dma_start3A_535 = arith.constant 0 : i32
        %dma_start3A_536 = tpu.memref_slice %arg6[%dma_start3A_529, %dma_start3A_535] : memref<14x48xi32, #tpu.memory_space<vmem>> -> memref<1x48xi32, #tpu.memory_space<vmem>>
        %dma_start3A_537 = tpu.memref_squeeze %dma_start3A_536 : memref<1x48xi32, #tpu.memory_space<vmem>> -> memref<48xi32, #tpu.memory_space<vmem>>
        %dma_start3A_538 = arith.constant 0 : i32
        %dma_start3A_539 = arith.constant 0 : i32
        %dma_start3A_540 = tpu.memref_slice %arg2[%dma_start3A_538, %dma_start3A_539] : memref<10240x128xf32, #tpu.memory_space<hbm>> -> memref<10240x128xf32, #tpu.memory_space<hbm>>
        tpu.enqueue_indirect_dma source(%dma_start3A_540 : memref<10240x128xf32, #tpu.memory_space<hbm>>) target(%dma_start3A_534 : memref<48x128xf32, #tpu.memory_space<vmem>>) offsets(%dma_start3A_537 : memref<48xi32, #tpu.memory_space<vmem>>) semaphore(%arg18 : memref<!tpu.dma_semaphore, #tpu.memory_space<semaphore_mem>>)
      } else {
      }
      %dma_wait3A_489 = arith.constant 12 : i32
      %dma_wait3A_490 = arith.constant 6 : i32
      %dma_wait3A_491 = arith.constant 0 : i32
      %dma_wait3A_492 = arith.constant 0 : i32
      %dma_wait3A_493 = tpu.memref_slice %arg7[%dma_wait3A_490, %dma_wait3A_491, %dma_wait3A_492] : memref<7x48x128xf32, #tpu.memory_space<vmem>> -> memref<1x48x128xf32, #tpu.memory_space<vmem>>
      %dma_wait3A_494 = tpu.memref_squeeze %dma_wait3A_493 : memref<1x48x128xf32, #tpu.memory_space<vmem>> -> memref<48x128xf32, #tpu.memory_space<vmem>>
      %dma_wait3A_495 = arith.constant 0 : i32
      %dma_wait3A_496 = tpu.memref_slice %arg6[%dma_wait3A_489, %dma_wait3A_495] : memref<14x48xi32, #tpu.memory_space<vmem>> -> memref<1x48xi32, #tpu.memory_space<vmem>>
      %dma_wait3A_497 = tpu.memref_squeeze %dma_wait3A_496 : memref<1x48xi32, #tpu.memory_space<vmem>> -> memref<48xi32, #tpu.memory_space<vmem>>
      %dma_wait3A_498 = arith.constant 0 : i32
      %dma_wait3A_499 = arith.constant 0 : i32
      %dma_wait3A_500 = tpu.memref_slice %arg2[%dma_wait3A_498, %dma_wait3A_499] : memref<10240x128xf32, #tpu.memory_space<hbm>> -> memref<10240x128xf32, #tpu.memory_space<hbm>>
      tpu.wait_indirect_dma semaphore(%arg22 : memref<!tpu.dma_semaphore, #tpu.memory_space<semaphore_mem>>) src(%dma_wait3A_500 : memref<10240x128xf32, #tpu.memory_space<hbm>>) dst(%dma_wait3A_494 : memref<48x128xf32, #tpu.memory_space<vmem>>)
      %dma_start3A_501 = arith.constant 6 : i32
      %dma_start3A_502 = arith.constant 13 : i32
      %dma_start3A_503 = arith.constant 0 : i32
      %dma_start3A_504 = arith.constant 0 : i32
      %dma_start3A_505 = tpu.memref_slice %arg7[%dma_start3A_501, %dma_start3A_503, %dma_start3A_504] : memref<7x48x128xf32, #tpu.memory_space<vmem>> -> memref<1x48x128xf32, #tpu.memory_space<vmem>>
      %dma_start3A_506 = tpu.memref_squeeze %dma_start3A_505 : memref<1x48x128xf32, #tpu.memory_space<vmem>> -> memref<48x128xf32, #tpu.memory_space<vmem>>
      %dma_start3A_507 = arith.constant 0 : i32
      %dma_start3A_508 = tpu.memref_slice %arg6[%dma_start3A_502, %dma_start3A_507] : memref<14x48xi32, #tpu.memory_space<vmem>> -> memref<1x48xi32, #tpu.memory_space<vmem>>
      %dma_start3A_509 = tpu.memref_squeeze %dma_start3A_508 : memref<1x48xi32, #tpu.memory_space<vmem>> -> memref<48xi32, #tpu.memory_space<vmem>>
      %dma_start3A_510 = arith.constant 0 : i32
      %dma_start3A_511 = arith.constant 0 : i32
      %dma_start3A_512 = tpu.memref_slice %arg8[%dma_start3A_510, %dma_start3A_511] : memref<10240x128xf32, #tpu.memory_space<vmem_shared>> -> memref<10240x128xf32, #tpu.memory_space<vmem_shared>>
      tpu.enqueue_indirect_dma source(%dma_start3A_506 : memref<48x128xf32, #tpu.memory_space<vmem>>) target(%dma_start3A_512 : memref<10240x128xf32, #tpu.memory_space<vmem_shared>>) offsets(%dma_start3A_509 : memref<48xi32, #tpu.memory_space<vmem>>) semaphore(%arg29 : memref<!tpu.dma_semaphore, #tpu.memory_space<semaphore_mem>>) {add = true}
    }
    %scan3A_145 = arith.constant 30 : i32
    %dma_wait3A_146 = arith.constant 4 : i32
    %dma_wait3A_147 = arith.constant 9 : i32
    %dma_wait3A_148 = arith.constant 0 : i32
    %dma_wait3A_149 = arith.constant 0 : i32
    %dma_wait3A_150 = tpu.memref_slice %arg7[%dma_wait3A_146, %dma_wait3A_148, %dma_wait3A_149] : memref<7x48x128xf32, #tpu.memory_space<vmem>> -> memref<1x48x128xf32, #tpu.memory_space<vmem>>
    %dma_wait3A_151 = tpu.memref_squeeze %dma_wait3A_150 : memref<1x48x128xf32, #tpu.memory_space<vmem>> -> memref<48x128xf32, #tpu.memory_space<vmem>>
    %dma_wait3A_152 = arith.constant 0 : i32
    %dma_wait3A_153 = tpu.memref_slice %arg6[%dma_wait3A_147, %dma_wait3A_152] : memref<14x48xi32, #tpu.memory_space<vmem>> -> memref<1x48xi32, #tpu.memory_space<vmem>>
    %dma_wait3A_154 = tpu.memref_squeeze %dma_wait3A_153 : memref<1x48xi32, #tpu.memory_space<vmem>> -> memref<48xi32, #tpu.memory_space<vmem>>
    %dma_wait3A_155 = arith.constant 0 : i32
    %dma_wait3A_156 = arith.constant 0 : i32
    %dma_wait3A_157 = tpu.memref_slice %arg8[%dma_wait3A_155, %dma_wait3A_156] : memref<10240x128xf32, #tpu.memory_space<vmem_shared>> -> memref<10240x128xf32, #tpu.memory_space<vmem_shared>>
    tpu.wait_indirect_dma semaphore(%arg27 : memref<!tpu.dma_semaphore, #tpu.memory_space<semaphore_mem>>) src(%dma_wait3A_151 : memref<48x128xf32, #tpu.memory_space<vmem>>) dst(%dma_wait3A_157 : memref<10240x128xf32, #tpu.memory_space<vmem_shared>>)
    %dma_wait3A_158 = arith.constant 5 : i32
    %dma_wait3A_159 = arith.constant 11 : i32
    %dma_wait3A_160 = arith.constant 0 : i32
    %dma_wait3A_161 = arith.constant 0 : i32
    %dma_wait3A_162 = tpu.memref_slice %arg7[%dma_wait3A_158, %dma_wait3A_160, %dma_wait3A_161] : memref<7x48x128xf32, #tpu.memory_space<vmem>> -> memref<1x48x128xf32, #tpu.memory_space<vmem>>
    %dma_wait3A_163 = tpu.memref_squeeze %dma_wait3A_162 : memref<1x48x128xf32, #tpu.memory_space<vmem>> -> memref<48x128xf32, #tpu.memory_space<vmem>>
    %dma_wait3A_164 = arith.constant 0 : i32
    %dma_wait3A_165 = tpu.memref_slice %arg6[%dma_wait3A_159, %dma_wait3A_164] : memref<14x48xi32, #tpu.memory_space<vmem>> -> memref<1x48xi32, #tpu.memory_space<vmem>>
    %dma_wait3A_166 = tpu.memref_squeeze %dma_wait3A_165 : memref<1x48xi32, #tpu.memory_space<vmem>> -> memref<48xi32, #tpu.memory_space<vmem>>
    %dma_wait3A_167 = arith.constant 0 : i32
    %dma_wait3A_168 = arith.constant 0 : i32
    %dma_wait3A_169 = tpu.memref_slice %arg8[%dma_wait3A_167, %dma_wait3A_168] : memref<10240x128xf32, #tpu.memory_space<vmem_shared>> -> memref<10240x128xf32, #tpu.memory_space<vmem_shared>>
    tpu.wait_indirect_dma semaphore(%arg28 : memref<!tpu.dma_semaphore, #tpu.memory_space<semaphore_mem>>) src(%dma_wait3A_163 : memref<48x128xf32, #tpu.memory_space<vmem>>) dst(%dma_wait3A_169 : memref<10240x128xf32, #tpu.memory_space<vmem_shared>>)
    %dma_wait3A_170 = arith.constant 6 : i32
    %dma_wait3A_171 = arith.constant 13 : i32
    %dma_wait3A_172 = arith.constant 0 : i32
    %dma_wait3A_173 = arith.constant 0 : i32
    %dma_wait3A_174 = tpu.memref_slice %arg7[%dma_wait3A_170, %dma_wait3A_172, %dma_wait3A_173] : memref<7x48x128xf32, #tpu.memory_space<vmem>> -> memref<1x48x128xf32, #tpu.memory_space<vmem>>
    %dma_wait3A_175 = tpu.memref_squeeze %dma_wait3A_174 : memref<1x48x128xf32, #tpu.memory_space<vmem>> -> memref<48x128xf32, #tpu.memory_space<vmem>>
    %dma_wait3A_176 = arith.constant 0 : i32
    %dma_wait3A_177 = tpu.memref_slice %arg6[%dma_wait3A_171, %dma_wait3A_176] : memref<14x48xi32, #tpu.memory_space<vmem>> -> memref<1x48xi32, #tpu.memory_space<vmem>>
    %dma_wait3A_178 = tpu.memref_squeeze %dma_wait3A_177 : memref<1x48xi32, #tpu.memory_space<vmem>> -> memref<48xi32, #tpu.memory_space<vmem>>
    %dma_wait3A_179 = arith.constant 0 : i32
    %dma_wait3A_180 = arith.constant 0 : i32
    %dma_wait3A_181 = tpu.memref_slice %arg8[%dma_wait3A_179, %dma_wait3A_180] : memref<10240x128xf32, #tpu.memory_space<vmem_shared>> -> memref<10240x128xf32, #tpu.memory_space<vmem_shared>>
    tpu.wait_indirect_dma semaphore(%arg29 : memref<!tpu.dma_semaphore, #tpu.memory_space<semaphore_mem>>) src(%dma_wait3A_175 : memref<48x128xf32, #tpu.memory_space<vmem>>) dst(%dma_wait3A_181 : memref<10240x128xf32, #tpu.memory_space<vmem_shared>>)
    %barrier3A_182 = arith.constant 0 : index
    tpu.barrier barrier_id(%barrier3A_182)
    "tpu.region"() ({
      %run_scoped3A = tpu.sem_alloc : memref<!tpu.dma_semaphore, #tpu.memory_space<semaphore_mem>>
      %dma_start3A_183 = arith.constant 0 : i32
      %dma_start3A_184 = tpu.memref_slice %arg5[%arg0, %mul3A_2, %dma_start3A_183] : memref<2x10240x128xf32, #tpu.memory_space<hbm>> -> memref<1x640x128xf32, #tpu.memory_space<hbm>>
      %dma_start3A_185 = tpu.memref_squeeze %dma_start3A_184 : memref<1x640x128xf32, #tpu.memory_space<hbm>> -> memref<640x128xf32, #tpu.memory_space<hbm>>
      %dma_start3A_186 = arith.constant 0 : i32
      %dma_start3A_187 = tpu.memref_slice %arg8[%mul3A_2, %dma_start3A_186] : memref<10240x128xf32, #tpu.memory_space<vmem_shared>> -> memref<640x128xf32, #tpu.memory_space<vmem_shared>>
      tpu.enqueue_dma source(%dma_start3A_187 : memref<640x128xf32, #tpu.memory_space<vmem_shared>>) target(%dma_start3A_185 : memref<640x128xf32, #tpu.memory_space<hbm>>) target_semaphore(%run_scoped3A : memref<!tpu.dma_semaphore, #tpu.memory_space<semaphore_mem>>)
      %dma_wait3A_188 = arith.constant 0 : i32
      %dma_wait3A_189 = tpu.memref_slice %arg5[%arg0, %mul3A_2, %dma_wait3A_188] : memref<2x10240x128xf32, #tpu.memory_space<hbm>> -> memref<1x640x128xf32, #tpu.memory_space<hbm>>
      %dma_wait3A_190 = tpu.memref_squeeze %dma_wait3A_189 : memref<1x640x128xf32, #tpu.memory_space<hbm>> -> memref<640x128xf32, #tpu.memory_space<hbm>>
      %dma_wait3A_191 = arith.constant 0 : i32
      %dma_wait3A_192 = tpu.memref_slice %arg8[%mul3A_2, %dma_wait3A_191] : memref<10240x128xf32, #tpu.memory_space<vmem_shared>> -> memref<640x128xf32, #tpu.memory_space<vmem_shared>>
      tpu.wait_dma2 semaphore(%run_scoped3A : memref<!tpu.dma_semaphore, #tpu.memory_space<semaphore_mem>>) src(%dma_wait3A_192 : memref<640x128xf32, #tpu.memory_space<vmem_shared>>) dst(%dma_wait3A_190 : memref<640x128xf32, #tpu.memory_space<hbm>>)
      tpu.yield
    }) : () -> ()
    return
  }
}

module attributes {stable_mosaic.version = 14 : i64} {
  func.func @body(%arg0: i32, %arg1: memref<2048x128xf32, #tpu.memory_space<vmem>>, %arg2: memref<128x128xf32, #tpu.memory_space<vmem>>, %arg3: memref<2048x128xf32, #tpu.memory_space<vmem>>) attributes {dimension_semantics = [#tpu.dimension_semantics<arbitrary>], iteration_bounds = array<i64: 5>, scalar_prefetch = 0 : i64, scratch_operands = 0 : i64, tpu.core_type = #tpu.core_type<tc>, window_params = [{transform_indices = @transform_0, window_bounds = array<i64: 2048, 128>}, {pipeline_mode = #tpu.pipeline_mode<synchronous>, transform_indices = @transform_1, window_bounds = array<i64: 128, 128>}, {transform_indices = @transform_2, window_bounds = array<i64: 2048, 128>}]} {
    %get3A = arith.constant 0 : index
    %get3A_0 = arith.constant 0 : index
    %get3A_1 = vector.load %arg1[%get3A, %get3A_0] : memref<2048x128xf32, #tpu.memory_space<vmem>>, vector<2048x128xf32>
    %get3A_2 = arith.constant 0 : index
    %get3A_3 = arith.constant 0 : index
    %get3A_4 = vector.load %arg2[%get3A_2, %get3A_3] : memref<128x128xf32, #tpu.memory_space<vmem>>, vector<128x128xf32>
    %dot_general3A = arith.constant dense<0.000000e+00> : vector<2048x128xf32>
    %dot_general3A_5 = tpu.matmul %get3A_1, %get3A_4, %dot_general3A {dimension_numbers = #tpu.dot_dimension_numbers<[1], [0], [0], [1], [0, 0, 1, 1], [], []>, transpose_lhs_hint = false} : vector<2048x128xf32>, vector<128x128xf32>, vector<2048x128xf32> -> vector<2048x128xf32>
    %swap3A = arith.constant 0 : index
    %swap3A_6 = arith.constant 0 : index
    %swap3A_7 = vector.load %arg3[%swap3A, %swap3A_6] : memref<2048x128xf32, #tpu.memory_space<vmem>>, vector<2048x128xf32>
    tpu.vector_store %arg3[%swap3A, %swap3A_6], %dot_general3A_5 {strides = array<i32>} : memref<2048x128xf32, #tpu.memory_space<vmem>>, vector<2048x128xf32>,
    return
  }
  func.func @transform_0(%arg0: i32) -> (i32, i32) {
    %c0_i32 = arith.constant 0 : i32
    %c0_i32_0 = arith.constant 0 : i32
    return %arg0, %c0_i32 : i32, i32
  }
  func.func @transform_1(%arg0: i32) -> (i32, i32) {
    %c0_i32 = arith.constant 0 : i32
    %c0_i32_0 = arith.constant 0 : i32
    %c0_i32_1 = arith.constant 0 : i32
    return %c0_i32, %c0_i32_0 : i32, i32
  }
  func.func @transform_2(%arg0: i32) -> (i32, i32) {
    %c0_i32 = arith.constant 0 : i32
    %c0_i32_0 = arith.constant 0 : i32
    return %arg0, %c0_i32 : i32, i32
  }
}

module attributes {stable_mosaic.version = 14 : i64} {
  func.func @body(%arg0: i32, %arg1: memref<2048x128xf32, #tpu.memory_space<vmem>>, %arg2: memref<2x2048x128xf32, #tpu.memory_space<vmem>>, %arg3: memref<2048x128xf32, #tpu.memory_space<vmem>>, %arg4: memref<2048x1xf32, #tpu.memory_space<vmem>>) attributes {dimension_semantics = [#tpu.dimension_semantics<arbitrary>], iteration_bounds = array<i64: 5>, scalar_prefetch = 0 : i64, scratch_operands = 0 : i64, tpu.core_type = #tpu.core_type<tc>, window_params = [{transform_indices = @transform_0, window_bounds = array<i64: 2048, 128>}, {transform_indices = @transform_1, window_bounds = array<i64: 2, 2048, 128>}, {transform_indices = @transform_2, window_bounds = array<i64: 2048, 128>}, {transform_indices = @transform_3, window_bounds = array<i64: 2048, 1>}]} {
    %get3A = arith.constant 0 : index
    %get3A_0 = arith.constant 0 : index
    %get3A_1 = arith.constant 0 : index
    %get3A_2 = vector.load %arg2[%get3A, %get3A_0, %get3A_1] : memref<2x2048x128xf32, #tpu.memory_space<vmem>>, vector<1x2048x1xf32>
    %get3A_3 = vector.shape_cast %get3A_2 : vector<1x2048x1xf32> to vector<2048x1xf32>
    %add3A = arith.constant 1.000000e+00 : f32
    %add3A_4 = vector.broadcast %add3A : f32 to vector<2048x1xf32>
    %add3A_5 = arith.addf %add3A_4, %get3A_3 : vector<2048x1xf32>
    %get3A_6 = arith.constant 1 : index
    %get3A_7 = arith.constant 0 : index
    %get3A_8 = arith.constant 0 : index
    %get3A_9 = vector.load %arg2[%get3A_6, %get3A_7, %get3A_8] : memref<2x2048x128xf32, #tpu.memory_space<vmem>>, vector<1x2048x1xf32>
    %get3A_10 = vector.shape_cast %get3A_9 : vector<1x2048x1xf32> to vector<2048x1xf32>
    %add3A_11 = arith.addf %add3A_5, %get3A_10 : vector<2048x1xf32>
    %rsqrt3A = math.rsqrt %add3A_11 : vector<2048x1xf32>
    %swap3A = arith.constant 0 : index
    %swap3A_12 = arith.constant 0 : index
    %swap3A_13 = vector.load %arg4[%swap3A, %swap3A_12] : memref<2048x1xf32, #tpu.memory_space<vmem>>, vector<2048x1xf32>
    tpu.vector_store %arg4[%swap3A, %swap3A_12], %rsqrt3A {strides = array<i32>} : memref<2048x1xf32, #tpu.memory_space<vmem>>, vector<2048x1xf32>,
    %get3A_14 = arith.constant 0 : index
    %get3A_15 = arith.constant 0 : index
    %get3A_16 = vector.load %arg1[%get3A_14, %get3A_15] : memref<2048x128xf32, #tpu.memory_space<vmem>>, vector<2048x128xf32>
    %mul3A = vector.broadcast %rsqrt3A : vector<2048x1xf32> to vector<2048x128xf32>
    %mul3A_17 = arith.mulf %mul3A, %get3A_16 : vector<2048x128xf32>
    %swap3A_18 = arith.constant 0 : index
    %swap3A_19 = arith.constant 0 : index
    %swap3A_20 = vector.load %arg3[%swap3A_18, %swap3A_19] : memref<2048x128xf32, #tpu.memory_space<vmem>>, vector<2048x128xf32>
    tpu.vector_store %arg3[%swap3A_18, %swap3A_19], %mul3A_17 {strides = array<i32>} : memref<2048x128xf32, #tpu.memory_space<vmem>>, vector<2048x128xf32>,
    return
  }
  func.func @transform_0(%arg0: i32) -> (i32, i32) {
    %c0_i32 = arith.constant 0 : i32
    %c0_i32_0 = arith.constant 0 : i32
    return %arg0, %c0_i32 : i32, i32
  }
  func.func @transform_1(%arg0: i32) -> (i32, i32, i32) {
    %c0_i32 = arith.constant 0 : i32
    %c0_i32_0 = arith.constant 0 : i32
    %c0_i32_1 = arith.constant 0 : i32
    return %c0_i32, %arg0, %c0_i32_0 : i32, i32, i32
  }
  func.func @transform_2(%arg0: i32) -> (i32, i32) {
    %c0_i32 = arith.constant 0 : i32
    %c0_i32_0 = arith.constant 0 : i32
    return %arg0, %c0_i32 : i32, i32
  }
  func.func @transform_3(%arg0: i32) -> (i32, i32) {
    %c0_i32 = arith.constant 0 : i32
    %c0_i32_0 = arith.constant 0 : i32
    return %arg0, %c0_i32 : i32, i32
  }
}

module attributes {stable_mosaic.version = 14 : i64} {
  func.func @body(%arg0: i32, %arg1: memref<2x2048x128xf32, #tpu.memory_space<vmem>>, %arg2: memref<2048x128xf32, #tpu.memory_space<vmem>>, %arg3: memref<2048x1xf32, #tpu.memory_space<vmem>>, %arg4: memref<1x128xf32, #tpu.memory_space<vmem>>, %arg5: memref<128x128xf32, #tpu.memory_space<vmem>>, %arg6: memref<2048x128xf32, #tpu.memory_space<vmem>>) attributes {dimension_semantics = [#tpu.dimension_semantics<arbitrary>], iteration_bounds = array<i64: 5>, scalar_prefetch = 0 : i64, scratch_operands = 0 : i64, tpu.core_type = #tpu.core_type<tc>, window_params = [{transform_indices = @transform_0, window_bounds = array<i64: 2, 2048, 128>}, {transform_indices = @transform_1, window_bounds = array<i64: 2048, 128>}, {transform_indices = @transform_2, window_bounds = array<i64: 2048, 1>}, {pipeline_mode = #tpu.pipeline_mode<synchronous>, transform_indices = @transform_3, window_bounds = array<i64: 1, 128>}, {pipeline_mode = #tpu.pipeline_mode<synchronous>, transform_indices = @transform_4, window_bounds = array<i64: 128, 128>}, {transform_indices = @transform_5, window_bounds = array<i64: 2048, 128>}]} {
    %get3A = arith.constant 0 : index
    %get3A_0 = arith.constant 0 : index
    %get3A_1 = vector.load %arg3[%get3A, %get3A_0] : memref<2048x1xf32, #tpu.memory_space<vmem>>, vector<2048x1xf32>
    %get3A_2 = arith.constant 0 : index
    %get3A_3 = arith.constant 0 : index
    %get3A_4 = arith.constant 0 : index
    %get3A_5 = vector.load %arg1[%get3A_2, %get3A_3, %get3A_4] : memref<2x2048x128xf32, #tpu.memory_space<vmem>>, vector<1x2048x128xf32>
    %get3A_6 = vector.shape_cast %get3A_5 : vector<1x2048x128xf32> to vector<2048x128xf32>
    %get3A_7 = arith.constant 1 : index
    %get3A_8 = arith.constant 0 : index
    %get3A_9 = arith.constant 0 : index
    %get3A_10 = vector.load %arg1[%get3A_7, %get3A_8, %get3A_9] : memref<2x2048x128xf32, #tpu.memory_space<vmem>>, vector<1x2048x128xf32>
    %get3A_11 = vector.shape_cast %get3A_10 : vector<1x2048x128xf32> to vector<2048x128xf32>
    %add3A = arith.addf %get3A_6, %get3A_11 : vector<2048x128xf32>
    %get3A_12 = arith.constant 0 : index
    %get3A_13 = arith.constant 0 : index
    %get3A_14 = vector.load %arg2[%get3A_12, %get3A_13] : memref<2048x128xf32, #tpu.memory_space<vmem>>, vector<2048x128xf32>
    %add3A_15 = arith.addf %add3A, %get3A_14 : vector<2048x128xf32>
    %mul3A = vector.broadcast %get3A_1 : vector<2048x1xf32> to vector<2048x128xf32>
    %mul3A_16 = arith.mulf %mul3A, %add3A_15 : vector<2048x128xf32>
    %get3A_17 = arith.constant 0 : index
    %get3A_18 = arith.constant 0 : index
    %get3A_19 = vector.load %arg4[%get3A_17, %get3A_18] : memref<1x128xf32, #tpu.memory_space<vmem>>, vector<1x128xf32>
    %add3A_20 = vector.broadcast %get3A_19 : vector<1x128xf32> to vector<2048x128xf32>
    %add3A_21 = arith.addf %mul3A_16, %add3A_20 : vector<2048x128xf32>
    %max3A = arith.constant 0.000000e+00 : f32
    %max3A_22 = vector.broadcast %max3A : f32 to vector<2048x128xf32>
    %max3A_23 = arith.maximumf %add3A_21, %max3A_22 : vector<2048x128xf32>
    %get3A_24 = arith.constant 0 : index
    %get3A_25 = arith.constant 0 : index
    %get3A_26 = vector.load %arg5[%get3A_24, %get3A_25] : memref<128x128xf32, #tpu.memory_space<vmem>>, vector<128x128xf32>
    %dot_general3A = arith.constant dense<0.000000e+00> : vector<2048x128xf32>
    %dot_general3A_27 = tpu.matmul %max3A_23, %get3A_26, %dot_general3A {dimension_numbers = #tpu.dot_dimension_numbers<[1], [0], [0], [1], [0, 0, 1, 1], [], []>, transpose_lhs_hint = false} : vector<2048x128xf32>, vector<128x128xf32>, vector<2048x128xf32> -> vector<2048x128xf32>
    %mul3A_28 = vector.broadcast %get3A_1 : vector<2048x1xf32> to vector<2048x128xf32>
    %mul3A_29 = arith.mulf %mul3A_28, %dot_general3A_27 : vector<2048x128xf32>
    %swap3A = arith.constant 0 : index
    %swap3A_30 = arith.constant 0 : index
    %swap3A_31 = vector.load %arg6[%swap3A, %swap3A_30] : memref<2048x128xf32, #tpu.memory_space<vmem>>, vector<2048x128xf32>
    tpu.vector_store %arg6[%swap3A, %swap3A_30], %mul3A_29 {strides = array<i32>} : memref<2048x128xf32, #tpu.memory_space<vmem>>, vector<2048x128xf32>,
    return
  }
  func.func @transform_0(%arg0: i32) -> (i32, i32, i32) {
    %c0_i32 = arith.constant 0 : i32
    %c0_i32_0 = arith.constant 0 : i32
    %c0_i32_1 = arith.constant 0 : i32
    return %c0_i32, %arg0, %c0_i32_0 : i32, i32, i32
  }
  func.func @transform_1(%arg0: i32) -> (i32, i32) {
    %c0_i32 = arith.constant 0 : i32
    %c0_i32_0 = arith.constant 0 : i32
    return %arg0, %c0_i32 : i32, i32
  }
  func.func @transform_2(%arg0: i32) -> (i32, i32) {
    %c0_i32 = arith.constant 0 : i32
    %c0_i32_0 = arith.constant 0 : i32
    return %arg0, %c0_i32 : i32, i32
  }
  func.func @transform_3(%arg0: i32) -> (i32, i32) {
    %c0_i32 = arith.constant 0 : i32
    %c0_i32_0 = arith.constant 0 : i32
    %c0_i32_1 = arith.constant 0 : i32
    return %c0_i32, %c0_i32_0 : i32, i32
  }
  func.func @transform_4(%arg0: i32) -> (i32, i32) {
    %c0_i32 = arith.constant 0 : i32
    %c0_i32_0 = arith.constant 0 : i32
    %c0_i32_1 = arith.constant 0 : i32
    return %c0_i32, %c0_i32_0 : i32, i32
  }
  func.func @transform_5(%arg0: i32) -> (i32, i32) {
    %c0_i32 = arith.constant 0 : i32
    %c0_i32_0 = arith.constant 0 : i32
    return %arg0, %c0_i32 : i32, i32
  }
}

module attributes {stable_mosaic.version = 14 : i64} {
  func.func @body(%arg0: i32, %arg1: memref<2x2048x128xf32, #tpu.memory_space<vmem>>, %arg2: memref<2048x128xf32, #tpu.memory_space<vmem>>, %arg3: memref<2048x1xf32, #tpu.memory_space<vmem>>, %arg4: memref<1x128xf32, #tpu.memory_space<vmem>>, %arg5: memref<2048x1xi32, #tpu.memory_space<vmem>>, %arg6: memref<128x64xf32, #tpu.memory_space<vmem>>, %arg7: memref<1x64xf32, #tpu.memory_space<vmem>>, %arg8: memref<64x1xf32, #tpu.memory_space<vmem>>, %arg9: memref<1x1xf32, #tpu.memory_space<vmem>>, %arg10: memref<64x1xf32, #tpu.memory_space<vmem>>, %arg11: memref<64x128xf32, #tpu.memory_space<vmem>>, %arg12: memref<64x128xf32, #tpu.memory_space<vmem>>) attributes {dimension_semantics = [#tpu.dimension_semantics<arbitrary>], iteration_bounds = array<i64: 5>, scalar_prefetch = 0 : i64, scratch_operands = 2 : i64, tpu.core_type = #tpu.core_type<tc>, window_params = [{transform_indices = @transform_0, window_bounds = array<i64: 2, 2048, 128>}, {transform_indices = @transform_1, window_bounds = array<i64: 2048, 128>}, {transform_indices = @transform_2, window_bounds = array<i64: 2048, 1>}, {pipeline_mode = #tpu.pipeline_mode<synchronous>, transform_indices = @transform_3, window_bounds = array<i64: 1, 128>}, {transform_indices = @transform_4, window_bounds = array<i64: 2048, 1>}, {pipeline_mode = #tpu.pipeline_mode<synchronous>, transform_indices = @transform_5, window_bounds = array<i64: 128, 64>}, {pipeline_mode = #tpu.pipeline_mode<synchronous>, transform_indices = @transform_6, window_bounds = array<i64: 1, 64>}, {pipeline_mode = #tpu.pipeline_mode<synchronous>, transform_indices = @transform_7, window_bounds = array<i64: 64, 1>}, {pipeline_mode = #tpu.pipeline_mode<synchronous>, transform_indices = @transform_8, window_bounds = array<i64: 1, 1>}, {pipeline_mode = #tpu.pipeline_mode<synchronous>, transform_indices = @transform_9, window_bounds = array<i64: 64, 1>}]} {
    %eq3A = arith.constant 0 : i32
    %eq3A_0 = arith.cmpi eq, %arg0, %eq3A : i32
    %convert_element_type3A = arith.extui %eq3A_0 : i1 to i32
    %cond3A = arith.constant 0 : i32
    %cond3A_1 = arith.cmpi ne, %convert_element_type3A, %cond3A : i32
    scf.if %cond3A_1 {
      %broadcast_in_dim3A_53 = arith.constant 0.000000e+00 : f32
      %broadcast_in_dim3A_54 = vector.broadcast %broadcast_in_dim3A_53 : f32 to vector<64x128xf32>
      %swap3A_55 = arith.constant 0 : index
      %swap3A_56 = arith.constant 0 : index
      %swap3A_57 = vector.load %arg11[%swap3A_55, %swap3A_56] : memref<64x128xf32, #tpu.memory_space<vmem>>, vector<64x128xf32>
      tpu.vector_store %arg11[%swap3A_55, %swap3A_56], %broadcast_in_dim3A_54 {strides = array<i32>} : memref<64x128xf32, #tpu.memory_space<vmem>>, vector<64x128xf32>,
      %broadcast_in_dim3A_58 = arith.constant 0.000000e+00 : f32
      %broadcast_in_dim3A_59 = vector.broadcast %broadcast_in_dim3A_58 : f32 to vector<64x128xf32>
      %swap3A_60 = arith.constant 0 : index
      %swap3A_61 = arith.constant 0 : index
      %swap3A_62 = vector.load %arg12[%swap3A_60, %swap3A_61] : memref<64x128xf32, #tpu.memory_space<vmem>>, vector<64x128xf32>
      tpu.vector_store %arg12[%swap3A_60, %swap3A_61], %broadcast_in_dim3A_59 {strides = array<i32>} : memref<64x128xf32, #tpu.memory_space<vmem>>, vector<64x128xf32>,
    } else {
    }
    %get3A = arith.constant 0 : index
    %get3A_2 = arith.constant 0 : index
    %get3A_3 = vector.load %arg3[%get3A, %get3A_2] : memref<2048x1xf32, #tpu.memory_space<vmem>>, vector<2048x1xf32>
    %get3A_4 = arith.constant 0 : index
    %get3A_5 = arith.constant 0 : index
    %get3A_6 = arith.constant 0 : index
    %get3A_7 = vector.load %arg1[%get3A_4, %get3A_5, %get3A_6] : memref<2x2048x128xf32, #tpu.memory_space<vmem>>, vector<1x2048x128xf32>
    %get3A_8 = vector.shape_cast %get3A_7 : vector<1x2048x128xf32> to vector<2048x128xf32>
    %get3A_9 = arith.constant 1 : index
    %get3A_10 = arith.constant 0 : index
    %get3A_11 = arith.constant 0 : index
    %get3A_12 = vector.load %arg1[%get3A_9, %get3A_10, %get3A_11] : memref<2x2048x128xf32, #tpu.memory_space<vmem>>, vector<1x2048x128xf32>
    %get3A_13 = vector.shape_cast %get3A_12 : vector<1x2048x128xf32> to vector<2048x128xf32>
    %add3A = arith.addf %get3A_8, %get3A_13 : vector<2048x128xf32>
    %get3A_14 = arith.constant 0 : index
    %get3A_15 = arith.constant 0 : index
    %get3A_16 = vector.load %arg2[%get3A_14, %get3A_15] : memref<2048x128xf32, #tpu.memory_space<vmem>>, vector<2048x128xf32>
    %add3A_17 = arith.addf %add3A, %get3A_16 : vector<2048x128xf32>
    %mul3A = vector.broadcast %get3A_3 : vector<2048x1xf32> to vector<2048x128xf32>
    %mul3A_18 = arith.mulf %mul3A, %add3A_17 : vector<2048x128xf32>
    %get3A_19 = arith.constant 0 : index
    %get3A_20 = arith.constant 0 : index
    %get3A_21 = vector.load %arg4[%get3A_19, %get3A_20] : memref<1x128xf32, #tpu.memory_space<vmem>>, vector<1x128xf32>
    %add3A_22 = vector.broadcast %get3A_21 : vector<1x128xf32> to vector<2048x128xf32>
    %add3A_23 = arith.addf %mul3A_18, %add3A_22 : vector<2048x128xf32>
    %iota3A = tpu.iota {dimensions = array<i32: 1>} : vector<2048x64xi32>
    %get3A_24 = arith.constant 0 : index
    %get3A_25 = arith.constant 0 : index
    %get3A_26 = vector.load %arg5[%get3A_24, %get3A_25] : memref<2048x1xi32, #tpu.memory_space<vmem>>, vector<2048x1xi32>
    %eq3A_27 = vector.broadcast %get3A_26 : vector<2048x1xi32> to vector<2048x64xi32>
    %eq3A_28 = arith.cmpi eq, %eq3A_27, %iota3A : vector<2048x64xi32>
    %convert_element_type3A_29 = arith.extui %eq3A_28 : vector<2048x64xi1> to vector<2048x64xi32>
    %convert_element_type3A_30 = arith.sitofp %convert_element_type3A_29 : vector<2048x64xi32> to vector<2048x64xf32>
    %get3A_31 = arith.constant 0 : index
    %get3A_32 = arith.constant 0 : index
    %get3A_33 = vector.load %arg11[%get3A_31, %get3A_32] : memref<64x128xf32, #tpu.memory_space<vmem>>, vector<64x128xf32>
    %dot_general3A = arith.constant dense<0.000000e+00> : vector<64x128xf32>
    %dot_general3A_34 = tpu.matmul %convert_element_type3A_30, %add3A_23, %dot_general3A {dimension_numbers = #tpu.dot_dimension_numbers<[0], [0], [1], [1], [0, 1, 1, 1], [], []>, transpose_lhs_hint = false} : vector<2048x64xf32>, vector<2048x128xf32>, vector<64x128xf32> -> vector<64x128xf32>
    %add3A_35 = arith.addf %get3A_33, %dot_general3A_34 : vector<64x128xf32>
    %swap3A = arith.constant 0 : index
    %swap3A_36 = arith.constant 0 : index
    %swap3A_37 = vector.load %arg11[%swap3A, %swap3A_36] : memref<64x128xf32, #tpu.memory_space<vmem>>, vector<64x128xf32>
    tpu.vector_store %arg11[%swap3A, %swap3A_36], %add3A_35 {strides = array<i32>} : memref<64x128xf32, #tpu.memory_space<vmem>>, vector<64x128xf32>,
    %get3A_38 = arith.constant 0 : index
    %get3A_39 = arith.constant 0 : index
    %get3A_40 = vector.load %arg12[%get3A_38, %get3A_39] : memref<64x128xf32, #tpu.memory_space<vmem>>, vector<64x128xf32>
    %broadcast_in_dim3A = arith.constant 1.000000e+00 : f32
    %broadcast_in_dim3A_41 = vector.broadcast %broadcast_in_dim3A : f32 to vector<2048x128xf32>
    %dot_general3A_42 = arith.constant dense<0.000000e+00> : vector<64x128xf32>
    %dot_general3A_43 = tpu.matmul %convert_element_type3A_30, %broadcast_in_dim3A_41, %dot_general3A_42 {dimension_numbers = #tpu.dot_dimension_numbers<[0], [0], [1], [1], [0, 1, 1, 1], [], []>, transpose_lhs_hint = false} : vector<2048x64xf32>, vector<2048x128xf32>, vector<64x128xf32> -> vector<64x128xf32>
    %add3A_44 = arith.addf %get3A_40, %dot_general3A_43 : vector<64x128xf32>
    %swap3A_45 = arith.constant 0 : index
    %swap3A_46 = arith.constant 0 : index
    %swap3A_47 = vector.load %arg12[%swap3A_45, %swap3A_46] : memref<64x128xf32, #tpu.memory_space<vmem>>, vector<64x128xf32>
    tpu.vector_store %arg12[%swap3A_45, %swap3A_46], %add3A_44 {strides = array<i32>} : memref<64x128xf32, #tpu.memory_space<vmem>>, vector<64x128xf32>,
    %eq3A_48 = arith.constant 4 : i32
    %eq3A_49 = arith.cmpi eq, %arg0, %eq3A_48 : i32
    %convert_element_type3A_50 = arith.extui %eq3A_49 : i1 to i32
    %cond3A_51 = arith.constant 0 : i32
    %cond3A_52 = arith.cmpi ne, %convert_element_type3A_50, %cond3A_51 : i32
    scf.if %cond3A_52 {
      %get3A_53 = arith.constant 0 : index
      %get3A_54 = arith.constant 0 : index
      %get3A_55 = vector.load %arg11[%get3A_53, %get3A_54] : memref<64x128xf32, #tpu.memory_space<vmem>>, vector<64x128xf32>
      %get3A_56 = arith.constant 0 : index
      %get3A_57 = arith.constant 0 : index
      %get3A_58 = vector.load %arg12[%get3A_56, %get3A_57] : memref<64x128xf32, #tpu.memory_space<vmem>>, vector<64x128xf32>
      %max3A = arith.constant 1.000000e+00 : f32
      %max3A_59 = vector.broadcast %max3A : f32 to vector<64x128xf32>
      %max3A_60 = arith.maximumf %get3A_58, %max3A_59 : vector<64x128xf32>
      %div3A = arith.divf %get3A_55, %max3A_60 : vector<64x128xf32>
      %get3A_61 = arith.constant 0 : index
      %get3A_62 = arith.constant 0 : index
      %get3A_63 = vector.load %arg6[%get3A_61, %get3A_62] : memref<128x64xf32, #tpu.memory_space<vmem>>, vector<128x64xf32>
      %dot_general3A_64 = arith.constant dense<0.000000e+00> : vector<64x64xf32>
      %dot_general3A_65 = tpu.matmul %div3A, %get3A_63, %dot_general3A_64 {dimension_numbers = #tpu.dot_dimension_numbers<[1], [0], [0], [1], [0, 0, 1, 1], [], []>, transpose_lhs_hint = false} : vector<64x128xf32>, vector<128x64xf32>, vector<64x64xf32> -> vector<64x64xf32>
      %get3A_66 = arith.constant 0 : index
      %get3A_67 = arith.constant 0 : index
      %get3A_68 = vector.load %arg7[%get3A_66, %get3A_67] : memref<1x64xf32, #tpu.memory_space<vmem>>, vector<1x64xf32>
      %add3A_69 = vector.broadcast %get3A_68 : vector<1x64xf32> to vector<64x64xf32>
      %add3A_70 = arith.addf %dot_general3A_65, %add3A_69 : vector<64x64xf32>
      %max3A_71 = arith.constant 0.000000e+00 : f32
      %max3A_72 = vector.broadcast %max3A_71 : f32 to vector<64x64xf32>
      %max3A_73 = arith.maximumf %add3A_70, %max3A_72 : vector<64x64xf32>
      %get3A_74 = arith.constant 0 : index
      %get3A_75 = arith.constant 0 : index
      %get3A_76 = vector.load %arg8[%get3A_74, %get3A_75] : memref<64x1xf32, #tpu.memory_space<vmem>>, vector<64x1xf32>
      %dot_general3A_77 = arith.constant dense<0.000000e+00> : vector<64x1xf32>
      %dot_general3A_78 = tpu.matmul %max3A_73, %get3A_76, %dot_general3A_77 {dimension_numbers = #tpu.dot_dimension_numbers<[1], [0], [0], [1], [0, 0, 1, 1], [], []>, transpose_lhs_hint = false} : vector<64x64xf32>, vector<64x1xf32>, vector<64x1xf32> -> vector<64x1xf32>
      %get3A_79 = arith.constant 0 : index
      %get3A_80 = arith.constant 0 : index
      %get3A_81 = vector.load %arg9[%get3A_79, %get3A_80] : memref<1x1xf32, #tpu.memory_space<vmem>>, vector<1x1xf32>
      %add3A_82 = vector.broadcast %get3A_81 : vector<1x1xf32> to vector<64x1xf32>
      %add3A_83 = arith.addf %dot_general3A_78, %add3A_82 : vector<64x1xf32>
      %swap3A_84 = arith.constant 0 : index
      %swap3A_85 = arith.constant 0 : index
      %swap3A_86 = vector.load %arg10[%swap3A_84, %swap3A_85] : memref<64x1xf32, #tpu.memory_space<vmem>>, vector<64x1xf32>
      tpu.vector_store %arg10[%swap3A_84, %swap3A_85], %add3A_83 {strides = array<i32>} : memref<64x1xf32, #tpu.memory_space<vmem>>, vector<64x1xf32>,
    } else {
    }
    return
  }
  func.func @transform_0(%arg0: i32) -> (i32, i32, i32) {
    %c0_i32 = arith.constant 0 : i32
    %c0_i32_0 = arith.constant 0 : i32
    %c0_i32_1 = arith.constant 0 : i32
    return %c0_i32, %arg0, %c0_i32_0 : i32, i32, i32
  }
  func.func @transform_1(%arg0: i32) -> (i32, i32) {
    %c0_i32 = arith.constant 0 : i32
    %c0_i32_0 = arith.constant 0 : i32
    return %arg0, %c0_i32 : i32, i32
  }
  func.func @transform_2(%arg0: i32) -> (i32, i32) {
    %c0_i32 = arith.constant 0 : i32
    %c0_i32_0 = arith.constant 0 : i32
    return %arg0, %c0_i32 : i32, i32
  }
  func.func @transform_3(%arg0: i32) -> (i32, i32) {
    %c0_i32 = arith.constant 0 : i32
    %c0_i32_0 = arith.constant 0 : i32
    %c0_i32_1 = arith.constant 0 : i32
    return %c0_i32, %c0_i32_0 : i32, i32
  }
  func.func @transform_4(%arg0: i32) -> (i32, i32) {
    %c0_i32 = arith.constant 0 : i32
    %c0_i32_0 = arith.constant 0 : i32
    return %arg0, %c0_i32 : i32, i32
  }
  func.func @transform_5(%arg0: i32) -> (i32, i32) {
    %c0_i32 = arith.constant 0 : i32
    %c0_i32_0 = arith.constant 0 : i32
    %c0_i32_1 = arith.constant 0 : i32
    return %c0_i32, %c0_i32_0 : i32, i32
  }
  func.func @transform_6(%arg0: i32) -> (i32, i32) {
    %c0_i32 = arith.constant 0 : i32
    %c0_i32_0 = arith.constant 0 : i32
    %c0_i32_1 = arith.constant 0 : i32
    return %c0_i32, %c0_i32_0 : i32, i32
  }
  func.func @transform_7(%arg0: i32) -> (i32, i32) {
    %c0_i32 = arith.constant 0 : i32
    %c0_i32_0 = arith.constant 0 : i32
    %c0_i32_1 = arith.constant 0 : i32
    return %c0_i32, %c0_i32_0 : i32, i32
  }
  func.func @transform_8(%arg0: i32) -> (i32, i32) {
    %c0_i32 = arith.constant 0 : i32
    %c0_i32_0 = arith.constant 0 : i32
    %c0_i32_1 = arith.constant 0 : i32
    return %c0_i32, %c0_i32_0 : i32, i32
  }
  func.func @transform_9(%arg0: i32) -> (i32, i32) {
    %c0_i32 = arith.constant 0 : i32
    %c0_i32_0 = arith.constant 0 : i32
    %c0_i32_1 = arith.constant 0 : i32
    return %c0_i32, %c0_i32_0 : i32, i32
  }
}

</mosaic_0001>

<sc_bundles>
// kernel: kernel.11.cloned.1.call-start
scs
__scs_entry_jumppad:
0x0: {  	(pc) =	sbr.rel $0x88, $3  }
0x1: {  	(tag) =	ssettag $0x0;
	lr =	simm.s32 $0x1  }
0x2: {  	[smem:$0x3F94] =	sst lr;
	_ =	strace $0xD0000000  }
0x3: {  	_ = 	snop  }
0x4: {  	_ = 	snop  }
0x5: {  	_ = 	snop  }
0x6: {  	_ = 	snop  }
0x7: {  	_ = 	snop  }
__scs_overlays_trampoline_lowered:
0x8: {  	[smem:$0x3FA3] =	sst s0  }
0x9: {  	[smem:$0x3FA4] =	sst s1  }
0xa: {  	[smem:$0x3FA5] =	sst s2  }
0xb: {  	[smem:$0x3FA6] =	sst s3  }
0xc: {  	[smem:$0x3FA7] =	sst s4  }
0xd: {  	[smem:$0x3FA8] =	sst s5  }
0xe: {  	[smem:$0x3FA9] =	sst s6  }
0xf: {  	[smem:$0x3FAA] =	sst s7  }
0x10: {  	[smem:$0x3FAB] =	sst s8  }
0x11: {  	[smem:$0x3FAC] =	sst s9;
	s0 =	simm.s32 @!p0 $0x0  }
0x12: {  	s1 =	sld [smem:$0x3F92];
	s0 =	simm.s32 @p0 $0x1  }
0x13: {  	[smem:$0x3FAD] =	sst s0;
	s0 =	simm.s32 @!p1 $0x0  }
0x14: {  	s2 =	sld [smem:$0x3F91];
	s0 =	simm.s32 @p1 $0x1  }
0x15: {  	[smem:$0x3FAE] =	sst s0;
	s0 =	simm.s32 @!p2 $0x0  }
0x16: {  	s3 =	sld [smem:$0x3FDB];
	s0 =	simm.s32 @p2 $0x1  }
0x17: {  	s4 =	simm.s32 $0x1BF5;
	[smem:$0x3FB0] =	sst s0  }
0x18: {  	s0 =	sld [smem:$0x3F93];
	_ =	swait.ge [sflag:s4], $0x0  }
0x19: {  	s7 =	sld [smem:$0x3F94]  }
0x1a: {  	s8 =	sadd.s32 $0xFFFFE003, lr  }
0x1b: {  	s9 =	sadd.s32 $0xFFFFFEF7, lr;
	s5 =	simm.s32 $0xFFFFFFFF;
	p2 =	slt.u32 s8, $0xFFFFF086  }
0x1c: {  	p1 =	slt.u32 s9, $0xF7A;
	s5 =	simm.s32 @!p2 $0x0  }
0x1d: {  	s5 =	simm.s32 @p1 $0x1;
	p0 =	seq.s32 s7, s2  }
0x1e: {  	s7 =	smul.u32 @!p0 $0xF7A, s2;
	p2 =	seq.s32 @!p0 s5, $0x0  }
0x1f: {  	s9 =	smul.u32 $0xF7A, s1;
	s8 =	simm.s32 @!p0 $0x1BF5;
	p2 =	por !p2, p0  }
0x20: {  	[sflag:s8] =	ssyncset.s32 @!p0 $0xFFFFF086;
	s6 =	sadd.s32 @!p0 s3, s7;
	s7 =	simm.s32 @!p0 $0x108  }
0x21: {  	s3 =	sadd.s32 s3, s9;
	s6 =	sadd.s32 @!p0 $0x88, s6;
	s7 =	simm.s32 @p2 $0x1082  }
0x22: {  	[simem:s7], [sflag:s8] =	dma.local @!p0 [hbm:s6], $0xF7A  }
0x23: {  	s9 =	sor.u32 $0xD0000000, s2;
	s6 =	simm.s32 $0x108;
	_ =	swait.ge @!p0 [sflag:s8], $0x0  }
0x24: {  	s3 =	sadd.s32 $0x88, s3;
	s6 =	simm.s32 @!p1 $0x1082;
	[sflag:s4] =	ssyncset.s32 $0xFFFFF086  }
0x25: {  	[simem:s6], [sflag:s4] =	dma.local [hbm:s3], $0xF7A  }
0x26: {  	[smem:$0x3F94] =	sst s1;
	(tag) =	ssettag s2;
	_ =	strace s9  }
0x27: {  	s1 =	sld [smem:$0x3FA4]  }
0x28: {  	s2 =	sld [smem:$0x3FA5]  }
0x29: {  	s4 =	sld [smem:$0x3FA7]  }
0x2a: {  	p0 =	seq.s32 s5, $0x0;
	s5 =	sld [smem:$0x3FA8]  }
0x2b: {  	s6 =	sld [smem:$0x3FA9]  }
0x2c: {  	s7 =	sld [smem:$0x3FAA]  }
0x2d: {  	s3 =	simm.s32 $0x108;
	s8 =	sld [smem:$0x3FAB]  }
0x2e: {  	s3 =	simm.s32 @!p0 $0x1082;
	s9 =	sld [smem:$0x3FAC]  }
0x2f: {  	lr =	sadd.s32 s0, s3;
	s0 =	sld [smem:$0x3FA3]  }
0x30: {  	s3 =	sld [smem:$0x3FA6]  }
0x31: {  	[smem:$0x3FAF] =	sst s10  }
0x32: {  	s10 =	sld [smem:$0x3FAD];
	_ =	sdelay $0x3  }
0x33: {  	p0 =	seq.s32 s10, $0x1;
	s10 =	sld [smem:$0x3FAF];
	_ =	sdelay $0x3  }
0x34: {  	[smem:$0x3FAF] =	sst s10  }
0x35: {  	s10 =	sld [smem:$0x3FAE];
	_ =	sdelay $0x3  }
0x36: {  	p1 =	seq.s32 s10, $0x1;
	s10 =	sld [smem:$0x3FAF];
	_ =	sdelay $0x3  }
0x37: {  	[smem:$0x3FAF] =	sst s10  }
0x38: {  	s10 =	sld [smem:$0x3FB0]  }
0x39: {  	_ = 	snop;
	(pc) =	sbr.ind lr, $3  }
0x3a: {  	_ = 	snop  }
0x3b: {  	_ = 	snop  }
0x3c: {  	p2 =	seq.s32 s10, $0x1;
	s10 =	sld [smem:$0x3FAF]  }
0x3d: {  	_ =	shalt  }
0x3e: {  	_ =	shalt  }
0x3f: {  	_ =	shalt  }
0x40: {  	_ =	shalt  }
0x41: {  	_ =	shalt  }
0x42: {  	_ =	shalt  }
0x43: {  	_ =	shalt  }
0x44: {  	_ =	shalt  }
0x45: {  	_ =	shalt  }
0x46: {  	_ =	shalt  }
0x47: {  	_ =	shalt  }
0x48: {  	_ =	shalt  }
0x49: {  	_ =	shalt  }
0x4a: {  	_ =	shalt  }
0x4b: {  	_ =	shalt  }
0x4c: {  	_ =	shalt  }
0x4d: {  	_ =	shalt  }
0x4e: {  	_ =	shalt  }
0x4f: {  	_ =	shalt  }
0x50: {  	_ =	shalt  }
0x51: {  	_ =	shalt  }
0x52: {  	_ =	shalt  }
0x53: {  	_ =	shalt  }
0x54: {  	_ =	shalt  }
0x55: {  	_ =	shalt  }
0x56: {  	_ =	shalt  }
0x57: {  	_ =	shalt  }
0x58: {  	_ =	shalt  }
0x59: {  	_ =	shalt  }
0x5a: {  	_ =	shalt  }
0x5b: {  	_ =	shalt  }
0x5c: {  	_ =	shalt  }
0x5d: {  	_ =	shalt  }
0x5e: {  	_ =	shalt  }
0x5f: {  	_ =	shalt  }
0x60: {  	_ =	shalt  }
0x61: {  	_ =	shalt  }
0x62: {  	_ =	shalt  }
0x63: {  	_ =	shalt  }
0x64: {  	_ =	shalt  }
0x65: {  	_ =	shalt  }
0x66: {  	_ =	shalt  }
0x67: {  	_ =	shalt  }
0x68: {  	_ =	shalt  }
0x69: {  	_ =	shalt  }
0x6a: {  	_ =	shalt  }
0x6b: {  	_ =	shalt  }
0x6c: {  	_ =	shalt  }
0x6d: {  	_ =	shalt  }
0x6e: {  	_ =	shalt  }
0x6f: {  	_ =	shalt  }
0x70: {  	_ =	shalt  }
0x71: {  	_ =	shalt  }
0x72: {  	_ =	shalt  }
0x73: {  	_ =	shalt  }
0x74: {  	_ =	shalt  }
0x75: {  	_ =	shalt  }
0x76: {  	_ =	shalt  }
0x77: {  	_ =	shalt  }
0x78: {  	_ =	shalt  }
0x79: {  	_ =	shalt  }
0x7a: {  	_ =	shalt  }
0x7b: {  	_ =	shalt  }
0x7c: {  	_ =	shalt  }
0x7d: {  	_ =	shalt  }
0x7e: {  	_ =	shalt  }
0x7f: {  	_ =	shalt  }
0x80: {  	_ =	shalt  }
0x81: {  	_ =	shalt  }
0x82: {  	_ =	shalt  }
0x83: {  	_ =	shalt  }
0x84: {  	_ =	shalt  }
0x85: {  	_ =	shalt  }
0x86: {  	_ =	shalt  }
0x87: {  	_ =	shalt  }
.Lfunc_end0:
.L_simem_size_0:
called_computation_lowered:
.L_overlay_start_0:
0x88: {  	s2 =	sld [smem:$0x3FD9]  }
0x89: {  	s3 =	sld [smem:$0x3FFE];
	_ =	sdelay $0x1  }
0x8a: {  	s1 =	srdreg.scid  }
0x8b: {  	s0 =	sand.u32 $0x1, s1  }
0x8c: {  	s16 =	sshll.u32 s0, $0xA;
	s2 =	sadd.s32 s3, s2  }
0x8d: {  	s2 =	sadd.s32 s2, s16  }
0x8e: {  	[smem:$0x3FBB] =	sst s2  }
0x8f: {  	_ = 	snop  }
0x90: {  	(tm) =	ssettm $0x1  }
0x91: {  	s17 =	sld [smem:$0x3FFB];
	_ =	sdelay $0x3  }
0x92: {  	_ =	strace s17  }
0x93: {  	s2 =	sld [smem:$0x3FFC];
	_ =	sdelay $0x3  }
0x94: {  	_ =	strace s2  }
0x95: {  	s2 =	sld [smem:$0x3FFD];
	_ =	sdelay $0x3  }
0x96: {  	_ =	strace s2  }
0x97: {  	_ =	strace $0x8FFFFFFF  }
0x98: {  	s18 =	sld [smem:$0x3FDB];
	_ =	sdelay $0x1  }
0x99: {  	s19 =	simm.s32 $_scs_section_size  }
0x9a: {  	s4 =	simm.s32 $_size__tile_overlayer_lowered;
	s5 =	simm.s32 $_tile_overlayer_lowered  }
0x9b: {  	s22 =	simm.s32 $0x1BFF;
	s21 =	sshll.u32 s5, $0x1;
	s2 =	sadd.s32 s19, s18  }
0x9c: {  	s6 =	simm.s32 $0x0;
	s20 =	sshll.u32 s4, $0x1;
	s4 =	sadd.s32 s21, s2  }
0x9d: {  	[timem:s6], [sflag:s22] =	dma.local [hbm:s4], s20  }
0x9e: {  	_ =	swait.ge [sflag:s22], s20  }
0x9f: {  	s3 =	ssub.s32 $0x0, s20;
	[sflag:s22] =	ssyncset.done $0x0  }
0xa0: {  	[sflag:s22] =	ssyncadd.s32 s3;
	_ =	sdelay $0x1  }
0xa1: {  	s23 =	simm.s32 $0x1B8B  }
0xa2: {  	_ =	swait.ge [sflag:s23], $0x1  }
0xa3: {  	[sflag:s23] =	ssyncset.done $0x0  }
0xa4: {  	s25 =	simm.s32 $0x1B8E;
	s24 =	sld [smem:$0x3FFE];
	[sflag:s23] =	ssyncadd.s32 $0xFFFFFFFF  }
0xa5: {  	s26 =	simm.s32 $execute0_lowered;
	[smem:$0x3FD2] =	sst s25  }
0xa6: {  	s4 =	sshll.u32 s26, $0x1;
	_ =	strace $0x80000046;
	[dreg:$0x1] =	wrdreg $0xFFFFFFFF  }
0xa7: {  	s28 =	simm.s32 $_size_execute0_lowered;
	s2 =	sadd.s32 s2, s4;
	[dreg:$0x0] =	wrdreg $0x0  }
0xa8: {  	s4 =	sshll.u32 s28, $0x1;
	[dreg:$0x2] =	wrdreg s2  }
0xa9: {  	[dreg:$0x3] =	wrdreg s4  }
0xaa: {  	[dreg:$0x4] =	wrdreg $0xC0  }
0xab: {  	_ =	task [dreg:s6], $0x5FFFF  }
0xac: {  	[dreg:$0x1] =	wrdreg $0xFFFFFFFF  }
0xad: {  	[dreg:$0x0] =	wrdreg $0x60  }
0xae: {  	[dreg:$0x2] =	wrdreg s24  }
0xaf: {  	[dreg:$0x3] =	wrdreg $0x68000  }
0xb0: {  	[dreg:$0x4] =	wrdreg $0x9  }
0xb1: {  	_ =	task.clear_ibuf [dreg:s6], $0x5FFFF;
	_ =	strace $0x90000046  }
0xb2: {  	s29 =	simm.s32 $0x9;
	_ =	strace $0x80000048  }
0xb3: {  	_ =	swait.ge [sflag:s29], $0x1  }
0xb4: {  	[sflag:s29] =	ssyncadd.s32 $0xFFFFFFFF  }
0xb5: {  	_ =	strace $0x90000048  }
0xb6: {  	_ =	sfence  }
0xb7: {  	s30 =	sld [smem:$0x0];
	_ =	sdelay $0x2  }
0xb8: {  	s31 =	sshll.u32 s1, $0xD;
	s1 =	sshrl.u32 s1, $0x2  }
0xb9: {  	s3 =	sand.u32 $0x4000, s31;
	s1 =	sadd.s32 s1, s30  }
0xba: {  	s0 =	sor.u32 s3, s0;
	s1 =	sshll.u32 s1, $0x11  }
0xbb: {  	s0 =	sor.u32 s1, s0  }
0xbc: {  	s0 =	sadd.s32 $0x8F2B, s0  }
0xbd: {  	[sflag:s0] =	ssyncadd.remote.s32 $0x1  }
0xbe: {  	_ =	sfence.sel $0xFFFF  }
0xbf: {  	[dreg:$0x0] =	wrdreg $0xFFFFFFFF;
	(pc) =	sbr.abs _section_cstart, $3  }
0xc0: {  	[dreg:$0x1] =	wrdreg $0xFFFFFFFF  }
0xc1: {  	_ =	task.clear_ibuf [dreg:s6], $0x2FFFF;
	_ =	strace $0x9FFFFFFF  }
0xc2: {  	(tm) =	ssettm $0x7FFFFFFF  }
0xc3: {  	_ =	shalt  }
tec
execute0_lowered:
.L_overlay_start_1:
0x0: {  	(tag) =	ssettag $0x1  }
0x1: {  	s1 =	srdreg.scid;
	s5 =	rddreg [dreg:$0x0]  }
0x2: {  	s0 =	stileid.u32;
	s2 =	rddreg [dreg:$0x1];
	s3 =	simm.s32 $0x0  }
0x3: {  	s14 =	simm.s32 $0x100;
	s15 =	simm.s32 $0x180;
	s16 =	simm.s32 $0x1  }
0x4: {  	s17 =	simm.s32 $0x0;
	s4 =	sand.u32 $0x1, s1;
	s1 =	rddreg [dreg:$0x2]  }
0x5: {  	s25 =	sshll.u32 s0, $0x1;
	s7 =	smul.u32 $0x14000, s0;
	[smem:$0x7FF] =	sst s3  }
0x6: {  	s29 =	smul.u32 $0x50000, s0;
	s31 =	sshll.u32 s0, $0x6;
	s6 =	sor.u32 s4, s25  }
0x7: {  	s9 =	smul.u32 $0x140000, s4;
	_ =	strace $0x80000047;
	s28 =	ssub.s32 $0x2, s4  }
0x8: {  	s4 =	sadd.s32 $0x35A00, s5;
	s6 =	smul.u32 $0x500, s6;
	s8 =	sshrl.u32 s7, $0x3  }
0x9: {  	s11 =	sshrl.u32 s28, $0x1;
	s30 =	sshrl.u32 s29, $0x2;
	s26 =	sadd.s32 s8, s5  }
0xa: {  	s7 =	sadd.s32 s7, s9;
	s11 =	ssub.s32 s28, s11;
	s13 =	sadd.s32 s30, s2  }
0xb: {  	s10 =	sadd.s32 s6, s5;
	s7 =	sshrl.u32 s7, $0x3;
	s6 =	sor.u32 $0x1C02, s31  }
0xc: {  	s9 =	smax.u32 s11, $0x1;
	s11 =	simm.s32 $0x2;
	s12 =	sadd.s32 s7, s5  }
0xd: {  	s5 =	sadd.s32 $0xDA00, s26;
	s7 =	sadd.s32 $0x3A00, s10;
	s10 =	sshrl.u32 s13, $0x3  }
0xe: {  	s13 =	simm.s32 $0x80;
	s8 =	sadd.s32 $0x36200, s12;
	s12 =	simm.s32 $0x2800  }
.LBB2_1:
0xf: {  	[spmem:s10], [sflag:s6] =	dma.local [hbm:s5], $0x2800  }
0x10: {  	_ =	swait.ge [sflag:s11], $0x2800  }
0x11: {  	[sflag:s11] =	ssyncset.done $0x0  }
0x12: {  	[sflag:s11] =	ssyncadd.s32 $0xFFFFD800  }
0x13: {  	[tilespmem:s3], [sflag:$0x2] =	stream.linear.gather [hbm4b:s7+s3], $0x2800, $0x38;
	[tilespmem:$0x1A800] =	vst v63  }
0x14: {  	_ =	swait.ge [sflag:s11], $0x2800  }
0x15: {  	[sflag:s11] =	ssyncset.done $0x0  }
0x16: {  	[sflag:s11] =	ssyncadd.s32 $0xFFFFD800  }
0x17: {  	[tilespmem:s12], [sflag:$0x2] =	stream.linear.gather [hbm4b:s4+s3], $0x4000, $0x38;
	[tilespmem:$0x1A800] =	vst v63  }
0x18: {  	_ =	swait.ge [sflag:s11], $0x4000  }
0x19: {  	[sflag:s11] =	ssyncset.done $0x0  }
0x1a: {  	[sflag:s11] =	ssyncadd.s32 $0xFFFFC000  }
0x1b: {  	[bflag:$0x0] =	sbarrier.arrive $0xFFFF  }
0x1c: {  	[spmem:s2] =	stream.indirect.scatter.add.f32 [tilespmem:s12], [sflag:$0x1], $0x80, s3, s13, $0xb8;
	[tilespmem:$0x1A800] =	vst v63  }
0x1d: {  	_ = 	snop  }
0x1e: {  	[spmem:s2] =	stream.indirect.scatter.add.f32 [tilespmem:s12], [sflag:$0x1], $0x80, s13, s13, $0xb8;
	[tilespmem:$0x1A800] =	vst v63  }
0x1f: {  	_ = 	snop  }
0x20: {  	[spmem:s2] =	stream.indirect.scatter.add.f32 [tilespmem:s12], [sflag:$0x1], $0x80, s14, s13, $0xb8;
	[tilespmem:$0x1A800] =	vst v63  }
0x21: {  	_ = 	snop  }
0x22: {  	[spmem:s2] =	stream.indirect.scatter.add.f32 [tilespmem:s12], [sflag:$0x1], $0x80, s15, s13, $0xb8;
	[tilespmem:$0x1A800] =	vst v63  }
0x23: {  	_ =	swait.ge [sflag:s16], $0x4000  }
0x24: {  	[sflag:s16] =	ssyncset.done $0x0  }
0x25: {  	s18 =	simm.s32 $0xA00;
	s19 =	simm.s32 $0x200;
	[sflag:s16] =	ssyncadd.s32 $0xFFFFC000  }
.LBB2_2:
0x26: {  	[spmem:s2] =	stream.indirect.scatter.add.f32 [tilespmem:s12], [sflag:$0x1], $0x80, s19, s13, $0xb8;
	[tilespmem:$0x1A800] =	vst v63  }
0x27: {  	s19 =	smov.u32 s18;
	p0 =	sne.s32 s18, $0x9E00  }
.Ltmp0:
0x28: {  	s18 =	sadd.s32 $0x200, s18;
	(pc) =	sbr.rel @p0 .LBB2_2-.Ltmp0, $4  }
0x29: {  	_ = 	snop  }
0x2a: {  	_ =	swait.ge [sflag:s16], $0x4000  }
0x2b: {  	[sflag:s16] =	ssyncset.done $0x0  }
0x2c: {  	s19 =	sshra.s32 s19, $0x2;
	[sflag:s16] =	ssyncadd.s32 $0xFFFFC000  }
0x2d: {  	[spmem:s2] =	stream.indirect.scatter.add.f32 [tilespmem:s12], [sflag:$0x1], $0x80, s19, s13, $0xb8;
	[tilespmem:$0x1A800] =	vst v63  }
0x2e: {  	_ =	swait.ge [sflag:s16], $0x4000  }
0x2f: {  	[sflag:s16] =	ssyncset.done $0x0  }
0x30: {  	[sflag:s16] =	ssyncadd.s32 $0xFFFFC000  }
0x31: {  	_ =	swait.ge [sflag:s16], $0x4000  }
0x32: {  	[sflag:s16] =	ssyncset.done $0x0  }
0x33: {  	[sflag:s16] =	ssyncadd.s32 $0xFFFFC000  }
0x34: {  	_ =	swait.ge [sflag:s16], $0x4000  }
0x35: {  	[sflag:s16] =	ssyncset.done $0x0  }
0x36: {  	[sflag:s16] =	ssyncadd.s32 $0xFFFFC000  }
0x37: {  	_ =	swait.ge [sflag:s16], $0x4000  }
0x38: {  	s17 =	sadd.s32 $0x1, s17;
	[sflag:s16] =	ssyncset.done $0x0  }
0x39: {  	p0 =	sne.s32 s17, s9;
	[sflag:s16] =	ssyncadd.s32 $0xFFFFC000  }
.Ltmp1:
0x3a: {  	[bflag:$0x0] =	sbarrier.arrive $0xFFFF;
	(pc) =	sbr.rel @p0 .LBB2_1-.Ltmp1, $4  }
0x3b: {  	[hbm:s8], [sflag:s6] =	dma.local [spmem:s10], $0x2800  }
0x3c: {  	_ =	swait.ge [sflag:s11], $0x2800  }
0x3d: {  	[sflag:s11] =	ssyncset.done $0x0  }
0x3e: {  	[sflag:s11] =	ssyncadd.s32 $0xFFFFD800  }
0x3f: {  	_ =	sfence.sel $0x180000  }
0x40: {  	[bflag:$0x0] =	sbarrier.arrive $0xFFFF  }
0x41: {  	p0 =	sne.s32 s0, $0x0;
	_ =	strace $0x90000047  }
0x42: {  	s0 =	sadd.s32 @!p0 $0x100000, s1;
	[bflag:$0x2] =	sbarrier.arrive $0xFFFF  }
0x43: {  	[sflag:s0] =	ssyncadd.tile.s32 @!p0 $0x1;
	_ =	shalt  }
.Lfunc_end2:
_tile_overlayer_lowered:
.L_overlay_start_2:
0x44: {  	(tag) =	ssettag $0x2  }
0x45: {  	s0 =	rddreg [dreg:$0x0];
	s2 =	stileid.u32  }
0x46: {  	s1 =	rddreg [dreg:$0x1];
	p0 =	sne.s32 s2, $0x0  }
0x47: {  	s3 =	rddreg [dreg:$0x2];
	[bflag:$0x3] =	sbarrier.arrive $0xFFFF;
	s2 =	simm.s32 @!p0 $0x1C02  }
0x48: {  	[timem:s3], [sflag:s2] =	dma.local @!p0 [hbm:s0], s1  }
0x49: {  	s0 =	simm.s32 @!p0 $0x2  }
0x4a: {  	_ =	swait.ge @!p0 [sflag:s0], s1  }
0x4b: {  	s1 =	ssub.s32 @!p0 $0x0, s1;
	[sflag:s0] =	ssyncset.done @!p0 $0x0  }
0x4c: {  	[sflag:s0] =	ssyncadd.s32 @!p0 s1  }
0x4d: {  	[bflag:$0x3] =	sbarrier.arrive $0xFFFF  }
0x4e: {  	_ =	shalt  }

// kernel: kernel.14.cloned.1.call-start
scs
__scs_entry_jumppad:
0x0: {  	(pc) =	sbr.rel $0x88, $3  }
0x1: {  	(tag) =	ssettag $0x0;
	lr =	simm.s32 $0x1  }
0x2: {  	[smem:$0x3F94] =	sst lr;
	_ =	strace $0xD0000000  }
0x3: {  	_ = 	snop  }
0x4: {  	_ = 	snop  }
0x5: {  	_ = 	snop  }
0x6: {  	_ = 	snop  }
0x7: {  	_ = 	snop  }
__scs_overlays_trampoline_lowered:
0x8: {  	[smem:$0x3FA3] =	sst s0  }
0x9: {  	[smem:$0x3FA4] =	sst s1  }
0xa: {  	[smem:$0x3FA5] =	sst s2  }
0xb: {  	[smem:$0x3FA6] =	sst s3  }
0xc: {  	[smem:$0x3FA7] =	sst s4  }
0xd: {  	[smem:$0x3FA8] =	sst s5  }
0xe: {  	[smem:$0x3FA9] =	sst s6  }
0xf: {  	[smem:$0x3FAA] =	sst s7  }
0x10: {  	[smem:$0x3FAB] =	sst s8  }
0x11: {  	[smem:$0x3FAC] =	sst s9;
	s0 =	simm.s32 @!p0 $0x0  }
0x12: {  	s1 =	sld [smem:$0x3F92];
	s0 =	simm.s32 @p0 $0x1  }
0x13: {  	[smem:$0x3FAD] =	sst s0;
	s0 =	simm.s32 @!p1 $0x0  }
0x14: {  	s2 =	sld [smem:$0x3F91];
	s0 =	simm.s32 @p1 $0x1  }
0x15: {  	[smem:$0x3FAE] =	sst s0;
	s0 =	simm.s32 @!p2 $0x0  }
0x16: {  	s3 =	sld [smem:$0x3FDB];
	s0 =	simm.s32 @p2 $0x1  }
0x17: {  	s4 =	simm.s32 $0x1BF5;
	[smem:$0x3FB0] =	sst s0  }
0x18: {  	s0 =	sld [smem:$0x3F93];
	_ =	swait.ge [sflag:s4], $0x0  }
0x19: {  	s7 =	sld [smem:$0x3F94]  }
0x1a: {  	s8 =	sadd.s32 $0xFFFFE003, lr  }
0x1b: {  	s9 =	sadd.s32 $0xFFFFFEF7, lr;
	s5 =	simm.s32 $0xFFFFFFFF;
	p2 =	slt.u32 s8, $0xFFFFF086  }
0x1c: {  	p1 =	slt.u32 s9, $0xF7A;
	s5 =	simm.s32 @!p2 $0x0  }
0x1d: {  	s5 =	simm.s32 @p1 $0x1;
	p0 =	seq.s32 s7, s2  }
0x1e: {  	s7 =	smul.u32 @!p0 $0xF7A, s2;
	p2 =	seq.s32 @!p0 s5, $0x0  }
0x1f: {  	s9 =	smul.u32 $0xF7A, s1;
	s8 =	simm.s32 @!p0 $0x1BF5;
	p2 =	por !p2, p0  }
0x20: {  	[sflag:s8] =	ssyncset.s32 @!p0 $0xFFFFF086;
	s6 =	sadd.s32 @!p0 s3, s7;
	s7 =	simm.s32 @!p0 $0x108  }
0x21: {  	s3 =	sadd.s32 s3, s9;
	s6 =	sadd.s32 @!p0 $0x88, s6;
	s7 =	simm.s32 @p2 $0x1082  }
0x22: {  	[simem:s7], [sflag:s8] =	dma.local @!p0 [hbm:s6], $0xF7A  }
0x23: {  	s9 =	sor.u32 $0xD0000000, s2;
	s6 =	simm.s32 $0x108;
	_ =	swait.ge @!p0 [sflag:s8], $0x0  }
0x24: {  	s3 =	sadd.s32 $0x88, s3;
	s6 =	simm.s32 @!p1 $0x1082;
	[sflag:s4] =	ssyncset.s32 $0xFFFFF086  }
0x25: {  	[simem:s6], [sflag:s4] =	dma.local [hbm:s3], $0xF7A  }
0x26: {  	[smem:$0x3F94] =	sst s1;
	(tag) =	ssettag s2;
	_ =	strace s9  }
0x27: {  	s1 =	sld [smem:$0x3FA4]  }
0x28: {  	s2 =	sld [smem:$0x3FA5]  }
0x29: {  	s4 =	sld [smem:$0x3FA7]  }
0x2a: {  	p0 =	seq.s32 s5, $0x0;
	s5 =	sld [smem:$0x3FA8]  }
0x2b: {  	s6 =	sld [smem:$0x3FA9]  }
0x2c: {  	s7 =	sld [smem:$0x3FAA]  }
0x2d: {  	s3 =	simm.s32 $0x108;
	s8 =	sld [smem:$0x3FAB]  }
0x2e: {  	s3 =	simm.s32 @!p0 $0x1082;
	s9 =	sld [smem:$0x3FAC]  }
0x2f: {  	lr =	sadd.s32 s0, s3;
	s0 =	sld [smem:$0x3FA3]  }
0x30: {  	s3 =	sld [smem:$0x3FA6]  }
0x31: {  	[smem:$0x3FAF] =	sst s10  }
0x32: {  	s10 =	sld [smem:$0x3FAD];
	_ =	sdelay $0x3  }
0x33: {  	p0 =	seq.s32 s10, $0x1;
	s10 =	sld [smem:$0x3FAF];
	_ =	sdelay $0x3  }
0x34: {  	[smem:$0x3FAF] =	sst s10  }
0x35: {  	s10 =	sld [smem:$0x3FAE];
	_ =	sdelay $0x3  }
0x36: {  	p1 =	seq.s32 s10, $0x1;
	s10 =	sld [smem:$0x3FAF];
	_ =	sdelay $0x3  }
0x37: {  	[smem:$0x3FAF] =	sst s10  }
0x38: {  	s10 =	sld [smem:$0x3FB0]  }
0x39: {  	_ = 	snop;
	(pc) =	sbr.ind lr, $3  }
0x3a: {  	_ = 	snop  }
0x3b: {  	_ = 	snop  }
0x3c: {  	p2 =	seq.s32 s10, $0x1;
	s10 =	sld [smem:$0x3FAF]  }
0x3d: {  	_ =	shalt  }
0x3e: {  	_ =	shalt  }
0x3f: {  	_ =	shalt  }
0x40: {  	_ =	shalt  }
0x41: {  	_ =	shalt  }
0x42: {  	_ =	shalt  }
0x43: {  	_ =	shalt  }
0x44: {  	_ =	shalt  }
0x45: {  	_ =	shalt  }
0x46: {  	_ =	shalt  }
0x47: {  	_ =	shalt  }
0x48: {  	_ =	shalt  }
0x49: {  	_ =	shalt  }
0x4a: {  	_ =	shalt  }
0x4b: {  	_ =	shalt  }
0x4c: {  	_ =	shalt  }
0x4d: {  	_ =	shalt  }
0x4e: {  	_ =	shalt  }
0x4f: {  	_ =	shalt  }
0x50: {  	_ =	shalt  }
0x51: {  	_ =	shalt  }
0x52: {  	_ =	shalt  }
0x53: {  	_ =	shalt  }
0x54: {  	_ =	shalt  }
0x55: {  	_ =	shalt  }
0x56: {  	_ =	shalt  }
0x57: {  	_ =	shalt  }
0x58: {  	_ =	shalt  }
0x59: {  	_ =	shalt  }
0x5a: {  	_ =	shalt  }
0x5b: {  	_ =	shalt  }
0x5c: {  	_ =	shalt  }
0x5d: {  	_ =	shalt  }
0x5e: {  	_ =	shalt  }
0x5f: {  	_ =	shalt  }
0x60: {  	_ =	shalt  }
0x61: {  	_ =	shalt  }
0x62: {  	_ =	shalt  }
0x63: {  	_ =	shalt  }
0x64: {  	_ =	shalt  }
0x65: {  	_ =	shalt  }
0x66: {  	_ =	shalt  }
0x67: {  	_ =	shalt  }
0x68: {  	_ =	shalt  }
0x69: {  	_ =	shalt  }
0x6a: {  	_ =	shalt  }
0x6b: {  	_ =	shalt  }
0x6c: {  	_ =	shalt  }
0x6d: {  	_ =	shalt  }
0x6e: {  	_ =	shalt  }
0x6f: {  	_ =	shalt  }
0x70: {  	_ =	shalt  }
0x71: {  	_ =	shalt  }
0x72: {  	_ =	shalt  }
0x73: {  	_ =	shalt  }
0x74: {  	_ =	shalt  }
0x75: {  	_ =	shalt  }
0x76: {  	_ =	shalt  }
0x77: {  	_ =	shalt  }
0x78: {  	_ =	shalt  }
0x79: {  	_ =	shalt  }
0x7a: {  	_ =	shalt  }
0x7b: {  	_ =	shalt  }
0x7c: {  	_ =	shalt  }
0x7d: {  	_ =	shalt  }
0x7e: {  	_ =	shalt  }
0x7f: {  	_ =	shalt  }
0x80: {  	_ =	shalt  }
0x81: {  	_ =	shalt  }
0x82: {  	_ =	shalt  }
0x83: {  	_ =	shalt  }
0x84: {  	_ =	shalt  }
0x85: {  	_ =	shalt  }
0x86: {  	_ =	shalt  }
0x87: {  	_ =	shalt  }
.Lfunc_end0:
.L_simem_size_0:
called_computation.1_lowered:
.L_overlay_start_0:
0x88: {  	s2 =	sld [smem:$0x3FD9]  }
0x89: {  	s3 =	sld [smem:$0x3FFE];
	_ =	sdelay $0x1  }
0x8a: {  	s1 =	srdreg.scid  }
0x8b: {  	s0 =	sand.u32 $0x1, s1  }
0x8c: {  	s16 =	sshll.u32 s0, $0xA;
	s2 =	sadd.s32 s3, s2  }
0x8d: {  	s2 =	sadd.s32 s2, s16  }
0x8e: {  	[smem:$0x3FBB] =	sst s2  }
0x8f: {  	_ = 	snop  }
0x90: {  	(tm) =	ssettm $0x1  }
0x91: {  	s17 =	sld [smem:$0x3FFB];
	_ =	sdelay $0x3  }
0x92: {  	_ =	strace s17  }
0x93: {  	s2 =	sld [smem:$0x3FFC];
	_ =	sdelay $0x3  }
0x94: {  	_ =	strace s2  }
0x95: {  	s2 =	sld [smem:$0x3FFD];
	_ =	sdelay $0x3  }
0x96: {  	_ =	strace s2  }
0x97: {  	_ =	strace $0x8FFFFFFF  }
0x98: {  	s18 =	sld [smem:$0x3FDB];
	_ =	sdelay $0x1  }
0x99: {  	s19 =	simm.s32 $_scs_section_size  }
0x9a: {  	s4 =	simm.s32 $_size__tile_overlayer_lowered;
	s5 =	simm.s32 $_tile_overlayer_lowered  }
0x9b: {  	s22 =	simm.s32 $0x1BFF;
	s21 =	sshll.u32 s5, $0x1;
	s2 =	sadd.s32 s19, s18  }
0x9c: {  	s6 =	simm.s32 $0x0;
	s20 =	sshll.u32 s4, $0x1;
	s4 =	sadd.s32 s21, s2  }
0x9d: {  	[timem:s6], [sflag:s22] =	dma.local [hbm:s4], s20  }
0x9e: {  	_ =	swait.ge [sflag:s22], s20  }
0x9f: {  	s3 =	ssub.s32 $0x0, s20;
	[sflag:s22] =	ssyncset.done $0x0  }
0xa0: {  	[sflag:s22] =	ssyncadd.s32 s3;
	_ =	sdelay $0x1  }
0xa1: {  	s23 =	simm.s32 $0x1B8B  }
0xa2: {  	_ =	swait.ge [sflag:s23], $0x1  }
0xa3: {  	[sflag:s23] =	ssyncset.done $0x0  }
0xa4: {  	s25 =	simm.s32 $0x1B8E;
	s24 =	sld [smem:$0x3FFE];
	[sflag:s23] =	ssyncadd.s32 $0xFFFFFFFF  }
0xa5: {  	s26 =	simm.s32 $execute0_lowered;
	[smem:$0x3FD2] =	sst s25  }
0xa6: {  	s4 =	sshll.u32 s26, $0x1;
	_ =	strace $0x80000049;
	[dreg:$0x1] =	wrdreg $0xFFFFFFFF  }
0xa7: {  	s28 =	simm.s32 $_size_execute0_lowered;
	s2 =	sadd.s32 s2, s4;
	[dreg:$0x0] =	wrdreg $0x0  }
0xa8: {  	s4 =	sshll.u32 s28, $0x1;
	[dreg:$0x2] =	wrdreg s2  }
0xa9: {  	[dreg:$0x3] =	wrdreg s4  }
0xaa: {  	[dreg:$0x4] =	wrdreg $0xC0  }
0xab: {  	_ =	task [dreg:s6], $0x5FFFF  }
0xac: {  	[dreg:$0x1] =	wrdreg $0xFFFFFFFF  }
0xad: {  	[dreg:$0x0] =	wrdreg $0x60  }
0xae: {  	[dreg:$0x2] =	wrdreg s24  }
0xaf: {  	[dreg:$0x3] =	wrdreg $0xB0000  }
0xb0: {  	[dreg:$0x4] =	wrdreg $0x9  }
0xb1: {  	_ =	task.clear_ibuf [dreg:s6], $0x5FFFF;
	_ =	strace $0x90000049  }
0xb2: {  	s29 =	simm.s32 $0x9;
	_ =	strace $0x8000004B  }
0xb3: {  	_ =	swait.ge [sflag:s29], $0x1  }
0xb4: {  	[sflag:s29] =	ssyncadd.s32 $0xFFFFFFFF  }
0xb5: {  	_ =	strace $0x9000004B  }
0xb6: {  	_ =	sfence  }
0xb7: {  	s30 =	sld [smem:$0x0];
	_ =	sdelay $0x2  }
0xb8: {  	s31 =	sshll.u32 s1, $0xD;
	s1 =	sshrl.u32 s1, $0x2  }
0xb9: {  	s3 =	sand.u32 $0x4000, s31;
	s1 =	sadd.s32 s1, s30  }
0xba: {  	s0 =	sor.u32 s3, s0;
	s1 =	sshll.u32 s1, $0x11  }
0xbb: {  	s0 =	sor.u32 s1, s0  }
0xbc: {  	s0 =	sadd.s32 $0x8F2B, s0  }
0xbd: {  	[sflag:s0] =	ssyncadd.remote.s32 $0x1  }
0xbe: {  	_ =	sfence.sel $0xFFFF  }
0xbf: {  	[dreg:$0x0] =	wrdreg $0xFFFFFFFF;
	(pc) =	sbr.abs _section_cstart, $3  }
0xc0: {  	[dreg:$0x1] =	wrdreg $0xFFFFFFFF  }
0xc1: {  	_ =	task.clear_ibuf [dreg:s6], $0x2FFFF;
	_ =	strace $0x9FFFFFFF  }
0xc2: {  	(tm) =	ssettm $0x7FFFFFFF  }
0xc3: {  	_ =	shalt  }
tec
execute0_lowered:
.L_overlay_start_1:
0x0: {  	(tag) =	ssettag $0x1  }
0x1: {  	s0 =	rddreg [dreg:$0x0]  }
0x2: {  	s2 =	rddreg [dreg:$0x1]  }
0x3: {  	s11 =	stileid.u32;
	s1 =	srdreg.scid;
	s3 =	simm.s32 $0x0  }
0x4: {  	s29 =	simm.s32 $0x4;
	s31 =	simm.s32 $0x8;
	s5 =	smul.u32 $0x14000, s11  }
0x5: {  	s1 =	sand.u32 $0x1, s1;
	[smem:$0x7FF] =	sst s3;
	s9 =	smul.u32 $0x50000, s11  }
0x6: {  	s7 =	sshll.u32 s11, $0x1;
	s4 =	sadd.s32 $0x35A00, s0;
	s19 =	smul.u32 $0x1A400, s11  }
0x7: {  	s23 =	sshll.u32 s11, $0x6;
	s6 =	smul.u32 $0x140000, s1;
	_ =	strace $0x8000004A  }
0x8: {  	s7 =	sor.u32 s1, s7;
	s18 =	ssub.s32 $0x2, s1;
	s1 =	smul.u32 $0xD200, s1  }
0x9: {  	s14 =	sor.u32 $0x1C16, s23;
	s23 =	simm.s32 $0x180;
	s8 =	sshrl.u32 s5, $0x3  }
0xa: {  	s7 =	smul.u32 $0xD200, s7;
	s10 =	sshrl.u32 s18, $0x1;
	[dreg:$0xb] =	wrdreg s23  }
0xb: {  	s9 =	sshrl.u32 s9, $0x2;
	s23 =	simm.s32 $0xD;
	[dreg:$0x16] =	wrdreg s14  }
0xc: {  	s6 =	sadd.s32 s5, s6;
	s5 =	sadd.s32 $0x86200, s0;
	s8 =	sadd.s32 s8, s0  }
0xd: {  	s9 =	sadd.s32 s9, s2;
	s1 =	sadd.s32 s1, s19;
	s6 =	sshrl.u32 s6, $0x3  }
0xe: {  	s7 =	sshrl.u32 s7, $0x3;
	s24 =	sadd.s32 $0xDA00, s8;
	s25 =	sadd.s32 $0xA00, s1  }
0xf: {  	s28 =	sadd.s32 $0x900, s1;
	s30 =	sadd.s32 $0x800, s1;
	s15 =	sadd.s32 $0x500, s1  }
0x10: {  	s16 =	sadd.s32 $0x400, s1;
	[dreg:$0x10] =	wrdreg s5;
	s0 =	sadd.s32 s6, s0  }
0x11: {  	s12 =	sadd.s32 s5, s7;
	s6 =	ssub.s32 s18, s10;
	[dreg:$0x15] =	wrdreg s24  }
0x12: {  	s26 =	sshrl.u32 s25, $0x3;
	s25 =	simm.s32 $0x280;
	[dreg:$0x11] =	wrdreg s12  }
0x13: {  	s7 =	sshrl.u32 s28, $0x3;
	s28 =	simm.s32 $0x580;
	[dreg:$0xc] =	wrdreg s25  }
0x14: {  	s10 =	sshrl.u32 s30, $0x3;
	s30 =	simm.s32 $0x680;
	[dreg:$0xe] =	wrdreg s28  }
0x15: {  	s8 =	simm.s32 $0x600;
	s20 =	sadd.s32 $0x20, s12;
	[dreg:$0xf] =	wrdreg s30  }
0x16: {  	s18 =	sshrl.u32 s16, $0x3;
	s21 =	sadd.s32 $0x40, s12;
	[dreg:$0x12] =	wrdreg s20  }
0x17: {  	s24 =	simm.s32 $0x16;
	s22 =	sadd.s32 $0x60, s12;
	[dreg:$0x13] =	wrdreg s21  }
0x18: {  	s16 =	simm.s32 $0x7;
	s0 =	sadd.s32 $0xBAA00, s0;
	[dreg:$0x14] =	wrdreg s22  }
0x19: {  	s7 =	sadd.s32 s7, s5;
	s11 =	sadd.s32 s10, s5;
	[dreg:$0x17] =	wrdreg s0  }
0x1a: {  	s12 =	sadd.s32 $0x600, s1;
	s6 =	smax.u32 s6, $0x1;
	[dreg:$0x4] =	wrdreg s7  }
0x1b: {  	s19 =	sadd.s32 s18, s5;
	s1 =	sadd.s32 $0x700, s1;
	[dreg:$0x5] =	wrdreg s11  }
0x1c: {  	s10 =	simm.s32 $0x8000;
	s25 =	simm.s32 $0x12;
	[dreg:$0x18] =	wrdreg s6  }
0x1d: {  	s0 =	sadd.s32 s26, s5;
	s13 =	sshrl.u32 s12, $0x3;
	[dreg:$0x19] =	wrdreg s1  }
0x1e: {  	s7 =	sshrl.u32 s15, $0x3;
	[dreg:$0x8] =	wrdreg s19;
	s20 =	simm.s32 $0x80  }
0x1f: {  	s22 =	sshrl.u32 s9, $0x3;
	s21 =	simm.s32 $0x6800;
	s26 =	simm.s32 $0x380  }
0x20: {  	s1 =	simm.s32 $0x5;
	s9 =	simm.s32 $0x6;
	[dreg:$0x3] =	wrdreg s0  }
0x21: {  	s12 =	simm.s32 $0xA;
	s15 =	simm.s32 $0xF;
	[dreg:$0x9] =	wrdreg s20  }
0x22: {  	s6 =	simm.s32 $0xB;
	s11 =	simm.s32 $0xE;
	[dreg:$0xa] =	wrdreg s21  }
0x23: {  	s0 =	sadd.s32 s13, s5;
	s17 =	sadd.s32 s7, s5;
	[dreg:$0xd] =	wrdreg s26  }
0x24: {  	s21 =	simm.s32 $0x30;
	s7 =	simm.s32 $0x9;
	[dreg:$0x1a] =	wrdreg s22  }
0x25: {  	s13 =	simm.s32 $0x9800;
	s20 =	simm.s32 $0x10;
	[dreg:$0x6] =	wrdreg s0  }
0x26: {  	[dreg:$0x7] =	wrdreg s17;
	s0 =	simm.s32 $0x500;
	s17 =	simm.s32 $0x0  }
.LBB2_1:
0x27: {  	[dreg:$0x1b] =	wrdreg s17  }
0x28: {  	s5 =	rddreg [dreg:$0x11]  }
0x29: {  	s26 =	rddreg [dreg:$0x12]  }
0x2a: {  	[tilespmem:s3], [sflag:$0x1] =	stream.linear.gather [hbm4b:s5+s3], $0x100, $0x38;
	[tilespmem:$0x1F000] =	vst v63  }
0x2b: {  	s17 =	simm.s32 $0x100;
	s28 =	rddreg [dreg:$0x13]  }
0x2c: {  	[tilespmem:s17], [sflag:$0x2] =	stream.linear.gather [hbm4b:s26+s3], $0x100, $0x38;
	[tilespmem:$0x1F000] =	vst v63  }
0x2d: {  	s18 =	simm.s32 $0x200;
	s30 =	rddreg [dreg:$0x14]  }
0x2e: {  	[tilespmem:s18], [sflag:$0x3] =	stream.linear.gather [hbm4b:s28+s3], $0x100, $0x38;
	[tilespmem:$0x1F000] =	vst v63  }
0x2f: {  	s19 =	simm.s32 $0x300;
	s26 =	rddreg [dreg:$0x15]  }
0x30: {  	[tilespmem:s19], [sflag:$0x4] =	stream.linear.gather [hbm4b:s30+s3], $0x100, $0x38;
	[tilespmem:$0x1F000] =	vst v63  }
0x31: {  	[spmem:s22], [sflag:s14] =	dma.local [hbm:s26], $0x2800  }
0x32: {  	_ =	swait.ge [sflag:s24], $0x2800  }
0x33: {  	[sflag:s24] =	ssyncset.done $0x0  }
0x34: {  	[sflag:s24] =	ssyncadd.s32 $0xFFFFD800  }
0x35: {  	s28 =	simm.s32 $0x1;
	[bflag:$0x0] =	sbarrier.arrive $0xFFFF  }
0x36: {  	_ =	swait.ge [sflag:s28], $0x100  }
0x37: {  	[sflag:s28] =	ssyncset.done $0x0  }
0x38: {  	s5 =	simm.s32 $0x800;
	s30 =	simm.s32 $0x2;
	[sflag:s28] =	ssyncadd.s32 $0xFFFFFF00  }
0x39: {  	[tilespmem:s5], [sflag:$0x8] =	stream.indirect.gather [hbm4b:s4+s21], $0x80, s3, s21, $0xb8;
	[tilespmem:$0x1F000] =	vst v63  }
0x3a: {  	_ =	swait.ge [sflag:s30], $0x100  }
0x3b: {  	[sflag:s30] =	ssyncset.done $0x0  }
0x3c: {  	s22 =	simm.s32 $0x2000;
	[sflag:s30] =	ssyncadd.s32 $0xFFFFFF00  }
0x3d: {  	[tilespmem:s22], [sflag:$0x9] =	stream.indirect.gather [hbm4b:s4+s21], $0x80, s17, s21, $0xb8;
	[tilespmem:$0x1F000] =	vst v63  }
0x3e: {  	s17 =	simm.s32 $0x3  }
0x3f: {  	p0 =	por $0x1, $0x1;
	_ =	swait.ge [sflag:s17], $0x100  }
0x40: {  	p0 =	por p0, p0;
	[sflag:s17] =	ssyncset.done $0x0  }
0x41: {  	s14 =	simm.s32 @!p0 $0x13;
	s24 =	simm.s32 $0x3800;
	[sflag:s17] =	ssyncadd.s32 $0xFFFFFF00  }
0x42: {  	[tilespmem:s24], [sflag:$0xA] =	stream.indirect.gather [hbm4b:s4+s21], $0x80, s18, s21, $0xb8;
	[tilespmem:$0x1F000] =	vst v63  }
0x43: {  	_ =	swait.ge @!p0 [sflag:s14], $0x1800  }
0x44: {  	s18 =	rddreg [dreg:$0x8];
	[sflag:s14] =	ssyncset.done @!p0 $0x0  }
0x45: {  	s28 =	simm.s32 $0x400;
	[sflag:s14] =	ssyncadd.s32 @!p0 $0xFFFFE800;
	s26 =	sadd.s32 $0x0, s18  }
0x46: {  	[tilespmem:s28], [sflag:$0x5] =	stream.linear.gather [hbm4b:s26+s3], $0x100, $0x38;
	[tilespmem:$0x1F000] =	vst v63  }
0x47: {  	_ =	swait.ge [sflag:s29], $0x100  }
0x48: {  	[sflag:s29] =	ssyncset.done $0x0  }
0x49: {  	s26 =	simm.s32 $0x5000;
	[sflag:s29] =	ssyncadd.s32 $0xFFFFFF00  }
0x4a: {  	[tilespmem:s26], [sflag:$0xB] =	stream.indirect.gather [hbm4b:s4+s21], $0x80, s19, s21, $0xb8;
	[tilespmem:$0x1F000] =	vst v63  }
0x4b: {  	_ =	swait.ge [sflag:s31], $0x1800  }
0x4c: {  	[sflag:s31] =	ssyncset.done $0x0  }
0x4d: {  	s17 =	simm.s32 @!p0 $0x14;
	s30 =	rddreg [dreg:$0x9];
	[sflag:s31] =	ssyncadd.s32 $0xFFFFE800  }
0x4e: {  	[spmem:s2] =	stream.indirect.scatter.add.f32 [tilespmem:s5], [sflag:$0xF], $0x80, s30, s21, $0xb8;
	[tilespmem:$0x1F000] =	vst v63  }
0x4f: {  	_ =	swait.ge @!p0 [sflag:s17], $0x1800  }
0x50: {  	s5 =	rddreg [dreg:$0x7];
	[sflag:s17] =	ssyncset.done @!p0 $0x0  }
0x51: {  	[sflag:s17] =	ssyncadd.s32 @!p0 $0xFFFFE800;
	s14 =	sadd.s32 $0x0, s5  }
0x52: {  	[tilespmem:s0], [sflag:$0x6] =	stream.linear.gather [hbm4b:s14+s3], $0x100, $0x38;
	[tilespmem:$0x1F000] =	vst v63  }
0x53: {  	_ =	swait.ge [sflag:s1], $0x100  }
0x54: {  	[sflag:s1] =	ssyncset.done $0x0  }
0x55: {  	s17 =	rddreg [dreg:$0xa];
	[sflag:s1] =	ssyncadd.s32 $0xFFFFFF00  }
0x56: {  	[tilespmem:s17], [sflag:$0xC] =	stream.indirect.gather [hbm4b:s4+s21], $0x80, s28, s21, $0xb8;
	[tilespmem:$0x1F000] =	vst v63  }
0x57: {  	_ =	swait.ge [sflag:s7], $0x1800  }
0x58: {  	[sflag:s7] =	ssyncset.done $0x0  }
0x59: {  	s17 =	simm.s32 @!p0 $0x15;
	s18 =	rddreg [dreg:$0xb];
	[sflag:s7] =	ssyncadd.s32 $0xFFFFE800  }
0x5a: {  	[spmem:s2] =	stream.indirect.scatter.add.f32 [tilespmem:s22], [sflag:$0x10], $0x80, s18, s21, $0xb8;
	[tilespmem:$0x1F000] =	vst v63  }
0x5b: {  	_ =	swait.ge @!p0 [sflag:s17], $0x1800  }
0x5c: {  	s19 =	rddreg [dreg:$0x6];
	[sflag:s17] =	ssyncset.done @!p0 $0x0  }
0x5d: {  	[sflag:s17] =	ssyncadd.s32 @!p0 $0xFFFFE800;
	s14 =	sadd.s32 $0x0, s19  }
0x5e: {  	[tilespmem:s8], [sflag:$0x7] =	stream.linear.gather [hbm4b:s14+s3], $0x100, $0x38;
	[tilespmem:$0x1F000] =	vst v63  }
0x5f: {  	_ =	swait.ge [sflag:s9], $0x100  }
0x60: {  	[sflag:s9] =	ssyncset.done $0x0  }
0x61: {  	[sflag:s9] =	ssyncadd.s32 $0xFFFFFF00  }
0x62: {  	[tilespmem:s10], [sflag:$0xD] =	stream.indirect.gather [hbm4b:s4+s21], $0x80, s0, s21, $0xb8;
	[tilespmem:$0x1F000] =	vst v63  }
0x63: {  	_ =	swait.ge [sflag:s12], $0x1800  }
0x64: {  	[sflag:s12] =	ssyncset.done $0x0  }
0x65: {  	s22 =	rddreg [dreg:$0xc];
	[sflag:s12] =	ssyncadd.s32 $0xFFFFE800  }
0x66: {  	[spmem:s2] =	stream.indirect.scatter.add.f32 [tilespmem:s24], [sflag:$0x11], $0x80, s22, s21, $0xb8;
	[tilespmem:$0x1F000] =	vst v63  }
0x67: {  	_ =	swait.ge [sflag:s15], $0x1800  }
0x68: {  	p0 =	por $0x0, $0x0;
	s24 =	rddreg [dreg:$0x19]  }
0x69: {  	[sflag:s15] =	ssyncset.done $0x0;
	s5 =	rddreg [dreg:$0x10];
	s14 =	sshrl.u32 @!p0 s24, $0x3  }
0x6a: {  	[sflag:s15] =	ssyncadd.s32 $0xFFFFE800;
	s17 =	sadd.s32 @!p0 s5, s14;
	s14 =	simm.s32 @!p0 $0x0  }
0x6b: {  	[tilespmem:s14], [sflag:$0x1] =	stream.linear.gather @!p0 [hbm4b:s17+s14], $0x100, $0x38;
	[tilespmem:$0x1F000] =	vst v63  }
0x6c: {  	_ =	swait.ge [sflag:s16], $0x100  }
0x6d: {  	[sflag:s16] =	ssyncset.done $0x0  }
0x6e: {  	[sflag:s16] =	ssyncadd.s32 $0xFFFFFF00  }
0x6f: {  	[tilespmem:s13], [sflag:$0xE] =	stream.indirect.gather [hbm4b:s4+s21], $0x80, s8, s21, $0xb8;
	[tilespmem:$0x1F000] =	vst v63  }
0x70: {  	_ =	swait.ge [sflag:s6], $0x1800  }
0x71: {  	[sflag:s6] =	ssyncset.done $0x0  }
0x72: {  	s28 =	rddreg [dreg:$0xd];
	[sflag:s6] =	ssyncadd.s32 $0xFFFFE800  }
0x73: {  	[spmem:s2] =	stream.indirect.scatter.add.f32 [tilespmem:s26], [sflag:$0x12], $0x80, s28, s21, $0xb8;
	[tilespmem:$0x1F000] =	vst v63  }
0x74: {  	_ =	swait.ge [sflag:s20], $0x1800  }
0x75: {  	[sflag:s20] =	ssyncset.done $0x0  }
0x76: {  	s17 =	simm.s32 @p0 $0xC;
	[sflag:s20] =	ssyncadd.s32 $0xFFFFE800  }
0x77: {  	_ =	swait.ge @p0 [sflag:s17], $0x1800  }
0x78: {  	s18 =	simm.s32 @p0 $0x6800;
	s19 =	simm.s32 @p0 $0x11;
	[sflag:s17] =	ssyncset.done @p0 $0x0  }
0x79: {  	s22 =	simm.s32 @p0 $0x480;
	[sflag:s17] =	ssyncadd.s32 @p0 $0xFFFFE800;
	s17 =	simm.s32 @p0 $0x30  }
0x7a: {  	[spmem:s2] =	stream.indirect.scatter.add.f32 @p0 [tilespmem:s18], [sflag:$0x13], $0x80, s22, s17, $0xb8;
	[tilespmem:$0x1F000] =	vst v63  }
0x7b: {  	_ =	swait.ge @p0 [sflag:s19], $0x1800  }
0x7c: {  	s18 =	simm.s32 @!p0 $0x1;
	s17 =	rddreg [dreg:$0x5];
	[sflag:s19] =	ssyncset.done @p0 $0x0  }
0x7d: {  	[sflag:s19] =	ssyncadd.s32 @p0 $0xFFFFE800;
	s17 =	sadd.s32 @!p0 $0x0, s17;
	s19 =	simm.s32 @!p0 $0x100  }
0x7e: {  	[tilespmem:s19], [sflag:$0x2] =	stream.linear.gather @!p0 [hbm4b:s17+s14], $0x100, $0x38;
	[tilespmem:$0x1F000] =	vst v63  }
0x7f: {  	_ =	swait.ge @!p0 [sflag:s18], $0x100  }
0x80: {  	s22 =	simm.s32 @!p0 $0x800;
	[sflag:s18] =	ssyncset.done @!p0 $0x0  }
0x81: {  	s17 =	simm.s32 @!p0 $0xC;
	[sflag:s18] =	ssyncadd.s32 @!p0 $0xFFFFFF00;
	s18 =	simm.s32 @!p0 $0x30  }
0x82: {  	[tilespmem:s22], [sflag:$0x8] =	stream.indirect.gather @!p0 [hbm4b:s4+s18], $0x80, s14, s18, $0xb8;
	[tilespmem:$0x1F000] =	vst v63  }
0x83: {  	_ =	swait.ge @!p0 [sflag:s17], $0x1800  }
0x84: {  	[sflag:s17] =	ssyncset.done @!p0 $0x0  }
0x85: {  	s22 =	simm.s32 @!p0 $0x6800;
	[sflag:s17] =	ssyncadd.s32 @!p0 $0xFFFFE800;
	s17 =	simm.s32 @!p0 $0x480  }
0x86: {  	[spmem:s2] =	stream.indirect.scatter.add.f32 @!p0 [tilespmem:s22], [sflag:$0x13], $0x80, s17, s18, $0xb8;
	[tilespmem:$0x1F000] =	vst v63  }
0x87: {  	s17 =	simm.s32 @!p0 $0x11  }
0x88: {  	_ =	swait.ge @!p0 [sflag:s17], $0x1800  }
0x89: {  	s22 =	rddreg [dreg:$0x4];
	[sflag:s17] =	ssyncset.done @!p0 $0x0  }
0x8a: {  	[sflag:s17] =	ssyncadd.s32 @!p0 $0xFFFFE800;
	s17 =	sadd.s32 @!p0 $0x0, s22;
	s22 =	simm.s32 @!p0 $0x200  }
0x8b: {  	[tilespmem:s22], [sflag:$0x3] =	stream.linear.gather @!p0 [hbm4b:s17+s14], $0x100, $0x38;
	[tilespmem:$0x1F000] =	vst v63  }
0x8c: {  	s17 =	simm.s32 @!p0 $0x2  }
0x8d: {  	_ =	swait.ge @!p0 [sflag:s17], $0x100  }
0x8e: {  	[sflag:s17] =	ssyncset.done @!p0 $0x0  }
0x8f: {  	[sflag:s17] =	ssyncadd.s32 @!p0 $0xFFFFFF00;
	s17 =	simm.s32 @!p0 $0x2000  }
0x90: {  	[tilespmem:s17], [sflag:$0x9] =	stream.indirect.gather @!p0 [hbm4b:s4+s18], $0x80, s19, s18, $0xb8;
	[tilespmem:$0x1F000] =	vst v63  }
0x91: {  	_ =	swait.ge [sflag:s23], $0x1800  }
0x92: {  	[sflag:s23] =	ssyncset.done $0x0  }
0x93: {  	s30 =	rddreg [dreg:$0xe];
	[sflag:s23] =	ssyncadd.s32 $0xFFFFE800  }
0x94: {  	[spmem:s2] =	stream.indirect.scatter.add.f32 [tilespmem:s10], [sflag:$0x14], $0x80, s30, s21, $0xb8;
	[tilespmem:$0x1F000] =	vst v63  }
0x95: {  	_ =	swait.ge [sflag:s25], $0x1800  }
0x96: {  	s17 =	rddreg [dreg:$0x3];
	[sflag:s25] =	ssyncset.done $0x0  }
0x97: {  	s19 =	simm.s32 @!p0 $0x300;
	[sflag:s25] =	ssyncadd.s32 $0xFFFFE800;
	s17 =	sadd.s32 @!p0 $0x0, s17  }
0x98: {  	[tilespmem:s19], [sflag:$0x4] =	stream.linear.gather @!p0 [hbm4b:s17+s14], $0x100, $0x38;
	[tilespmem:$0x1F000] =	vst v63  }
0x99: {  	s14 =	simm.s32 @!p0 $0x3  }
0x9a: {  	_ =	swait.ge @!p0 [sflag:s14], $0x100  }
0x9b: {  	[sflag:s14] =	ssyncset.done @!p0 $0x0  }
0x9c: {  	[sflag:s14] =	ssyncadd.s32 @!p0 $0xFFFFFF00;
	s14 =	simm.s32 @!p0 $0x3800  }
0x9d: {  	[tilespmem:s14], [sflag:$0xA] =	stream.indirect.gather @!p0 [hbm4b:s4+s18], $0x80, s22, s18, $0xb8;
	[tilespmem:$0x1F000] =	vst v63  }
0x9e: {  	p6 =	por $0x0, $0x0;
	s19 =	sadd.s32 $0x700, s24;
	_ =	swait.ge [sflag:s11], $0x1800  }
0x9f: {  	s18 =	simm.s32 $0xE0;
	s14 =	simm.s32 $0x1C0;
	[sflag:s11] =	ssyncset.done $0x0  }
0xa0: {  	p0 =	por p6, p6;
	s17 =	rddreg [dreg:$0xf];
	[sflag:s11] =	ssyncadd.s32 $0xFFFFE800  }
.LBB2_2:
0xa1: {  	[spmem:s2] =	stream.indirect.scatter.add.f32 [tilespmem:s13], [sflag:$0x15], $0x80, s17, s21, $0xb8;
	[tilespmem:$0x1F000] =	vst v63  }
0xa2: {  	s22 =	simm.s32 @!p0 $0x13  }
0xa3: {  	_ =	swait.ge @!p0 [sflag:s22], $0x1800  }
0xa4: {  	[sflag:s22] =	ssyncset.done @!p0 $0x0;
	s24 =	rddreg [dreg:$0x8]  }
0xa5: {  	s26 =	simm.s32 $0x400;
	[sflag:s22] =	ssyncadd.s32 @!p0 $0xFFFFE800;
	s30 =	sadd.s32 s18, s24  }
0xa6: {  	[tilespmem:s26], [sflag:$0x5] =	stream.linear.gather [hbm4b:s30+s3], $0x100, $0x38;
	[tilespmem:$0x1F000] =	vst v63  }
0xa7: {  	_ =	swait.ge [sflag:s29], $0x100  }
0xa8: {  	[sflag:s29] =	ssyncset.done $0x0  }
0xa9: {  	s5 =	simm.s32 $0x300;
	s28 =	simm.s32 $0x5000;
	[sflag:s29] =	ssyncadd.s32 $0xFFFFFF00  }
0xaa: {  	[tilespmem:s28], [sflag:$0xB] =	stream.indirect.gather [hbm4b:s4+s21], $0x80, s5, s21, $0xb8;
	[tilespmem:$0x1F000] =	vst v63  }
0xab: {  	_ =	swait.ge [sflag:s31], $0x1800  }
0xac: {  	s24 =	simm.s32 @!p0 $0x14;
	[sflag:s31] =	ssyncset.done $0x0  }
0xad: {  	s30 =	simm.s32 $0x800;
	s5 =	rddreg [dreg:$0x9];
	[sflag:s31] =	ssyncadd.s32 $0xFFFFE800  }
0xae: {  	[spmem:s2] =	stream.indirect.scatter.add.f32 [tilespmem:s30], [sflag:$0xF], $0x80, s5, s21, $0xb8;
	[tilespmem:$0x1F000] =	vst v63  }
0xaf: {  	_ =	swait.ge @!p0 [sflag:s24], $0x1800  }
0xb0: {  	s5 =	rddreg [dreg:$0x7];
	[sflag:s24] =	ssyncset.done @!p0 $0x0  }
0xb1: {  	[sflag:s24] =	ssyncadd.s32 @!p0 $0xFFFFE800;
	s22 =	sadd.s32 s18, s5  }
0xb2: {  	[tilespmem:s0], [sflag:$0x6] =	stream.linear.gather [hbm4b:s22+s3], $0x100, $0x38;
	[tilespmem:$0x1F000] =	vst v63  }
0xb3: {  	_ =	swait.ge [sflag:s1], $0x100  }
0xb4: {  	[sflag:s1] =	ssyncset.done $0x0  }
0xb5: {  	s30 =	rddreg [dreg:$0xa];
	[sflag:s1] =	ssyncadd.s32 $0xFFFFFF00  }
0xb6: {  	[tilespmem:s30], [sflag:$0xC] =	stream.indirect.gather [hbm4b:s4+s21], $0x80, s26, s21, $0xb8;
	[tilespmem:$0x1F000] =	vst v63  }
0xb7: {  	_ =	swait.ge [sflag:s7], $0x1800  }
0xb8: {  	s24 =	simm.s32 @!p0 $0x15;
	[sflag:s7] =	ssyncset.done $0x0  }
0xb9: {  	s26 =	simm.s32 $0x2000;
	s5 =	rddreg [dreg:$0xb];
	[sflag:s7] =	ssyncadd.s32 $0xFFFFE800  }
0xba: {  	[spmem:s2] =	stream.indirect.scatter.add.f32 [tilespmem:s26], [sflag:$0x10], $0x80, s5, s21, $0xb8;
	[tilespmem:$0x1F000] =	vst v63  }
0xbb: {  	_ =	swait.ge @!p0 [sflag:s24], $0x1800  }
0xbc: {  	s30 =	rddreg [dreg:$0x6];
	[sflag:s24] =	ssyncset.done @!p0 $0x0  }
0xbd: {  	[sflag:s24] =	ssyncadd.s32 @!p0 $0xFFFFE800;
	s22 =	sadd.s32 s18, s30  }
0xbe: {  	[tilespmem:s8], [sflag:$0x7] =	stream.linear.gather [hbm4b:s22+s3], $0x100, $0x38;
	[tilespmem:$0x1F000] =	vst v63  }
0xbf: {  	_ =	swait.ge [sflag:s9], $0x100  }
0xc0: {  	[sflag:s9] =	ssyncset.done $0x0  }
0xc1: {  	[sflag:s9] =	ssyncadd.s32 $0xFFFFFF00  }
0xc2: {  	[tilespmem:s10], [sflag:$0xD] =	stream.indirect.gather [hbm4b:s4+s21], $0x80, s0, s21, $0xb8;
	[tilespmem:$0x1F000] =	vst v63  }
0xc3: {  	s17 =	smov.u32 s14;
	_ =	swait.ge [sflag:s12], $0x1800  }
0xc4: {  	p2 =	seq.s32 s17, $0x0;
	[sflag:s12] =	ssyncset.done $0x0  }
0xc5: {  	s24 =	simm.s32 $0x3800;
	s5 =	rddreg [dreg:$0xc];
	[sflag:s12] =	ssyncadd.s32 $0xFFFFE800  }
0xc6: {  	[spmem:s2] =	stream.indirect.scatter.add.f32 [tilespmem:s24], [sflag:$0x11], $0x80, s5, s21, $0xb8;
	[tilespmem:$0x1F000] =	vst v63  }
0xc7: {  	p0 =	por p2, p2;
	p2 =	seq.s32 s18, $0x1960;
	_ =	swait.ge [sflag:s15], $0x1800  }
0xc8: {  	s22 =	sshrl.u32 @!p2 s19, $0x3;
	[sflag:s15] =	ssyncset.done $0x0;
	s5 =	rddreg [dreg:$0x10]  }
0xc9: {  	[sflag:s15] =	ssyncadd.s32 $0xFFFFE800;
	s24 =	sadd.s32 @!p2 s5, s22;
	s22 =	simm.s32 @!p2 $0x0  }
0xca: {  	[tilespmem:s22], [sflag:$0x1] =	stream.linear.gather @!p2 [hbm4b:s24+s22], $0x100, $0x38;
	[tilespmem:$0x1F000] =	vst v63  }
0xcb: {  	_ =	swait.ge [sflag:s16], $0x100  }
0xcc: {  	[sflag:s16] =	ssyncset.done $0x0  }
0xcd: {  	[sflag:s16] =	ssyncadd.s32 $0xFFFFFF00  }
0xce: {  	[tilespmem:s13], [sflag:$0xE] =	stream.indirect.gather [hbm4b:s4+s21], $0x80, s8, s21, $0xb8;
	[tilespmem:$0x1F000] =	vst v63  }
0xcf: {  	_ =	swait.ge [sflag:s6], $0x1800  }
0xd0: {  	[sflag:s6] =	ssyncset.done $0x0  }
0xd1: {  	s26 =	rddreg [dreg:$0xd];
	[sflag:s6] =	ssyncadd.s32 $0xFFFFE800  }
0xd2: {  	[spmem:s2] =	stream.indirect.scatter.add.f32 [tilespmem:s28], [sflag:$0x12], $0x80, s26, s21, $0xb8;
	[tilespmem:$0x1F000] =	vst v63  }
0xd3: {  	_ =	swait.ge [sflag:s20], $0x1800  }
0xd4: {  	[sflag:s20] =	ssyncset.done $0x0  }
0xd5: {  	s24 =	simm.s32 @p2 $0xC;
	[sflag:s20] =	ssyncadd.s32 $0xFFFFE800  }
0xd6: {  	_ =	swait.ge @p2 [sflag:s24], $0x1800  }
0xd7: {  	s5 =	simm.s32 @p2 $0x11;
	s26 =	simm.s32 @p2 $0x6800;
	[sflag:s24] =	ssyncset.done @p2 $0x0  }
0xd8: {  	s28 =	simm.s32 @p2 $0x480;
	[sflag:s24] =	ssyncadd.s32 @p2 $0xFFFFE800;
	s24 =	simm.s32 @p2 $0x30  }
0xd9: {  	[spmem:s2] =	stream.indirect.scatter.add.f32 @p2 [tilespmem:s26], [sflag:$0x13], $0x80, s28, s24, $0xb8;
	[tilespmem:$0x1F000] =	vst v63  }
0xda: {  	_ =	swait.ge @p2 [sflag:s5], $0x1800  }
0xdb: {  	s26 =	simm.s32 @!p2 $0x1;
	s24 =	rddreg [dreg:$0x5];
	[sflag:s5] =	ssyncset.done @p2 $0x0  }
0xdc: {  	s28 =	simm.s32 @!p2 $0x100;
	[sflag:s5] =	ssyncadd.s32 @p2 $0xFFFFE800;
	s5 =	sadd.s32 @!p2 s18, s24  }
0xdd: {  	[tilespmem:s28], [sflag:$0x2] =	stream.linear.gather @!p2 [hbm4b:s5+s22], $0x100, $0x38;
	[tilespmem:$0x1F000] =	vst v63  }
0xde: {  	_ =	swait.ge @!p2 [sflag:s26], $0x100  }
0xdf: {  	s24 =	simm.s32 @!p2 $0x30;
	[sflag:s26] =	ssyncset.done @!p2 $0x0  }
0xe0: {  	s5 =	simm.s32 @!p2 $0xC;
	[sflag:s26] =	ssyncadd.s32 @!p2 $0xFFFFFF00;
	s26 =	simm.s32 @!p2 $0x800  }
0xe1: {  	[tilespmem:s26], [sflag:$0x8] =	stream.indirect.gather @!p2 [hbm4b:s4+s24], $0x80, s22, s24, $0xb8;
	[tilespmem:$0x1F000] =	vst v63  }
0xe2: {  	_ =	swait.ge @!p2 [sflag:s5], $0x1800  }
0xe3: {  	s30 =	simm.s32 @!p2 $0x6800;
	[sflag:s5] =	ssyncset.done @!p2 $0x0  }
0xe4: {  	s26 =	simm.s32 @!p2 $0x11;
	[sflag:s5] =	ssyncadd.s32 @!p2 $0xFFFFE800;
	s5 =	simm.s32 @!p2 $0x480  }
0xe5: {  	[spmem:s2] =	stream.indirect.scatter.add.f32 @!p2 [tilespmem:s30], [sflag:$0x13], $0x80, s5, s24, $0xb8;
	[tilespmem:$0x1F000] =	vst v63  }
0xe6: {  	_ =	swait.ge @!p2 [sflag:s26], $0x1800  }
0xe7: {  	s30 =	simm.s32 @!p2 $0x2;
	s5 =	rddreg [dreg:$0x4];
	[sflag:s26] =	ssyncset.done @!p2 $0x0  }
0xe8: {  	[sflag:s26] =	ssyncadd.s32 @!p2 $0xFFFFE800;
	s5 =	sadd.s32 @!p2 s18, s5;
	s26 =	simm.s32 @!p2 $0x200  }
0xe9: {  	[tilespmem:s26], [sflag:$0x3] =	stream.linear.gather @!p2 [hbm4b:s5+s22], $0x100, $0x38;
	[tilespmem:$0x1F000] =	vst v63  }
0xea: {  	_ =	swait.ge @!p2 [sflag:s30], $0x100  }
0xeb: {  	[sflag:s30] =	ssyncset.done @!p2 $0x0  }
0xec: {  	s5 =	simm.s32 @!p2 $0x2000;
	[sflag:s30] =	ssyncadd.s32 @!p2 $0xFFFFFF00  }
0xed: {  	[tilespmem:s5], [sflag:$0x9] =	stream.indirect.gather @!p2 [hbm4b:s4+s24], $0x80, s28, s24, $0xb8;
	[tilespmem:$0x1F000] =	vst v63  }
0xee: {  	_ =	swait.ge [sflag:s23], $0x1800  }
0xef: {  	[sflag:s23] =	ssyncset.done $0x0  }
0xf0: {  	s30 =	rddreg [dreg:$0xe];
	[sflag:s23] =	ssyncadd.s32 $0xFFFFE800  }
0xf1: {  	[spmem:s2] =	stream.indirect.scatter.add.f32 [tilespmem:s10], [sflag:$0x14], $0x80, s30, s21, $0xb8;
	[tilespmem:$0x1F000] =	vst v63  }
0xf2: {  	_ =	swait.ge [sflag:s25], $0x1800  }
0xf3: {  	s28 =	simm.s32 @!p2 $0x3;
	s5 =	rddreg [dreg:$0x3];
	[sflag:s25] =	ssyncset.done $0x0  }
0xf4: {  	[sflag:s25] =	ssyncadd.s32 $0xFFFFE800;
	s5 =	sadd.s32 @!p2 s18, s5;
	s18 =	simm.s32 @!p2 $0x300  }
0xf5: {  	[tilespmem:s18], [sflag:$0x4] =	stream.linear.gather @!p2 [hbm4b:s5+s22], $0x100, $0x38;
	[tilespmem:$0x1F000] =	vst v63  }
0xf6: {  	s14 =	sadd.s32 $0xE0, s14;
	_ =	swait.ge @!p2 [sflag:s28], $0x100  }
0xf7: {  	p1 =	sne.s32 s14, $0x1A40;
	[sflag:s28] =	ssyncset.done @!p2 $0x0  }
.Ltmp0:
0xf8: {  	s5 =	simm.s32 @!p2 $0x3800;
	[sflag:s28] =	ssyncadd.s32 @!p2 $0xFFFFFF00;
	(pc) =	sbr.rel @p1 .LBB2_2-.Ltmp0, $4  }
0xf9: {  	[tilespmem:s5], [sflag:$0xA] =	stream.indirect.gather @!p2 [hbm4b:s4+s24], $0x80, s26, s24, $0xb8;
	[tilespmem:$0x1F000] =	vst v63  }
0xfa: {  	_ =	swait.ge [sflag:s11], $0x1800  }
0xfb: {  	s19 =	sadd.s32 $0x700, s19;
	[sflag:s11] =	ssyncset.done $0x0  }
0xfc: {  	s18 =	smov.u32 s17;
	s17 =	rddreg [dreg:$0xf];
	[sflag:s11] =	ssyncadd.s32 $0xFFFFE800  }
0xfd: {  	[spmem:s2] =	stream.indirect.scatter.add.f32 [tilespmem:s13], [sflag:$0x15], $0x80, s17, s21, $0xb8;
	[tilespmem:$0x1F000] =	vst v63  }
0xfe: {  	s5 =	simm.s32 @!p0 $0x13  }
0xff: {  	_ =	swait.ge @!p0 [sflag:s5], $0x1800  }
0x100: {  	s14 =	rddreg [dreg:$0x8];
	[sflag:s5] =	ssyncset.done @!p0 $0x0  }
0x101: {  	s22 =	simm.s32 $0x400;
	[sflag:s5] =	ssyncadd.s32 @!p0 $0xFFFFE800;
	s24 =	sadd.s32 s18, s14  }
0x102: {  	[tilespmem:s22], [sflag:$0x5] =	stream.linear.gather [hbm4b:s24+s3], $0x100, $0x38;
	[tilespmem:$0x1F000] =	vst v63  }
0x103: {  	_ =	swait.ge [sflag:s29], $0x100  }
0x104: {  	[sflag:s29] =	ssyncset.done $0x0  }
0x105: {  	s26 =	simm.s32 $0x300;
	s24 =	simm.s32 $0x5000;
	[sflag:s29] =	ssyncadd.s32 $0xFFFFFF00  }
0x106: {  	[tilespmem:s24], [sflag:$0xB] =	stream.indirect.gather [hbm4b:s4+s21], $0x80, s26, s21, $0xb8;
	[tilespmem:$0x1F000] =	vst v63  }
0x107: {  	_ =	swait.ge [sflag:s31], $0x1800  }
0x108: {  	s30 =	simm.s32 $0x800;
	[sflag:s31] =	ssyncset.done $0x0  }
0x109: {  	s14 =	simm.s32 @!p0 $0x14;
	s28 =	rddreg [dreg:$0x9];
	[sflag:s31] =	ssyncadd.s32 $0xFFFFE800  }
0x10a: {  	[spmem:s2] =	stream.indirect.scatter.add.f32 [tilespmem:s30], [sflag:$0xF], $0x80, s28, s21, $0xb8;
	[tilespmem:$0x1F000] =	vst v63  }
0x10b: {  	_ =	swait.ge @!p0 [sflag:s14], $0x1800  }
0x10c: {  	s17 =	rddreg [dreg:$0x7];
	[sflag:s14] =	ssyncset.done @!p0 $0x0  }
0x10d: {  	[sflag:s14] =	ssyncadd.s32 @!p0 $0xFFFFE800;
	s5 =	sadd.s32 s18, s17  }
0x10e: {  	[tilespmem:s0], [sflag:$0x6] =	stream.linear.gather [hbm4b:s5+s3], $0x100, $0x38;
	[tilespmem:$0x1F000] =	vst v63  }
0x10f: {  	_ =	swait.ge [sflag:s1], $0x100  }
0x110: {  	[sflag:s1] =	ssyncset.done $0x0  }
0x111: {  	s26 =	rddreg [dreg:$0xa];
	[sflag:s1] =	ssyncadd.s32 $0xFFFFFF00  }
0x112: {  	[tilespmem:s26], [sflag:$0xC] =	stream.indirect.gather [hbm4b:s4+s21], $0x80, s22, s21, $0xb8;
	[tilespmem:$0x1F000] =	vst v63  }
0x113: {  	_ =	swait.ge [sflag:s7], $0x1800  }
0x114: {  	s30 =	simm.s32 $0x2000;
	[sflag:s7] =	ssyncset.done $0x0  }
0x115: {  	s14 =	simm.s32 @!p0 $0x15;
	s28 =	rddreg [dreg:$0xb];
	[sflag:s7] =	ssyncadd.s32 $0xFFFFE800  }
0x116: {  	[spmem:s2] =	stream.indirect.scatter.add.f32 [tilespmem:s30], [sflag:$0x10], $0x80, s28, s21, $0xb8;
	[tilespmem:$0x1F000] =	vst v63  }
0x117: {  	_ =	swait.ge @!p0 [sflag:s14], $0x1800  }
0x118: {  	s17 =	rddreg [dreg:$0x6];
	[sflag:s14] =	ssyncset.done @!p0 $0x0  }
0x119: {  	[sflag:s14] =	ssyncadd.s32 @!p0 $0xFFFFE800;
	s5 =	sadd.s32 s18, s17  }
0x11a: {  	[tilespmem:s8], [sflag:$0x7] =	stream.linear.gather [hbm4b:s5+s3], $0x100, $0x38;
	[tilespmem:$0x1F000] =	vst v63  }
0x11b: {  	_ =	swait.ge [sflag:s9], $0x100  }
0x11c: {  	[sflag:s9] =	ssyncset.done $0x0  }
0x11d: {  	[sflag:s9] =	ssyncadd.s32 $0xFFFFFF00  }
0x11e: {  	[tilespmem:s10], [sflag:$0xD] =	stream.indirect.gather [hbm4b:s4+s21], $0x80, s0, s21, $0xb8;
	[tilespmem:$0x1F000] =	vst v63  }
0x11f: {  	_ =	swait.ge [sflag:s12], $0x1800  }
0x120: {  	[sflag:s12] =	ssyncset.done $0x0  }
0x121: {  	s26 =	simm.s32 $0x3800;
	s22 =	rddreg [dreg:$0xc];
	[sflag:s12] =	ssyncadd.s32 $0xFFFFE800  }
0x122: {  	[spmem:s2] =	stream.indirect.scatter.add.f32 [tilespmem:s26], [sflag:$0x11], $0x80, s22, s21, $0xb8;
	[tilespmem:$0x1F000] =	vst v63  }
0x123: {  	p0 =	seq.s32 s18, $0x1960;
	_ =	swait.ge [sflag:s15], $0x1800  }
0x124: {  	s5 =	sshrl.u32 @!p0 s19, $0x3;
	[sflag:s15] =	ssyncset.done $0x0;
	s14 =	rddreg [dreg:$0x10]  }
0x125: {  	[sflag:s15] =	ssyncadd.s32 $0xFFFFE800;
	s5 =	sadd.s32 @!p0 s14, s5;
	s14 =	simm.s32 @!p0 $0x0  }
0x126: {  	[tilespmem:s14], [sflag:$0x1] =	stream.linear.gather @!p0 [hbm4b:s5+s14], $0x100, $0x38;
	[tilespmem:$0x1F000] =	vst v63  }
0x127: {  	_ =	swait.ge [sflag:s16], $0x100  }
0x128: {  	[sflag:s16] =	ssyncset.done $0x0  }
0x129: {  	[sflag:s16] =	ssyncadd.s32 $0xFFFFFF00  }
0x12a: {  	[tilespmem:s13], [sflag:$0xE] =	stream.indirect.gather [hbm4b:s4+s21], $0x80, s8, s21, $0xb8;
	[tilespmem:$0x1F000] =	vst v63  }
0x12b: {  	_ =	swait.ge [sflag:s6], $0x1800  }
0x12c: {  	[sflag:s6] =	ssyncset.done $0x0  }
0x12d: {  	s28 =	rddreg [dreg:$0xd];
	[sflag:s6] =	ssyncadd.s32 $0xFFFFE800  }
0x12e: {  	[spmem:s2] =	stream.indirect.scatter.add.f32 [tilespmem:s24], [sflag:$0x12], $0x80, s28, s21, $0xb8;
	[tilespmem:$0x1F000] =	vst v63  }
0x12f: {  	_ =	swait.ge [sflag:s20], $0x1800  }
0x130: {  	[sflag:s20] =	ssyncset.done $0x0  }
0x131: {  	s5 =	simm.s32 @p0 $0xC;
	[sflag:s20] =	ssyncadd.s32 $0xFFFFE800  }
0x132: {  	_ =	swait.ge @p0 [sflag:s5], $0x1800  }
0x133: {  	s17 =	simm.s32 @p0 $0x6800;
	s19 =	simm.s32 @p0 $0x11;
	[sflag:s5] =	ssyncset.done @p0 $0x0  }
0x134: {  	s22 =	simm.s32 @p0 $0x480;
	[sflag:s5] =	ssyncadd.s32 @p0 $0xFFFFE800;
	s5 =	simm.s32 @p0 $0x30  }
0x135: {  	[spmem:s2] =	stream.indirect.scatter.add.f32 @p0 [tilespmem:s17], [sflag:$0x13], $0x80, s22, s5, $0xb8;
	[tilespmem:$0x1F000] =	vst v63  }
0x136: {  	_ =	swait.ge @p0 [sflag:s19], $0x1800  }
0x137: {  	s17 =	simm.s32 @!p0 $0x1;
	s5 =	rddreg [dreg:$0x5];
	[sflag:s19] =	ssyncset.done @p0 $0x0  }
0x138: {  	[sflag:s19] =	ssyncadd.s32 @p0 $0xFFFFE800;
	s5 =	sadd.s32 @!p0 s18, s5;
	s19 =	simm.s32 @!p0 $0x100  }
0x139: {  	[tilespmem:s19], [sflag:$0x2] =	stream.linear.gather @!p0 [hbm4b:s5+s14], $0x100, $0x38;
	[tilespmem:$0x1F000] =	vst v63  }
0x13a: {  	_ =	swait.ge @!p0 [sflag:s17], $0x100  }
0x13b: {  	s22 =	simm.s32 @!p0 $0x800;
	[sflag:s17] =	ssyncset.done @!p0 $0x0  }
0x13c: {  	s5 =	simm.s32 @!p0 $0xC;
	[sflag:s17] =	ssyncadd.s32 @!p0 $0xFFFFFF00;
	s17 =	simm.s32 @!p0 $0x30  }
0x13d: {  	[tilespmem:s22], [sflag:$0x8] =	stream.indirect.gather @!p0 [hbm4b:s4+s17], $0x80, s14, s17, $0xb8;
	[tilespmem:$0x1F000] =	vst v63  }
0x13e: {  	_ =	swait.ge @!p0 [sflag:s5], $0x1800  }
0x13f: {  	[sflag:s5] =	ssyncset.done @!p0 $0x0  }
0x140: {  	s22 =	simm.s32 @!p0 $0x6800;
	[sflag:s5] =	ssyncadd.s32 @!p0 $0xFFFFE800;
	s5 =	simm.s32 @!p0 $0x480  }
0x141: {  	[spmem:s2] =	stream.indirect.scatter.add.f32 @!p0 [tilespmem:s22], [sflag:$0x13], $0x80, s5, s17, $0xb8;
	[tilespmem:$0x1F000] =	vst v63  }
0x142: {  	s5 =	simm.s32 @!p0 $0x11  }
0x143: {  	_ =	swait.ge @!p0 [sflag:s5], $0x1800  }
0x144: {  	s22 =	rddreg [dreg:$0x4];
	[sflag:s5] =	ssyncset.done @!p0 $0x0  }
0x145: {  	[sflag:s5] =	ssyncadd.s32 @!p0 $0xFFFFE800;
	s5 =	sadd.s32 @!p0 s18, s22;
	s22 =	simm.s32 @!p0 $0x200  }
0x146: {  	[tilespmem:s22], [sflag:$0x3] =	stream.linear.gather @!p0 [hbm4b:s5+s14], $0x100, $0x38;
	[tilespmem:$0x1F000] =	vst v63  }
0x147: {  	s5 =	simm.s32 @!p0 $0x2  }
0x148: {  	_ =	swait.ge @!p0 [sflag:s5], $0x100  }
0x149: {  	[sflag:s5] =	ssyncset.done @!p0 $0x0  }
0x14a: {  	[sflag:s5] =	ssyncadd.s32 @!p0 $0xFFFFFF00;
	s5 =	simm.s32 @!p0 $0x2000  }
0x14b: {  	[tilespmem:s5], [sflag:$0x9] =	stream.indirect.gather @!p0 [hbm4b:s4+s17], $0x80, s19, s17, $0xb8;
	[tilespmem:$0x1F000] =	vst v63  }
0x14c: {  	_ =	swait.ge [sflag:s23], $0x1800  }
0x14d: {  	[sflag:s23] =	ssyncset.done $0x0  }
0x14e: {  	s30 =	rddreg [dreg:$0xe];
	[sflag:s23] =	ssyncadd.s32 $0xFFFFE800  }
0x14f: {  	[spmem:s2] =	stream.indirect.scatter.add.f32 [tilespmem:s10], [sflag:$0x14], $0x80, s30, s21, $0xb8;
	[tilespmem:$0x1F000] =	vst v63  }
0x150: {  	_ =	swait.ge [sflag:s25], $0x1800  }
0x151: {  	s5 =	rddreg [dreg:$0x3];
	[sflag:s25] =	ssyncset.done $0x0  }
0x152: {  	[sflag:s25] =	ssyncadd.s32 $0xFFFFE800;
	s5 =	sadd.s32 @!p0 s18, s5;
	s18 =	simm.s32 @!p0 $0x300  }
0x153: {  	[tilespmem:s18], [sflag:$0x4] =	stream.linear.gather @!p0 [hbm4b:s5+s14], $0x100, $0x38;
	[tilespmem:$0x1F000] =	vst v63  }
0x154: {  	s5 =	simm.s32 @!p0 $0x3  }
0x155: {  	_ =	swait.ge @!p0 [sflag:s5], $0x100  }
0x156: {  	[sflag:s5] =	ssyncset.done @!p0 $0x0  }
0x157: {  	[sflag:s5] =	ssyncadd.s32 @!p0 $0xFFFFFF00;
	s5 =	simm.s32 @!p0 $0x3800  }
0x158: {  	[tilespmem:s5], [sflag:$0xA] =	stream.indirect.gather @!p0 [hbm4b:s4+s17], $0x80, s22, s17, $0xb8;
	[tilespmem:$0x1F000] =	vst v63  }
0x159: {  	_ =	swait.ge [sflag:s11], $0x1800  }
0x15a: {  	[sflag:s11] =	ssyncset.done $0x0  }
0x15b: {  	s19 =	simm.s32 $0x13;
	s18 =	rddreg [dreg:$0xf];
	[sflag:s11] =	ssyncadd.s32 $0xFFFFE800  }
0x15c: {  	[spmem:s2] =	stream.indirect.scatter.add.f32 [tilespmem:s13], [sflag:$0x15], $0x80, s18, s21, $0xb8;
	[tilespmem:$0x1F000] =	vst v63  }
0x15d: {  	_ =	swait.ge [sflag:s19], $0x1800  }
0x15e: {  	[sflag:s19] =	ssyncset.done $0x0  }
0x15f: {  	s22 =	simm.s32 $0x14;
	[sflag:s19] =	ssyncadd.s32 $0xFFFFE800  }
0x160: {  	_ =	swait.ge [sflag:s22], $0x1800  }
0x161: {  	[sflag:s22] =	ssyncset.done $0x0  }
0x162: {  	s24 =	simm.s32 $0x15;
	[sflag:s22] =	ssyncadd.s32 $0xFFFFE800  }
0x163: {  	_ =	swait.ge [sflag:s24], $0x1800  }
0x164: {  	[sflag:s24] =	ssyncset.done $0x0  }
0x165: {  	[sflag:s24] =	ssyncadd.s32 $0xFFFFE800  }
0x166: {  	[bflag:$0x0] =	sbarrier.arrive $0xFFFF  }
0x167: {  	s14 =	rddreg [dreg:$0x16]  }
0x168: {  	s26 =	rddreg [dreg:$0x17]  }
0x169: {  	s24 =	simm.s32 $0x16;
	s22 =	rddreg [dreg:$0x1a]  }
0x16a: {  	[hbm:s26], [sflag:s14] =	dma.local [spmem:s22], $0x2800  }
0x16b: {  	_ =	swait.ge [sflag:s24], $0x2800  }
0x16c: {  	s28 =	rddreg [dreg:$0x1b]  }
0x16d: {  	s30 =	rddreg [dreg:$0x18];
	s17 =	sadd.s32 $0x1, s28  }
0x16e: {  	p0 =	sne.s32 s17, s30  }
.Ltmp1:
0x16f: {  	_ = 	snop;
	(pc) =	sbr.rel @p0 .LBB2_1-.Ltmp1, $3  }
0x170: {  	_ =	sdelay $0x1  }
0x171: {  	[sflag:s24] =	ssyncset.done $0x0  }
0x172: {  	[sflag:s24] =	ssyncadd.s32 $0xFFFFD800  }
0x173: {  	_ =	sfence.sel $0x180000  }
0x174: {  	[bflag:$0x0] =	sbarrier.arrive $0xFFFF  }
0x175: {  	_ =	strace $0x9000004A  }
0x176: {  	s0 =	stileid.u32;
	[bflag:$0x2] =	sbarrier.arrive $0xFFFF  }
0x177: {  	p0 =	sne.s32 s0, $0x0;
	s0 =	rddreg [dreg:$0x2]  }
0x178: {  	s0 =	sadd.s32 @!p0 $0x100000, s0  }
0x179: {  	[sflag:s0] =	ssyncadd.tile.s32 @!p0 $0x1;
	_ =	shalt  }
.Lfunc_end2:
_tile_overlayer_lowered:
.L_overlay_start_2:
0x17a: {  	(tag) =	ssettag $0x2  }
0x17b: {  	s0 =	rddreg [dreg:$0x0];
	s2 =	stileid.u32  }
0x17c: {  	s1 =	rddreg [dreg:$0x1];
	p0 =	sne.s32 s2, $0x0  }
0x17d: {  	s3 =	rddreg [dreg:$0x2];
	[bflag:$0x3] =	sbarrier.arrive $0xFFFF;
	s2 =	simm.s32 @!p0 $0x1C16  }
0x17e: {  	[timem:s3], [sflag:s2] =	dma.local @!p0 [hbm:s0], s1  }
0x17f: {  	s0 =	simm.s32 @!p0 $0x16  }
0x180: {  	_ =	swait.ge @!p0 [sflag:s0], s1  }
0x181: {  	s1 =	ssub.s32 @!p0 $0x0, s1;
	[sflag:s0] =	ssyncset.done @!p0 $0x0  }
0x182: {  	[sflag:s0] =	ssyncadd.s32 @!p0 s1  }
0x183: {  	[bflag:$0x3] =	sbarrier.arrive $0xFFFF  }
0x184: {  	_ =	shalt  }

// kernel: kernel.17.cloned.1.call-start
scs
__scs_entry_jumppad:
0x0: {  	(pc) =	sbr.rel $0x88, $3  }
0x1: {  	(tag) =	ssettag $0x0;
	lr =	simm.s32 $0x1  }
0x2: {  	[smem:$0x3F94] =	sst lr;
	_ =	strace $0xD0000000  }
0x3: {  	_ = 	snop  }
0x4: {  	_ = 	snop  }
0x5: {  	_ = 	snop  }
0x6: {  	_ = 	snop  }
0x7: {  	_ = 	snop  }
__scs_overlays_trampoline_lowered:
0x8: {  	[smem:$0x3FA3] =	sst s0  }
0x9: {  	[smem:$0x3FA4] =	sst s1  }
0xa: {  	[smem:$0x3FA5] =	sst s2  }
0xb: {  	[smem:$0x3FA6] =	sst s3  }
0xc: {  	[smem:$0x3FA7] =	sst s4  }
0xd: {  	[smem:$0x3FA8] =	sst s5  }
0xe: {  	[smem:$0x3FA9] =	sst s6  }
0xf: {  	[smem:$0x3FAA] =	sst s7  }
0x10: {  	[smem:$0x3FAB] =	sst s8  }
0x11: {  	[smem:$0x3FAC] =	sst s9;
	s0 =	simm.s32 @!p0 $0x0  }
0x12: {  	s1 =	sld [smem:$0x3F92];
	s0 =	simm.s32 @p0 $0x1  }
0x13: {  	[smem:$0x3FAD] =	sst s0;
	s0 =	simm.s32 @!p1 $0x0  }
0x14: {  	s2 =	sld [smem:$0x3F91];
	s0 =	simm.s32 @p1 $0x1  }
0x15: {  	[smem:$0x3FAE] =	sst s0;
	s0 =	simm.s32 @!p2 $0x0  }
0x16: {  	s3 =	sld [smem:$0x3FDB];
	s0 =	simm.s32 @p2 $0x1  }
0x17: {  	s4 =	simm.s32 $0x1BF5;
	[smem:$0x3FB0] =	sst s0  }
0x18: {  	s0 =	sld [smem:$0x3F93];
	_ =	swait.ge [sflag:s4], $0x0  }
0x19: {  	s7 =	sld [smem:$0x3F94]  }
0x1a: {  	s8 =	sadd.s32 $0xFFFFE003, lr  }
0x1b: {  	s9 =	sadd.s32 $0xFFFFFEF7, lr;
	s5 =	simm.s32 $0xFFFFFFFF;
	p2 =	slt.u32 s8, $0xFFFFF086  }
0x1c: {  	p1 =	slt.u32 s9, $0xF7A;
	s5 =	simm.s32 @!p2 $0x0  }
0x1d: {  	s5 =	simm.s32 @p1 $0x1;
	p0 =	seq.s32 s7, s2  }
0x1e: {  	s7 =	smul.u32 @!p0 $0xF7A, s2;
	p2 =	seq.s32 @!p0 s5, $0x0  }
0x1f: {  	s9 =	smul.u32 $0xF7A, s1;
	s8 =	simm.s32 @!p0 $0x1BF5;
	p2 =	por !p2, p0  }
0x20: {  	[sflag:s8] =	ssyncset.s32 @!p0 $0xFFFFF086;
	s6 =	sadd.s32 @!p0 s3, s7;
	s7 =	simm.s32 @!p0 $0x108  }
0x21: {  	s3 =	sadd.s32 s3, s9;
	s6 =	sadd.s32 @!p0 $0x88, s6;
	s7 =	simm.s32 @p2 $0x1082  }
0x22: {  	[simem:s7], [sflag:s8] =	dma.local @!p0 [hbm:s6], $0xF7A  }
0x23: {  	s9 =	sor.u32 $0xD0000000, s2;
	s6 =	simm.s32 $0x108;
	_ =	swait.ge @!p0 [sflag:s8], $0x0  }
0x24: {  	s3 =	sadd.s32 $0x88, s3;
	s6 =	simm.s32 @!p1 $0x1082;
	[sflag:s4] =	ssyncset.s32 $0xFFFFF086  }
0x25: {  	[simem:s6], [sflag:s4] =	dma.local [hbm:s3], $0xF7A  }
0x26: {  	[smem:$0x3F94] =	sst s1;
	(tag) =	ssettag s2;
	_ =	strace s9  }
0x27: {  	s1 =	sld [smem:$0x3FA4]  }
0x28: {  	s2 =	sld [smem:$0x3FA5]  }
0x29: {  	s4 =	sld [smem:$0x3FA7]  }
0x2a: {  	p0 =	seq.s32 s5, $0x0;
	s5 =	sld [smem:$0x3FA8]  }
0x2b: {  	s6 =	sld [smem:$0x3FA9]  }
0x2c: {  	s7 =	sld [smem:$0x3FAA]  }
0x2d: {  	s3 =	simm.s32 $0x108;
	s8 =	sld [smem:$0x3FAB]  }
0x2e: {  	s3 =	simm.s32 @!p0 $0x1082;
	s9 =	sld [smem:$0x3FAC]  }
0x2f: {  	lr =	sadd.s32 s0, s3;
	s0 =	sld [smem:$0x3FA3]  }
0x30: {  	s3 =	sld [smem:$0x3FA6]  }
0x31: {  	[smem:$0x3FAF] =	sst s10  }
0x32: {  	s10 =	sld [smem:$0x3FAD];
	_ =	sdelay $0x3  }
0x33: {  	p0 =	seq.s32 s10, $0x1;
	s10 =	sld [smem:$0x3FAF];
	_ =	sdelay $0x3  }
0x34: {  	[smem:$0x3FAF] =	sst s10  }
0x35: {  	s10 =	sld [smem:$0x3FAE];
	_ =	sdelay $0x3  }
0x36: {  	p1 =	seq.s32 s10, $0x1;
	s10 =	sld [smem:$0x3FAF];
	_ =	sdelay $0x3  }
0x37: {  	[smem:$0x3FAF] =	sst s10  }
0x38: {  	s10 =	sld [smem:$0x3FB0]  }
0x39: {  	_ = 	snop;
	(pc) =	sbr.ind lr, $3  }
0x3a: {  	_ = 	snop  }
0x3b: {  	_ = 	snop  }
0x3c: {  	p2 =	seq.s32 s10, $0x1;
	s10 =	sld [smem:$0x3FAF]  }
0x3d: {  	_ =	shalt  }
0x3e: {  	_ =	shalt  }
0x3f: {  	_ =	shalt  }
0x40: {  	_ =	shalt  }
0x41: {  	_ =	shalt  }
0x42: {  	_ =	shalt  }
0x43: {  	_ =	shalt  }
0x44: {  	_ =	shalt  }
0x45: {  	_ =	shalt  }
0x46: {  	_ =	shalt  }
0x47: {  	_ =	shalt  }
0x48: {  	_ =	shalt  }
0x49: {  	_ =	shalt  }
0x4a: {  	_ =	shalt  }
0x4b: {  	_ =	shalt  }
0x4c: {  	_ =	shalt  }
0x4d: {  	_ =	shalt  }
0x4e: {  	_ =	shalt  }
0x4f: {  	_ =	shalt  }
0x50: {  	_ =	shalt  }
0x51: {  	_ =	shalt  }
0x52: {  	_ =	shalt  }
0x53: {  	_ =	shalt  }
0x54: {  	_ =	shalt  }
0x55: {  	_ =	shalt  }
0x56: {  	_ =	shalt  }
0x57: {  	_ =	shalt  }
0x58: {  	_ =	shalt  }
0x59: {  	_ =	shalt  }
0x5a: {  	_ =	shalt  }
0x5b: {  	_ =	shalt  }
0x5c: {  	_ =	shalt  }
0x5d: {  	_ =	shalt  }
0x5e: {  	_ =	shalt  }
0x5f: {  	_ =	shalt  }
0x60: {  	_ =	shalt  }
0x61: {  	_ =	shalt  }
0x62: {  	_ =	shalt  }
0x63: {  	_ =	shalt  }
0x64: {  	_ =	shalt  }
0x65: {  	_ =	shalt  }
0x66: {  	_ =	shalt  }
0x67: {  	_ =	shalt  }
0x68: {  	_ =	shalt  }
0x69: {  	_ =	shalt  }
0x6a: {  	_ =	shalt  }
0x6b: {  	_ =	shalt  }
0x6c: {  	_ =	shalt  }
0x6d: {  	_ =	shalt  }
0x6e: {  	_ =	shalt  }
0x6f: {  	_ =	shalt  }
0x70: {  	_ =	shalt  }
0x71: {  	_ =	shalt  }
0x72: {  	_ =	shalt  }
0x73: {  	_ =	shalt  }
0x74: {  	_ =	shalt  }
0x75: {  	_ =	shalt  }
0x76: {  	_ =	shalt  }
0x77: {  	_ =	shalt  }
0x78: {  	_ =	shalt  }
0x79: {  	_ =	shalt  }
0x7a: {  	_ =	shalt  }
0x7b: {  	_ =	shalt  }
0x7c: {  	_ =	shalt  }
0x7d: {  	_ =	shalt  }
0x7e: {  	_ =	shalt  }
0x7f: {  	_ =	shalt  }
0x80: {  	_ =	shalt  }
0x81: {  	_ =	shalt  }
0x82: {  	_ =	shalt  }
0x83: {  	_ =	shalt  }
0x84: {  	_ =	shalt  }
0x85: {  	_ =	shalt  }
0x86: {  	_ =	shalt  }
0x87: {  	_ =	shalt  }
.Lfunc_end0:
.L_simem_size_0:
called_computation.2_lowered:
.L_overlay_start_0:
0x88: {  	s2 =	sld [smem:$0x3FD9]  }
0x89: {  	s3 =	sld [smem:$0x3FFE];
	_ =	sdelay $0x1  }
0x8a: {  	s1 =	srdreg.scid  }
0x8b: {  	s0 =	sand.u32 $0x1, s1  }
0x8c: {  	s16 =	sshll.u32 s0, $0xA;
	s2 =	sadd.s32 s3, s2  }
0x8d: {  	s2 =	sadd.s32 s2, s16  }
0x8e: {  	[smem:$0x3FBB] =	sst s2  }
0x8f: {  	_ = 	snop  }
0x90: {  	(tm) =	ssettm $0x1  }
0x91: {  	s17 =	sld [smem:$0x3FFB];
	_ =	sdelay $0x3  }
0x92: {  	_ =	strace s17  }
0x93: {  	s2 =	sld [smem:$0x3FFC];
	_ =	sdelay $0x3  }
0x94: {  	_ =	strace s2  }
0x95: {  	s2 =	sld [smem:$0x3FFD];
	_ =	sdelay $0x3  }
0x96: {  	_ =	strace s2  }
0x97: {  	_ =	strace $0x8FFFFFFF  }
0x98: {  	s18 =	sld [smem:$0x3FDB];
	_ =	sdelay $0x1  }
0x99: {  	s19 =	simm.s32 $_scs_section_size  }
0x9a: {  	s4 =	simm.s32 $_size__tile_overlayer_lowered;
	s5 =	simm.s32 $_tile_overlayer_lowered  }
0x9b: {  	s22 =	simm.s32 $0x1BFF;
	s21 =	sshll.u32 s5, $0x1;
	s2 =	sadd.s32 s19, s18  }
0x9c: {  	s6 =	simm.s32 $0x0;
	s20 =	sshll.u32 s4, $0x1;
	s4 =	sadd.s32 s21, s2  }
0x9d: {  	[timem:s6], [sflag:s22] =	dma.local [hbm:s4], s20  }
0x9e: {  	_ =	swait.ge [sflag:s22], s20  }
0x9f: {  	s3 =	ssub.s32 $0x0, s20;
	[sflag:s22] =	ssyncset.done $0x0  }
0xa0: {  	[sflag:s22] =	ssyncadd.s32 s3;
	_ =	sdelay $0x1  }
0xa1: {  	s23 =	simm.s32 $0x1B8B  }
0xa2: {  	_ =	swait.ge [sflag:s23], $0x1  }
0xa3: {  	[sflag:s23] =	ssyncset.done $0x0  }
0xa4: {  	s25 =	simm.s32 $0x1B8E;
	s24 =	sld [smem:$0x3FFE];
	[sflag:s23] =	ssyncadd.s32 $0xFFFFFFFF  }
0xa5: {  	s26 =	simm.s32 $execute0_lowered;
	[smem:$0x3FD2] =	sst s25  }
0xa6: {  	s4 =	sshll.u32 s26, $0x1;
	_ =	strace $0x8000004C;
	[dreg:$0x1] =	wrdreg $0xFFFFFFFF  }
0xa7: {  	s28 =	simm.s32 $_size_execute0_lowered;
	s2 =	sadd.s32 s2, s4;
	[dreg:$0x0] =	wrdreg $0x0  }
0xa8: {  	s4 =	sshll.u32 s28, $0x1;
	[dreg:$0x2] =	wrdreg s2  }
0xa9: {  	[dreg:$0x3] =	wrdreg s4  }
0xaa: {  	[dreg:$0x4] =	wrdreg $0xC0  }
0xab: {  	_ =	task [dreg:s6], $0x5FFFF  }
0xac: {  	[dreg:$0x1] =	wrdreg $0xFFFFFFFF  }
0xad: {  	[dreg:$0x0] =	wrdreg $0x60  }
0xae: {  	[dreg:$0x2] =	wrdreg s24  }
0xaf: {  	[dreg:$0x3] =	wrdreg $0xB0000  }
0xb0: {  	[dreg:$0x4] =	wrdreg $0x9  }
0xb1: {  	_ =	task.clear_ibuf [dreg:s6], $0x5FFFF;
	_ =	strace $0x9000004C  }
0xb2: {  	s29 =	simm.s32 $0x9;
	_ =	strace $0x8000004E  }
0xb3: {  	_ =	swait.ge [sflag:s29], $0x1  }
0xb4: {  	[sflag:s29] =	ssyncadd.s32 $0xFFFFFFFF  }
0xb5: {  	_ =	strace $0x9000004E  }
0xb6: {  	_ =	sfence  }
0xb7: {  	s30 =	sld [smem:$0x0];
	_ =	sdelay $0x2  }
0xb8: {  	s31 =	sshll.u32 s1, $0xD;
	s1 =	sshrl.u32 s1, $0x2  }
0xb9: {  	s3 =	sand.u32 $0x4000, s31;
	s1 =	sadd.s32 s1, s30  }
0xba: {  	s0 =	sor.u32 s3, s0;
	s1 =	sshll.u32 s1, $0x11  }
0xbb: {  	s0 =	sor.u32 s1, s0  }
0xbc: {  	s0 =	sadd.s32 $0x8F2B, s0  }
0xbd: {  	[sflag:s0] =	ssyncadd.remote.s32 $0x1  }
0xbe: {  	_ =	sfence.sel $0xFFFF  }
0xbf: {  	[dreg:$0x0] =	wrdreg $0xFFFFFFFF;
	(pc) =	sbr.abs _section_cstart, $3  }
0xc0: {  	[dreg:$0x1] =	wrdreg $0xFFFFFFFF  }
0xc1: {  	_ =	task.clear_ibuf [dreg:s6], $0x2FFFF;
	_ =	strace $0x9FFFFFFF  }
0xc2: {  	(tm) =	ssettm $0x7FFFFFFF  }
0xc3: {  	_ =	shalt  }
tec
execute0_lowered:
.L_overlay_start_1:
0x0: {  	(tag) =	ssettag $0x1  }
0x1: {  	s0 =	rddreg [dreg:$0x0]  }
0x2: {  	s2 =	rddreg [dreg:$0x1]  }
0x3: {  	s11 =	stileid.u32;
	s1 =	srdreg.scid;
	s3 =	simm.s32 $0x0  }
0x4: {  	s29 =	simm.s32 $0x4;
	s31 =	simm.s32 $0x8;
	s5 =	smul.u32 $0x14000, s11  }
0x5: {  	s1 =	sand.u32 $0x1, s1;
	[smem:$0x7FF] =	sst s3;
	s9 =	smul.u32 $0x50000, s11  }
0x6: {  	s7 =	sshll.u32 s11, $0x1;
	s4 =	sadd.s32 $0x35A00, s0;
	s19 =	smul.u32 $0x1A400, s11  }
0x7: {  	s23 =	sshll.u32 s11, $0x6;
	s6 =	smul.u32 $0x140000, s1;
	_ =	strace $0x8000004D  }
0x8: {  	s7 =	sor.u32 s1, s7;
	s18 =	ssub.s32 $0x2, s1;
	s1 =	smul.u32 $0xD200, s1  }
0x9: {  	s14 =	sor.u32 $0x1C16, s23;
	s23 =	simm.s32 $0x180;
	s8 =	sshrl.u32 s5, $0x3  }
0xa: {  	s7 =	smul.u32 $0xD200, s7;
	s10 =	sshrl.u32 s18, $0x1;
	[dreg:$0xb] =	wrdreg s23  }
0xb: {  	s9 =	sshrl.u32 s9, $0x2;
	s23 =	simm.s32 $0xD;
	[dreg:$0x16] =	wrdreg s14  }
0xc: {  	s6 =	sadd.s32 s5, s6;
	s5 =	sadd.s32 $0x86200, s0;
	s8 =	sadd.s32 s8, s0  }
0xd: {  	s9 =	sadd.s32 s9, s2;
	s1 =	sadd.s32 s1, s19;
	s6 =	sshrl.u32 s6, $0x3  }
0xe: {  	s7 =	sshrl.u32 s7, $0x3;
	s24 =	sadd.s32 $0xDA00, s8;
	s25 =	sadd.s32 $0xA00, s1  }
0xf: {  	s28 =	sadd.s32 $0x900, s1;
	s30 =	sadd.s32 $0x800, s1;
	s15 =	sadd.s32 $0x500, s1  }
0x10: {  	s16 =	sadd.s32 $0x400, s1;
	[dreg:$0x10] =	wrdreg s5;
	s0 =	sadd.s32 s6, s0  }
0x11: {  	s12 =	sadd.s32 s5, s7;
	s6 =	ssub.s32 s18, s10;
	[dreg:$0x15] =	wrdreg s24  }
0x12: {  	s26 =	sshrl.u32 s25, $0x3;
	s25 =	simm.s32 $0x280;
	[dreg:$0x11] =	wrdreg s12  }
0x13: {  	s7 =	sshrl.u32 s28, $0x3;
	s28 =	simm.s32 $0x580;
	[dreg:$0xc] =	wrdreg s25  }
0x14: {  	s10 =	sshrl.u32 s30, $0x3;
	s30 =	simm.s32 $0x680;
	[dreg:$0xe] =	wrdreg s28  }
0x15: {  	s8 =	simm.s32 $0x600;
	s20 =	sadd.s32 $0x20, s12;
	[dreg:$0xf] =	wrdreg s30  }
0x16: {  	s18 =	sshrl.u32 s16, $0x3;
	s21 =	sadd.s32 $0x40, s12;
	[dreg:$0x12] =	wrdreg s20  }
0x17: {  	s24 =	simm.s32 $0x16;
	s22 =	sadd.s32 $0x60, s12;
	[dreg:$0x13] =	wrdreg s21  }
0x18: {  	s16 =	simm.s32 $0x7;
	s0 =	sadd.s32 $0xBAA00, s0;
	[dreg:$0x14] =	wrdreg s22  }
0x19: {  	s7 =	sadd.s32 s7, s5;
	s11 =	sadd.s32 s10, s5;
	[dreg:$0x17] =	wrdreg s0  }
0x1a: {  	s12 =	sadd.s32 $0x600, s1;
	s6 =	smax.u32 s6, $0x1;
	[dreg:$0x4] =	wrdreg s7  }
0x1b: {  	s19 =	sadd.s32 s18, s5;
	s1 =	sadd.s32 $0x700, s1;
	[dreg:$0x5] =	wrdreg s11  }
0x1c: {  	s10 =	simm.s32 $0x8000;
	s25 =	simm.s32 $0x12;
	[dreg:$0x18] =	wrdreg s6  }
0x1d: {  	s0 =	sadd.s32 s26, s5;
	s13 =	sshrl.u32 s12, $0x3;
	[dreg:$0x19] =	wrdreg s1  }
0x1e: {  	s7 =	sshrl.u32 s15, $0x3;
	[dreg:$0x8] =	wrdreg s19;
	s20 =	simm.s32 $0x80  }
0x1f: {  	s22 =	sshrl.u32 s9, $0x3;
	s21 =	simm.s32 $0x6800;
	s26 =	simm.s32 $0x380  }
0x20: {  	s1 =	simm.s32 $0x5;
	s9 =	simm.s32 $0x6;
	[dreg:$0x3] =	wrdreg s0  }
0x21: {  	s12 =	simm.s32 $0xA;
	s15 =	simm.s32 $0xF;
	[dreg:$0x9] =	wrdreg s20  }
0x22: {  	s6 =	simm.s32 $0xB;
	s11 =	simm.s32 $0xE;
	[dreg:$0xa] =	wrdreg s21  }
0x23: {  	s0 =	sadd.s32 s13, s5;
	s17 =	sadd.s32 s7, s5;
	[dreg:$0xd] =	wrdreg s26  }
0x24: {  	s21 =	simm.s32 $0x30;
	s7 =	simm.s32 $0x9;
	[dreg:$0x1a] =	wrdreg s22  }
0x25: {  	s13 =	simm.s32 $0x9800;
	s20 =	simm.s32 $0x10;
	[dreg:$0x6] =	wrdreg s0  }
0x26: {  	[dreg:$0x7] =	wrdreg s17;
	s0 =	simm.s32 $0x500;
	s17 =	simm.s32 $0x0  }
.LBB2_1:
0x27: {  	[dreg:$0x1b] =	wrdreg s17  }
0x28: {  	s5 =	rddreg [dreg:$0x11]  }
0x29: {  	s26 =	rddreg [dreg:$0x12]  }
0x2a: {  	[tilespmem:s3], [sflag:$0x1] =	stream.linear.gather [hbm4b:s5+s3], $0x100, $0x38;
	[tilespmem:$0x1F000] =	vst v63  }
0x2b: {  	s17 =	simm.s32 $0x100;
	s28 =	rddreg [dreg:$0x13]  }
0x2c: {  	[tilespmem:s17], [sflag:$0x2] =	stream.linear.gather [hbm4b:s26+s3], $0x100, $0x38;
	[tilespmem:$0x1F000] =	vst v63  }
0x2d: {  	s18 =	simm.s32 $0x200;
	s30 =	rddreg [dreg:$0x14]  }
0x2e: {  	[tilespmem:s18], [sflag:$0x3] =	stream.linear.gather [hbm4b:s28+s3], $0x100, $0x38;
	[tilespmem:$0x1F000] =	vst v63  }
0x2f: {  	s19 =	simm.s32 $0x300;
	s26 =	rddreg [dreg:$0x15]  }
0x30: {  	[tilespmem:s19], [sflag:$0x4] =	stream.linear.gather [hbm4b:s30+s3], $0x100, $0x38;
	[tilespmem:$0x1F000] =	vst v63  }
0x31: {  	[spmem:s22], [sflag:s14] =	dma.local [hbm:s26], $0x2800  }
0x32: {  	_ =	swait.ge [sflag:s24], $0x2800  }
0x33: {  	[sflag:s24] =	ssyncset.done $0x0  }
0x34: {  	[sflag:s24] =	ssyncadd.s32 $0xFFFFD800  }
0x35: {  	s28 =	simm.s32 $0x1;
	[bflag:$0x0] =	sbarrier.arrive $0xFFFF  }
0x36: {  	_ =	swait.ge [sflag:s28], $0x100  }
0x37: {  	[sflag:s28] =	ssyncset.done $0x0  }
0x38: {  	s5 =	simm.s32 $0x800;
	s30 =	simm.s32 $0x2;
	[sflag:s28] =	ssyncadd.s32 $0xFFFFFF00  }
0x39: {  	[tilespmem:s5], [sflag:$0x8] =	stream.indirect.gather [hbm4b:s4+s21], $0x80, s3, s21, $0xb8;
	[tilespmem:$0x1F000] =	vst v63  }
0x3a: {  	_ =	swait.ge [sflag:s30], $0x100  }
0x3b: {  	[sflag:s30] =	ssyncset.done $0x0  }
0x3c: {  	s22 =	simm.s32 $0x2000;
	[sflag:s30] =	ssyncadd.s32 $0xFFFFFF00  }
0x3d: {  	[tilespmem:s22], [sflag:$0x9] =	stream.indirect.gather [hbm4b:s4+s21], $0x80, s17, s21, $0xb8;
	[tilespmem:$0x1F000] =	vst v63  }
0x3e: {  	s17 =	simm.s32 $0x3  }
0x3f: {  	p0 =	por $0x1, $0x1;
	_ =	swait.ge [sflag:s17], $0x100  }
0x40: {  	p0 =	por p0, p0;
	[sflag:s17] =	ssyncset.done $0x0  }
0x41: {  	s14 =	simm.s32 @!p0 $0x13;
	s24 =	simm.s32 $0x3800;
	[sflag:s17] =	ssyncadd.s32 $0xFFFFFF00  }
0x42: {  	[tilespmem:s24], [sflag:$0xA] =	stream.indirect.gather [hbm4b:s4+s21], $0x80, s18, s21, $0xb8;
	[tilespmem:$0x1F000] =	vst v63  }
0x43: {  	_ =	swait.ge @!p0 [sflag:s14], $0x1800  }
0x44: {  	s18 =	rddreg [dreg:$0x8];
	[sflag:s14] =	ssyncset.done @!p0 $0x0  }
0x45: {  	s28 =	simm.s32 $0x400;
	[sflag:s14] =	ssyncadd.s32 @!p0 $0xFFFFE800;
	s26 =	sadd.s32 $0x0, s18  }
0x46: {  	[tilespmem:s28], [sflag:$0x5] =	stream.linear.gather [hbm4b:s26+s3], $0x100, $0x38;
	[tilespmem:$0x1F000] =	vst v63  }
0x47: {  	_ =	swait.ge [sflag:s29], $0x100  }
0x48: {  	[sflag:s29] =	ssyncset.done $0x0  }
0x49: {  	s26 =	simm.s32 $0x5000;
	[sflag:s29] =	ssyncadd.s32 $0xFFFFFF00  }
0x4a: {  	[tilespmem:s26], [sflag:$0xB] =	stream.indirect.gather [hbm4b:s4+s21], $0x80, s19, s21, $0xb8;
	[tilespmem:$0x1F000] =	vst v63  }
0x4b: {  	_ =	swait.ge [sflag:s31], $0x1800  }
0x4c: {  	[sflag:s31] =	ssyncset.done $0x0  }
0x4d: {  	s17 =	simm.s32 @!p0 $0x14;
	s30 =	rddreg [dreg:$0x9];
	[sflag:s31] =	ssyncadd.s32 $0xFFFFE800  }
0x4e: {  	[spmem:s2] =	stream.indirect.scatter.add.f32 [tilespmem:s5], [sflag:$0xF], $0x80, s30, s21, $0xb8;
	[tilespmem:$0x1F000] =	vst v63  }
0x4f: {  	_ =	swait.ge @!p0 [sflag:s17], $0x1800  }
0x50: {  	s5 =	rddreg [dreg:$0x7];
	[sflag:s17] =	ssyncset.done @!p0 $0x0  }
0x51: {  	[sflag:s17] =	ssyncadd.s32 @!p0 $0xFFFFE800;
	s14 =	sadd.s32 $0x0, s5  }
0x52: {  	[tilespmem:s0], [sflag:$0x6] =	stream.linear.gather [hbm4b:s14+s3], $0x100, $0x38;
	[tilespmem:$0x1F000] =	vst v63  }
0x53: {  	_ =	swait.ge [sflag:s1], $0x100  }
0x54: {  	[sflag:s1] =	ssyncset.done $0x0  }
0x55: {  	s17 =	rddreg [dreg:$0xa];
	[sflag:s1] =	ssyncadd.s32 $0xFFFFFF00  }
0x56: {  	[tilespmem:s17], [sflag:$0xC] =	stream.indirect.gather [hbm4b:s4+s21], $0x80, s28, s21, $0xb8;
	[tilespmem:$0x1F000] =	vst v63  }
0x57: {  	_ =	swait.ge [sflag:s7], $0x1800  }
0x58: {  	[sflag:s7] =	ssyncset.done $0x0  }
0x59: {  	s17 =	simm.s32 @!p0 $0x15;
	s18 =	rddreg [dreg:$0xb];
	[sflag:s7] =	ssyncadd.s32 $0xFFFFE800  }
0x5a: {  	[spmem:s2] =	stream.indirect.scatter.add.f32 [tilespmem:s22], [sflag:$0x10], $0x80, s18, s21, $0xb8;
	[tilespmem:$0x1F000] =	vst v63  }
0x5b: {  	_ =	swait.ge @!p0 [sflag:s17], $0x1800  }
0x5c: {  	s19 =	rddreg [dreg:$0x6];
	[sflag:s17] =	ssyncset.done @!p0 $0x0  }
0x5d: {  	[sflag:s17] =	ssyncadd.s32 @!p0 $0xFFFFE800;
	s14 =	sadd.s32 $0x0, s19  }
0x5e: {  	[tilespmem:s8], [sflag:$0x7] =	stream.linear.gather [hbm4b:s14+s3], $0x100, $0x38;
	[tilespmem:$0x1F000] =	vst v63  }
0x5f: {  	_ =	swait.ge [sflag:s9], $0x100  }
0x60: {  	[sflag:s9] =	ssyncset.done $0x0  }
0x61: {  	[sflag:s9] =	ssyncadd.s32 $0xFFFFFF00  }
0x62: {  	[tilespmem:s10], [sflag:$0xD] =	stream.indirect.gather [hbm4b:s4+s21], $0x80, s0, s21, $0xb8;
	[tilespmem:$0x1F000] =	vst v63  }
0x63: {  	_ =	swait.ge [sflag:s12], $0x1800  }
0x64: {  	[sflag:s12] =	ssyncset.done $0x0  }
0x65: {  	s22 =	rddreg [dreg:$0xc];
	[sflag:s12] =	ssyncadd.s32 $0xFFFFE800  }
0x66: {  	[spmem:s2] =	stream.indirect.scatter.add.f32 [tilespmem:s24], [sflag:$0x11], $0x80, s22, s21, $0xb8;
	[tilespmem:$0x1F000] =	vst v63  }
0x67: {  	_ =	swait.ge [sflag:s15], $0x1800  }
0x68: {  	p0 =	por $0x0, $0x0;
	s24 =	rddreg [dreg:$0x19]  }
0x69: {  	[sflag:s15] =	ssyncset.done $0x0;
	s5 =	rddreg [dreg:$0x10];
	s14 =	sshrl.u32 @!p0 s24, $0x3  }
0x6a: {  	[sflag:s15] =	ssyncadd.s32 $0xFFFFE800;
	s17 =	sadd.s32 @!p0 s5, s14;
	s14 =	simm.s32 @!p0 $0x0  }
0x6b: {  	[tilespmem:s14], [sflag:$0x1] =	stream.linear.gather @!p0 [hbm4b:s17+s14], $0x100, $0x38;
	[tilespmem:$0x1F000] =	vst v63  }
0x6c: {  	_ =	swait.ge [sflag:s16], $0x100  }
0x6d: {  	[sflag:s16] =	ssyncset.done $0x0  }
0x6e: {  	[sflag:s16] =	ssyncadd.s32 $0xFFFFFF00  }
0x6f: {  	[tilespmem:s13], [sflag:$0xE] =	stream.indirect.gather [hbm4b:s4+s21], $0x80, s8, s21, $0xb8;
	[tilespmem:$0x1F000] =	vst v63  }
0x70: {  	_ =	swait.ge [sflag:s6], $0x1800  }
0x71: {  	[sflag:s6] =	ssyncset.done $0x0  }
0x72: {  	s28 =	rddreg [dreg:$0xd];
	[sflag:s6] =	ssyncadd.s32 $0xFFFFE800  }
0x73: {  	[spmem:s2] =	stream.indirect.scatter.add.f32 [tilespmem:s26], [sflag:$0x12], $0x80, s28, s21, $0xb8;
	[tilespmem:$0x1F000] =	vst v63  }
0x74: {  	_ =	swait.ge [sflag:s20], $0x1800  }
0x75: {  	[sflag:s20] =	ssyncset.done $0x0  }
0x76: {  	s17 =	simm.s32 @p0 $0xC;
	[sflag:s20] =	ssyncadd.s32 $0xFFFFE800  }
0x77: {  	_ =	swait.ge @p0 [sflag:s17], $0x1800  }
0x78: {  	s18 =	simm.s32 @p0 $0x6800;
	s19 =	simm.s32 @p0 $0x11;
	[sflag:s17] =	ssyncset.done @p0 $0x0  }
0x79: {  	s22 =	simm.s32 @p0 $0x480;
	[sflag:s17] =	ssyncadd.s32 @p0 $0xFFFFE800;
	s17 =	simm.s32 @p0 $0x30  }
0x7a: {  	[spmem:s2] =	stream.indirect.scatter.add.f32 @p0 [tilespmem:s18], [sflag:$0x13], $0x80, s22, s17, $0xb8;
	[tilespmem:$0x1F000] =	vst v63  }
0x7b: {  	_ =	swait.ge @p0 [sflag:s19], $0x1800  }
0x7c: {  	s18 =	simm.s32 @!p0 $0x1;
	s17 =	rddreg [dreg:$0x5];
	[sflag:s19] =	ssyncset.done @p0 $0x0  }
0x7d: {  	[sflag:s19] =	ssyncadd.s32 @p0 $0xFFFFE800;
	s17 =	sadd.s32 @!p0 $0x0, s17;
	s19 =	simm.s32 @!p0 $0x100  }
0x7e: {  	[tilespmem:s19], [sflag:$0x2] =	stream.linear.gather @!p0 [hbm4b:s17+s14], $0x100, $0x38;
	[tilespmem:$0x1F000] =	vst v63  }
0x7f: {  	_ =	swait.ge @!p0 [sflag:s18], $0x100  }
0x80: {  	s22 =	simm.s32 @!p0 $0x800;
	[sflag:s18] =	ssyncset.done @!p0 $0x0  }
0x81: {  	s17 =	simm.s32 @!p0 $0xC;
	[sflag:s18] =	ssyncadd.s32 @!p0 $0xFFFFFF00;
	s18 =	simm.s32 @!p0 $0x30  }
0x82: {  	[tilespmem:s22], [sflag:$0x8] =	stream.indirect.gather @!p0 [hbm4b:s4+s18], $0x80, s14, s18, $0xb8;
	[tilespmem:$0x1F000] =	vst v63  }
0x83: {  	_ =	swait.ge @!p0 [sflag:s17], $0x1800  }
0x84: {  	[sflag:s17] =	ssyncset.done @!p0 $0x0  }
0x85: {  	s22 =	simm.s32 @!p0 $0x6800;
	[sflag:s17] =	ssyncadd.s32 @!p0 $0xFFFFE800;
	s17 =	simm.s32 @!p0 $0x480  }
0x86: {  	[spmem:s2] =	stream.indirect.scatter.add.f32 @!p0 [tilespmem:s22], [sflag:$0x13], $0x80, s17, s18, $0xb8;
	[tilespmem:$0x1F000] =	vst v63  }
0x87: {  	s17 =	simm.s32 @!p0 $0x11  }
0x88: {  	_ =	swait.ge @!p0 [sflag:s17], $0x1800  }
0x89: {  	s22 =	rddreg [dreg:$0x4];
	[sflag:s17] =	ssyncset.done @!p0 $0x0  }
0x8a: {  	[sflag:s17] =	ssyncadd.s32 @!p0 $0xFFFFE800;
	s17 =	sadd.s32 @!p0 $0x0, s22;
	s22 =	simm.s32 @!p0 $0x200  }
0x8b: {  	[tilespmem:s22], [sflag:$0x3] =	stream.linear.gather @!p0 [hbm4b:s17+s14], $0x100, $0x38;
	[tilespmem:$0x1F000] =	vst v63  }
0x8c: {  	s17 =	simm.s32 @!p0 $0x2  }
0x8d: {  	_ =	swait.ge @!p0 [sflag:s17], $0x100  }
0x8e: {  	[sflag:s17] =	ssyncset.done @!p0 $0x0  }
0x8f: {  	[sflag:s17] =	ssyncadd.s32 @!p0 $0xFFFFFF00;
	s17 =	simm.s32 @!p0 $0x2000  }
0x90: {  	[tilespmem:s17], [sflag:$0x9] =	stream.indirect.gather @!p0 [hbm4b:s4+s18], $0x80, s19, s18, $0xb8;
	[tilespmem:$0x1F000] =	vst v63  }
0x91: {  	_ =	swait.ge [sflag:s23], $0x1800  }
0x92: {  	[sflag:s23] =	ssyncset.done $0x0  }
0x93: {  	s30 =	rddreg [dreg:$0xe];
	[sflag:s23] =	ssyncadd.s32 $0xFFFFE800  }
0x94: {  	[spmem:s2] =	stream.indirect.scatter.add.f32 [tilespmem:s10], [sflag:$0x14], $0x80, s30, s21, $0xb8;
	[tilespmem:$0x1F000] =	vst v63  }
0x95: {  	_ =	swait.ge [sflag:s25], $0x1800  }
0x96: {  	s17 =	rddreg [dreg:$0x3];
	[sflag:s25] =	ssyncset.done $0x0  }
0x97: {  	s19 =	simm.s32 @!p0 $0x300;
	[sflag:s25] =	ssyncadd.s32 $0xFFFFE800;
	s17 =	sadd.s32 @!p0 $0x0, s17  }
0x98: {  	[tilespmem:s19], [sflag:$0x4] =	stream.linear.gather @!p0 [hbm4b:s17+s14], $0x100, $0x38;
	[tilespmem:$0x1F000] =	vst v63  }
0x99: {  	s14 =	simm.s32 @!p0 $0x3  }
0x9a: {  	_ =	swait.ge @!p0 [sflag:s14], $0x100  }
0x9b: {  	[sflag:s14] =	ssyncset.done @!p0 $0x0  }
0x9c: {  	[sflag:s14] =	ssyncadd.s32 @!p0 $0xFFFFFF00;
	s14 =	simm.s32 @!p0 $0x3800  }
0x9d: {  	[tilespmem:s14], [sflag:$0xA] =	stream.indirect.gather @!p0 [hbm4b:s4+s18], $0x80, s22, s18, $0xb8;
	[tilespmem:$0x1F000] =	vst v63  }
0x9e: {  	p6 =	por $0x0, $0x0;
	s19 =	sadd.s32 $0x700, s24;
	_ =	swait.ge [sflag:s11], $0x1800  }
0x9f: {  	s18 =	simm.s32 $0xE0;
	s14 =	simm.s32 $0x1C0;
	[sflag:s11] =	ssyncset.done $0x0  }
0xa0: {  	p0 =	por p6, p6;
	s17 =	rddreg [dreg:$0xf];
	[sflag:s11] =	ssyncadd.s32 $0xFFFFE800  }
.LBB2_2:
0xa1: {  	[spmem:s2] =	stream.indirect.scatter.add.f32 [tilespmem:s13], [sflag:$0x15], $0x80, s17, s21, $0xb8;
	[tilespmem:$0x1F000] =	vst v63  }
0xa2: {  	s22 =	simm.s32 @!p0 $0x13  }
0xa3: {  	_ =	swait.ge @!p0 [sflag:s22], $0x1800  }
0xa4: {  	[sflag:s22] =	ssyncset.done @!p0 $0x0;
	s24 =	rddreg [dreg:$0x8]  }
0xa5: {  	s26 =	simm.s32 $0x400;
	[sflag:s22] =	ssyncadd.s32 @!p0 $0xFFFFE800;
	s30 =	sadd.s32 s18, s24  }
0xa6: {  	[tilespmem:s26], [sflag:$0x5] =	stream.linear.gather [hbm4b:s30+s3], $0x100, $0x38;
	[tilespmem:$0x1F000] =	vst v63  }
0xa7: {  	_ =	swait.ge [sflag:s29], $0x100  }
0xa8: {  	[sflag:s29] =	ssyncset.done $0x0  }
0xa9: {  	s5 =	simm.s32 $0x300;
	s28 =	simm.s32 $0x5000;
	[sflag:s29] =	ssyncadd.s32 $0xFFFFFF00  }
0xaa: {  	[tilespmem:s28], [sflag:$0xB] =	stream.indirect.gather [hbm4b:s4+s21], $0x80, s5, s21, $0xb8;
	[tilespmem:$0x1F000] =	vst v63  }
0xab: {  	_ =	swait.ge [sflag:s31], $0x1800  }
0xac: {  	s24 =	simm.s32 @!p0 $0x14;
	[sflag:s31] =	ssyncset.done $0x0  }
0xad: {  	s30 =	simm.s32 $0x800;
	s5 =	rddreg [dreg:$0x9];
	[sflag:s31] =	ssyncadd.s32 $0xFFFFE800  }
0xae: {  	[spmem:s2] =	stream.indirect.scatter.add.f32 [tilespmem:s30], [sflag:$0xF], $0x80, s5, s21, $0xb8;
	[tilespmem:$0x1F000] =	vst v63  }
0xaf: {  	_ =	swait.ge @!p0 [sflag:s24], $0x1800  }
0xb0: {  	s5 =	rddreg [dreg:$0x7];
	[sflag:s24] =	ssyncset.done @!p0 $0x0  }
0xb1: {  	[sflag:s24] =	ssyncadd.s32 @!p0 $0xFFFFE800;
	s22 =	sadd.s32 s18, s5  }
0xb2: {  	[tilespmem:s0], [sflag:$0x6] =	stream.linear.gather [hbm4b:s22+s3], $0x100, $0x38;
	[tilespmem:$0x1F000] =	vst v63  }
0xb3: {  	_ =	swait.ge [sflag:s1], $0x100  }
0xb4: {  	[sflag:s1] =	ssyncset.done $0x0  }
0xb5: {  	s30 =	rddreg [dreg:$0xa];
	[sflag:s1] =	ssyncadd.s32 $0xFFFFFF00  }
0xb6: {  	[tilespmem:s30], [sflag:$0xC] =	stream.indirect.gather [hbm4b:s4+s21], $0x80, s26, s21, $0xb8;
	[tilespmem:$0x1F000] =	vst v63  }
0xb7: {  	_ =	swait.ge [sflag:s7], $0x1800  }
0xb8: {  	s24 =	simm.s32 @!p0 $0x15;
	[sflag:s7] =	ssyncset.done $0x0  }
0xb9: {  	s26 =	simm.s32 $0x2000;
	s5 =	rddreg [dreg:$0xb];
	[sflag:s7] =	ssyncadd.s32 $0xFFFFE800  }
0xba: {  	[spmem:s2] =	stream.indirect.scatter.add.f32 [tilespmem:s26], [sflag:$0x10], $0x80, s5, s21, $0xb8;
	[tilespmem:$0x1F000] =	vst v63  }
0xbb: {  	_ =	swait.ge @!p0 [sflag:s24], $0x1800  }
0xbc: {  	s30 =	rddreg [dreg:$0x6];
	[sflag:s24] =	ssyncset.done @!p0 $0x0  }
0xbd: {  	[sflag:s24] =	ssyncadd.s32 @!p0 $0xFFFFE800;
	s22 =	sadd.s32 s18, s30  }
0xbe: {  	[tilespmem:s8], [sflag:$0x7] =	stream.linear.gather [hbm4b:s22+s3], $0x100, $0x38;
	[tilespmem:$0x1F000] =	vst v63  }
0xbf: {  	_ =	swait.ge [sflag:s9], $0x100  }
0xc0: {  	[sflag:s9] =	ssyncset.done $0x0  }
0xc1: {  	[sflag:s9] =	ssyncadd.s32 $0xFFFFFF00  }
0xc2: {  	[tilespmem:s10], [sflag:$0xD] =	stream.indirect.gather [hbm4b:s4+s21], $0x80, s0, s21, $0xb8;
	[tilespmem:$0x1F000] =	vst v63  }
0xc3: {  	s17 =	smov.u32 s14;
	_ =	swait.ge [sflag:s12], $0x1800  }
0xc4: {  	p2 =	seq.s32 s17, $0x0;
	[sflag:s12] =	ssyncset.done $0x0  }
0xc5: {  	s24 =	simm.s32 $0x3800;
	s5 =	rddreg [dreg:$0xc];
	[sflag:s12] =	ssyncadd.s32 $0xFFFFE800  }
0xc6: {  	[spmem:s2] =	stream.indirect.scatter.add.f32 [tilespmem:s24], [sflag:$0x11], $0x80, s5, s21, $0xb8;
	[tilespmem:$0x1F000] =	vst v63  }
0xc7: {  	p0 =	por p2, p2;
	p2 =	seq.s32 s18, $0x1960;
	_ =	swait.ge [sflag:s15], $0x1800  }
0xc8: {  	s22 =	sshrl.u32 @!p2 s19, $0x3;
	[sflag:s15] =	ssyncset.done $0x0;
	s5 =	rddreg [dreg:$0x10]  }
0xc9: {  	[sflag:s15] =	ssyncadd.s32 $0xFFFFE800;
	s24 =	sadd.s32 @!p2 s5, s22;
	s22 =	simm.s32 @!p2 $0x0  }
0xca: {  	[tilespmem:s22], [sflag:$0x1] =	stream.linear.gather @!p2 [hbm4b:s24+s22], $0x100, $0x38;
	[tilespmem:$0x1F000] =	vst v63  }
0xcb: {  	_ =	swait.ge [sflag:s16], $0x100  }
0xcc: {  	[sflag:s16] =	ssyncset.done $0x0  }
0xcd: {  	[sflag:s16] =	ssyncadd.s32 $0xFFFFFF00  }
0xce: {  	[tilespmem:s13], [sflag:$0xE] =	stream.indirect.gather [hbm4b:s4+s21], $0x80, s8, s21, $0xb8;
	[tilespmem:$0x1F000] =	vst v63  }
0xcf: {  	_ =	swait.ge [sflag:s6], $0x1800  }
0xd0: {  	[sflag:s6] =	ssyncset.done $0x0  }
0xd1: {  	s26 =	rddreg [dreg:$0xd];
	[sflag:s6] =	ssyncadd.s32 $0xFFFFE800  }
0xd2: {  	[spmem:s2] =	stream.indirect.scatter.add.f32 [tilespmem:s28], [sflag:$0x12], $0x80, s26, s21, $0xb8;
	[tilespmem:$0x1F000] =	vst v63  }
0xd3: {  	_ =	swait.ge [sflag:s20], $0x1800  }
0xd4: {  	[sflag:s20] =	ssyncset.done $0x0  }
0xd5: {  	s24 =	simm.s32 @p2 $0xC;
	[sflag:s20] =	ssyncadd.s32 $0xFFFFE800  }
0xd6: {  	_ =	swait.ge @p2 [sflag:s24], $0x1800  }
0xd7: {  	s5 =	simm.s32 @p2 $0x11;
	s26 =	simm.s32 @p2 $0x6800;
	[sflag:s24] =	ssyncset.done @p2 $0x0  }
0xd8: {  	s28 =	simm.s32 @p2 $0x480;
	[sflag:s24] =	ssyncadd.s32 @p2 $0xFFFFE800;
	s24 =	simm.s32 @p2 $0x30  }
0xd9: {  	[spmem:s2] =	stream.indirect.scatter.add.f32 @p2 [tilespmem:s26], [sflag:$0x13], $0x80, s28, s24, $0xb8;
	[tilespmem:$0x1F000] =	vst v63  }
0xda: {  	_ =	swait.ge @p2 [sflag:s5], $0x1800  }
0xdb: {  	s26 =	simm.s32 @!p2 $0x1;
	s24 =	rddreg [dreg:$0x5];
	[sflag:s5] =	ssyncset.done @p2 $0x0  }
0xdc: {  	s28 =	simm.s32 @!p2 $0x100;
	[sflag:s5] =	ssyncadd.s32 @p2 $0xFFFFE800;
	s5 =	sadd.s32 @!p2 s18, s24  }
0xdd: {  	[tilespmem:s28], [sflag:$0x2] =	stream.linear.gather @!p2 [hbm4b:s5+s22], $0x100, $0x38;
	[tilespmem:$0x1F000] =	vst v63  }
0xde: {  	_ =	swait.ge @!p2 [sflag:s26], $0x100  }
0xdf: {  	s24 =	simm.s32 @!p2 $0x30;
	[sflag:s26] =	ssyncset.done @!p2 $0x0  }
0xe0: {  	s5 =	simm.s32 @!p2 $0xC;
	[sflag:s26] =	ssyncadd.s32 @!p2 $0xFFFFFF00;
	s26 =	simm.s32 @!p2 $0x800  }
0xe1: {  	[tilespmem:s26], [sflag:$0x8] =	stream.indirect.gather @!p2 [hbm4b:s4+s24], $0x80, s22, s24, $0xb8;
	[tilespmem:$0x1F000] =	vst v63  }
0xe2: {  	_ =	swait.ge @!p2 [sflag:s5], $0x1800  }
0xe3: {  	s30 =	simm.s32 @!p2 $0x6800;
	[sflag:s5] =	ssyncset.done @!p2 $0x0  }
0xe4: {  	s26 =	simm.s32 @!p2 $0x11;
	[sflag:s5] =	ssyncadd.s32 @!p2 $0xFFFFE800;
	s5 =	simm.s32 @!p2 $0x480  }
0xe5: {  	[spmem:s2] =	stream.indirect.scatter.add.f32 @!p2 [tilespmem:s30], [sflag:$0x13], $0x80, s5, s24, $0xb8;
	[tilespmem:$0x1F000] =	vst v63  }
0xe6: {  	_ =	swait.ge @!p2 [sflag:s26], $0x1800  }
0xe7: {  	s30 =	simm.s32 @!p2 $0x2;
	s5 =	rddreg [dreg:$0x4];
	[sflag:s26] =	ssyncset.done @!p2 $0x0  }
0xe8: {  	[sflag:s26] =	ssyncadd.s32 @!p2 $0xFFFFE800;
	s5 =	sadd.s32 @!p2 s18, s5;
	s26 =	simm.s32 @!p2 $0x200  }
0xe9: {  	[tilespmem:s26], [sflag:$0x3] =	stream.linear.gather @!p2 [hbm4b:s5+s22], $0x100, $0x38;
	[tilespmem:$0x1F000] =	vst v63  }
0xea: {  	_ =	swait.ge @!p2 [sflag:s30], $0x100  }
0xeb: {  	[sflag:s30] =	ssyncset.done @!p2 $0x0  }
0xec: {  	s5 =	simm.s32 @!p2 $0x2000;
	[sflag:s30] =	ssyncadd.s32 @!p2 $0xFFFFFF00  }
0xed: {  	[tilespmem:s5], [sflag:$0x9] =	stream.indirect.gather @!p2 [hbm4b:s4+s24], $0x80, s28, s24, $0xb8;
	[tilespmem:$0x1F000] =	vst v63  }
0xee: {  	_ =	swait.ge [sflag:s23], $0x1800  }
0xef: {  	[sflag:s23] =	ssyncset.done $0x0  }
0xf0: {  	s30 =	rddreg [dreg:$0xe];
	[sflag:s23] =	ssyncadd.s32 $0xFFFFE800  }
0xf1: {  	[spmem:s2] =	stream.indirect.scatter.add.f32 [tilespmem:s10], [sflag:$0x14], $0x80, s30, s21, $0xb8;
	[tilespmem:$0x1F000] =	vst v63  }
0xf2: {  	_ =	swait.ge [sflag:s25], $0x1800  }
0xf3: {  	s28 =	simm.s32 @!p2 $0x3;
	s5 =	rddreg [dreg:$0x3];
	[sflag:s25] =	ssyncset.done $0x0  }
0xf4: {  	[sflag:s25] =	ssyncadd.s32 $0xFFFFE800;
	s5 =	sadd.s32 @!p2 s18, s5;
	s18 =	simm.s32 @!p2 $0x300  }
0xf5: {  	[tilespmem:s18], [sflag:$0x4] =	stream.linear.gather @!p2 [hbm4b:s5+s22], $0x100, $0x38;
	[tilespmem:$0x1F000] =	vst v63  }
0xf6: {  	s14 =	sadd.s32 $0xE0, s14;
	_ =	swait.ge @!p2 [sflag:s28], $0x100  }
0xf7: {  	p1 =	sne.s32 s14, $0x1A40;
	[sflag:s28] =	ssyncset.done @!p2 $0x0  }
.Ltmp0:
0xf8: {  	s5 =	simm.s32 @!p2 $0x3800;
	[sflag:s28] =	ssyncadd.s32 @!p2 $0xFFFFFF00;
	(pc) =	sbr.rel @p1 .LBB2_2-.Ltmp0, $4  }
0xf9: {  	[tilespmem:s5], [sflag:$0xA] =	stream.indirect.gather @!p2 [hbm4b:s4+s24], $0x80, s26, s24, $0xb8;
	[tilespmem:$0x1F000] =	vst v63  }
0xfa: {  	_ =	swait.ge [sflag:s11], $0x1800  }
0xfb: {  	s19 =	sadd.s32 $0x700, s19;
	[sflag:s11] =	ssyncset.done $0x0  }
0xfc: {  	s18 =	smov.u32 s17;
	s17 =	rddreg [dreg:$0xf];
	[sflag:s11] =	ssyncadd.s32 $0xFFFFE800  }
0xfd: {  	[spmem:s2] =	stream.indirect.scatter.add.f32 [tilespmem:s13], [sflag:$0x15], $0x80, s17, s21, $0xb8;
	[tilespmem:$0x1F000] =	vst v63  }
0xfe: {  	s5 =	simm.s32 @!p0 $0x13  }
0xff: {  	_ =	swait.ge @!p0 [sflag:s5], $0x1800  }
0x100: {  	s14 =	rddreg [dreg:$0x8];
	[sflag:s5] =	ssyncset.done @!p0 $0x0  }
0x101: {  	s22 =	simm.s32 $0x400;
	[sflag:s5] =	ssyncadd.s32 @!p0 $0xFFFFE800;
	s24 =	sadd.s32 s18, s14  }
0x102: {  	[tilespmem:s22], [sflag:$0x5] =	stream.linear.gather [hbm4b:s24+s3], $0x100, $0x38;
	[tilespmem:$0x1F000] =	vst v63  }
0x103: {  	_ =	swait.ge [sflag:s29], $0x100  }
0x104: {  	[sflag:s29] =	ssyncset.done $0x0  }
0x105: {  	s26 =	simm.s32 $0x300;
	s24 =	simm.s32 $0x5000;
	[sflag:s29] =	ssyncadd.s32 $0xFFFFFF00  }
0x106: {  	[tilespmem:s24], [sflag:$0xB] =	stream.indirect.gather [hbm4b:s4+s21], $0x80, s26, s21, $0xb8;
	[tilespmem:$0x1F000] =	vst v63  }
0x107: {  	_ =	swait.ge [sflag:s31], $0x1800  }
0x108: {  	s30 =	simm.s32 $0x800;
	[sflag:s31] =	ssyncset.done $0x0  }
0x109: {  	s14 =	simm.s32 @!p0 $0x14;
	s28 =	rddreg [dreg:$0x9];
	[sflag:s31] =	ssyncadd.s32 $0xFFFFE800  }
0x10a: {  	[spmem:s2] =	stream.indirect.scatter.add.f32 [tilespmem:s30], [sflag:$0xF], $0x80, s28, s21, $0xb8;
	[tilespmem:$0x1F000] =	vst v63  }
0x10b: {  	_ =	swait.ge @!p0 [sflag:s14], $0x1800  }
0x10c: {  	s17 =	rddreg [dreg:$0x7];
	[sflag:s14] =	ssyncset.done @!p0 $0x0  }
0x10d: {  	[sflag:s14] =	ssyncadd.s32 @!p0 $0xFFFFE800;
	s5 =	sadd.s32 s18, s17  }
0x10e: {  	[tilespmem:s0], [sflag:$0x6] =	stream.linear.gather [hbm4b:s5+s3], $0x100, $0x38;
	[tilespmem:$0x1F000] =	vst v63  }
0x10f: {  	_ =	swait.ge [sflag:s1], $0x100  }
0x110: {  	[sflag:s1] =	ssyncset.done $0x0  }
0x111: {  	s26 =	rddreg [dreg:$0xa];
	[sflag:s1] =	ssyncadd.s32 $0xFFFFFF00  }
0x112: {  	[tilespmem:s26], [sflag:$0xC] =	stream.indirect.gather [hbm4b:s4+s21], $0x80, s22, s21, $0xb8;
	[tilespmem:$0x1F000] =	vst v63  }
0x113: {  	_ =	swait.ge [sflag:s7], $0x1800  }
0x114: {  	s30 =	simm.s32 $0x2000;
	[sflag:s7] =	ssyncset.done $0x0  }
0x115: {  	s14 =	simm.s32 @!p0 $0x15;
	s28 =	rddreg [dreg:$0xb];
	[sflag:s7] =	ssyncadd.s32 $0xFFFFE800  }
0x116: {  	[spmem:s2] =	stream.indirect.scatter.add.f32 [tilespmem:s30], [sflag:$0x10], $0x80, s28, s21, $0xb8;
	[tilespmem:$0x1F000] =	vst v63  }
0x117: {  	_ =	swait.ge @!p0 [sflag:s14], $0x1800  }
0x118: {  	s17 =	rddreg [dreg:$0x6];
	[sflag:s14] =	ssyncset.done @!p0 $0x0  }
0x119: {  	[sflag:s14] =	ssyncadd.s32 @!p0 $0xFFFFE800;
	s5 =	sadd.s32 s18, s17  }
0x11a: {  	[tilespmem:s8], [sflag:$0x7] =	stream.linear.gather [hbm4b:s5+s3], $0x100, $0x38;
	[tilespmem:$0x1F000] =	vst v63  }
0x11b: {  	_ =	swait.ge [sflag:s9], $0x100  }
0x11c: {  	[sflag:s9] =	ssyncset.done $0x0  }
0x11d: {  	[sflag:s9] =	ssyncadd.s32 $0xFFFFFF00  }
0x11e: {  	[tilespmem:s10], [sflag:$0xD] =	stream.indirect.gather [hbm4b:s4+s21], $0x80, s0, s21, $0xb8;
	[tilespmem:$0x1F000] =	vst v63  }
0x11f: {  	_ =	swait.ge [sflag:s12], $0x1800  }
0x120: {  	[sflag:s12] =	ssyncset.done $0x0  }
0x121: {  	s26 =	simm.s32 $0x3800;
	s22 =	rddreg [dreg:$0xc];
	[sflag:s12] =	ssyncadd.s32 $0xFFFFE800  }
0x122: {  	[spmem:s2] =	stream.indirect.scatter.add.f32 [tilespmem:s26], [sflag:$0x11], $0x80, s22, s21, $0xb8;
	[tilespmem:$0x1F000] =	vst v63  }
0x123: {  	p0 =	seq.s32 s18, $0x1960;
	_ =	swait.ge [sflag:s15], $0x1800  }
0x124: {  	s5 =	sshrl.u32 @!p0 s19, $0x3;
	[sflag:s15] =	ssyncset.done $0x0;
	s14 =	rddreg [dreg:$0x10]  }
0x125: {  	[sflag:s15] =	ssyncadd.s32 $0xFFFFE800;
	s5 =	sadd.s32 @!p0 s14, s5;
	s14 =	simm.s32 @!p0 $0x0  }
0x126: {  	[tilespmem:s14], [sflag:$0x1] =	stream.linear.gather @!p0 [hbm4b:s5+s14], $0x100, $0x38;
	[tilespmem:$0x1F000] =	vst v63  }
0x127: {  	_ =	swait.ge [sflag:s16], $0x100  }
0x128: {  	[sflag:s16] =	ssyncset.done $0x0  }
0x129: {  	[sflag:s16] =	ssyncadd.s32 $0xFFFFFF00  }
0x12a: {  	[tilespmem:s13], [sflag:$0xE] =	stream.indirect.gather [hbm4b:s4+s21], $0x80, s8, s21, $0xb8;
	[tilespmem:$0x1F000] =	vst v63  }
0x12b: {  	_ =	swait.ge [sflag:s6], $0x1800  }
0x12c: {  	[sflag:s6] =	ssyncset.done $0x0  }
0x12d: {  	s28 =	rddreg [dreg:$0xd];
	[sflag:s6] =	ssyncadd.s32 $0xFFFFE800  }
0x12e: {  	[spmem:s2] =	stream.indirect.scatter.add.f32 [tilespmem:s24], [sflag:$0x12], $0x80, s28, s21, $0xb8;
	[tilespmem:$0x1F000] =	vst v63  }
0x12f: {  	_ =	swait.ge [sflag:s20], $0x1800  }
0x130: {  	[sflag:s20] =	ssyncset.done $0x0  }
0x131: {  	s5 =	simm.s32 @p0 $0xC;
	[sflag:s20] =	ssyncadd.s32 $0xFFFFE800  }
0x132: {  	_ =	swait.ge @p0 [sflag:s5], $0x1800  }
0x133: {  	s17 =	simm.s32 @p0 $0x6800;
	s19 =	simm.s32 @p0 $0x11;
	[sflag:s5] =	ssyncset.done @p0 $0x0  }
0x134: {  	s22 =	simm.s32 @p0 $0x480;
	[sflag:s5] =	ssyncadd.s32 @p0 $0xFFFFE800;
	s5 =	simm.s32 @p0 $0x30  }
0x135: {  	[spmem:s2] =	stream.indirect.scatter.add.f32 @p0 [tilespmem:s17], [sflag:$0x13], $0x80, s22, s5, $0xb8;
	[tilespmem:$0x1F000] =	vst v63  }
0x136: {  	_ =	swait.ge @p0 [sflag:s19], $0x1800  }
0x137: {  	s17 =	simm.s32 @!p0 $0x1;
	s5 =	rddreg [dreg:$0x5];
	[sflag:s19] =	ssyncset.done @p0 $0x0  }
0x138: {  	[sflag:s19] =	ssyncadd.s32 @p0 $0xFFFFE800;
	s5 =	sadd.s32 @!p0 s18, s5;
	s19 =	simm.s32 @!p0 $0x100  }
0x139: {  	[tilespmem:s19], [sflag:$0x2] =	stream.linear.gather @!p0 [hbm4b:s5+s14], $0x100, $0x38;
	[tilespmem:$0x1F000] =	vst v63  }
0x13a: {  	_ =	swait.ge @!p0 [sflag:s17], $0x100  }
0x13b: {  	s22 =	simm.s32 @!p0 $0x800;
	[sflag:s17] =	ssyncset.done @!p0 $0x0  }
0x13c: {  	s5 =	simm.s32 @!p0 $0xC;
	[sflag:s17] =	ssyncadd.s32 @!p0 $0xFFFFFF00;
	s17 =	simm.s32 @!p0 $0x30  }
0x13d: {  	[tilespmem:s22], [sflag:$0x8] =	stream.indirect.gather @!p0 [hbm4b:s4+s17], $0x80, s14, s17, $0xb8;
	[tilespmem:$0x1F000] =	vst v63  }
0x13e: {  	_ =	swait.ge @!p0 [sflag:s5], $0x1800  }
0x13f: {  	[sflag:s5] =	ssyncset.done @!p0 $0x0  }
0x140: {  	s22 =	simm.s32 @!p0 $0x6800;
	[sflag:s5] =	ssyncadd.s32 @!p0 $0xFFFFE800;
	s5 =	simm.s32 @!p0 $0x480  }
0x141: {  	[spmem:s2] =	stream.indirect.scatter.add.f32 @!p0 [tilespmem:s22], [sflag:$0x13], $0x80, s5, s17, $0xb8;
	[tilespmem:$0x1F000] =	vst v63  }
0x142: {  	s5 =	simm.s32 @!p0 $0x11  }
0x143: {  	_ =	swait.ge @!p0 [sflag:s5], $0x1800  }
0x144: {  	s22 =	rddreg [dreg:$0x4];
	[sflag:s5] =	ssyncset.done @!p0 $0x0  }
0x145: {  	[sflag:s5] =	ssyncadd.s32 @!p0 $0xFFFFE800;
	s5 =	sadd.s32 @!p0 s18, s22;
	s22 =	simm.s32 @!p0 $0x200  }
0x146: {  	[tilespmem:s22], [sflag:$0x3] =	stream.linear.gather @!p0 [hbm4b:s5+s14], $0x100, $0x38;
	[tilespmem:$0x1F000] =	vst v63  }
0x147: {  	s5 =	simm.s32 @!p0 $0x2  }
0x148: {  	_ =	swait.ge @!p0 [sflag:s5], $0x100  }
0x149: {  	[sflag:s5] =	ssyncset.done @!p0 $0x0  }
0x14a: {  	[sflag:s5] =	ssyncadd.s32 @!p0 $0xFFFFFF00;
	s5 =	simm.s32 @!p0 $0x2000  }
0x14b: {  	[tilespmem:s5], [sflag:$0x9] =	stream.indirect.gather @!p0 [hbm4b:s4+s17], $0x80, s19, s17, $0xb8;
	[tilespmem:$0x1F000] =	vst v63  }
0x14c: {  	_ =	swait.ge [sflag:s23], $0x1800  }
0x14d: {  	[sflag:s23] =	ssyncset.done $0x0  }
0x14e: {  	s30 =	rddreg [dreg:$0xe];
	[sflag:s23] =	ssyncadd.s32 $0xFFFFE800  }
0x14f: {  	[spmem:s2] =	stream.indirect.scatter.add.f32 [tilespmem:s10], [sflag:$0x14], $0x80, s30, s21, $0xb8;
	[tilespmem:$0x1F000] =	vst v63  }
0x150: {  	_ =	swait.ge [sflag:s25], $0x1800  }
0x151: {  	s5 =	rddreg [dreg:$0x3];
	[sflag:s25] =	ssyncset.done $0x0  }
0x152: {  	[sflag:s25] =	ssyncadd.s32 $0xFFFFE800;
	s5 =	sadd.s32 @!p0 s18, s5;
	s18 =	simm.s32 @!p0 $0x300  }
0x153: {  	[tilespmem:s18], [sflag:$0x4] =	stream.linear.gather @!p0 [hbm4b:s5+s14], $0x100, $0x38;
	[tilespmem:$0x1F000] =	vst v63  }
0x154: {  	s5 =	simm.s32 @!p0 $0x3  }
0x155: {  	_ =	swait.ge @!p0 [sflag:s5], $0x100  }
0x156: {  	[sflag:s5] =	ssyncset.done @!p0 $0x0  }
0x157: {  	[sflag:s5] =	ssyncadd.s32 @!p0 $0xFFFFFF00;
	s5 =	simm.s32 @!p0 $0x3800  }
0x158: {  	[tilespmem:s5], [sflag:$0xA] =	stream.indirect.gather @!p0 [hbm4b:s4+s17], $0x80, s22, s17, $0xb8;
	[tilespmem:$0x1F000] =	vst v63  }
0x159: {  	_ =	swait.ge [sflag:s11], $0x1800  }
0x15a: {  	[sflag:s11] =	ssyncset.done $0x0  }
0x15b: {  	s19 =	simm.s32 $0x13;
	s18 =	rddreg [dreg:$0xf];
	[sflag:s11] =	ssyncadd.s32 $0xFFFFE800  }
0x15c: {  	[spmem:s2] =	stream.indirect.scatter.add.f32 [tilespmem:s13], [sflag:$0x15], $0x80, s18, s21, $0xb8;
	[tilespmem:$0x1F000] =	vst v63  }
0x15d: {  	_ =	swait.ge [sflag:s19], $0x1800  }
0x15e: {  	[sflag:s19] =	ssyncset.done $0x0  }
0x15f: {  	s22 =	simm.s32 $0x14;
	[sflag:s19] =	ssyncadd.s32 $0xFFFFE800  }
0x160: {  	_ =	swait.ge [sflag:s22], $0x1800  }
0x161: {  	[sflag:s22] =	ssyncset.done $0x0  }
0x162: {  	s24 =	simm.s32 $0x15;
	[sflag:s22] =	ssyncadd.s32 $0xFFFFE800  }
0x163: {  	_ =	swait.ge [sflag:s24], $0x1800  }
0x164: {  	[sflag:s24] =	ssyncset.done $0x0  }
0x165: {  	[sflag:s24] =	ssyncadd.s32 $0xFFFFE800  }
0x166: {  	[bflag:$0x0] =	sbarrier.arrive $0xFFFF  }
0x167: {  	s14 =	rddreg [dreg:$0x16]  }
0x168: {  	s26 =	rddreg [dreg:$0x17]  }
0x169: {  	s24 =	simm.s32 $0x16;
	s22 =	rddreg [dreg:$0x1a]  }
0x16a: {  	[hbm:s26], [sflag:s14] =	dma.local [spmem:s22], $0x2800  }
0x16b: {  	_ =	swait.ge [sflag:s24], $0x2800  }
0x16c: {  	s28 =	rddreg [dreg:$0x1b]  }
0x16d: {  	s30 =	rddreg [dreg:$0x18];
	s17 =	sadd.s32 $0x1, s28  }
0x16e: {  	p0 =	sne.s32 s17, s30  }
.Ltmp1:
0x16f: {  	_ = 	snop;
	(pc) =	sbr.rel @p0 .LBB2_1-.Ltmp1, $3  }
0x170: {  	_ =	sdelay $0x1  }
0x171: {  	[sflag:s24] =	ssyncset.done $0x0  }
0x172: {  	[sflag:s24] =	ssyncadd.s32 $0xFFFFD800  }
0x173: {  	_ =	sfence.sel $0x180000  }
0x174: {  	[bflag:$0x0] =	sbarrier.arrive $0xFFFF  }
0x175: {  	_ =	strace $0x9000004D  }
0x176: {  	s0 =	stileid.u32;
	[bflag:$0x2] =	sbarrier.arrive $0xFFFF  }
0x177: {  	p0 =	sne.s32 s0, $0x0;
	s0 =	rddreg [dreg:$0x2]  }
0x178: {  	s0 =	sadd.s32 @!p0 $0x100000, s0  }
0x179: {  	[sflag:s0] =	ssyncadd.tile.s32 @!p0 $0x1;
	_ =	shalt  }
.Lfunc_end2:
_tile_overlayer_lowered:
.L_overlay_start_2:
0x17a: {  	(tag) =	ssettag $0x2  }
0x17b: {  	s0 =	rddreg [dreg:$0x0];
	s2 =	stileid.u32  }
0x17c: {  	s1 =	rddreg [dreg:$0x1];
	p0 =	sne.s32 s2, $0x0  }
0x17d: {  	s3 =	rddreg [dreg:$0x2];
	[bflag:$0x3] =	sbarrier.arrive $0xFFFF;
	s2 =	simm.s32 @!p0 $0x1C16  }
0x17e: {  	[timem:s3], [sflag:s2] =	dma.local @!p0 [hbm:s0], s1  }
0x17f: {  	s0 =	simm.s32 @!p0 $0x16  }
0x180: {  	_ =	swait.ge @!p0 [sflag:s0], s1  }
0x181: {  	s1 =	ssub.s32 @!p0 $0x0, s1;
	[sflag:s0] =	ssyncset.done @!p0 $0x0  }
0x182: {  	[sflag:s0] =	ssyncadd.s32 @!p0 s1  }
0x183: {  	[bflag:$0x3] =	sbarrier.arrive $0xFFFF  }
0x184: {  	_ =	shalt  }

// kernel: kernel.20.cloned.1.call-start
scs
__scs_entry_jumppad:
0x0: {  	(pc) =	sbr.rel $0x88, $3  }
0x1: {  	(tag) =	ssettag $0x0;
	lr =	simm.s32 $0x1  }
0x2: {  	[smem:$0x3F94] =	sst lr;
	_ =	strace $0xD0000000  }
0x3: {  	_ = 	snop  }
0x4: {  	_ = 	snop  }
0x5: {  	_ = 	snop  }
0x6: {  	_ = 	snop  }
0x7: {  	_ = 	snop  }
__scs_overlays_trampoline_lowered:
0x8: {  	[smem:$0x3FA3] =	sst s0  }
0x9: {  	[smem:$0x3FA4] =	sst s1  }
0xa: {  	[smem:$0x3FA5] =	sst s2  }
0xb: {  	[smem:$0x3FA6] =	sst s3  }
0xc: {  	[smem:$0x3FA7] =	sst s4  }
0xd: {  	[smem:$0x3FA8] =	sst s5  }
0xe: {  	[smem:$0x3FA9] =	sst s6  }
0xf: {  	[smem:$0x3FAA] =	sst s7  }
0x10: {  	[smem:$0x3FAB] =	sst s8  }
0x11: {  	[smem:$0x3FAC] =	sst s9;
	s0 =	simm.s32 @!p0 $0x0  }
0x12: {  	s1 =	sld [smem:$0x3F92];
	s0 =	simm.s32 @p0 $0x1  }
0x13: {  	[smem:$0x3FAD] =	sst s0;
	s0 =	simm.s32 @!p1 $0x0  }
0x14: {  	s2 =	sld [smem:$0x3F91];
	s0 =	simm.s32 @p1 $0x1  }
0x15: {  	[smem:$0x3FAE] =	sst s0;
	s0 =	simm.s32 @!p2 $0x0  }
0x16: {  	s3 =	sld [smem:$0x3FDB];
	s0 =	simm.s32 @p2 $0x1  }
0x17: {  	s4 =	simm.s32 $0x1BF5;
	[smem:$0x3FB0] =	sst s0  }
0x18: {  	s0 =	sld [smem:$0x3F93];
	_ =	swait.ge [sflag:s4], $0x0  }
0x19: {  	s7 =	sld [smem:$0x3F94]  }
0x1a: {  	s8 =	sadd.s32 $0xFFFFE003, lr  }
0x1b: {  	s9 =	sadd.s32 $0xFFFFFEF7, lr;
	s5 =	simm.s32 $0xFFFFFFFF;
	p2 =	slt.u32 s8, $0xFFFFF086  }
0x1c: {  	p1 =	slt.u32 s9, $0xF7A;
	s5 =	simm.s32 @!p2 $0x0  }
0x1d: {  	s5 =	simm.s32 @p1 $0x1;
	p0 =	seq.s32 s7, s2  }
0x1e: {  	s7 =	smul.u32 @!p0 $0xF7A, s2;
	p2 =	seq.s32 @!p0 s5, $0x0  }
0x1f: {  	s9 =	smul.u32 $0xF7A, s1;
	s8 =	simm.s32 @!p0 $0x1BF5;
	p2 =	por !p2, p0  }
0x20: {  	[sflag:s8] =	ssyncset.s32 @!p0 $0xFFFFF086;
	s6 =	sadd.s32 @!p0 s3, s7;
	s7 =	simm.s32 @!p0 $0x108  }
0x21: {  	s3 =	sadd.s32 s3, s9;
	s6 =	sadd.s32 @!p0 $0x88, s6;
	s7 =	simm.s32 @p2 $0x1082  }
0x22: {  	[simem:s7], [sflag:s8] =	dma.local @!p0 [hbm:s6], $0xF7A  }
0x23: {  	s9 =	sor.u32 $0xD0000000, s2;
	s6 =	simm.s32 $0x108;
	_ =	swait.ge @!p0 [sflag:s8], $0x0  }
0x24: {  	s3 =	sadd.s32 $0x88, s3;
	s6 =	simm.s32 @!p1 $0x1082;
	[sflag:s4] =	ssyncset.s32 $0xFFFFF086  }
0x25: {  	[simem:s6], [sflag:s4] =	dma.local [hbm:s3], $0xF7A  }
0x26: {  	[smem:$0x3F94] =	sst s1;
	(tag) =	ssettag s2;
	_ =	strace s9  }
0x27: {  	s1 =	sld [smem:$0x3FA4]  }
0x28: {  	s2 =	sld [smem:$0x3FA5]  }
0x29: {  	s4 =	sld [smem:$0x3FA7]  }
0x2a: {  	p0 =	seq.s32 s5, $0x0;
	s5 =	sld [smem:$0x3FA8]  }
0x2b: {  	s6 =	sld [smem:$0x3FA9]  }
0x2c: {  	s7 =	sld [smem:$0x3FAA]  }
0x2d: {  	s3 =	simm.s32 $0x108;
	s8 =	sld [smem:$0x3FAB]  }
0x2e: {  	s3 =	simm.s32 @!p0 $0x1082;
	s9 =	sld [smem:$0x3FAC]  }
0x2f: {  	lr =	sadd.s32 s0, s3;
	s0 =	sld [smem:$0x3FA3]  }
0x30: {  	s3 =	sld [smem:$0x3FA6]  }
0x31: {  	[smem:$0x3FAF] =	sst s10  }
0x32: {  	s10 =	sld [smem:$0x3FAD];
	_ =	sdelay $0x3  }
0x33: {  	p0 =	seq.s32 s10, $0x1;
	s10 =	sld [smem:$0x3FAF];
	_ =	sdelay $0x3  }
0x34: {  	[smem:$0x3FAF] =	sst s10  }
0x35: {  	s10 =	sld [smem:$0x3FAE];
	_ =	sdelay $0x3  }
0x36: {  	p1 =	seq.s32 s10, $0x1;
	s10 =	sld [smem:$0x3FAF];
	_ =	sdelay $0x3  }
0x37: {  	[smem:$0x3FAF] =	sst s10  }
0x38: {  	s10 =	sld [smem:$0x3FB0]  }
0x39: {  	_ = 	snop;
	(pc) =	sbr.ind lr, $3  }
0x3a: {  	_ = 	snop  }
0x3b: {  	_ = 	snop  }
0x3c: {  	p2 =	seq.s32 s10, $0x1;
	s10 =	sld [smem:$0x3FAF]  }
0x3d: {  	_ =	shalt  }
0x3e: {  	_ =	shalt  }
0x3f: {  	_ =	shalt  }
0x40: {  	_ =	shalt  }
0x41: {  	_ =	shalt  }
0x42: {  	_ =	shalt  }
0x43: {  	_ =	shalt  }
0x44: {  	_ =	shalt  }
0x45: {  	_ =	shalt  }
0x46: {  	_ =	shalt  }
0x47: {  	_ =	shalt  }
0x48: {  	_ =	shalt  }
0x49: {  	_ =	shalt  }
0x4a: {  	_ =	shalt  }
0x4b: {  	_ =	shalt  }
0x4c: {  	_ =	shalt  }
0x4d: {  	_ =	shalt  }
0x4e: {  	_ =	shalt  }
0x4f: {  	_ =	shalt  }
0x50: {  	_ =	shalt  }
0x51: {  	_ =	shalt  }
0x52: {  	_ =	shalt  }
0x53: {  	_ =	shalt  }
0x54: {  	_ =	shalt  }
0x55: {  	_ =	shalt  }
0x56: {  	_ =	shalt  }
0x57: {  	_ =	shalt  }
0x58: {  	_ =	shalt  }
0x59: {  	_ =	shalt  }
0x5a: {  	_ =	shalt  }
0x5b: {  	_ =	shalt  }
0x5c: {  	_ =	shalt  }
0x5d: {  	_ =	shalt  }
0x5e: {  	_ =	shalt  }
0x5f: {  	_ =	shalt  }
0x60: {  	_ =	shalt  }
0x61: {  	_ =	shalt  }
0x62: {  	_ =	shalt  }
0x63: {  	_ =	shalt  }
0x64: {  	_ =	shalt  }
0x65: {  	_ =	shalt  }
0x66: {  	_ =	shalt  }
0x67: {  	_ =	shalt  }
0x68: {  	_ =	shalt  }
0x69: {  	_ =	shalt  }
0x6a: {  	_ =	shalt  }
0x6b: {  	_ =	shalt  }
0x6c: {  	_ =	shalt  }
0x6d: {  	_ =	shalt  }
0x6e: {  	_ =	shalt  }
0x6f: {  	_ =	shalt  }
0x70: {  	_ =	shalt  }
0x71: {  	_ =	shalt  }
0x72: {  	_ =	shalt  }
0x73: {  	_ =	shalt  }
0x74: {  	_ =	shalt  }
0x75: {  	_ =	shalt  }
0x76: {  	_ =	shalt  }
0x77: {  	_ =	shalt  }
0x78: {  	_ =	shalt  }
0x79: {  	_ =	shalt  }
0x7a: {  	_ =	shalt  }
0x7b: {  	_ =	shalt  }
0x7c: {  	_ =	shalt  }
0x7d: {  	_ =	shalt  }
0x7e: {  	_ =	shalt  }
0x7f: {  	_ =	shalt  }
0x80: {  	_ =	shalt  }
0x81: {  	_ =	shalt  }
0x82: {  	_ =	shalt  }
0x83: {  	_ =	shalt  }
0x84: {  	_ =	shalt  }
0x85: {  	_ =	shalt  }
0x86: {  	_ =	shalt  }
0x87: {  	_ =	shalt  }
.Lfunc_end0:
.L_simem_size_0:
called_computation.3_lowered:
.L_overlay_start_0:
0x88: {  	s2 =	sld [smem:$0x3FD9]  }
0x89: {  	s3 =	sld [smem:$0x3FFE];
	_ =	sdelay $0x1  }
0x8a: {  	s1 =	srdreg.scid  }
0x8b: {  	s0 =	sand.u32 $0x1, s1  }
0x8c: {  	s16 =	sshll.u32 s0, $0xA;
	s2 =	sadd.s32 s3, s2  }
0x8d: {  	s2 =	sadd.s32 s2, s16  }
0x8e: {  	[smem:$0x3FBB] =	sst s2  }
0x8f: {  	_ = 	snop  }
0x90: {  	(tm) =	ssettm $0x1  }
0x91: {  	s17 =	sld [smem:$0x3FFB];
	_ =	sdelay $0x3  }
0x92: {  	_ =	strace s17  }
0x93: {  	s2 =	sld [smem:$0x3FFC];
	_ =	sdelay $0x3  }
0x94: {  	_ =	strace s2  }
0x95: {  	s2 =	sld [smem:$0x3FFD];
	_ =	sdelay $0x3  }
0x96: {  	_ =	strace s2  }
0x97: {  	_ =	strace $0x8FFFFFFF  }
0x98: {  	s18 =	sld [smem:$0x3FDB];
	_ =	sdelay $0x1  }
0x99: {  	s19 =	simm.s32 $_scs_section_size  }
0x9a: {  	s4 =	simm.s32 $_size__tile_overlayer_lowered;
	s5 =	simm.s32 $_tile_overlayer_lowered  }
0x9b: {  	s22 =	simm.s32 $0x1BFF;
	s21 =	sshll.u32 s5, $0x1;
	s2 =	sadd.s32 s19, s18  }
0x9c: {  	s6 =	simm.s32 $0x0;
	s20 =	sshll.u32 s4, $0x1;
	s4 =	sadd.s32 s21, s2  }
0x9d: {  	[timem:s6], [sflag:s22] =	dma.local [hbm:s4], s20  }
0x9e: {  	_ =	swait.ge [sflag:s22], s20  }
0x9f: {  	s3 =	ssub.s32 $0x0, s20;
	[sflag:s22] =	ssyncset.done $0x0  }
0xa0: {  	[sflag:s22] =	ssyncadd.s32 s3;
	_ =	sdelay $0x1  }
0xa1: {  	s23 =	simm.s32 $0x1B8B  }
0xa2: {  	_ =	swait.ge [sflag:s23], $0x1  }
0xa3: {  	[sflag:s23] =	ssyncset.done $0x0  }
0xa4: {  	s25 =	simm.s32 $0x1B8E;
	s24 =	sld [smem:$0x3FFE];
	[sflag:s23] =	ssyncadd.s32 $0xFFFFFFFF  }
0xa5: {  	s26 =	simm.s32 $execute0_lowered;
	[smem:$0x3FD2] =	sst s25  }
0xa6: {  	s4 =	sshll.u32 s26, $0x1;
	_ =	strace $0x8000004F;
	[dreg:$0x1] =	wrdreg $0xFFFFFFFF  }
0xa7: {  	s28 =	simm.s32 $_size_execute0_lowered;
	s2 =	sadd.s32 s2, s4;
	[dreg:$0x0] =	wrdreg $0x0  }
0xa8: {  	s4 =	sshll.u32 s28, $0x1;
	[dreg:$0x2] =	wrdreg s2  }
0xa9: {  	[dreg:$0x3] =	wrdreg s4  }
0xaa: {  	[dreg:$0x4] =	wrdreg $0xC0  }
0xab: {  	_ =	task [dreg:s6], $0x5FFFF  }
0xac: {  	[dreg:$0x1] =	wrdreg $0xFFFFFFFF  }
0xad: {  	[dreg:$0x0] =	wrdreg $0x60  }
0xae: {  	[dreg:$0x2] =	wrdreg s24  }
0xaf: {  	[dreg:$0x3] =	wrdreg $0xB0000  }
0xb0: {  	[dreg:$0x4] =	wrdreg $0x9  }
0xb1: {  	_ =	task.clear_ibuf [dreg:s6], $0x5FFFF;
	_ =	strace $0x9000004F  }
0xb2: {  	s29 =	simm.s32 $0x9;
	_ =	strace $0x80000051  }
0xb3: {  	_ =	swait.ge [sflag:s29], $0x1  }
0xb4: {  	[sflag:s29] =	ssyncadd.s32 $0xFFFFFFFF  }
0xb5: {  	_ =	strace $0x90000051  }
0xb6: {  	_ =	sfence  }
0xb7: {  	s30 =	sld [smem:$0x0];
	_ =	sdelay $0x2  }
0xb8: {  	s31 =	sshll.u32 s1, $0xD;
	s1 =	sshrl.u32 s1, $0x2  }
0xb9: {  	s3 =	sand.u32 $0x4000, s31;
	s1 =	sadd.s32 s1, s30  }
0xba: {  	s0 =	sor.u32 s3, s0;
	s1 =	sshll.u32 s1, $0x11  }
0xbb: {  	s0 =	sor.u32 s1, s0  }
0xbc: {  	s0 =	sadd.s32 $0x8F2B, s0  }
0xbd: {  	[sflag:s0] =	ssyncadd.remote.s32 $0x1  }
0xbe: {  	_ =	sfence.sel $0xFFFF  }
0xbf: {  	[dreg:$0x0] =	wrdreg $0xFFFFFFFF;
	(pc) =	sbr.abs _section_cstart, $3  }
0xc0: {  	[dreg:$0x1] =	wrdreg $0xFFFFFFFF  }
0xc1: {  	_ =	task.clear_ibuf [dreg:s6], $0x2FFFF;
	_ =	strace $0x9FFFFFFF  }
0xc2: {  	(tm) =	ssettm $0x7FFFFFFF  }
0xc3: {  	_ =	shalt  }
tec
execute0_lowered:
.L_overlay_start_1:
0x0: {  	(tag) =	ssettag $0x1  }
0x1: {  	s0 =	rddreg [dreg:$0x0]  }
0x2: {  	s2 =	rddreg [dreg:$0x1]  }
0x3: {  	s11 =	stileid.u32;
	s1 =	srdreg.scid;
	s3 =	simm.s32 $0x0  }
0x4: {  	s29 =	simm.s32 $0x4;
	s31 =	simm.s32 $0x8;
	s5 =	smul.u32 $0x14000, s11  }
0x5: {  	s1 =	sand.u32 $0x1, s1;
	[smem:$0x7FF] =	sst s3;
	s9 =	smul.u32 $0x50000, s11  }
0x6: {  	s7 =	sshll.u32 s11, $0x1;
	s4 =	sadd.s32 $0x35A00, s0;
	s19 =	smul.u32 $0x1A400, s11  }
0x7: {  	s23 =	sshll.u32 s11, $0x6;
	s6 =	smul.u32 $0x140000, s1;
	_ =	strace $0x80000050  }
0x8: {  	s7 =	sor.u32 s1, s7;
	s18 =	ssub.s32 $0x2, s1;
	s1 =	smul.u32 $0xD200, s1  }
0x9: {  	s14 =	sor.u32 $0x1C16, s23;
	s23 =	simm.s32 $0x180;
	s8 =	sshrl.u32 s5, $0x3  }
0xa: {  	s7 =	smul.u32 $0xD200, s7;
	s10 =	sshrl.u32 s18, $0x1;
	[dreg:$0xb] =	wrdreg s23  }
0xb: {  	s9 =	sshrl.u32 s9, $0x2;
	s23 =	simm.s32 $0xD;
	[dreg:$0x16] =	wrdreg s14  }
0xc: {  	s6 =	sadd.s32 s5, s6;
	s5 =	sadd.s32 $0x86200, s0;
	s8 =	sadd.s32 s8, s0  }
0xd: {  	s9 =	sadd.s32 s9, s2;
	s1 =	sadd.s32 s1, s19;
	s6 =	sshrl.u32 s6, $0x3  }
0xe: {  	s7 =	sshrl.u32 s7, $0x3;
	s24 =	sadd.s32 $0xDA00, s8;
	s25 =	sadd.s32 $0xA00, s1  }
0xf: {  	s28 =	sadd.s32 $0x900, s1;
	s30 =	sadd.s32 $0x800, s1;
	s15 =	sadd.s32 $0x500, s1  }
0x10: {  	s16 =	sadd.s32 $0x400, s1;
	[dreg:$0x10] =	wrdreg s5;
	s0 =	sadd.s32 s6, s0  }
0x11: {  	s12 =	sadd.s32 s5, s7;
	s6 =	ssub.s32 s18, s10;
	[dreg:$0x15] =	wrdreg s24  }
0x12: {  	s26 =	sshrl.u32 s25, $0x3;
	s25 =	simm.s32 $0x280;
	[dreg:$0x11] =	wrdreg s12  }
0x13: {  	s7 =	sshrl.u32 s28, $0x3;
	s28 =	simm.s32 $0x580;
	[dreg:$0xc] =	wrdreg s25  }
0x14: {  	s10 =	sshrl.u32 s30, $0x3;
	s30 =	simm.s32 $0x680;
	[dreg:$0xe] =	wrdreg s28  }
0x15: {  	s8 =	simm.s32 $0x600;
	s20 =	sadd.s32 $0x20, s12;
	[dreg:$0xf] =	wrdreg s30  }
0x16: {  	s18 =	sshrl.u32 s16, $0x3;
	s21 =	sadd.s32 $0x40, s12;
	[dreg:$0x12] =	wrdreg s20  }
0x17: {  	s24 =	simm.s32 $0x16;
	s22 =	sadd.s32 $0x60, s12;
	[dreg:$0x13] =	wrdreg s21  }
0x18: {  	s16 =	simm.s32 $0x7;
	s0 =	sadd.s32 $0xBAA00, s0;
	[dreg:$0x14] =	wrdreg s22  }
0x19: {  	s7 =	sadd.s32 s7, s5;
	s11 =	sadd.s32 s10, s5;
	[dreg:$0x17] =	wrdreg s0  }
0x1a: {  	s12 =	sadd.s32 $0x600, s1;
	s6 =	smax.u32 s6, $0x1;
	[dreg:$0x4] =	wrdreg s7  }
0x1b: {  	s19 =	sadd.s32 s18, s5;
	s1 =	sadd.s32 $0x700, s1;
	[dreg:$0x5] =	wrdreg s11  }
0x1c: {  	s10 =	simm.s32 $0x8000;
	s25 =	simm.s32 $0x12;
	[dreg:$0x18] =	wrdreg s6  }
0x1d: {  	s0 =	sadd.s32 s26, s5;
	s13 =	sshrl.u32 s12, $0x3;
	[dreg:$0x19] =	wrdreg s1  }
0x1e: {  	s7 =	sshrl.u32 s15, $0x3;
	[dreg:$0x8] =	wrdreg s19;
	s20 =	simm.s32 $0x80  }
0x1f: {  	s22 =	sshrl.u32 s9, $0x3;
	s21 =	simm.s32 $0x6800;
	s26 =	simm.s32 $0x380  }
0x20: {  	s1 =	simm.s32 $0x5;
	s9 =	simm.s32 $0x6;
	[dreg:$0x3] =	wrdreg s0  }
0x21: {  	s12 =	simm.s32 $0xA;
	s15 =	simm.s32 $0xF;
	[dreg:$0x9] =	wrdreg s20  }
0x22: {  	s6 =	simm.s32 $0xB;
	s11 =	simm.s32 $0xE;
	[dreg:$0xa] =	wrdreg s21  }
0x23: {  	s0 =	sadd.s32 s13, s5;
	s17 =	sadd.s32 s7, s5;
	[dreg:$0xd] =	wrdreg s26  }
0x24: {  	s21 =	simm.s32 $0x30;
	s7 =	simm.s32 $0x9;
	[dreg:$0x1a] =	wrdreg s22  }
0x25: {  	s13 =	simm.s32 $0x9800;
	s20 =	simm.s32 $0x10;
	[dreg:$0x6] =	wrdreg s0  }
0x26: {  	[dreg:$0x7] =	wrdreg s17;
	s0 =	simm.s32 $0x500;
	s17 =	simm.s32 $0x0  }
.LBB2_1:
0x27: {  	[dreg:$0x1b] =	wrdreg s17  }
0x28: {  	s5 =	rddreg [dreg:$0x11]  }
0x29: {  	s26 =	rddreg [dreg:$0x12]  }
0x2a: {  	[tilespmem:s3], [sflag:$0x1] =	stream.linear.gather [hbm4b:s5+s3], $0x100, $0x38;
	[tilespmem:$0x1F000] =	vst v63  }
0x2b: {  	s17 =	simm.s32 $0x100;
	s28 =	rddreg [dreg:$0x13]  }
0x2c: {  	[tilespmem:s17], [sflag:$0x2] =	stream.linear.gather [hbm4b:s26+s3], $0x100, $0x38;
	[tilespmem:$0x1F000] =	vst v63  }
0x2d: {  	s18 =	simm.s32 $0x200;
	s30 =	rddreg [dreg:$0x14]  }
0x2e: {  	[tilespmem:s18], [sflag:$0x3] =	stream.linear.gather [hbm4b:s28+s3], $0x100, $0x38;
	[tilespmem:$0x1F000] =	vst v63  }
0x2f: {  	s19 =	simm.s32 $0x300;
	s26 =	rddreg [dreg:$0x15]  }
0x30: {  	[tilespmem:s19], [sflag:$0x4] =	stream.linear.gather [hbm4b:s30+s3], $0x100, $0x38;
	[tilespmem:$0x1F000] =	vst v63  }
0x31: {  	[spmem:s22], [sflag:s14] =	dma.local [hbm:s26], $0x2800  }
0x32: {  	_ =	swait.ge [sflag:s24], $0x2800  }
0x33: {  	[sflag:s24] =	ssyncset.done $0x0  }
0x34: {  	[sflag:s24] =	ssyncadd.s32 $0xFFFFD800  }
0x35: {  	s28 =	simm.s32 $0x1;
	[bflag:$0x0] =	sbarrier.arrive $0xFFFF  }
0x36: {  	_ =	swait.ge [sflag:s28], $0x100  }
0x37: {  	[sflag:s28] =	ssyncset.done $0x0  }
0x38: {  	s5 =	simm.s32 $0x800;
	s30 =	simm.s32 $0x2;
	[sflag:s28] =	ssyncadd.s32 $0xFFFFFF00  }
0x39: {  	[tilespmem:s5], [sflag:$0x8] =	stream.indirect.gather [hbm4b:s4+s21], $0x80, s3, s21, $0xb8;
	[tilespmem:$0x1F000] =	vst v63  }
0x3a: {  	_ =	swait.ge [sflag:s30], $0x100  }
0x3b: {  	[sflag:s30] =	ssyncset.done $0x0  }
0x3c: {  	s22 =	simm.s32 $0x2000;
	[sflag:s30] =	ssyncadd.s32 $0xFFFFFF00  }
0x3d: {  	[tilespmem:s22], [sflag:$0x9] =	stream.indirect.gather [hbm4b:s4+s21], $0x80, s17, s21, $0xb8;
	[tilespmem:$0x1F000] =	vst v63  }
0x3e: {  	s17 =	simm.s32 $0x3  }
0x3f: {  	p0 =	por $0x1, $0x1;
	_ =	swait.ge [sflag:s17], $0x100  }
0x40: {  	p0 =	por p0, p0;
	[sflag:s17] =	ssyncset.done $0x0  }
0x41: {  	s14 =	simm.s32 @!p0 $0x13;
	s24 =	simm.s32 $0x3800;
	[sflag:s17] =	ssyncadd.s32 $0xFFFFFF00  }
0x42: {  	[tilespmem:s24], [sflag:$0xA] =	stream.indirect.gather [hbm4b:s4+s21], $0x80, s18, s21, $0xb8;
	[tilespmem:$0x1F000] =	vst v63  }
0x43: {  	_ =	swait.ge @!p0 [sflag:s14], $0x1800  }
0x44: {  	s18 =	rddreg [dreg:$0x8];
	[sflag:s14] =	ssyncset.done @!p0 $0x0  }
0x45: {  	s28 =	simm.s32 $0x400;
	[sflag:s14] =	ssyncadd.s32 @!p0 $0xFFFFE800;
	s26 =	sadd.s32 $0x0, s18  }
0x46: {  	[tilespmem:s28], [sflag:$0x5] =	stream.linear.gather [hbm4b:s26+s3], $0x100, $0x38;
	[tilespmem:$0x1F000] =	vst v63  }
0x47: {  	_ =	swait.ge [sflag:s29], $0x100  }
0x48: {  	[sflag:s29] =	ssyncset.done $0x0  }
0x49: {  	s26 =	simm.s32 $0x5000;
	[sflag:s29] =	ssyncadd.s32 $0xFFFFFF00  }
0x4a: {  	[tilespmem:s26], [sflag:$0xB] =	stream.indirect.gather [hbm4b:s4+s21], $0x80, s19, s21, $0xb8;
	[tilespmem:$0x1F000] =	vst v63  }
0x4b: {  	_ =	swait.ge [sflag:s31], $0x1800  }
0x4c: {  	[sflag:s31] =	ssyncset.done $0x0  }
0x4d: {  	s17 =	simm.s32 @!p0 $0x14;
	s30 =	rddreg [dreg:$0x9];
	[sflag:s31] =	ssyncadd.s32 $0xFFFFE800  }
0x4e: {  	[spmem:s2] =	stream.indirect.scatter.add.f32 [tilespmem:s5], [sflag:$0xF], $0x80, s30, s21, $0xb8;
	[tilespmem:$0x1F000] =	vst v63  }
0x4f: {  	_ =	swait.ge @!p0 [sflag:s17], $0x1800  }
0x50: {  	s5 =	rddreg [dreg:$0x7];
	[sflag:s17] =	ssyncset.done @!p0 $0x0  }
0x51: {  	[sflag:s17] =	ssyncadd.s32 @!p0 $0xFFFFE800;
	s14 =	sadd.s32 $0x0, s5  }
0x52: {  	[tilespmem:s0], [sflag:$0x6] =	stream.linear.gather [hbm4b:s14+s3], $0x100, $0x38;
	[tilespmem:$0x1F000] =	vst v63  }
0x53: {  	_ =	swait.ge [sflag:s1], $0x100  }
0x54: {  	[sflag:s1] =	ssyncset.done $0x0  }
0x55: {  	s17 =	rddreg [dreg:$0xa];
	[sflag:s1] =	ssyncadd.s32 $0xFFFFFF00  }
0x56: {  	[tilespmem:s17], [sflag:$0xC] =	stream.indirect.gather [hbm4b:s4+s21], $0x80, s28, s21, $0xb8;
	[tilespmem:$0x1F000] =	vst v63  }
0x57: {  	_ =	swait.ge [sflag:s7], $0x1800  }
0x58: {  	[sflag:s7] =	ssyncset.done $0x0  }
0x59: {  	s17 =	simm.s32 @!p0 $0x15;
	s18 =	rddreg [dreg:$0xb];
	[sflag:s7] =	ssyncadd.s32 $0xFFFFE800  }
0x5a: {  	[spmem:s2] =	stream.indirect.scatter.add.f32 [tilespmem:s22], [sflag:$0x10], $0x80, s18, s21, $0xb8;
	[tilespmem:$0x1F000] =	vst v63  }
0x5b: {  	_ =	swait.ge @!p0 [sflag:s17], $0x1800  }
0x5c: {  	s19 =	rddreg [dreg:$0x6];
	[sflag:s17] =	ssyncset.done @!p0 $0x0  }
0x5d: {  	[sflag:s17] =	ssyncadd.s32 @!p0 $0xFFFFE800;
	s14 =	sadd.s32 $0x0, s19  }
0x5e: {  	[tilespmem:s8], [sflag:$0x7] =	stream.linear.gather [hbm4b:s14+s3], $0x100, $0x38;
	[tilespmem:$0x1F000] =	vst v63  }
0x5f: {  	_ =	swait.ge [sflag:s9], $0x100  }
0x60: {  	[sflag:s9] =	ssyncset.done $0x0  }
0x61: {  	[sflag:s9] =	ssyncadd.s32 $0xFFFFFF00  }
0x62: {  	[tilespmem:s10], [sflag:$0xD] =	stream.indirect.gather [hbm4b:s4+s21], $0x80, s0, s21, $0xb8;
	[tilespmem:$0x1F000] =	vst v63  }
0x63: {  	_ =	swait.ge [sflag:s12], $0x1800  }
0x64: {  	[sflag:s12] =	ssyncset.done $0x0  }
0x65: {  	s22 =	rddreg [dreg:$0xc];
	[sflag:s12] =	ssyncadd.s32 $0xFFFFE800  }
0x66: {  	[spmem:s2] =	stream.indirect.scatter.add.f32 [tilespmem:s24], [sflag:$0x11], $0x80, s22, s21, $0xb8;
	[tilespmem:$0x1F000] =	vst v63  }
0x67: {  	_ =	swait.ge [sflag:s15], $0x1800  }
0x68: {  	p0 =	por $0x0, $0x0;
	s24 =	rddreg [dreg:$0x19]  }
0x69: {  	[sflag:s15] =	ssyncset.done $0x0;
	s5 =	rddreg [dreg:$0x10];
	s14 =	sshrl.u32 @!p0 s24, $0x3  }
0x6a: {  	[sflag:s15] =	ssyncadd.s32 $0xFFFFE800;
	s17 =	sadd.s32 @!p0 s5, s14;
	s14 =	simm.s32 @!p0 $0x0  }
0x6b: {  	[tilespmem:s14], [sflag:$0x1] =	stream.linear.gather @!p0 [hbm4b:s17+s14], $0x100, $0x38;
	[tilespmem:$0x1F000] =	vst v63  }
0x6c: {  	_ =	swait.ge [sflag:s16], $0x100  }
0x6d: {  	[sflag:s16] =	ssyncset.done $0x0  }
0x6e: {  	[sflag:s16] =	ssyncadd.s32 $0xFFFFFF00  }
0x6f: {  	[tilespmem:s13], [sflag:$0xE] =	stream.indirect.gather [hbm4b:s4+s21], $0x80, s8, s21, $0xb8;
	[tilespmem:$0x1F000] =	vst v63  }
0x70: {  	_ =	swait.ge [sflag:s6], $0x1800  }
0x71: {  	[sflag:s6] =	ssyncset.done $0x0  }
0x72: {  	s28 =	rddreg [dreg:$0xd];
	[sflag:s6] =	ssyncadd.s32 $0xFFFFE800  }
0x73: {  	[spmem:s2] =	stream.indirect.scatter.add.f32 [tilespmem:s26], [sflag:$0x12], $0x80, s28, s21, $0xb8;
	[tilespmem:$0x1F000] =	vst v63  }
0x74: {  	_ =	swait.ge [sflag:s20], $0x1800  }
0x75: {  	[sflag:s20] =	ssyncset.done $0x0  }
0x76: {  	s17 =	simm.s32 @p0 $0xC;
	[sflag:s20] =	ssyncadd.s32 $0xFFFFE800  }
0x77: {  	_ =	swait.ge @p0 [sflag:s17], $0x1800  }
0x78: {  	s18 =	simm.s32 @p0 $0x6800;
	s19 =	simm.s32 @p0 $0x11;
	[sflag:s17] =	ssyncset.done @p0 $0x0  }
0x79: {  	s22 =	simm.s32 @p0 $0x480;
	[sflag:s17] =	ssyncadd.s32 @p0 $0xFFFFE800;
	s17 =	simm.s32 @p0 $0x30  }
0x7a: {  	[spmem:s2] =	stream.indirect.scatter.add.f32 @p0 [tilespmem:s18], [sflag:$0x13], $0x80, s22, s17, $0xb8;
	[tilespmem:$0x1F000] =	vst v63  }
0x7b: {  	_ =	swait.ge @p0 [sflag:s19], $0x1800  }
0x7c: {  	s18 =	simm.s32 @!p0 $0x1;
	s17 =	rddreg [dreg:$0x5];
	[sflag:s19] =	ssyncset.done @p0 $0x0  }
0x7d: {  	[sflag:s19] =	ssyncadd.s32 @p0 $0xFFFFE800;
	s17 =	sadd.s32 @!p0 $0x0, s17;
	s19 =	simm.s32 @!p0 $0x100  }
0x7e: {  	[tilespmem:s19], [sflag:$0x2] =	stream.linear.gather @!p0 [hbm4b:s17+s14], $0x100, $0x38;
	[tilespmem:$0x1F000] =	vst v63  }
0x7f: {  	_ =	swait.ge @!p0 [sflag:s18], $0x100  }
0x80: {  	s22 =	simm.s32 @!p0 $0x800;
	[sflag:s18] =	ssyncset.done @!p0 $0x0  }
0x81: {  	s17 =	simm.s32 @!p0 $0xC;
	[sflag:s18] =	ssyncadd.s32 @!p0 $0xFFFFFF00;
	s18 =	simm.s32 @!p0 $0x30  }
0x82: {  	[tilespmem:s22], [sflag:$0x8] =	stream.indirect.gather @!p0 [hbm4b:s4+s18], $0x80, s14, s18, $0xb8;
	[tilespmem:$0x1F000] =	vst v63  }
0x83: {  	_ =	swait.ge @!p0 [sflag:s17], $0x1800  }
0x84: {  	[sflag:s17] =	ssyncset.done @!p0 $0x0  }
0x85: {  	s22 =	simm.s32 @!p0 $0x6800;
	[sflag:s17] =	ssyncadd.s32 @!p0 $0xFFFFE800;
	s17 =	simm.s32 @!p0 $0x480  }
0x86: {  	[spmem:s2] =	stream.indirect.scatter.add.f32 @!p0 [tilespmem:s22], [sflag:$0x13], $0x80, s17, s18, $0xb8;
	[tilespmem:$0x1F000] =	vst v63  }
0x87: {  	s17 =	simm.s32 @!p0 $0x11  }
0x88: {  	_ =	swait.ge @!p0 [sflag:s17], $0x1800  }
0x89: {  	s22 =	rddreg [dreg:$0x4];
	[sflag:s17] =	ssyncset.done @!p0 $0x0  }
0x8a: {  	[sflag:s17] =	ssyncadd.s32 @!p0 $0xFFFFE800;
	s17 =	sadd.s32 @!p0 $0x0, s22;
	s22 =	simm.s32 @!p0 $0x200  }
0x8b: {  	[tilespmem:s22], [sflag:$0x3] =	stream.linear.gather @!p0 [hbm4b:s17+s14], $0x100, $0x38;
	[tilespmem:$0x1F000] =	vst v63  }
0x8c: {  	s17 =	simm.s32 @!p0 $0x2  }
0x8d: {  	_ =	swait.ge @!p0 [sflag:s17], $0x100  }
0x8e: {  	[sflag:s17] =	ssyncset.done @!p0 $0x0  }
0x8f: {  	[sflag:s17] =	ssyncadd.s32 @!p0 $0xFFFFFF00;
	s17 =	simm.s32 @!p0 $0x2000  }
0x90: {  	[tilespmem:s17], [sflag:$0x9] =	stream.indirect.gather @!p0 [hbm4b:s4+s18], $0x80, s19, s18, $0xb8;
	[tilespmem:$0x1F000] =	vst v63  }
0x91: {  	_ =	swait.ge [sflag:s23], $0x1800  }
0x92: {  	[sflag:s23] =	ssyncset.done $0x0  }
0x93: {  	s30 =	rddreg [dreg:$0xe];
	[sflag:s23] =	ssyncadd.s32 $0xFFFFE800  }
0x94: {  	[spmem:s2] =	stream.indirect.scatter.add.f32 [tilespmem:s10], [sflag:$0x14], $0x80, s30, s21, $0xb8;
	[tilespmem:$0x1F000] =	vst v63  }
0x95: {  	_ =	swait.ge [sflag:s25], $0x1800  }
0x96: {  	s17 =	rddreg [dreg:$0x3];
	[sflag:s25] =	ssyncset.done $0x0  }
0x97: {  	s19 =	simm.s32 @!p0 $0x300;
	[sflag:s25] =	ssyncadd.s32 $0xFFFFE800;
	s17 =	sadd.s32 @!p0 $0x0, s17  }
0x98: {  	[tilespmem:s19], [sflag:$0x4] =	stream.linear.gather @!p0 [hbm4b:s17+s14], $0x100, $0x38;
	[tilespmem:$0x1F000] =	vst v63  }
0x99: {  	s14 =	simm.s32 @!p0 $0x3  }
0x9a: {  	_ =	swait.ge @!p0 [sflag:s14], $0x100  }
0x9b: {  	[sflag:s14] =	ssyncset.done @!p0 $0x0  }
0x9c: {  	[sflag:s14] =	ssyncadd.s32 @!p0 $0xFFFFFF00;
	s14 =	simm.s32 @!p0 $0x3800  }
0x9d: {  	[tilespmem:s14], [sflag:$0xA] =	stream.indirect.gather @!p0 [hbm4b:s4+s18], $0x80, s22, s18, $0xb8;
	[tilespmem:$0x1F000] =	vst v63  }
0x9e: {  	p6 =	por $0x0, $0x0;
	s19 =	sadd.s32 $0x700, s24;
	_ =	swait.ge [sflag:s11], $0x1800  }
0x9f: {  	s18 =	simm.s32 $0xE0;
	s14 =	simm.s32 $0x1C0;
	[sflag:s11] =	ssyncset.done $0x0  }
0xa0: {  	p0 =	por p6, p6;
	s17 =	rddreg [dreg:$0xf];
	[sflag:s11] =	ssyncadd.s32 $0xFFFFE800  }
.LBB2_2:
0xa1: {  	[spmem:s2] =	stream.indirect.scatter.add.f32 [tilespmem:s13], [sflag:$0x15], $0x80, s17, s21, $0xb8;
	[tilespmem:$0x1F000] =	vst v63  }
0xa2: {  	s22 =	simm.s32 @!p0 $0x13  }
0xa3: {  	_ =	swait.ge @!p0 [sflag:s22], $0x1800  }
0xa4: {  	[sflag:s22] =	ssyncset.done @!p0 $0x0;
	s24 =	rddreg [dreg:$0x8]  }
0xa5: {  	s26 =	simm.s32 $0x400;
	[sflag:s22] =	ssyncadd.s32 @!p0 $0xFFFFE800;
	s30 =	sadd.s32 s18, s24  }
0xa6: {  	[tilespmem:s26], [sflag:$0x5] =	stream.linear.gather [hbm4b:s30+s3], $0x100, $0x38;
	[tilespmem:$0x1F000] =	vst v63  }
0xa7: {  	_ =	swait.ge [sflag:s29], $0x100  }
0xa8: {  	[sflag:s29] =	ssyncset.done $0x0  }
0xa9: {  	s5 =	simm.s32 $0x300;
	s28 =	simm.s32 $0x5000;
	[sflag:s29] =	ssyncadd.s32 $0xFFFFFF00  }
0xaa: {  	[tilespmem:s28], [sflag:$0xB] =	stream.indirect.gather [hbm4b:s4+s21], $0x80, s5, s21, $0xb8;
	[tilespmem:$0x1F000] =	vst v63  }
0xab: {  	_ =	swait.ge [sflag:s31], $0x1800  }
0xac: {  	s24 =	simm.s32 @!p0 $0x14;
	[sflag:s31] =	ssyncset.done $0x0  }
0xad: {  	s30 =	simm.s32 $0x800;
	s5 =	rddreg [dreg:$0x9];
	[sflag:s31] =	ssyncadd.s32 $0xFFFFE800  }
0xae: {  	[spmem:s2] =	stream.indirect.scatter.add.f32 [tilespmem:s30], [sflag:$0xF], $0x80, s5, s21, $0xb8;
	[tilespmem:$0x1F000] =	vst v63  }
0xaf: {  	_ =	swait.ge @!p0 [sflag:s24], $0x1800  }
0xb0: {  	s5 =	rddreg [dreg:$0x7];
	[sflag:s24] =	ssyncset.done @!p0 $0x0  }
0xb1: {  	[sflag:s24] =	ssyncadd.s32 @!p0 $0xFFFFE800;
	s22 =	sadd.s32 s18, s5  }
0xb2: {  	[tilespmem:s0], [sflag:$0x6] =	stream.linear.gather [hbm4b:s22+s3], $0x100, $0x38;
	[tilespmem:$0x1F000] =	vst v63  }
0xb3: {  	_ =	swait.ge [sflag:s1], $0x100  }
0xb4: {  	[sflag:s1] =	ssyncset.done $0x0  }
0xb5: {  	s30 =	rddreg [dreg:$0xa];
	[sflag:s1] =	ssyncadd.s32 $0xFFFFFF00  }
0xb6: {  	[tilespmem:s30], [sflag:$0xC] =	stream.indirect.gather [hbm4b:s4+s21], $0x80, s26, s21, $0xb8;
	[tilespmem:$0x1F000] =	vst v63  }
0xb7: {  	_ =	swait.ge [sflag:s7], $0x1800  }
0xb8: {  	s24 =	simm.s32 @!p0 $0x15;
	[sflag:s7] =	ssyncset.done $0x0  }
0xb9: {  	s26 =	simm.s32 $0x2000;
	s5 =	rddreg [dreg:$0xb];
	[sflag:s7] =	ssyncadd.s32 $0xFFFFE800  }
0xba: {  	[spmem:s2] =	stream.indirect.scatter.add.f32 [tilespmem:s26], [sflag:$0x10], $0x80, s5, s21, $0xb8;
	[tilespmem:$0x1F000] =	vst v63  }
0xbb: {  	_ =	swait.ge @!p0 [sflag:s24], $0x1800  }
0xbc: {  	s30 =	rddreg [dreg:$0x6];
	[sflag:s24] =	ssyncset.done @!p0 $0x0  }
0xbd: {  	[sflag:s24] =	ssyncadd.s32 @!p0 $0xFFFFE800;
	s22 =	sadd.s32 s18, s30  }
0xbe: {  	[tilespmem:s8], [sflag:$0x7] =	stream.linear.gather [hbm4b:s22+s3], $0x100, $0x38;
	[tilespmem:$0x1F000] =	vst v63  }
0xbf: {  	_ =	swait.ge [sflag:s9], $0x100  }
0xc0: {  	[sflag:s9] =	ssyncset.done $0x0  }
0xc1: {  	[sflag:s9] =	ssyncadd.s32 $0xFFFFFF00  }
0xc2: {  	[tilespmem:s10], [sflag:$0xD] =	stream.indirect.gather [hbm4b:s4+s21], $0x80, s0, s21, $0xb8;
	[tilespmem:$0x1F000] =	vst v63  }
0xc3: {  	s17 =	smov.u32 s14;
	_ =	swait.ge [sflag:s12], $0x1800  }
0xc4: {  	p2 =	seq.s32 s17, $0x0;
	[sflag:s12] =	ssyncset.done $0x0  }
0xc5: {  	s24 =	simm.s32 $0x3800;
	s5 =	rddreg [dreg:$0xc];
	[sflag:s12] =	ssyncadd.s32 $0xFFFFE800  }
0xc6: {  	[spmem:s2] =	stream.indirect.scatter.add.f32 [tilespmem:s24], [sflag:$0x11], $0x80, s5, s21, $0xb8;
	[tilespmem:$0x1F000] =	vst v63  }
0xc7: {  	p0 =	por p2, p2;
	p2 =	seq.s32 s18, $0x1960;
	_ =	swait.ge [sflag:s15], $0x1800  }
0xc8: {  	s22 =	sshrl.u32 @!p2 s19, $0x3;
	[sflag:s15] =	ssyncset.done $0x0;
	s5 =	rddreg [dreg:$0x10]  }
0xc9: {  	[sflag:s15] =	ssyncadd.s32 $0xFFFFE800;
	s24 =	sadd.s32 @!p2 s5, s22;
	s22 =	simm.s32 @!p2 $0x0  }
0xca: {  	[tilespmem:s22], [sflag:$0x1] =	stream.linear.gather @!p2 [hbm4b:s24+s22], $0x100, $0x38;
	[tilespmem:$0x1F000] =	vst v63  }
0xcb: {  	_ =	swait.ge [sflag:s16], $0x100  }
0xcc: {  	[sflag:s16] =	ssyncset.done $0x0  }
0xcd: {  	[sflag:s16] =	ssyncadd.s32 $0xFFFFFF00  }
0xce: {  	[tilespmem:s13], [sflag:$0xE] =	stream.indirect.gather [hbm4b:s4+s21], $0x80, s8, s21, $0xb8;
	[tilespmem:$0x1F000] =	vst v63  }
0xcf: {  	_ =	swait.ge [sflag:s6], $0x1800  }
0xd0: {  	[sflag:s6] =	ssyncset.done $0x0  }
0xd1: {  	s26 =	rddreg [dreg:$0xd];
	[sflag:s6] =	ssyncadd.s32 $0xFFFFE800  }
0xd2: {  	[spmem:s2] =	stream.indirect.scatter.add.f32 [tilespmem:s28], [sflag:$0x12], $0x80, s26, s21, $0xb8;
	[tilespmem:$0x1F000] =	vst v63  }
0xd3: {  	_ =	swait.ge [sflag:s20], $0x1800  }
0xd4: {  	[sflag:s20] =	ssyncset.done $0x0  }
0xd5: {  	s24 =	simm.s32 @p2 $0xC;
	[sflag:s20] =	ssyncadd.s32 $0xFFFFE800  }
0xd6: {  	_ =	swait.ge @p2 [sflag:s24], $0x1800  }
0xd7: {  	s5 =	simm.s32 @p2 $0x11;
	s26 =	simm.s32 @p2 $0x6800;
	[sflag:s24] =	ssyncset.done @p2 $0x0  }
0xd8: {  	s28 =	simm.s32 @p2 $0x480;
	[sflag:s24] =	ssyncadd.s32 @p2 $0xFFFFE800;
	s24 =	simm.s32 @p2 $0x30  }
0xd9: {  	[spmem:s2] =	stream.indirect.scatter.add.f32 @p2 [tilespmem:s26], [sflag:$0x13], $0x80, s28, s24, $0xb8;
	[tilespmem:$0x1F000] =	vst v63  }
0xda: {  	_ =	swait.ge @p2 [sflag:s5], $0x1800  }
0xdb: {  	s26 =	simm.s32 @!p2 $0x1;
	s24 =	rddreg [dreg:$0x5];
	[sflag:s5] =	ssyncset.done @p2 $0x0  }
0xdc: {  	s28 =	simm.s32 @!p2 $0x100;
	[sflag:s5] =	ssyncadd.s32 @p2 $0xFFFFE800;
	s5 =	sadd.s32 @!p2 s18, s24  }
0xdd: {  	[tilespmem:s28], [sflag:$0x2] =	stream.linear.gather @!p2 [hbm4b:s5+s22], $0x100, $0x38;
	[tilespmem:$0x1F000] =	vst v63  }
0xde: {  	_ =	swait.ge @!p2 [sflag:s26], $0x100  }
0xdf: {  	s24 =	simm.s32 @!p2 $0x30;
	[sflag:s26] =	ssyncset.done @!p2 $0x0  }
0xe0: {  	s5 =	simm.s32 @!p2 $0xC;
	[sflag:s26] =	ssyncadd.s32 @!p2 $0xFFFFFF00;
	s26 =	simm.s32 @!p2 $0x800  }
0xe1: {  	[tilespmem:s26], [sflag:$0x8] =	stream.indirect.gather @!p2 [hbm4b:s4+s24], $0x80, s22, s24, $0xb8;
	[tilespmem:$0x1F000] =	vst v63  }
0xe2: {  	_ =	swait.ge @!p2 [sflag:s5], $0x1800  }
0xe3: {  	s30 =	simm.s32 @!p2 $0x6800;
	[sflag:s5] =	ssyncset.done @!p2 $0x0  }
0xe4: {  	s26 =	simm.s32 @!p2 $0x11;
	[sflag:s5] =	ssyncadd.s32 @!p2 $0xFFFFE800;
	s5 =	simm.s32 @!p2 $0x480  }
0xe5: {  	[spmem:s2] =	stream.indirect.scatter.add.f32 @!p2 [tilespmem:s30], [sflag:$0x13], $0x80, s5, s24, $0xb8;
	[tilespmem:$0x1F000] =	vst v63  }
0xe6: {  	_ =	swait.ge @!p2 [sflag:s26], $0x1800  }
0xe7: {  	s30 =	simm.s32 @!p2 $0x2;
	s5 =	rddreg [dreg:$0x4];
	[sflag:s26] =	ssyncset.done @!p2 $0x0  }
0xe8: {  	[sflag:s26] =	ssyncadd.s32 @!p2 $0xFFFFE800;
	s5 =	sadd.s32 @!p2 s18, s5;
	s26 =	simm.s32 @!p2 $0x200  }
0xe9: {  	[tilespmem:s26], [sflag:$0x3] =	stream.linear.gather @!p2 [hbm4b:s5+s22], $0x100, $0x38;
	[tilespmem:$0x1F000] =	vst v63  }
0xea: {  	_ =	swait.ge @!p2 [sflag:s30], $0x100  }
0xeb: {  	[sflag:s30] =	ssyncset.done @!p2 $0x0  }
0xec: {  	s5 =	simm.s32 @!p2 $0x2000;
	[sflag:s30] =	ssyncadd.s32 @!p2 $0xFFFFFF00  }
0xed: {  	[tilespmem:s5], [sflag:$0x9] =	stream.indirect.gather @!p2 [hbm4b:s4+s24], $0x80, s28, s24, $0xb8;
	[tilespmem:$0x1F000] =	vst v63  }
0xee: {  	_ =	swait.ge [sflag:s23], $0x1800  }
0xef: {  	[sflag:s23] =	ssyncset.done $0x0  }
0xf0: {  	s30 =	rddreg [dreg:$0xe];
	[sflag:s23] =	ssyncadd.s32 $0xFFFFE800  }
0xf1: {  	[spmem:s2] =	stream.indirect.scatter.add.f32 [tilespmem:s10], [sflag:$0x14], $0x80, s30, s21, $0xb8;
	[tilespmem:$0x1F000] =	vst v63  }
0xf2: {  	_ =	swait.ge [sflag:s25], $0x1800  }
0xf3: {  	s28 =	simm.s32 @!p2 $0x3;
	s5 =	rddreg [dreg:$0x3];
	[sflag:s25] =	ssyncset.done $0x0  }
0xf4: {  	[sflag:s25] =	ssyncadd.s32 $0xFFFFE800;
	s5 =	sadd.s32 @!p2 s18, s5;
	s18 =	simm.s32 @!p2 $0x300  }
0xf5: {  	[tilespmem:s18], [sflag:$0x4] =	stream.linear.gather @!p2 [hbm4b:s5+s22], $0x100, $0x38;
	[tilespmem:$0x1F000] =	vst v63  }
0xf6: {  	s14 =	sadd.s32 $0xE0, s14;
	_ =	swait.ge @!p2 [sflag:s28], $0x100  }
0xf7: {  	p1 =	sne.s32 s14, $0x1A40;
	[sflag:s28] =	ssyncset.done @!p2 $0x0  }
.Ltmp0:
0xf8: {  	s5 =	simm.s32 @!p2 $0x3800;
	[sflag:s28] =	ssyncadd.s32 @!p2 $0xFFFFFF00;
	(pc) =	sbr.rel @p1 .LBB2_2-.Ltmp0, $4  }
0xf9: {  	[tilespmem:s5], [sflag:$0xA] =	stream.indirect.gather @!p2 [hbm4b:s4+s24], $0x80, s26, s24, $0xb8;
	[tilespmem:$0x1F000] =	vst v63  }
0xfa: {  	_ =	swait.ge [sflag:s11], $0x1800  }
0xfb: {  	s19 =	sadd.s32 $0x700, s19;
	[sflag:s11] =	ssyncset.done $0x0  }
0xfc: {  	s18 =	smov.u32 s17;
	s17 =	rddreg [dreg:$0xf];
	[sflag:s11] =	ssyncadd.s32 $0xFFFFE800  }
0xfd: {  	[spmem:s2] =	stream.indirect.scatter.add.f32 [tilespmem:s13], [sflag:$0x15], $0x80, s17, s21, $0xb8;
	[tilespmem:$0x1F000] =	vst v63  }
0xfe: {  	s5 =	simm.s32 @!p0 $0x13  }
0xff: {  	_ =	swait.ge @!p0 [sflag:s5], $0x1800  }
0x100: {  	s14 =	rddreg [dreg:$0x8];
	[sflag:s5] =	ssyncset.done @!p0 $0x0  }
0x101: {  	s22 =	simm.s32 $0x400;
	[sflag:s5] =	ssyncadd.s32 @!p0 $0xFFFFE800;
	s24 =	sadd.s32 s18, s14  }
0x102: {  	[tilespmem:s22], [sflag:$0x5] =	stream.linear.gather [hbm4b:s24+s3], $0x100, $0x38;
	[tilespmem:$0x1F000] =	vst v63  }
0x103: {  	_ =	swait.ge [sflag:s29], $0x100  }
0x104: {  	[sflag:s29] =	ssyncset.done $0x0  }
0x105: {  	s26 =	simm.s32 $0x300;
	s24 =	simm.s32 $0x5000;
	[sflag:s29] =	ssyncadd.s32 $0xFFFFFF00  }
0x106: {  	[tilespmem:s24], [sflag:$0xB] =	stream.indirect.gather [hbm4b:s4+s21], $0x80, s26, s21, $0xb8;
	[tilespmem:$0x1F000] =	vst v63  }
0x107: {  	_ =	swait.ge [sflag:s31], $0x1800  }
0x108: {  	s30 =	simm.s32 $0x800;
	[sflag:s31] =	ssyncset.done $0x0  }
0x109: {  	s14 =	simm.s32 @!p0 $0x14;
	s28 =	rddreg [dreg:$0x9];
	[sflag:s31] =	ssyncadd.s32 $0xFFFFE800  }
0x10a: {  	[spmem:s2] =	stream.indirect.scatter.add.f32 [tilespmem:s30], [sflag:$0xF], $0x80, s28, s21, $0xb8;
	[tilespmem:$0x1F000] =	vst v63  }
0x10b: {  	_ =	swait.ge @!p0 [sflag:s14], $0x1800  }
0x10c: {  	s17 =	rddreg [dreg:$0x7];
	[sflag:s14] =	ssyncset.done @!p0 $0x0  }
0x10d: {  	[sflag:s14] =	ssyncadd.s32 @!p0 $0xFFFFE800;
	s5 =	sadd.s32 s18, s17  }
0x10e: {  	[tilespmem:s0], [sflag:$0x6] =	stream.linear.gather [hbm4b:s5+s3], $0x100, $0x38;
	[tilespmem:$0x1F000] =	vst v63  }
0x10f: {  	_ =	swait.ge [sflag:s1], $0x100  }
0x110: {  	[sflag:s1] =	ssyncset.done $0x0  }
0x111: {  	s26 =	rddreg [dreg:$0xa];
	[sflag:s1] =	ssyncadd.s32 $0xFFFFFF00  }
0x112: {  	[tilespmem:s26], [sflag:$0xC] =	stream.indirect.gather [hbm4b:s4+s21], $0x80, s22, s21, $0xb8;
	[tilespmem:$0x1F000] =	vst v63  }
0x113: {  	_ =	swait.ge [sflag:s7], $0x1800  }
0x114: {  	s30 =	simm.s32 $0x2000;
	[sflag:s7] =	ssyncset.done $0x0  }
0x115: {  	s14 =	simm.s32 @!p0 $0x15;
	s28 =	rddreg [dreg:$0xb];
	[sflag:s7] =	ssyncadd.s32 $0xFFFFE800  }
0x116: {  	[spmem:s2] =	stream.indirect.scatter.add.f32 [tilespmem:s30], [sflag:$0x10], $0x80, s28, s21, $0xb8;
	[tilespmem:$0x1F000] =	vst v63  }
0x117: {  	_ =	swait.ge @!p0 [sflag:s14], $0x1800  }
0x118: {  	s17 =	rddreg [dreg:$0x6];
	[sflag:s14] =	ssyncset.done @!p0 $0x0  }
0x119: {  	[sflag:s14] =	ssyncadd.s32 @!p0 $0xFFFFE800;
	s5 =	sadd.s32 s18, s17  }
0x11a: {  	[tilespmem:s8], [sflag:$0x7] =	stream.linear.gather [hbm4b:s5+s3], $0x100, $0x38;
	[tilespmem:$0x1F000] =	vst v63  }
0x11b: {  	_ =	swait.ge [sflag:s9], $0x100  }
0x11c: {  	[sflag:s9] =	ssyncset.done $0x0  }
0x11d: {  	[sflag:s9] =	ssyncadd.s32 $0xFFFFFF00  }
0x11e: {  	[tilespmem:s10], [sflag:$0xD] =	stream.indirect.gather [hbm4b:s4+s21], $0x80, s0, s21, $0xb8;
	[tilespmem:$0x1F000] =	vst v63  }
0x11f: {  	_ =	swait.ge [sflag:s12], $0x1800  }
0x120: {  	[sflag:s12] =	ssyncset.done $0x0  }
0x121: {  	s26 =	simm.s32 $0x3800;
	s22 =	rddreg [dreg:$0xc];
	[sflag:s12] =	ssyncadd.s32 $0xFFFFE800  }
0x122: {  	[spmem:s2] =	stream.indirect.scatter.add.f32 [tilespmem:s26], [sflag:$0x11], $0x80, s22, s21, $0xb8;
	[tilespmem:$0x1F000] =	vst v63  }
0x123: {  	p0 =	seq.s32 s18, $0x1960;
	_ =	swait.ge [sflag:s15], $0x1800  }
0x124: {  	s5 =	sshrl.u32 @!p0 s19, $0x3;
	[sflag:s15] =	ssyncset.done $0x0;
	s14 =	rddreg [dreg:$0x10]  }
0x125: {  	[sflag:s15] =	ssyncadd.s32 $0xFFFFE800;
	s5 =	sadd.s32 @!p0 s14, s5;
	s14 =	simm.s32 @!p0 $0x0  }
0x126: {  	[tilespmem:s14], [sflag:$0x1] =	stream.linear.gather @!p0 [hbm4b:s5+s14], $0x100, $0x38;
	[tilespmem:$0x1F000] =	vst v63  }
0x127: {  	_ =	swait.ge [sflag:s16], $0x100  }
0x128: {  	[sflag:s16] =	ssyncset.done $0x0  }
0x129: {  	[sflag:s16] =	ssyncadd.s32 $0xFFFFFF00  }
0x12a: {  	[tilespmem:s13], [sflag:$0xE] =	stream.indirect.gather [hbm4b:s4+s21], $0x80, s8, s21, $0xb8;
	[tilespmem:$0x1F000] =	vst v63  }
0x12b: {  	_ =	swait.ge [sflag:s6], $0x1800  }
0x12c: {  	[sflag:s6] =	ssyncset.done $0x0  }
0x12d: {  	s28 =	rddreg [dreg:$0xd];
	[sflag:s6] =	ssyncadd.s32 $0xFFFFE800  }
0x12e: {  	[spmem:s2] =	stream.indirect.scatter.add.f32 [tilespmem:s24], [sflag:$0x12], $0x80, s28, s21, $0xb8;
	[tilespmem:$0x1F000] =	vst v63  }
0x12f: {  	_ =	swait.ge [sflag:s20], $0x1800  }
0x130: {  	[sflag:s20] =	ssyncset.done $0x0  }
0x131: {  	s5 =	simm.s32 @p0 $0xC;
	[sflag:s20] =	ssyncadd.s32 $0xFFFFE800  }
0x132: {  	_ =	swait.ge @p0 [sflag:s5], $0x1800  }
0x133: {  	s17 =	simm.s32 @p0 $0x6800;
	s19 =	simm.s32 @p0 $0x11;
	[sflag:s5] =	ssyncset.done @p0 $0x0  }
0x134: {  	s22 =	simm.s32 @p0 $0x480;
	[sflag:s5] =	ssyncadd.s32 @p0 $0xFFFFE800;
	s5 =	simm.s32 @p0 $0x30  }
0x135: {  	[spmem:s2] =	stream.indirect.scatter.add.f32 @p0 [tilespmem:s17], [sflag:$0x13], $0x80, s22, s5, $0xb8;
	[tilespmem:$0x1F000] =	vst v63  }
0x136: {  	_ =	swait.ge @p0 [sflag:s19], $0x1800  }
0x137: {  	s17 =	simm.s32 @!p0 $0x1;
	s5 =	rddreg [dreg:$0x5];
	[sflag:s19] =	ssyncset.done @p0 $0x0  }
0x138: {  	[sflag:s19] =	ssyncadd.s32 @p0 $0xFFFFE800;
	s5 =	sadd.s32 @!p0 s18, s5;
	s19 =	simm.s32 @!p0 $0x100  }
0x139: {  	[tilespmem:s19], [sflag:$0x2] =	stream.linear.gather @!p0 [hbm4b:s5+s14], $0x100, $0x38;
	[tilespmem:$0x1F000] =	vst v63  }
0x13a: {  	_ =	swait.ge @!p0 [sflag:s17], $0x100  }
0x13b: {  	s22 =	simm.s32 @!p0 $0x800;
	[sflag:s17] =	ssyncset.done @!p0 $0x0  }
0x13c: {  	s5 =	simm.s32 @!p0 $0xC;
	[sflag:s17] =	ssyncadd.s32 @!p0 $0xFFFFFF00;
	s17 =	simm.s32 @!p0 $0x30  }
0x13d: {  	[tilespmem:s22], [sflag:$0x8] =	stream.indirect.gather @!p0 [hbm4b:s4+s17], $0x80, s14, s17, $0xb8;
	[tilespmem:$0x1F000] =	vst v63  }
0x13e: {  	_ =	swait.ge @!p0 [sflag:s5], $0x1800  }
0x13f: {  	[sflag:s5] =	ssyncset.done @!p0 $0x0  }
0x140: {  	s22 =	simm.s32 @!p0 $0x6800;
	[sflag:s5] =	ssyncadd.s32 @!p0 $0xFFFFE800;
	s5 =	simm.s32 @!p0 $0x480  }
0x141: {  	[spmem:s2] =	stream.indirect.scatter.add.f32 @!p0 [tilespmem:s22], [sflag:$0x13], $0x80, s5, s17, $0xb8;
	[tilespmem:$0x1F000] =	vst v63  }
0x142: {  	s5 =	simm.s32 @!p0 $0x11  }
0x143: {  	_ =	swait.ge @!p0 [sflag:s5], $0x1800  }
0x144: {  	s22 =	rddreg [dreg:$0x4];
	[sflag:s5] =	ssyncset.done @!p0 $0x0  }
0x145: {  	[sflag:s5] =	ssyncadd.s32 @!p0 $0xFFFFE800;
	s5 =	sadd.s32 @!p0 s18, s22;
	s22 =	simm.s32 @!p0 $0x200  }
0x146: {  	[tilespmem:s22], [sflag:$0x3] =	stream.linear.gather @!p0 [hbm4b:s5+s14], $0x100, $0x38;
	[tilespmem:$0x1F000] =	vst v63  }
0x147: {  	s5 =	simm.s32 @!p0 $0x2  }
0x148: {  	_ =	swait.ge @!p0 [sflag:s5], $0x100  }
0x149: {  	[sflag:s5] =	ssyncset.done @!p0 $0x0  }
0x14a: {  	[sflag:s5] =	ssyncadd.s32 @!p0 $0xFFFFFF00;
	s5 =	simm.s32 @!p0 $0x2000  }
0x14b: {  	[tilespmem:s5], [sflag:$0x9] =	stream.indirect.gather @!p0 [hbm4b:s4+s17], $0x80, s19, s17, $0xb8;
	[tilespmem:$0x1F000] =	vst v63  }
0x14c: {  	_ =	swait.ge [sflag:s23], $0x1800  }
0x14d: {  	[sflag:s23] =	ssyncset.done $0x0  }
0x14e: {  	s30 =	rddreg [dreg:$0xe];
	[sflag:s23] =	ssyncadd.s32 $0xFFFFE800  }
0x14f: {  	[spmem:s2] =	stream.indirect.scatter.add.f32 [tilespmem:s10], [sflag:$0x14], $0x80, s30, s21, $0xb8;
	[tilespmem:$0x1F000] =	vst v63  }
0x150: {  	_ =	swait.ge [sflag:s25], $0x1800  }
0x151: {  	s5 =	rddreg [dreg:$0x3];
	[sflag:s25] =	ssyncset.done $0x0  }
0x152: {  	[sflag:s25] =	ssyncadd.s32 $0xFFFFE800;
	s5 =	sadd.s32 @!p0 s18, s5;
	s18 =	simm.s32 @!p0 $0x300  }
0x153: {  	[tilespmem:s18], [sflag:$0x4] =	stream.linear.gather @!p0 [hbm4b:s5+s14], $0x100, $0x38;
	[tilespmem:$0x1F000] =	vst v63  }
0x154: {  	s5 =	simm.s32 @!p0 $0x3  }
0x155: {  	_ =	swait.ge @!p0 [sflag:s5], $0x100  }
0x156: {  	[sflag:s5] =	ssyncset.done @!p0 $0x0  }
0x157: {  	[sflag:s5] =	ssyncadd.s32 @!p0 $0xFFFFFF00;
	s5 =	simm.s32 @!p0 $0x3800  }
0x158: {  	[tilespmem:s5], [sflag:$0xA] =	stream.indirect.gather @!p0 [hbm4b:s4+s17], $0x80, s22, s17, $0xb8;
	[tilespmem:$0x1F000] =	vst v63  }
0x159: {  	_ =	swait.ge [sflag:s11], $0x1800  }
0x15a: {  	[sflag:s11] =	ssyncset.done $0x0  }
0x15b: {  	s19 =	simm.s32 $0x13;
	s18 =	rddreg [dreg:$0xf];
	[sflag:s11] =	ssyncadd.s32 $0xFFFFE800  }
0x15c: {  	[spmem:s2] =	stream.indirect.scatter.add.f32 [tilespmem:s13], [sflag:$0x15], $0x80, s18, s21, $0xb8;
	[tilespmem:$0x1F000] =	vst v63  }
0x15d: {  	_ =	swait.ge [sflag:s19], $0x1800  }
0x15e: {  	[sflag:s19] =	ssyncset.done $0x0  }
0x15f: {  	s22 =	simm.s32 $0x14;
	[sflag:s19] =	ssyncadd.s32 $0xFFFFE800  }
0x160: {  	_ =	swait.ge [sflag:s22], $0x1800  }
0x161: {  	[sflag:s22] =	ssyncset.done $0x0  }
0x162: {  	s24 =	simm.s32 $0x15;
	[sflag:s22] =	ssyncadd.s32 $0xFFFFE800  }
0x163: {  	_ =	swait.ge [sflag:s24], $0x1800  }
0x164: {  	[sflag:s24] =	ssyncset.done $0x0  }
0x165: {  	[sflag:s24] =	ssyncadd.s32 $0xFFFFE800  }
0x166: {  	[bflag:$0x0] =	sbarrier.arrive $0xFFFF  }
0x167: {  	s14 =	rddreg [dreg:$0x16]  }
0x168: {  	s26 =	rddreg [dreg:$0x17]  }
0x169: {  	s24 =	simm.s32 $0x16;
	s22 =	rddreg [dreg:$0x1a]  }
0x16a: {  	[hbm:s26], [sflag:s14] =	dma.local [spmem:s22], $0x2800  }
0x16b: {  	_ =	swait.ge [sflag:s24], $0x2800  }
0x16c: {  	s28 =	rddreg [dreg:$0x1b]  }
0x16d: {  	s30 =	rddreg [dreg:$0x18];
	s17 =	sadd.s32 $0x1, s28  }
0x16e: {  	p0 =	sne.s32 s17, s30  }
.Ltmp1:
0x16f: {  	_ = 	snop;
	(pc) =	sbr.rel @p0 .LBB2_1-.Ltmp1, $3  }
0x170: {  	_ =	sdelay $0x1  }
0x171: {  	[sflag:s24] =	ssyncset.done $0x0  }
0x172: {  	[sflag:s24] =	ssyncadd.s32 $0xFFFFD800  }
0x173: {  	_ =	sfence.sel $0x180000  }
0x174: {  	[bflag:$0x0] =	sbarrier.arrive $0xFFFF  }
0x175: {  	_ =	strace $0x90000050  }
0x176: {  	s0 =	stileid.u32;
	[bflag:$0x2] =	sbarrier.arrive $0xFFFF  }
0x177: {  	p0 =	sne.s32 s0, $0x0;
	s0 =	rddreg [dreg:$0x2]  }
0x178: {  	s0 =	sadd.s32 @!p0 $0x100000, s0  }
0x179: {  	[sflag:s0] =	ssyncadd.tile.s32 @!p0 $0x1;
	_ =	shalt  }
.Lfunc_end2:
_tile_overlayer_lowered:
.L_overlay_start_2:
0x17a: {  	(tag) =	ssettag $0x2  }
0x17b: {  	s0 =	rddreg [dreg:$0x0];
	s2 =	stileid.u32  }
0x17c: {  	s1 =	rddreg [dreg:$0x1];
	p0 =	sne.s32 s2, $0x0  }
0x17d: {  	s3 =	rddreg [dreg:$0x2];
	[bflag:$0x3] =	sbarrier.arrive $0xFFFF;
	s2 =	simm.s32 @!p0 $0x1C16  }
0x17e: {  	[timem:s3], [sflag:s2] =	dma.local @!p0 [hbm:s0], s1  }
0x17f: {  	s0 =	simm.s32 @!p0 $0x16  }
0x180: {  	_ =	swait.ge @!p0 [sflag:s0], s1  }
0x181: {  	s1 =	ssub.s32 @!p0 $0x0, s1;
	[sflag:s0] =	ssyncset.done @!p0 $0x0  }
0x182: {  	[sflag:s0] =	ssyncadd.s32 @!p0 s1  }
0x183: {  	[bflag:$0x3] =	sbarrier.arrive $0xFFFF  }
0x184: {  	_ =	shalt  }

</sc_bundles>
